<compile_context>
chip_gen: v7x
topology: tpu7x:2x2x1
jax: 0.10.2.dev20260603
libtpu: 0.0.44.dev20260713+nightly
codegen_flags: <defaults>
</compile_context>

<pallas_src>
import functools

import jax
import jax.numpy as jnp
from jax import lax
from jax.experimental import pallas as pl
from jax.experimental.pallas import tpu as pltpu
from jax.experimental.pallas import tpu_sc as plsc

VOCAB = 1000
VPAD = 1024
N_TOK = 16 * 2048

_info = plsc.get_sparse_core_info()
NC, NS, L = _info.num_cores, _info.num_subcores, _info.num_lanes
NW = NC * NS
TOK_PER_W = N_TOK // NW
CHUNK = 32
N_CHUNK = TOK_PER_W // CHUNK
GRP = CHUNK // L


def _lse_body(emb_ref, lse_ref, emb_pad_ref):
    x = emb_ref[...]
    m = jnp.max(x, axis=1)
    s = jnp.sum(jnp.exp(x - m[:, None]), axis=1)
    lse_ref[...] = m + jnp.log(s)
    emb_pad_ref[...] = jnp.concatenate(
        [x, jnp.zeros((VOCAB, VPAD - VOCAB), jnp.float32)], axis=1
    )


def _row_lse(emb):
    return pl.pallas_call(
        _lse_body,
        out_shape=[
            jax.ShapeDtypeStruct((VOCAB,), jnp.float32),
            jax.ShapeDtypeStruct((VOCAB, VPAD), jnp.float32),
        ],
    )(emb)


def _sc_gather(idx_flat, tgt_flat, emb_pad, lse):
    mesh = plsc.VectorSubcoreMesh(core_axis_name="c", subcore_axis_name="s")

    @functools.partial(
        pl.kernel,
        mesh=mesh,
        compiler_params=pltpu.CompilerParams(needs_layout_passes=False),
        out_type=[
            jax.ShapeDtypeStruct((N_TOK, VPAD), jnp.float32),
            jax.ShapeDtypeStruct((NW * 128,), jnp.float32),
        ],
        scratch_types=[
            pltpu.VMEM((TOK_PER_W,), jnp.int32),
            pltpu.VMEM((TOK_PER_W,), jnp.int32),
            pltpu.VMEM((VOCAB,), jnp.float32),
            pltpu.VMEM((CHUNK, VPAD), jnp.float32),
            pltpu.VMEM((CHUNK, VPAD), jnp.float32),
            pltpu.VMEM((L,), jnp.float32),
            pltpu.SemaphoreType.DMA,
            pltpu.SemaphoreType.DMA,
        ],
    )
    def k(idx_hbm, tgt_hbm, emb_hbm, lse_hbm, out_hbm, part_hbm,
          idx_v, tgt_v, lse_v, rows_a, rows_b, acc_v, sem_g, sem_s):
        wid = lax.axis_index("s") * NC + lax.axis_index("c")
        base = wid * TOK_PER_W
        pltpu.sync_copy(idx_hbm.at[pl.ds(base, TOK_PER_W)], idx_v)
        pltpu.sync_copy(tgt_hbm.at[pl.ds(base, TOK_PER_W)], tgt_v)
        pltpu.sync_copy(lse_hbm, lse_v)
        acc_v[...] = jnp.zeros((L,), jnp.float32)

        bufs = [rows_a, rows_b]

        def gather(c, buf):
            return pltpu.async_copy(
                emb_hbm.at[idx_v.at[pl.ds(c * CHUNK, CHUNK)]], buf, sem_g
            )

        def compute(c):
            for g in range(GRP):
                t0 = c * CHUNK + g * L
                iv = idx_v[pl.ds(t0, L)]
                tv = tgt_v[pl.ds(t0, L)]
                lse16 = plsc.load_gather(lse_v, [iv])
                rid = lax.iota(jnp.int32, L) + g * L
                tval = plsc.load_gather(bufs[c % 2], [rid, tv])
                acc_v[...] = acc_v[...] + (lse16 - tval)

        def scatter(c):
            return pltpu.async_copy(
                bufs[c % 2], out_hbm.at[pl.ds(base + c * CHUNK, CHUNK)], sem_s
            )

        g_desc = gather(0, bufs[0])
        s_desc = [None] * N_CHUNK
        for c in range(N_CHUNK):
            g_desc.wait()
            if c + 1 < N_CHUNK:
                if c >= 1:
                    s_desc[c - 1].wait()
                g_desc = gather(c + 1, bufs[(c + 1) % 2])
            compute(c)
            s_desc[c] = scatter(c)
        s_desc[N_CHUNK - 2].wait()
        s_desc[N_CHUNK - 1].wait()
        pltpu.sync_copy(acc_v, part_hbm.at[pl.ds(wid * 128, L)])

    return k(idx_flat, tgt_flat, emb_pad, lse)


def kernel(idx, targets, tok_emb):
    idx_flat = idx.reshape(-1).astype(jnp.int32)
    tgt_flat = targets.reshape(-1).astype(jnp.int32)
    lse, emb_pad = _row_lse(tok_emb)
    logits_pad, partials = _sc_gather(idx_flat, tgt_flat, emb_pad, lse)
    logits = logits_pad[:, :VOCAB].reshape(idx.shape[0], idx.shape[1], VOCAB)
    loss = jnp.sum(partials.reshape(NW, 128)[:, :L]) / N_TOK
    return (logits, loss)

# --- scband reference (transcript-rebuilt; emitter-appended) ---
"""Pipeline reference for scband-bi-gram-29686813950660 (READ-ONLY COPY).

The authoritative reference and input builder live on the scoring server;
editing this copy changes nothing except your own understanding.
"""

import jax, jax.numpy as jnp
import numpy as np

VOCAB = 1000
B = 16
T = 2048


def setup_inputs(seed: int = 0) -> dict:
    key = jax.random.key(seed)
    k1, k2, k3 = jax.random.split(key, 3)
    idx = jax.random.randint(k1, (B, T), 0, VOCAB, dtype=jnp.int32).astype(jnp.int64)
    targets = jax.random.randint(k2, (B, T), 0, VOCAB, dtype=jnp.int32).astype(jnp.int64)
    # nn.Embedding default init: N(0, 1)
    tok_emb = jax.random.normal(k3, (VOCAB, VOCAB), dtype=jnp.float32)
    return {"idx": idx, "targets": targets, "tok_emb": tok_emb}


def reference(idx, targets, tok_emb):
    # logits = self.tok_emb(idx)  -> embedding gather
    logits = jnp.take(tok_emb, idx, axis=0)  # (B, T, V)
    Bv, Tv, C = logits.shape
    logits_flat = logits.reshape(Bv * Tv, C)
    targets_flat = targets.reshape(Bv * Tv)
    # F.cross_entropy = mean NLL of log-softmax at target index
    logp = jax.nn.log_softmax(logits_flat, axis=-1)
    nll = -jnp.take_along_axis(logp, targets_flat[:, None], axis=-1)[:, 0]
    loss = jnp.mean(nll)
    return (logits, loss)

if __name__ == "__main__":
    import jax
    _d = setup_inputs()
    print(jax.jit(kernel)(*tuple(_d.values())))

</pallas_src>

<mosaic_0001>
#map = affine_map<(d0, d1) -> (0)>
#map1 = affine_map<(d0, d1) -> (0, 0)>
module attributes {stable_mosaic.version = 14 : i64} {
  func.func @k(%arg0: i32, %arg1: i32, %arg2: memref<32768xi32, #tpu.memory_space<hbm>>, %arg3: memref<32768xi32, #tpu.memory_space<hbm>>, %arg4: memref<1000x1024xf32, #tpu.memory_space<hbm>>, %arg5: memref<1000xf32, #tpu.memory_space<hbm>>, %arg6: memref<32768x1024xf32, #tpu.memory_space<hbm>>, %arg7: memref<4096xf32, #tpu.memory_space<hbm>>, %arg8: memref<1024xi32, #tpu.memory_space<vmem>>, %arg9: memref<1024xi32, #tpu.memory_space<vmem>>, %arg10: memref<1000xf32, #tpu.memory_space<vmem>>, %arg11: memref<32x1024xf32, #tpu.memory_space<vmem>>, %arg12: memref<32x1024xf32, #tpu.memory_space<vmem>>, %arg13: memref<16xf32, #tpu.memory_space<vmem>>, %arg14: memref<!tpu.dma_semaphore, #tpu.memory_space<semaphore_mem>>, %arg15: memref<!tpu.dma_semaphore, #tpu.memory_space<semaphore_mem>>) attributes {dimension_semantics = [#tpu.dimension_semantics<core_parallel>, #tpu.dimension_semantics<subcore_parallel>], iteration_bounds = array<i64: 2, 16>, scalar_prefetch = 0 : i64, scratch_operands = 8 : i64, tpu.core_type = #tpu.core_type<sc_vector_subcore>, window_params = [{transform_indices = #map}, {transform_indices = #map}, {transform_indices = #map1}, {transform_indices = #map}, {transform_indices = #map1}, {transform_indices = #map}]} {
    %mul3A = arith.constant 2 : i32
    %mul3A_0 = arith.muli %arg1, %mul3A : i32
    %add3A = arith.addi %mul3A_0, %arg0 : i32
    %mul3A_1 = arith.constant 1024 : i32
    %mul3A_2 = arith.muli %add3A, %mul3A_1 : i32
    "tpu.region"() ({
      %run_scoped3A = tpu.sem_alloc : memref<!tpu.dma_semaphore, #tpu.memory_space<semaphore_mem>>
      %dma_start3A_1665 = tpu.memref_slice %arg2[%mul3A_2] : memref<32768xi32, #tpu.memory_space<hbm>> -> memref<1024xi32, #tpu.memory_space<hbm>>
      %dma_start3A_1666 = tpu.memref_slice %arg2[%mul3A_2] : memref<32768xi32, #tpu.memory_space<hbm>> -> memref<1024xi32, #tpu.memory_space<hbm>>
      tpu.enqueue_dma source(%dma_start3A_1666 : memref<1024xi32, #tpu.memory_space<hbm>>) target(%arg8 : memref<1024xi32, #tpu.memory_space<vmem>>) target_semaphore(%run_scoped3A : memref<!tpu.dma_semaphore, #tpu.memory_space<semaphore_mem>>)
      %dma_wait3A_1667 = tpu.memref_slice %arg2[%mul3A_2] : memref<32768xi32, #tpu.memory_space<hbm>> -> memref<1024xi32, #tpu.memory_space<hbm>>
      %dma_wait3A_1668 = tpu.memref_slice %arg2[%mul3A_2] : memref<32768xi32, #tpu.memory_space<hbm>> -> memref<1024xi32, #tpu.memory_space<hbm>>
      tpu.wait_dma2 semaphore(%run_scoped3A : memref<!tpu.dma_semaphore, #tpu.memory_space<semaphore_mem>>) src(%dma_wait3A_1668 : memref<1024xi32, #tpu.memory_space<hbm>>) dst(%arg8 : memref<1024xi32, #tpu.memory_space<vmem>>)
      tpu.yield
    }) : () -> ()
    "tpu.region"() ({
      %run_scoped3A = tpu.sem_alloc : memref<!tpu.dma_semaphore, #tpu.memory_space<semaphore_mem>>
      %dma_start3A_1665 = tpu.memref_slice %arg3[%mul3A_2] : memref<32768xi32, #tpu.memory_space<hbm>> -> memref<1024xi32, #tpu.memory_space<hbm>>
      %dma_start3A_1666 = tpu.memref_slice %arg3[%mul3A_2] : memref<32768xi32, #tpu.memory_space<hbm>> -> memref<1024xi32, #tpu.memory_space<hbm>>
      tpu.enqueue_dma source(%dma_start3A_1666 : memref<1024xi32, #tpu.memory_space<hbm>>) target(%arg9 : memref<1024xi32, #tpu.memory_space<vmem>>) target_semaphore(%run_scoped3A : memref<!tpu.dma_semaphore, #tpu.memory_space<semaphore_mem>>)
      %dma_wait3A_1667 = tpu.memref_slice %arg3[%mul3A_2] : memref<32768xi32, #tpu.memory_space<hbm>> -> memref<1024xi32, #tpu.memory_space<hbm>>
      %dma_wait3A_1668 = tpu.memref_slice %arg3[%mul3A_2] : memref<32768xi32, #tpu.memory_space<hbm>> -> memref<1024xi32, #tpu.memory_space<hbm>>
      tpu.wait_dma2 semaphore(%run_scoped3A : memref<!tpu.dma_semaphore, #tpu.memory_space<semaphore_mem>>) src(%dma_wait3A_1668 : memref<1024xi32, #tpu.memory_space<hbm>>) dst(%arg9 : memref<1024xi32, #tpu.memory_space<vmem>>)
      tpu.yield
    }) : () -> ()
    "tpu.region"() ({
      %run_scoped3A = tpu.sem_alloc : memref<!tpu.dma_semaphore, #tpu.memory_space<semaphore_mem>>
      tpu.enqueue_dma source(%arg5 : memref<1000xf32, #tpu.memory_space<hbm>>) target(%arg10 : memref<1000xf32, #tpu.memory_space<vmem>>) target_semaphore(%run_scoped3A : memref<!tpu.dma_semaphore, #tpu.memory_space<semaphore_mem>>)
      tpu.wait_dma2 semaphore(%run_scoped3A : memref<!tpu.dma_semaphore, #tpu.memory_space<semaphore_mem>>) src(%arg5 : memref<1000xf32, #tpu.memory_space<hbm>>) dst(%arg10 : memref<1000xf32, #tpu.memory_space<vmem>>)
      tpu.yield
    }) : () -> ()
    %broadcast_in_dim3A = arith.constant 0.000000e+00 : f32
    %broadcast_in_dim3A_3 = vector.broadcast %broadcast_in_dim3A : f32 to vector<16xf32>
    %swap3A = arith.constant 0 : index
    %swap3A_4 = tpu.vector_load %arg13[%swap3A] {strides = array<i32>} : memref<16xf32, #tpu.memory_space<vmem>>, vector<16xf32>,
    tpu.vector_store %arg13[%swap3A], %broadcast_in_dim3A_3 {strides = array<i32>} : memref<16xf32, #tpu.memory_space<vmem>>, vector<16xf32>,
    %dma_start3A = arith.constant 0 : i32
    %dma_start3A_5 = tpu.memref_slice %arg8[%dma_start3A] : memref<1024xi32, #tpu.memory_space<vmem>> -> memref<32xi32, #tpu.memory_space<vmem>>
    %dma_start3A_6 = arith.constant 0 : i32
    %dma_start3A_7 = arith.constant 0 : i32
    %dma_start3A_8 = tpu.memref_slice %arg4[%dma_start3A_6, %dma_start3A_7] : memref<1000x1024xf32, #tpu.memory_space<hbm>> -> memref<1000x1024xf32, #tpu.memory_space<hbm>>
    tpu.enqueue_indirect_dma source(%dma_start3A_8 : memref<1000x1024xf32, #tpu.memory_space<hbm>>) target(%arg11 : memref<32x1024xf32, #tpu.memory_space<vmem>>) offsets(%dma_start3A_5 : memref<32xi32, #tpu.memory_space<vmem>>) semaphore(%arg14 : memref<!tpu.dma_semaphore, #tpu.memory_space<semaphore_mem>>)
    %dma_wait3A = arith.constant 0 : i32
    %dma_wait3A_9 = tpu.memref_slice %arg8[%dma_wait3A] : memref<1024xi32, #tpu.memory_space<vmem>> -> memref<32xi32, #tpu.memory_space<vmem>>
    %dma_wait3A_10 = arith.constant 0 : i32
    %dma_wait3A_11 = arith.constant 0 : i32
    %dma_wait3A_12 = tpu.memref_slice %arg4[%dma_wait3A_10, %dma_wait3A_11] : memref<1000x1024xf32, #tpu.memory_space<hbm>> -> memref<1000x1024xf32, #tpu.memory_space<hbm>>
    tpu.wait_indirect_dma semaphore(%arg14 : memref<!tpu.dma_semaphore, #tpu.memory_space<semaphore_mem>>) src(%dma_wait3A_12 : memref<1000x1024xf32, #tpu.memory_space<hbm>>) dst(%arg11 : memref<32x1024xf32, #tpu.memory_space<vmem>>)
    %dma_start3A_13 = arith.constant 32 : i32
    %dma_start3A_14 = tpu.memref_slice %arg8[%dma_start3A_13] : memref<1024xi32, #tpu.memory_space<vmem>> -> memref<32xi32, #tpu.memory_space<vmem>>
    %dma_start3A_15 = arith.constant 0 : i32
    %dma_start3A_16 = arith.constant 0 : i32
    %dma_start3A_17 = tpu.memref_slice %arg4[%dma_start3A_15, %dma_start3A_16] : memref<1000x1024xf32, #tpu.memory_space<hbm>> -> memref<1000x1024xf32, #tpu.memory_space<hbm>>
    tpu.enqueue_indirect_dma source(%dma_start3A_17 : memref<1000x1024xf32, #tpu.memory_space<hbm>>) target(%arg12 : memref<32x1024xf32, #tpu.memory_space<vmem>>) offsets(%dma_start3A_14 : memref<32xi32, #tpu.memory_space<vmem>>) semaphore(%arg14 : memref<!tpu.dma_semaphore, #tpu.memory_space<semaphore_mem>>)
    %get3A = arith.constant 0 : index
    %get3A_18 = tpu.vector_load %arg8[%get3A] {strides = array<i32>} : memref<1024xi32, #tpu.memory_space<vmem>>, vector<16xi32>,
    %get3A_19 = arith.constant 0 : index
    %get3A_20 = tpu.vector_load %arg9[%get3A_19] {strides = array<i32>} : memref<1024xi32, #tpu.memory_space<vmem>>, vector<16xi32>,
    %gather3A = tpu.vector_load_idx %arg10[%get3A_18] : memref<1000xf32, #tpu.memory_space<vmem>>[vector<16xi32>], vector<16xf32>,
    %iota3A = tpu.iota {dimensions = array<i32: 0>} : vector<16xi32>
    %add3A_21 = arith.constant 0 : i32
    %add3A_22 = vector.broadcast %add3A_21 : i32 to vector<16xi32>
    %add3A_23 = arith.addi %iota3A, %add3A_22 : vector<16xi32>
    %gather3A_24 = tpu.vector_load_idx %arg11[%add3A_23, %get3A_20] : memref<32x1024xf32, #tpu.memory_space<vmem>>[vector<16xi32>, vector<16xi32>], vector<16xf32>,
    %get3A_25 = arith.constant 0 : index
    %get3A_26 = tpu.vector_load %arg13[%get3A_25] {strides = array<i32>} : memref<16xf32, #tpu.memory_space<vmem>>, vector<16xf32>,
    %sub3A = arith.subf %gather3A, %gather3A_24 : vector<16xf32>
    %add3A_27 = arith.addf %get3A_26, %sub3A : vector<16xf32>
    %swap3A_28 = arith.constant 0 : index
    %swap3A_29 = tpu.vector_load %arg13[%swap3A_28] {strides = array<i32>} : memref<16xf32, #tpu.memory_space<vmem>>, vector<16xf32>,
    tpu.vector_store %arg13[%swap3A_28], %add3A_27 {strides = array<i32>} : memref<16xf32, #tpu.memory_space<vmem>>, vector<16xf32>,
    %get3A_30 = arith.constant 16 : index
    %get3A_31 = tpu.vector_load %arg8[%get3A_30] {strides = array<i32>} : memref<1024xi32, #tpu.memory_space<vmem>>, vector<16xi32>,
    %get3A_32 = arith.constant 16 : index
    %get3A_33 = tpu.vector_load %arg9[%get3A_32] {strides = array<i32>} : memref<1024xi32, #tpu.memory_space<vmem>>, vector<16xi32>,
    %gather3A_34 = tpu.vector_load_idx %arg10[%get3A_31] : memref<1000xf32, #tpu.memory_space<vmem>>[vector<16xi32>], vector<16xf32>,
    %iota3A_35 = tpu.iota {dimensions = array<i32: 0>} : vector<16xi32>
    %add3A_36 = arith.constant 16 : i32
    %add3A_37 = vector.broadcast %add3A_36 : i32 to vector<16xi32>
    %add3A_38 = arith.addi %iota3A_35, %add3A_37 : vector<16xi32>
    %gather3A_39 = tpu.vector_load_idx %arg11[%add3A_38, %get3A_33] : memref<32x1024xf32, #tpu.memory_space<vmem>>[vector<16xi32>, vector<16xi32>], vector<16xf32>,
    %get3A_40 = arith.constant 0 : index
    %get3A_41 = tpu.vector_load %arg13[%get3A_40] {strides = array<i32>} : memref<16xf32, #tpu.memory_space<vmem>>, vector<16xf32>,
    %sub3A_42 = arith.subf %gather3A_34, %gather3A_39 : vector<16xf32>
    %add3A_43 = arith.addf %get3A_41, %sub3A_42 : vector<16xf32>
    %swap3A_44 = arith.constant 0 : index
    %swap3A_45 = tpu.vector_load %arg13[%swap3A_44] {strides = array<i32>} : memref<16xf32, #tpu.memory_space<vmem>>, vector<16xf32>,
    tpu.vector_store %arg13[%swap3A_44], %add3A_43 {strides = array<i32>} : memref<16xf32, #tpu.memory_space<vmem>>, vector<16xf32>,
    %add3A_46 = arith.constant 0 : i32
    %add3A_47 = arith.addi %mul3A_2, %add3A_46 : i32
    %dma_start3A_48 = arith.constant 0 : i32
    %dma_start3A_49 = tpu.memref_slice %arg6[%add3A_47, %dma_start3A_48] : memref<32768x1024xf32, #tpu.memory_space<hbm>> -> memref<32x1024xf32, #tpu.memory_space<hbm>>
    %dma_start3A_50 = arith.constant 0 : i32
    %dma_start3A_51 = tpu.memref_slice %arg6[%add3A_47, %dma_start3A_50] : memref<32768x1024xf32, #tpu.memory_space<hbm>> -> memref<32x1024xf32, #tpu.memory_space<hbm>>
    tpu.enqueue_dma source(%arg11 : memref<32x1024xf32, #tpu.memory_space<vmem>>) target(%dma_start3A_51 : memref<32x1024xf32, #tpu.memory_space<hbm>>) target_semaphore(%arg15 : memref<!tpu.dma_semaphore, #tpu.memory_space<semaphore_mem>>)
    %dma_wait3A_52 = arith.constant 32 : i32
    %dma_wait3A_53 = tpu.memref_slice %arg8[%dma_wait3A_52] : memref<1024xi32, #tpu.memory_space<vmem>> -> memref<32xi32, #tpu.memory_space<vmem>>
    %dma_wait3A_54 = arith.constant 0 : i32
    %dma_wait3A_55 = arith.constant 0 : i32
    %dma_wait3A_56 = tpu.memref_slice %arg4[%dma_wait3A_54, %dma_wait3A_55] : memref<1000x1024xf32, #tpu.memory_space<hbm>> -> memref<1000x1024xf32, #tpu.memory_space<hbm>>
    tpu.wait_indirect_dma semaphore(%arg14 : memref<!tpu.dma_semaphore, #tpu.memory_space<semaphore_mem>>) src(%dma_wait3A_56 : memref<1000x1024xf32, #tpu.memory_space<hbm>>) dst(%arg12 : memref<32x1024xf32, #tpu.memory_space<vmem>>)
    %dma_wait3A_57 = arith.constant 0 : i32
    %dma_wait3A_58 = tpu.memref_slice %arg6[%add3A_47, %dma_wait3A_57] : memref<32768x1024xf32, #tpu.memory_space<hbm>> -> memref<32x1024xf32, #tpu.memory_space<hbm>>
    %dma_wait3A_59 = arith.constant 0 : i32
    %dma_wait3A_60 = tpu.memref_slice %arg6[%add3A_47, %dma_wait3A_59] : memref<32768x1024xf32, #tpu.memory_space<hbm>> -> memref<32x1024xf32, #tpu.memory_space<hbm>>
    tpu.wait_dma2 semaphore(%arg15 : memref<!tpu.dma_semaphore, #tpu.memory_space<semaphore_mem>>) src(%arg11 : memref<32x1024xf32, #tpu.memory_space<vmem>>) dst(%dma_wait3A_60 : memref<32x1024xf32, #tpu.memory_space<hbm>>)
    %dma_start3A_61 = arith.constant 64 : i32
    %dma_start3A_62 = tpu.memref_slice %arg8[%dma_start3A_61] : memref<1024xi32, #tpu.memory_space<vmem>> -> memref<32xi32, #tpu.memory_space<vmem>>
    %dma_start3A_63 = arith.constant 0 : i32
    %dma_start3A_64 = arith.constant 0 : i32
    %dma_start3A_65 = tpu.memref_slice %arg4[%dma_start3A_63, %dma_start3A_64] : memref<1000x1024xf32, #tpu.memory_space<hbm>> -> memref<1000x1024xf32, #tpu.memory_space<hbm>>
    tpu.enqueue_indirect_dma source(%dma_start3A_65 : memref<1000x1024xf32, #tpu.memory_space<hbm>>) target(%arg11 : memref<32x1024xf32, #tpu.memory_space<vmem>>) offsets(%dma_start3A_62 : memref<32xi32, #tpu.memory_space<vmem>>) semaphore(%arg14 : memref<!tpu.dma_semaphore, #tpu.memory_space<semaphore_mem>>)
    %get3A_66 = arith.constant 32 : index
    %get3A_67 = tpu.vector_load %arg8[%get3A_66] {strides = array<i32>} : memref<1024xi32, #tpu.memory_space<vmem>>, vector<16xi32>,
    %get3A_68 = arith.constant 32 : index
    %get3A_69 = tpu.vector_load %arg9[%get3A_68] {strides = array<i32>} : memref<1024xi32, #tpu.memory_space<vmem>>, vector<16xi32>,
    %gather3A_70 = tpu.vector_load_idx %arg10[%get3A_67] : memref<1000xf32, #tpu.memory_space<vmem>>[vector<16xi32>], vector<16xf32>,
    %iota3A_71 = tpu.iota {dimensions = array<i32: 0>} : vector<16xi32>
    %add3A_72 = arith.constant 0 : i32
    %add3A_73 = vector.broadcast %add3A_72 : i32 to vector<16xi32>
    %add3A_74 = arith.addi %iota3A_71, %add3A_73 : vector<16xi32>
    %gather3A_75 = tpu.vector_load_idx %arg12[%add3A_74, %get3A_69] : memref<32x1024xf32, #tpu.memory_space<vmem>>[vector<16xi32>, vector<16xi32>], vector<16xf32>,
    %get3A_76 = arith.constant 0 : index
    %get3A_77 = tpu.vector_load %arg13[%get3A_76] {strides = array<i32>} : memref<16xf32, #tpu.memory_space<vmem>>, vector<16xf32>,
    %sub3A_78 = arith.subf %gather3A_70, %gather3A_75 : vector<16xf32>
    %add3A_79 = arith.addf %get3A_77, %sub3A_78 : vector<16xf32>
    %swap3A_80 = arith.constant 0 : index
    %swap3A_81 = tpu.vector_load %arg13[%swap3A_80] {strides = array<i32>} : memref<16xf32, #tpu.memory_space<vmem>>, vector<16xf32>,
    tpu.vector_store %arg13[%swap3A_80], %add3A_79 {strides = array<i32>} : memref<16xf32, #tpu.memory_space<vmem>>, vector<16xf32>,
    %get3A_82 = arith.constant 48 : index
    %get3A_83 = tpu.vector_load %arg8[%get3A_82] {strides = array<i32>} : memref<1024xi32, #tpu.memory_space<vmem>>, vector<16xi32>,
    %get3A_84 = arith.constant 48 : index
    %get3A_85 = tpu.vector_load %arg9[%get3A_84] {strides = array<i32>} : memref<1024xi32, #tpu.memory_space<vmem>>, vector<16xi32>,
    %gather3A_86 = tpu.vector_load_idx %arg10[%get3A_83] : memref<1000xf32, #tpu.memory_space<vmem>>[vector<16xi32>], vector<16xf32>,
    %iota3A_87 = tpu.iota {dimensions = array<i32: 0>} : vector<16xi32>
    %add3A_88 = arith.constant 16 : i32
    %add3A_89 = vector.broadcast %add3A_88 : i32 to vector<16xi32>
    %add3A_90 = arith.addi %iota3A_87, %add3A_89 : vector<16xi32>
    %gather3A_91 = tpu.vector_load_idx %arg12[%add3A_90, %get3A_85] : memref<32x1024xf32, #tpu.memory_space<vmem>>[vector<16xi32>, vector<16xi32>], vector<16xf32>,
    %get3A_92 = arith.constant 0 : index
    %get3A_93 = tpu.vector_load %arg13[%get3A_92] {strides = array<i32>} : memref<16xf32, #tpu.memory_space<vmem>>, vector<16xf32>,
    %sub3A_94 = arith.subf %gather3A_86, %gather3A_91 : vector<16xf32>
    %add3A_95 = arith.addf %get3A_93, %sub3A_94 : vector<16xf32>
    %swap3A_96 = arith.constant 0 : index
    %swap3A_97 = tpu.vector_load %arg13[%swap3A_96] {strides = array<i32>} : memref<16xf32, #tpu.memory_space<vmem>>, vector<16xf32>,
    tpu.vector_store %arg13[%swap3A_96], %add3A_95 {strides = array<i32>} : memref<16xf32, #tpu.memory_space<vmem>>, vector<16xf32>,
    %add3A_98 = arith.constant 32 : i32
    %add3A_99 = arith.addi %mul3A_2, %add3A_98 : i32
    %dma_start3A_100 = arith.constant 0 : i32
    %dma_start3A_101 = tpu.memref_slice %arg6[%add3A_99, %dma_start3A_100] : memref<32768x1024xf32, #tpu.memory_space<hbm>> -> memref<32x1024xf32, #tpu.memory_space<hbm>>
    %dma_start3A_102 = arith.constant 0 : i32
    %dma_start3A_103 = tpu.memref_slice %arg6[%add3A_99, %dma_start3A_102] : memref<32768x1024xf32, #tpu.memory_space<hbm>> -> memref<32x1024xf32, #tpu.memory_space<hbm>>
    tpu.enqueue_dma source(%arg12 : memref<32x1024xf32, #tpu.memory_space<vmem>>) target(%dma_start3A_103 : memref<32x1024xf32, #tpu.memory_space<hbm>>) target_semaphore(%arg15 : memref<!tpu.dma_semaphore, #tpu.memory_space<semaphore_mem>>)
    %dma_wait3A_104 = arith.constant 64 : i32
    %dma_wait3A_105 = tpu.memref_slice %arg8[%dma_wait3A_104] : memref<1024xi32, #tpu.memory_space<vmem>> -> memref<32xi32, #tpu.memory_space<vmem>>
    %dma_wait3A_106 = arith.constant 0 : i32
    %dma_wait3A_107 = arith.constant 0 : i32
    %dma_wait3A_108 = tpu.memref_slice %arg4[%dma_wait3A_106, %dma_wait3A_107] : memref<1000x1024xf32, #tpu.memory_space<hbm>> -> memref<1000x1024xf32, #tpu.memory_space<hbm>>
    tpu.wait_indirect_dma semaphore(%arg14 : memref<!tpu.dma_semaphore, #tpu.memory_space<semaphore_mem>>) src(%dma_wait3A_108 : memref<1000x1024xf32, #tpu.memory_space<hbm>>) dst(%arg11 : memref<32x1024xf32, #tpu.memory_space<vmem>>)
    %dma_wait3A_109 = arith.constant 0 : i32
    %dma_wait3A_110 = tpu.memref_slice %arg6[%add3A_99, %dma_wait3A_109] : memref<32768x1024xf32, #tpu.memory_space<hbm>> -> memref<32x1024xf32, #tpu.memory_space<hbm>>
    %dma_wait3A_111 = arith.constant 0 : i32
    %dma_wait3A_112 = tpu.memref_slice %arg6[%add3A_99, %dma_wait3A_111] : memref<32768x1024xf32, #tpu.memory_space<hbm>> -> memref<32x1024xf32, #tpu.memory_space<hbm>>
    tpu.wait_dma2 semaphore(%arg15 : memref<!tpu.dma_semaphore, #tpu.memory_space<semaphore_mem>>) src(%arg12 : memref<32x1024xf32, #tpu.memory_space<vmem>>) dst(%dma_wait3A_112 : memref<32x1024xf32, #tpu.memory_space<hbm>>)
    %dma_start3A_113 = arith.constant 96 : i32
    %dma_start3A_114 = tpu.memref_slice %arg8[%dma_start3A_113] : memref<1024xi32, #tpu.memory_space<vmem>> -> memref<32xi32, #tpu.memory_space<vmem>>
    %dma_start3A_115 = arith.constant 0 : i32
    %dma_start3A_116 = arith.constant 0 : i32
    %dma_start3A_117 = tpu.memref_slice %arg4[%dma_start3A_115, %dma_start3A_116] : memref<1000x1024xf32, #tpu.memory_space<hbm>> -> memref<1000x1024xf32, #tpu.memory_space<hbm>>
    tpu.enqueue_indirect_dma source(%dma_start3A_117 : memref<1000x1024xf32, #tpu.memory_space<hbm>>) target(%arg12 : memref<32x1024xf32, #tpu.memory_space<vmem>>) offsets(%dma_start3A_114 : memref<32xi32, #tpu.memory_space<vmem>>) semaphore(%arg14 : memref<!tpu.dma_semaphore, #tpu.memory_space<semaphore_mem>>)
    %get3A_118 = arith.constant 64 : index
    %get3A_119 = tpu.vector_load %arg8[%get3A_118] {strides = array<i32>} : memref<1024xi32, #tpu.memory_space<vmem>>, vector<16xi32>,
    %get3A_120 = arith.constant 64 : index
    %get3A_121 = tpu.vector_load %arg9[%get3A_120] {strides = array<i32>} : memref<1024xi32, #tpu.memory_space<vmem>>, vector<16xi32>,
    %gather3A_122 = tpu.vector_load_idx %arg10[%get3A_119] : memref<1000xf32, #tpu.memory_space<vmem>>[vector<16xi32>], vector<16xf32>,
    %iota3A_123 = tpu.iota {dimensions = array<i32: 0>} : vector<16xi32>
    %add3A_124 = arith.constant 0 : i32
    %add3A_125 = vector.broadcast %add3A_124 : i32 to vector<16xi32>
    %add3A_126 = arith.addi %iota3A_123, %add3A_125 : vector<16xi32>
    %gather3A_127 = tpu.vector_load_idx %arg11[%add3A_126, %get3A_121] : memref<32x1024xf32, #tpu.memory_space<vmem>>[vector<16xi32>, vector<16xi32>], vector<16xf32>,
    %get3A_128 = arith.constant 0 : index
    %get3A_129 = tpu.vector_load %arg13[%get3A_128] {strides = array<i32>} : memref<16xf32, #tpu.memory_space<vmem>>, vector<16xf32>,
    %sub3A_130 = arith.subf %gather3A_122, %gather3A_127 : vector<16xf32>
    %add3A_131 = arith.addf %get3A_129, %sub3A_130 : vector<16xf32>
    %swap3A_132 = arith.constant 0 : index
    %swap3A_133 = tpu.vector_load %arg13[%swap3A_132] {strides = array<i32>} : memref<16xf32, #tpu.memory_space<vmem>>, vector<16xf32>,
    tpu.vector_store %arg13[%swap3A_132], %add3A_131 {strides = array<i32>} : memref<16xf32, #tpu.memory_space<vmem>>, vector<16xf32>,
    %get3A_134 = arith.constant 80 : index
    %get3A_135 = tpu.vector_load %arg8[%get3A_134] {strides = array<i32>} : memref<1024xi32, #tpu.memory_space<vmem>>, vector<16xi32>,
    %get3A_136 = arith.constant 80 : index
    %get3A_137 = tpu.vector_load %arg9[%get3A_136] {strides = array<i32>} : memref<1024xi32, #tpu.memory_space<vmem>>, vector<16xi32>,
    %gather3A_138 = tpu.vector_load_idx %arg10[%get3A_135] : memref<1000xf32, #tpu.memory_space<vmem>>[vector<16xi32>], vector<16xf32>,
    %iota3A_139 = tpu.iota {dimensions = array<i32: 0>} : vector<16xi32>
    %add3A_140 = arith.constant 16 : i32
    %add3A_141 = vector.broadcast %add3A_140 : i32 to vector<16xi32>
    %add3A_142 = arith.addi %iota3A_139, %add3A_141 : vector<16xi32>
    %gather3A_143 = tpu.vector_load_idx %arg11[%add3A_142, %get3A_137] : memref<32x1024xf32, #tpu.memory_space<vmem>>[vector<16xi32>, vector<16xi32>], vector<16xf32>,
    %get3A_144 = arith.constant 0 : index
    %get3A_145 = tpu.vector_load %arg13[%get3A_144] {strides = array<i32>} : memref<16xf32, #tpu.memory_space<vmem>>, vector<16xf32>,
    %sub3A_146 = arith.subf %gather3A_138, %gather3A_143 : vector<16xf32>
    %add3A_147 = arith.addf %get3A_145, %sub3A_146 : vector<16xf32>
    %swap3A_148 = arith.constant 0 : index
    %swap3A_149 = tpu.vector_load %arg13[%swap3A_148] {strides = array<i32>} : memref<16xf32, #tpu.memory_space<vmem>>, vector<16xf32>,
    tpu.vector_store %arg13[%swap3A_148], %add3A_147 {strides = array<i32>} : memref<16xf32, #tpu.memory_space<vmem>>, vector<16xf32>,
    %add3A_150 = arith.constant 64 : i32
    %add3A_151 = arith.addi %mul3A_2, %add3A_150 : i32
    %dma_start3A_152 = arith.constant 0 : i32
    %dma_start3A_153 = tpu.memref_slice %arg6[%add3A_151, %dma_start3A_152] : memref<32768x1024xf32, #tpu.memory_space<hbm>> -> memref<32x1024xf32, #tpu.memory_space<hbm>>
    %dma_start3A_154 = arith.constant 0 : i32
    %dma_start3A_155 = tpu.memref_slice %arg6[%add3A_151, %dma_start3A_154] : memref<32768x1024xf32, #tpu.memory_space<hbm>> -> memref<32x1024xf32, #tpu.memory_space<hbm>>
    tpu.enqueue_dma source(%arg11 : memref<32x1024xf32, #tpu.memory_space<vmem>>) target(%dma_start3A_155 : memref<32x1024xf32, #tpu.memory_space<hbm>>) target_semaphore(%arg15 : memref<!tpu.dma_semaphore, #tpu.memory_space<semaphore_mem>>)
    %dma_wait3A_156 = arith.constant 96 : i32
    %dma_wait3A_157 = tpu.memref_slice %arg8[%dma_wait3A_156] : memref<1024xi32, #tpu.memory_space<vmem>> -> memref<32xi32, #tpu.memory_space<vmem>>
    %dma_wait3A_158 = arith.constant 0 : i32
    %dma_wait3A_159 = arith.constant 0 : i32
    %dma_wait3A_160 = tpu.memref_slice %arg4[%dma_wait3A_158, %dma_wait3A_159] : memref<1000x1024xf32, #tpu.memory_space<hbm>> -> memref<1000x1024xf32, #tpu.memory_space<hbm>>
    tpu.wait_indirect_dma semaphore(%arg14 : memref<!tpu.dma_semaphore, #tpu.memory_space<semaphore_mem>>) src(%dma_wait3A_160 : memref<1000x1024xf32, #tpu.memory_space<hbm>>) dst(%arg12 : memref<32x1024xf32, #tpu.memory_space<vmem>>)
    %dma_wait3A_161 = arith.constant 0 : i32
    %dma_wait3A_162 = tpu.memref_slice %arg6[%add3A_151, %dma_wait3A_161] : memref<32768x1024xf32, #tpu.memory_space<hbm>> -> memref<32x1024xf32, #tpu.memory_space<hbm>>
    %dma_wait3A_163 = arith.constant 0 : i32
    %dma_wait3A_164 = tpu.memref_slice %arg6[%add3A_151, %dma_wait3A_163] : memref<32768x1024xf32, #tpu.memory_space<hbm>> -> memref<32x1024xf32, #tpu.memory_space<hbm>>
    tpu.wait_dma2 semaphore(%arg15 : memref<!tpu.dma_semaphore, #tpu.memory_space<semaphore_mem>>) src(%arg11 : memref<32x1024xf32, #tpu.memory_space<vmem>>) dst(%dma_wait3A_164 : memref<32x1024xf32, #tpu.memory_space<hbm>>)
    %dma_start3A_165 = arith.constant 128 : i32
    %dma_start3A_166 = tpu.memref_slice %arg8[%dma_start3A_165] : memref<1024xi32, #tpu.memory_space<vmem>> -> memref<32xi32, #tpu.memory_space<vmem>>
    %dma_start3A_167 = arith.constant 0 : i32
    %dma_start3A_168 = arith.constant 0 : i32
    %dma_start3A_169 = tpu.memref_slice %arg4[%dma_start3A_167, %dma_start3A_168] : memref<1000x1024xf32, #tpu.memory_space<hbm>> -> memref<1000x1024xf32, #tpu.memory_space<hbm>>
    tpu.enqueue_indirect_dma source(%dma_start3A_169 : memref<1000x1024xf32, #tpu.memory_space<hbm>>) target(%arg11 : memref<32x1024xf32, #tpu.memory_space<vmem>>) offsets(%dma_start3A_166 : memref<32xi32, #tpu.memory_space<vmem>>) semaphore(%arg14 : memref<!tpu.dma_semaphore, #tpu.memory_space<semaphore_mem>>)
    %get3A_170 = arith.constant 96 : index
    %get3A_171 = tpu.vector_load %arg8[%get3A_170] {strides = array<i32>} : memref<1024xi32, #tpu.memory_space<vmem>>, vector<16xi32>,
    %get3A_172 = arith.constant 96 : index
    %get3A_173 = tpu.vector_load %arg9[%get3A_172] {strides = array<i32>} : memref<1024xi32, #tpu.memory_space<vmem>>, vector<16xi32>,
    %gather3A_174 = tpu.vector_load_idx %arg10[%get3A_171] : memref<1000xf32, #tpu.memory_space<vmem>>[vector<16xi32>], vector<16xf32>,
    %iota3A_175 = tpu.iota {dimensions = array<i32: 0>} : vector<16xi32>
    %add3A_176 = arith.constant 0 : i32
    %add3A_177 = vector.broadcast %add3A_176 : i32 to vector<16xi32>
    %add3A_178 = arith.addi %iota3A_175, %add3A_177 : vector<16xi32>
    %gather3A_179 = tpu.vector_load_idx %arg12[%add3A_178, %get3A_173] : memref<32x1024xf32, #tpu.memory_space<vmem>>[vector<16xi32>, vector<16xi32>], vector<16xf32>,
    %get3A_180 = arith.constant 0 : index
    %get3A_181 = tpu.vector_load %arg13[%get3A_180] {strides = array<i32>} : memref<16xf32, #tpu.memory_space<vmem>>, vector<16xf32>,
    %sub3A_182 = arith.subf %gather3A_174, %gather3A_179 : vector<16xf32>
    %add3A_183 = arith.addf %get3A_181, %sub3A_182 : vector<16xf32>
    %swap3A_184 = arith.constant 0 : index
    %swap3A_185 = tpu.vector_load %arg13[%swap3A_184] {strides = array<i32>} : memref<16xf32, #tpu.memory_space<vmem>>, vector<16xf32>,
    tpu.vector_store %arg13[%swap3A_184], %add3A_183 {strides = array<i32>} : memref<16xf32, #tpu.memory_space<vmem>>, vector<16xf32>,
    %get3A_186 = arith.constant 112 : index
    %get3A_187 = tpu.vector_load %arg8[%get3A_186] {strides = array<i32>} : memref<1024xi32, #tpu.memory_space<vmem>>, vector<16xi32>,
    %get3A_188 = arith.constant 112 : index
    %get3A_189 = tpu.vector_load %arg9[%get3A_188] {strides = array<i32>} : memref<1024xi32, #tpu.memory_space<vmem>>, vector<16xi32>,
    %gather3A_190 = tpu.vector_load_idx %arg10[%get3A_187] : memref<1000xf32, #tpu.memory_space<vmem>>[vector<16xi32>], vector<16xf32>,
    %iota3A_191 = tpu.iota {dimensions = array<i32: 0>} : vector<16xi32>
    %add3A_192 = arith.constant 16 : i32
    %add3A_193 = vector.broadcast %add3A_192 : i32 to vector<16xi32>
    %add3A_194 = arith.addi %iota3A_191, %add3A_193 : vector<16xi32>
    %gather3A_195 = tpu.vector_load_idx %arg12[%add3A_194, %get3A_189] : memref<32x1024xf32, #tpu.memory_space<vmem>>[vector<16xi32>, vector<16xi32>], vector<16xf32>,
    %get3A_196 = arith.constant 0 : index
    %get3A_197 = tpu.vector_load %arg13[%get3A_196] {strides = array<i32>} : memref<16xf32, #tpu.memory_space<vmem>>, vector<16xf32>,
    %sub3A_198 = arith.subf %gather3A_190, %gather3A_195 : vector<16xf32>
    %add3A_199 = arith.addf %get3A_197, %sub3A_198 : vector<16xf32>
    %swap3A_200 = arith.constant 0 : index
    %swap3A_201 = tpu.vector_load %arg13[%swap3A_200] {strides = array<i32>} : memref<16xf32, #tpu.memory_space<vmem>>, vector<16xf32>,
    tpu.vector_store %arg13[%swap3A_200], %add3A_199 {strides = array<i32>} : memref<16xf32, #tpu.memory_space<vmem>>, vector<16xf32>,
    %add3A_202 = arith.constant 96 : i32
    %add3A_203 = arith.addi %mul3A_2, %add3A_202 : i32
    %dma_start3A_204 = arith.constant 0 : i32
    %dma_start3A_205 = tpu.memref_slice %arg6[%add3A_203, %dma_start3A_204] : memref<32768x1024xf32, #tpu.memory_space<hbm>> -> memref<32x1024xf32, #tpu.memory_space<hbm>>
    %dma_start3A_206 = arith.constant 0 : i32
    %dma_start3A_207 = tpu.memref_slice %arg6[%add3A_203, %dma_start3A_206] : memref<32768x1024xf32, #tpu.memory_space<hbm>> -> memref<32x1024xf32, #tpu.memory_space<hbm>>
    tpu.enqueue_dma source(%arg12 : memref<32x1024xf32, #tpu.memory_space<vmem>>) target(%dma_start3A_207 : memref<32x1024xf32, #tpu.memory_space<hbm>>) target_semaphore(%arg15 : memref<!tpu.dma_semaphore, #tpu.memory_space<semaphore_mem>>)
    %dma_wait3A_208 = arith.constant 128 : i32
    %dma_wait3A_209 = tpu.memref_slice %arg8[%dma_wait3A_208] : memref<1024xi32, #tpu.memory_space<vmem>> -> memref<32xi32, #tpu.memory_space<vmem>>
    %dma_wait3A_210 = arith.constant 0 : i32
    %dma_wait3A_211 = arith.constant 0 : i32
    %dma_wait3A_212 = tpu.memref_slice %arg4[%dma_wait3A_210, %dma_wait3A_211] : memref<1000x1024xf32, #tpu.memory_space<hbm>> -> memref<1000x1024xf32, #tpu.memory_space<hbm>>
    tpu.wait_indirect_dma semaphore(%arg14 : memref<!tpu.dma_semaphore, #tpu.memory_space<semaphore_mem>>) src(%dma_wait3A_212 : memref<1000x1024xf32, #tpu.memory_space<hbm>>) dst(%arg11 : memref<32x1024xf32, #tpu.memory_space<vmem>>)
    %dma_wait3A_213 = arith.constant 0 : i32
    %dma_wait3A_214 = tpu.memref_slice %arg6[%add3A_203, %dma_wait3A_213] : memref<32768x1024xf32, #tpu.memory_space<hbm>> -> memref<32x1024xf32, #tpu.memory_space<hbm>>
    %dma_wait3A_215 = arith.constant 0 : i32
    %dma_wait3A_216 = tpu.memref_slice %arg6[%add3A_203, %dma_wait3A_215] : memref<32768x1024xf32, #tpu.memory_space<hbm>> -> memref<32x1024xf32, #tpu.memory_space<hbm>>
    tpu.wait_dma2 semaphore(%arg15 : memref<!tpu.dma_semaphore, #tpu.memory_space<semaphore_mem>>) src(%arg12 : memref<32x1024xf32, #tpu.memory_space<vmem>>) dst(%dma_wait3A_216 : memref<32x1024xf32, #tpu.memory_space<hbm>>)
    %dma_start3A_217 = arith.constant 160 : i32
    %dma_start3A_218 = tpu.memref_slice %arg8[%dma_start3A_217] : memref<1024xi32, #tpu.memory_space<vmem>> -> memref<32xi32, #tpu.memory_space<vmem>>
    %dma_start3A_219 = arith.constant 0 : i32
    %dma_start3A_220 = arith.constant 0 : i32
    %dma_start3A_221 = tpu.memref_slice %arg4[%dma_start3A_219, %dma_start3A_220] : memref<1000x1024xf32, #tpu.memory_space<hbm>> -> memref<1000x1024xf32, #tpu.memory_space<hbm>>
    tpu.enqueue_indirect_dma source(%dma_start3A_221 : memref<1000x1024xf32, #tpu.memory_space<hbm>>) target(%arg12 : memref<32x1024xf32, #tpu.memory_space<vmem>>) offsets(%dma_start3A_218 : memref<32xi32, #tpu.memory_space<vmem>>) semaphore(%arg14 : memref<!tpu.dma_semaphore, #tpu.memory_space<semaphore_mem>>)
    %get3A_222 = arith.constant 128 : index
    %get3A_223 = tpu.vector_load %arg8[%get3A_222] {strides = array<i32>} : memref<1024xi32, #tpu.memory_space<vmem>>, vector<16xi32>,
    %get3A_224 = arith.constant 128 : index
    %get3A_225 = tpu.vector_load %arg9[%get3A_224] {strides = array<i32>} : memref<1024xi32, #tpu.memory_space<vmem>>, vector<16xi32>,
    %gather3A_226 = tpu.vector_load_idx %arg10[%get3A_223] : memref<1000xf32, #tpu.memory_space<vmem>>[vector<16xi32>], vector<16xf32>,
    %iota3A_227 = tpu.iota {dimensions = array<i32: 0>} : vector<16xi32>
    %add3A_228 = arith.constant 0 : i32
    %add3A_229 = vector.broadcast %add3A_228 : i32 to vector<16xi32>
    %add3A_230 = arith.addi %iota3A_227, %add3A_229 : vector<16xi32>
    %gather3A_231 = tpu.vector_load_idx %arg11[%add3A_230, %get3A_225] : memref<32x1024xf32, #tpu.memory_space<vmem>>[vector<16xi32>, vector<16xi32>], vector<16xf32>,
    %get3A_232 = arith.constant 0 : index
    %get3A_233 = tpu.vector_load %arg13[%get3A_232] {strides = array<i32>} : memref<16xf32, #tpu.memory_space<vmem>>, vector<16xf32>,
    %sub3A_234 = arith.subf %gather3A_226, %gather3A_231 : vector<16xf32>
    %add3A_235 = arith.addf %get3A_233, %sub3A_234 : vector<16xf32>
    %swap3A_236 = arith.constant 0 : index
    %swap3A_237 = tpu.vector_load %arg13[%swap3A_236] {strides = array<i32>} : memref<16xf32, #tpu.memory_space<vmem>>, vector<16xf32>,
    tpu.vector_store %arg13[%swap3A_236], %add3A_235 {strides = array<i32>} : memref<16xf32, #tpu.memory_space<vmem>>, vector<16xf32>,
    %get3A_238 = arith.constant 144 : index
    %get3A_239 = tpu.vector_load %arg8[%get3A_238] {strides = array<i32>} : memref<1024xi32, #tpu.memory_space<vmem>>, vector<16xi32>,
    %get3A_240 = arith.constant 144 : index
    %get3A_241 = tpu.vector_load %arg9[%get3A_240] {strides = array<i32>} : memref<1024xi32, #tpu.memory_space<vmem>>, vector<16xi32>,
    %gather3A_242 = tpu.vector_load_idx %arg10[%get3A_239] : memref<1000xf32, #tpu.memory_space<vmem>>[vector<16xi32>], vector<16xf32>,
    %iota3A_243 = tpu.iota {dimensions = array<i32: 0>} : vector<16xi32>
    %add3A_244 = arith.constant 16 : i32
    %add3A_245 = vector.broadcast %add3A_244 : i32 to vector<16xi32>
    %add3A_246 = arith.addi %iota3A_243, %add3A_245 : vector<16xi32>
    %gather3A_247 = tpu.vector_load_idx %arg11[%add3A_246, %get3A_241] : memref<32x1024xf32, #tpu.memory_space<vmem>>[vector<16xi32>, vector<16xi32>], vector<16xf32>,
    %get3A_248 = arith.constant 0 : index
    %get3A_249 = tpu.vector_load %arg13[%get3A_248] {strides = array<i32>} : memref<16xf32, #tpu.memory_space<vmem>>, vector<16xf32>,
    %sub3A_250 = arith.subf %gather3A_242, %gather3A_247 : vector<16xf32>
    %add3A_251 = arith.addf %get3A_249, %sub3A_250 : vector<16xf32>
    %swap3A_252 = arith.constant 0 : index
    %swap3A_253 = tpu.vector_load %arg13[%swap3A_252] {strides = array<i32>} : memref<16xf32, #tpu.memory_space<vmem>>, vector<16xf32>,
    tpu.vector_store %arg13[%swap3A_252], %add3A_251 {strides = array<i32>} : memref<16xf32, #tpu.memory_space<vmem>>, vector<16xf32>,
    %add3A_254 = arith.constant 128 : i32
    %add3A_255 = arith.addi %mul3A_2, %add3A_254 : i32
    %dma_start3A_256 = arith.constant 0 : i32
    %dma_start3A_257 = tpu.memref_slice %arg6[%add3A_255, %dma_start3A_256] : memref<32768x1024xf32, #tpu.memory_space<hbm>> -> memref<32x1024xf32, #tpu.memory_space<hbm>>
    %dma_start3A_258 = arith.constant 0 : i32
    %dma_start3A_259 = tpu.memref_slice %arg6[%add3A_255, %dma_start3A_258] : memref<32768x1024xf32, #tpu.memory_space<hbm>> -> memref<32x1024xf32, #tpu.memory_space<hbm>>
    tpu.enqueue_dma source(%arg11 : memref<32x1024xf32, #tpu.memory_space<vmem>>) target(%dma_start3A_259 : memref<32x1024xf32, #tpu.memory_space<hbm>>) target_semaphore(%arg15 : memref<!tpu.dma_semaphore, #tpu.memory_space<semaphore_mem>>)
    %dma_wait3A_260 = arith.constant 160 : i32
    %dma_wait3A_261 = tpu.memref_slice %arg8[%dma_wait3A_260] : memref<1024xi32, #tpu.memory_space<vmem>> -> memref<32xi32, #tpu.memory_space<vmem>>
    %dma_wait3A_262 = arith.constant 0 : i32
    %dma_wait3A_263 = arith.constant 0 : i32
    %dma_wait3A_264 = tpu.memref_slice %arg4[%dma_wait3A_262, %dma_wait3A_263] : memref<1000x1024xf32, #tpu.memory_space<hbm>> -> memref<1000x1024xf32, #tpu.memory_space<hbm>>
    tpu.wait_indirect_dma semaphore(%arg14 : memref<!tpu.dma_semaphore, #tpu.memory_space<semaphore_mem>>) src(%dma_wait3A_264 : memref<1000x1024xf32, #tpu.memory_space<hbm>>) dst(%arg12 : memref<32x1024xf32, #tpu.memory_space<vmem>>)
    %dma_wait3A_265 = arith.constant 0 : i32
    %dma_wait3A_266 = tpu.memref_slice %arg6[%add3A_255, %dma_wait3A_265] : memref<32768x1024xf32, #tpu.memory_space<hbm>> -> memref<32x1024xf32, #tpu.memory_space<hbm>>
    %dma_wait3A_267 = arith.constant 0 : i32
    %dma_wait3A_268 = tpu.memref_slice %arg6[%add3A_255, %dma_wait3A_267] : memref<32768x1024xf32, #tpu.memory_space<hbm>> -> memref<32x1024xf32, #tpu.memory_space<hbm>>
    tpu.wait_dma2 semaphore(%arg15 : memref<!tpu.dma_semaphore, #tpu.memory_space<semaphore_mem>>) src(%arg11 : memref<32x1024xf32, #tpu.memory_space<vmem>>) dst(%dma_wait3A_268 : memref<32x1024xf32, #tpu.memory_space<hbm>>)
    %dma_start3A_269 = arith.constant 192 : i32
    %dma_start3A_270 = tpu.memref_slice %arg8[%dma_start3A_269] : memref<1024xi32, #tpu.memory_space<vmem>> -> memref<32xi32, #tpu.memory_space<vmem>>
    %dma_start3A_271 = arith.constant 0 : i32
    %dma_start3A_272 = arith.constant 0 : i32
    %dma_start3A_273 = tpu.memref_slice %arg4[%dma_start3A_271, %dma_start3A_272] : memref<1000x1024xf32, #tpu.memory_space<hbm>> -> memref<1000x1024xf32, #tpu.memory_space<hbm>>
    tpu.enqueue_indirect_dma source(%dma_start3A_273 : memref<1000x1024xf32, #tpu.memory_space<hbm>>) target(%arg11 : memref<32x1024xf32, #tpu.memory_space<vmem>>) offsets(%dma_start3A_270 : memref<32xi32, #tpu.memory_space<vmem>>) semaphore(%arg14 : memref<!tpu.dma_semaphore, #tpu.memory_space<semaphore_mem>>)
    %get3A_274 = arith.constant 160 : index
    %get3A_275 = tpu.vector_load %arg8[%get3A_274] {strides = array<i32>} : memref<1024xi32, #tpu.memory_space<vmem>>, vector<16xi32>,
    %get3A_276 = arith.constant 160 : index
    %get3A_277 = tpu.vector_load %arg9[%get3A_276] {strides = array<i32>} : memref<1024xi32, #tpu.memory_space<vmem>>, vector<16xi32>,
    %gather3A_278 = tpu.vector_load_idx %arg10[%get3A_275] : memref<1000xf32, #tpu.memory_space<vmem>>[vector<16xi32>], vector<16xf32>,
    %iota3A_279 = tpu.iota {dimensions = array<i32: 0>} : vector<16xi32>
    %add3A_280 = arith.constant 0 : i32
    %add3A_281 = vector.broadcast %add3A_280 : i32 to vector<16xi32>
    %add3A_282 = arith.addi %iota3A_279, %add3A_281 : vector<16xi32>
    %gather3A_283 = tpu.vector_load_idx %arg12[%add3A_282, %get3A_277] : memref<32x1024xf32, #tpu.memory_space<vmem>>[vector<16xi32>, vector<16xi32>], vector<16xf32>,
    %get3A_284 = arith.constant 0 : index
    %get3A_285 = tpu.vector_load %arg13[%get3A_284] {strides = array<i32>} : memref<16xf32, #tpu.memory_space<vmem>>, vector<16xf32>,
    %sub3A_286 = arith.subf %gather3A_278, %gather3A_283 : vector<16xf32>
    %add3A_287 = arith.addf %get3A_285, %sub3A_286 : vector<16xf32>
    %swap3A_288 = arith.constant 0 : index
    %swap3A_289 = tpu.vector_load %arg13[%swap3A_288] {strides = array<i32>} : memref<16xf32, #tpu.memory_space<vmem>>, vector<16xf32>,
    tpu.vector_store %arg13[%swap3A_288], %add3A_287 {strides = array<i32>} : memref<16xf32, #tpu.memory_space<vmem>>, vector<16xf32>,
    %get3A_290 = arith.constant 176 : index
    %get3A_291 = tpu.vector_load %arg8[%get3A_290] {strides = array<i32>} : memref<1024xi32, #tpu.memory_space<vmem>>, vector<16xi32>,
    %get3A_292 = arith.constant 176 : index
    %get3A_293 = tpu.vector_load %arg9[%get3A_292] {strides = array<i32>} : memref<1024xi32, #tpu.memory_space<vmem>>, vector<16xi32>,
    %gather3A_294 = tpu.vector_load_idx %arg10[%get3A_291] : memref<1000xf32, #tpu.memory_space<vmem>>[vector<16xi32>], vector<16xf32>,
    %iota3A_295 = tpu.iota {dimensions = array<i32: 0>} : vector<16xi32>
    %add3A_296 = arith.constant 16 : i32
    %add3A_297 = vector.broadcast %add3A_296 : i32 to vector<16xi32>
    %add3A_298 = arith.addi %iota3A_295, %add3A_297 : vector<16xi32>
    %gather3A_299 = tpu.vector_load_idx %arg12[%add3A_298, %get3A_293] : memref<32x1024xf32, #tpu.memory_space<vmem>>[vector<16xi32>, vector<16xi32>], vector<16xf32>,
    %get3A_300 = arith.constant 0 : index
    %get3A_301 = tpu.vector_load %arg13[%get3A_300] {strides = array<i32>} : memref<16xf32, #tpu.memory_space<vmem>>, vector<16xf32>,
    %sub3A_302 = arith.subf %gather3A_294, %gather3A_299 : vector<16xf32>
    %add3A_303 = arith.addf %get3A_301, %sub3A_302 : vector<16xf32>
    %swap3A_304 = arith.constant 0 : index
    %swap3A_305 = tpu.vector_load %arg13[%swap3A_304] {strides = array<i32>} : memref<16xf32, #tpu.memory_space<vmem>>, vector<16xf32>,
    tpu.vector_store %arg13[%swap3A_304], %add3A_303 {strides = array<i32>} : memref<16xf32, #tpu.memory_space<vmem>>, vector<16xf32>,
    %add3A_306 = arith.constant 160 : i32
    %add3A_307 = arith.addi %mul3A_2, %add3A_306 : i32
    %dma_start3A_308 = arith.constant 0 : i32
    %dma_start3A_309 = tpu.memref_slice %arg6[%add3A_307, %dma_start3A_308] : memref<32768x1024xf32, #tpu.memory_space<hbm>> -> memref<32x1024xf32, #tpu.memory_space<hbm>>
    %dma_start3A_310 = arith.constant 0 : i32
    %dma_start3A_311 = tpu.memref_slice %arg6[%add3A_307, %dma_start3A_310] : memref<32768x1024xf32, #tpu.memory_space<hbm>> -> memref<32x1024xf32, #tpu.memory_space<hbm>>
    tpu.enqueue_dma source(%arg12 : memref<32x1024xf32, #tpu.memory_space<vmem>>) target(%dma_start3A_311 : memref<32x1024xf32, #tpu.memory_space<hbm>>) target_semaphore(%arg15 : memref<!tpu.dma_semaphore, #tpu.memory_space<semaphore_mem>>)
    %dma_wait3A_312 = arith.constant 192 : i32
    %dma_wait3A_313 = tpu.memref_slice %arg8[%dma_wait3A_312] : memref<1024xi32, #tpu.memory_space<vmem>> -> memref<32xi32, #tpu.memory_space<vmem>>
    %dma_wait3A_314 = arith.constant 0 : i32
    %dma_wait3A_315 = arith.constant 0 : i32
    %dma_wait3A_316 = tpu.memref_slice %arg4[%dma_wait3A_314, %dma_wait3A_315] : memref<1000x1024xf32, #tpu.memory_space<hbm>> -> memref<1000x1024xf32, #tpu.memory_space<hbm>>
    tpu.wait_indirect_dma semaphore(%arg14 : memref<!tpu.dma_semaphore, #tpu.memory_space<semaphore_mem>>) src(%dma_wait3A_316 : memref<1000x1024xf32, #tpu.memory_space<hbm>>) dst(%arg11 : memref<32x1024xf32, #tpu.memory_space<vmem>>)
    %dma_wait3A_317 = arith.constant 0 : i32
    %dma_wait3A_318 = tpu.memref_slice %arg6[%add3A_307, %dma_wait3A_317] : memref<32768x1024xf32, #tpu.memory_space<hbm>> -> memref<32x1024xf32, #tpu.memory_space<hbm>>
    %dma_wait3A_319 = arith.constant 0 : i32
    %dma_wait3A_320 = tpu.memref_slice %arg6[%add3A_307, %dma_wait3A_319] : memref<32768x1024xf32, #tpu.memory_space<hbm>> -> memref<32x1024xf32, #tpu.memory_space<hbm>>
    tpu.wait_dma2 semaphore(%arg15 : memref<!tpu.dma_semaphore, #tpu.memory_space<semaphore_mem>>) src(%arg12 : memref<32x1024xf32, #tpu.memory_space<vmem>>) dst(%dma_wait3A_320 : memref<32x1024xf32, #tpu.memory_space<hbm>>)
    %dma_start3A_321 = arith.constant 224 : i32
    %dma_start3A_322 = tpu.memref_slice %arg8[%dma_start3A_321] : memref<1024xi32, #tpu.memory_space<vmem>> -> memref<32xi32, #tpu.memory_space<vmem>>
    %dma_start3A_323 = arith.constant 0 : i32
    %dma_start3A_324 = arith.constant 0 : i32
    %dma_start3A_325 = tpu.memref_slice %arg4[%dma_start3A_323, %dma_start3A_324] : memref<1000x1024xf32, #tpu.memory_space<hbm>> -> memref<1000x1024xf32, #tpu.memory_space<hbm>>
    tpu.enqueue_indirect_dma source(%dma_start3A_325 : memref<1000x1024xf32, #tpu.memory_space<hbm>>) target(%arg12 : memref<32x1024xf32, #tpu.memory_space<vmem>>) offsets(%dma_start3A_322 : memref<32xi32, #tpu.memory_space<vmem>>) semaphore(%arg14 : memref<!tpu.dma_semaphore, #tpu.memory_space<semaphore_mem>>)
    %get3A_326 = arith.constant 192 : index
    %get3A_327 = tpu.vector_load %arg8[%get3A_326] {strides = array<i32>} : memref<1024xi32, #tpu.memory_space<vmem>>, vector<16xi32>,
    %get3A_328 = arith.constant 192 : index
    %get3A_329 = tpu.vector_load %arg9[%get3A_328] {strides = array<i32>} : memref<1024xi32, #tpu.memory_space<vmem>>, vector<16xi32>,
    %gather3A_330 = tpu.vector_load_idx %arg10[%get3A_327] : memref<1000xf32, #tpu.memory_space<vmem>>[vector<16xi32>], vector<16xf32>,
    %iota3A_331 = tpu.iota {dimensions = array<i32: 0>} : vector<16xi32>
    %add3A_332 = arith.constant 0 : i32
    %add3A_333 = vector.broadcast %add3A_332 : i32 to vector<16xi32>
    %add3A_334 = arith.addi %iota3A_331, %add3A_333 : vector<16xi32>
    %gather3A_335 = tpu.vector_load_idx %arg11[%add3A_334, %get3A_329] : memref<32x1024xf32, #tpu.memory_space<vmem>>[vector<16xi32>, vector<16xi32>], vector<16xf32>,
    %get3A_336 = arith.constant 0 : index
    %get3A_337 = tpu.vector_load %arg13[%get3A_336] {strides = array<i32>} : memref<16xf32, #tpu.memory_space<vmem>>, vector<16xf32>,
    %sub3A_338 = arith.subf %gather3A_330, %gather3A_335 : vector<16xf32>
    %add3A_339 = arith.addf %get3A_337, %sub3A_338 : vector<16xf32>
    %swap3A_340 = arith.constant 0 : index
    %swap3A_341 = tpu.vector_load %arg13[%swap3A_340] {strides = array<i32>} : memref<16xf32, #tpu.memory_space<vmem>>, vector<16xf32>,
    tpu.vector_store %arg13[%swap3A_340], %add3A_339 {strides = array<i32>} : memref<16xf32, #tpu.memory_space<vmem>>, vector<16xf32>,
    %get3A_342 = arith.constant 208 : index
    %get3A_343 = tpu.vector_load %arg8[%get3A_342] {strides = array<i32>} : memref<1024xi32, #tpu.memory_space<vmem>>, vector<16xi32>,
    %get3A_344 = arith.constant 208 : index
    %get3A_345 = tpu.vector_load %arg9[%get3A_344] {strides = array<i32>} : memref<1024xi32, #tpu.memory_space<vmem>>, vector<16xi32>,
    %gather3A_346 = tpu.vector_load_idx %arg10[%get3A_343] : memref<1000xf32, #tpu.memory_space<vmem>>[vector<16xi32>], vector<16xf32>,
    %iota3A_347 = tpu.iota {dimensions = array<i32: 0>} : vector<16xi32>
    %add3A_348 = arith.constant 16 : i32
    %add3A_349 = vector.broadcast %add3A_348 : i32 to vector<16xi32>
    %add3A_350 = arith.addi %iota3A_347, %add3A_349 : vector<16xi32>
    %gather3A_351 = tpu.vector_load_idx %arg11[%add3A_350, %get3A_345] : memref<32x1024xf32, #tpu.memory_space<vmem>>[vector<16xi32>, vector<16xi32>], vector<16xf32>,
    %get3A_352 = arith.constant 0 : index
    %get3A_353 = tpu.vector_load %arg13[%get3A_352] {strides = array<i32>} : memref<16xf32, #tpu.memory_space<vmem>>, vector<16xf32>,
    %sub3A_354 = arith.subf %gather3A_346, %gather3A_351 : vector<16xf32>
    %add3A_355 = arith.addf %get3A_353, %sub3A_354 : vector<16xf32>
    %swap3A_356 = arith.constant 0 : index
    %swap3A_357 = tpu.vector_load %arg13[%swap3A_356] {strides = array<i32>} : memref<16xf32, #tpu.memory_space<vmem>>, vector<16xf32>,
    tpu.vector_store %arg13[%swap3A_356], %add3A_355 {strides = array<i32>} : memref<16xf32, #tpu.memory_space<vmem>>, vector<16xf32>,
    %add3A_358 = arith.constant 192 : i32
    %add3A_359 = arith.addi %mul3A_2, %add3A_358 : i32
    %dma_start3A_360 = arith.constant 0 : i32
    %dma_start3A_361 = tpu.memref_slice %arg6[%add3A_359, %dma_start3A_360] : memref<32768x1024xf32, #tpu.memory_space<hbm>> -> memref<32x1024xf32, #tpu.memory_space<hbm>>
    %dma_start3A_362 = arith.constant 0 : i32
    %dma_start3A_363 = tpu.memref_slice %arg6[%add3A_359, %dma_start3A_362] : memref<32768x1024xf32, #tpu.memory_space<hbm>> -> memref<32x1024xf32, #tpu.memory_space<hbm>>
    tpu.enqueue_dma source(%arg11 : memref<32x1024xf32, #tpu.memory_space<vmem>>) target(%dma_start3A_363 : memref<32x1024xf32, #tpu.memory_space<hbm>>) target_semaphore(%arg15 : memref<!tpu.dma_semaphore, #tpu.memory_space<semaphore_mem>>)
    %dma_wait3A_364 = arith.constant 224 : i32
    %dma_wait3A_365 = tpu.memref_slice %arg8[%dma_wait3A_364] : memref<1024xi32, #tpu.memory_space<vmem>> -> memref<32xi32, #tpu.memory_space<vmem>>
    %dma_wait3A_366 = arith.constant 0 : i32
    %dma_wait3A_367 = arith.constant 0 : i32
    %dma_wait3A_368 = tpu.memref_slice %arg4[%dma_wait3A_366, %dma_wait3A_367] : memref<1000x1024xf32, #tpu.memory_space<hbm>> -> memref<1000x1024xf32, #tpu.memory_space<hbm>>
    tpu.wait_indirect_dma semaphore(%arg14 : memref<!tpu.dma_semaphore, #tpu.memory_space<semaphore_mem>>) src(%dma_wait3A_368 : memref<1000x1024xf32, #tpu.memory_space<hbm>>) dst(%arg12 : memref<32x1024xf32, #tpu.memory_space<vmem>>)
    %dma_wait3A_369 = arith.constant 0 : i32
    %dma_wait3A_370 = tpu.memref_slice %arg6[%add3A_359, %dma_wait3A_369] : memref<32768x1024xf32, #tpu.memory_space<hbm>> -> memref<32x1024xf32, #tpu.memory_space<hbm>>
    %dma_wait3A_371 = arith.constant 0 : i32
    %dma_wait3A_372 = tpu.memref_slice %arg6[%add3A_359, %dma_wait3A_371] : memref<32768x1024xf32, #tpu.memory_space<hbm>> -> memref<32x1024xf32, #tpu.memory_space<hbm>>
    tpu.wait_dma2 semaphore(%arg15 : memref<!tpu.dma_semaphore, #tpu.memory_space<semaphore_mem>>) src(%arg11 : memref<32x1024xf32, #tpu.memory_space<vmem>>) dst(%dma_wait3A_372 : memref<32x1024xf32, #tpu.memory_space<hbm>>)
    %dma_start3A_373 = arith.constant 256 : i32
    %dma_start3A_374 = tpu.memref_slice %arg8[%dma_start3A_373] : memref<1024xi32, #tpu.memory_space<vmem>> -> memref<32xi32, #tpu.memory_space<vmem>>
    %dma_start3A_375 = arith.constant 0 : i32
    %dma_start3A_376 = arith.constant 0 : i32
    %dma_start3A_377 = tpu.memref_slice %arg4[%dma_start3A_375, %dma_start3A_376] : memref<1000x1024xf32, #tpu.memory_space<hbm>> -> memref<1000x1024xf32, #tpu.memory_space<hbm>>
    tpu.enqueue_indirect_dma source(%dma_start3A_377 : memref<1000x1024xf32, #tpu.memory_space<hbm>>) target(%arg11 : memref<32x1024xf32, #tpu.memory_space<vmem>>) offsets(%dma_start3A_374 : memref<32xi32, #tpu.memory_space<vmem>>) semaphore(%arg14 : memref<!tpu.dma_semaphore, #tpu.memory_space<semaphore_mem>>)
    %get3A_378 = arith.constant 224 : index
    %get3A_379 = tpu.vector_load %arg8[%get3A_378] {strides = array<i32>} : memref<1024xi32, #tpu.memory_space<vmem>>, vector<16xi32>,
    %get3A_380 = arith.constant 224 : index
    %get3A_381 = tpu.vector_load %arg9[%get3A_380] {strides = array<i32>} : memref<1024xi32, #tpu.memory_space<vmem>>, vector<16xi32>,
    %gather3A_382 = tpu.vector_load_idx %arg10[%get3A_379] : memref<1000xf32, #tpu.memory_space<vmem>>[vector<16xi32>], vector<16xf32>,
    %iota3A_383 = tpu.iota {dimensions = array<i32: 0>} : vector<16xi32>
    %add3A_384 = arith.constant 0 : i32
    %add3A_385 = vector.broadcast %add3A_384 : i32 to vector<16xi32>
    %add3A_386 = arith.addi %iota3A_383, %add3A_385 : vector<16xi32>
    %gather3A_387 = tpu.vector_load_idx %arg12[%add3A_386, %get3A_381] : memref<32x1024xf32, #tpu.memory_space<vmem>>[vector<16xi32>, vector<16xi32>], vector<16xf32>,
    %get3A_388 = arith.constant 0 : index
    %get3A_389 = tpu.vector_load %arg13[%get3A_388] {strides = array<i32>} : memref<16xf32, #tpu.memory_space<vmem>>, vector<16xf32>,
    %sub3A_390 = arith.subf %gather3A_382, %gather3A_387 : vector<16xf32>
    %add3A_391 = arith.addf %get3A_389, %sub3A_390 : vector<16xf32>
    %swap3A_392 = arith.constant 0 : index
    %swap3A_393 = tpu.vector_load %arg13[%swap3A_392] {strides = array<i32>} : memref<16xf32, #tpu.memory_space<vmem>>, vector<16xf32>,
    tpu.vector_store %arg13[%swap3A_392], %add3A_391 {strides = array<i32>} : memref<16xf32, #tpu.memory_space<vmem>>, vector<16xf32>,
    %get3A_394 = arith.constant 240 : index
    %get3A_395 = tpu.vector_load %arg8[%get3A_394] {strides = array<i32>} : memref<1024xi32, #tpu.memory_space<vmem>>, vector<16xi32>,
    %get3A_396 = arith.constant 240 : index
    %get3A_397 = tpu.vector_load %arg9[%get3A_396] {strides = array<i32>} : memref<1024xi32, #tpu.memory_space<vmem>>, vector<16xi32>,
    %gather3A_398 = tpu.vector_load_idx %arg10[%get3A_395] : memref<1000xf32, #tpu.memory_space<vmem>>[vector<16xi32>], vector<16xf32>,
    %iota3A_399 = tpu.iota {dimensions = array<i32: 0>} : vector<16xi32>
    %add3A_400 = arith.constant 16 : i32
    %add3A_401 = vector.broadcast %add3A_400 : i32 to vector<16xi32>
    %add3A_402 = arith.addi %iota3A_399, %add3A_401 : vector<16xi32>
    %gather3A_403 = tpu.vector_load_idx %arg12[%add3A_402, %get3A_397] : memref<32x1024xf32, #tpu.memory_space<vmem>>[vector<16xi32>, vector<16xi32>], vector<16xf32>,
    %get3A_404 = arith.constant 0 : index
    %get3A_405 = tpu.vector_load %arg13[%get3A_404] {strides = array<i32>} : memref<16xf32, #tpu.memory_space<vmem>>, vector<16xf32>,
    %sub3A_406 = arith.subf %gather3A_398, %gather3A_403 : vector<16xf32>
    %add3A_407 = arith.addf %get3A_405, %sub3A_406 : vector<16xf32>
    %swap3A_408 = arith.constant 0 : index
    %swap3A_409 = tpu.vector_load %arg13[%swap3A_408] {strides = array<i32>} : memref<16xf32, #tpu.memory_space<vmem>>, vector<16xf32>,
    tpu.vector_store %arg13[%swap3A_408], %add3A_407 {strides = array<i32>} : memref<16xf32, #tpu.memory_space<vmem>>, vector<16xf32>,
    %add3A_410 = arith.constant 224 : i32
    %add3A_411 = arith.addi %mul3A_2, %add3A_410 : i32
    %dma_start3A_412 = arith.constant 0 : i32
    %dma_start3A_413 = tpu.memref_slice %arg6[%add3A_411, %dma_start3A_412] : memref<32768x1024xf32, #tpu.memory_space<hbm>> -> memref<32x1024xf32, #tpu.memory_space<hbm>>
    %dma_start3A_414 = arith.constant 0 : i32
    %dma_start3A_415 = tpu.memref_slice %arg6[%add3A_411, %dma_start3A_414] : memref<32768x1024xf32, #tpu.memory_space<hbm>> -> memref<32x1024xf32, #tpu.memory_space<hbm>>
    tpu.enqueue_dma source(%arg12 : memref<32x1024xf32, #tpu.memory_space<vmem>>) target(%dma_start3A_415 : memref<32x1024xf32, #tpu.memory_space<hbm>>) target_semaphore(%arg15 : memref<!tpu.dma_semaphore, #tpu.memory_space<semaphore_mem>>)
    %dma_wait3A_416 = arith.constant 256 : i32
    %dma_wait3A_417 = tpu.memref_slice %arg8[%dma_wait3A_416] : memref<1024xi32, #tpu.memory_space<vmem>> -> memref<32xi32, #tpu.memory_space<vmem>>
    %dma_wait3A_418 = arith.constant 0 : i32
    %dma_wait3A_419 = arith.constant 0 : i32
    %dma_wait3A_420 = tpu.memref_slice %arg4[%dma_wait3A_418, %dma_wait3A_419] : memref<1000x1024xf32, #tpu.memory_space<hbm>> -> memref<1000x1024xf32, #tpu.memory_space<hbm>>
    tpu.wait_indirect_dma semaphore(%arg14 : memref<!tpu.dma_semaphore, #tpu.memory_space<semaphore_mem>>) src(%dma_wait3A_420 : memref<1000x1024xf32, #tpu.memory_space<hbm>>) dst(%arg11 : memref<32x1024xf32, #tpu.memory_space<vmem>>)
    %dma_wait3A_421 = arith.constant 0 : i32
    %dma_wait3A_422 = tpu.memref_slice %arg6[%add3A_411, %dma_wait3A_421] : memref<32768x1024xf32, #tpu.memory_space<hbm>> -> memref<32x1024xf32, #tpu.memory_space<hbm>>
    %dma_wait3A_423 = arith.constant 0 : i32
    %dma_wait3A_424 = tpu.memref_slice %arg6[%add3A_411, %dma_wait3A_423] : memref<32768x1024xf32, #tpu.memory_space<hbm>> -> memref<32x1024xf32, #tpu.memory_space<hbm>>
    tpu.wait_dma2 semaphore(%arg15 : memref<!tpu.dma_semaphore, #tpu.memory_space<semaphore_mem>>) src(%arg12 : memref<32x1024xf32, #tpu.memory_space<vmem>>) dst(%dma_wait3A_424 : memref<32x1024xf32, #tpu.memory_space<hbm>>)
    %dma_start3A_425 = arith.constant 288 : i32
    %dma_start3A_426 = tpu.memref_slice %arg8[%dma_start3A_425] : memref<1024xi32, #tpu.memory_space<vmem>> -> memref<32xi32, #tpu.memory_space<vmem>>
    %dma_start3A_427 = arith.constant 0 : i32
    %dma_start3A_428 = arith.constant 0 : i32
    %dma_start3A_429 = tpu.memref_slice %arg4[%dma_start3A_427, %dma_start3A_428] : memref<1000x1024xf32, #tpu.memory_space<hbm>> -> memref<1000x1024xf32, #tpu.memory_space<hbm>>
    tpu.enqueue_indirect_dma source(%dma_start3A_429 : memref<1000x1024xf32, #tpu.memory_space<hbm>>) target(%arg12 : memref<32x1024xf32, #tpu.memory_space<vmem>>) offsets(%dma_start3A_426 : memref<32xi32, #tpu.memory_space<vmem>>) semaphore(%arg14 : memref<!tpu.dma_semaphore, #tpu.memory_space<semaphore_mem>>)
    %get3A_430 = arith.constant 256 : index
    %get3A_431 = tpu.vector_load %arg8[%get3A_430] {strides = array<i32>} : memref<1024xi32, #tpu.memory_space<vmem>>, vector<16xi32>,
    %get3A_432 = arith.constant 256 : index
    %get3A_433 = tpu.vector_load %arg9[%get3A_432] {strides = array<i32>} : memref<1024xi32, #tpu.memory_space<vmem>>, vector<16xi32>,
    %gather3A_434 = tpu.vector_load_idx %arg10[%get3A_431] : memref<1000xf32, #tpu.memory_space<vmem>>[vector<16xi32>], vector<16xf32>,
    %iota3A_435 = tpu.iota {dimensions = array<i32: 0>} : vector<16xi32>
    %add3A_436 = arith.constant 0 : i32
    %add3A_437 = vector.broadcast %add3A_436 : i32 to vector<16xi32>
    %add3A_438 = arith.addi %iota3A_435, %add3A_437 : vector<16xi32>
    %gather3A_439 = tpu.vector_load_idx %arg11[%add3A_438, %get3A_433] : memref<32x1024xf32, #tpu.memory_space<vmem>>[vector<16xi32>, vector<16xi32>], vector<16xf32>,
    %get3A_440 = arith.constant 0 : index
    %get3A_441 = tpu.vector_load %arg13[%get3A_440] {strides = array<i32>} : memref<16xf32, #tpu.memory_space<vmem>>, vector<16xf32>,
    %sub3A_442 = arith.subf %gather3A_434, %gather3A_439 : vector<16xf32>
    %add3A_443 = arith.addf %get3A_441, %sub3A_442 : vector<16xf32>
    %swap3A_444 = arith.constant 0 : index
    %swap3A_445 = tpu.vector_load %arg13[%swap3A_444] {strides = array<i32>} : memref<16xf32, #tpu.memory_space<vmem>>, vector<16xf32>,
    tpu.vector_store %arg13[%swap3A_444], %add3A_443 {strides = array<i32>} : memref<16xf32, #tpu.memory_space<vmem>>, vector<16xf32>,
    %get3A_446 = arith.constant 272 : index
    %get3A_447 = tpu.vector_load %arg8[%get3A_446] {strides = array<i32>} : memref<1024xi32, #tpu.memory_space<vmem>>, vector<16xi32>,
    %get3A_448 = arith.constant 272 : index
    %get3A_449 = tpu.vector_load %arg9[%get3A_448] {strides = array<i32>} : memref<1024xi32, #tpu.memory_space<vmem>>, vector<16xi32>,
    %gather3A_450 = tpu.vector_load_idx %arg10[%get3A_447] : memref<1000xf32, #tpu.memory_space<vmem>>[vector<16xi32>], vector<16xf32>,
    %iota3A_451 = tpu.iota {dimensions = array<i32: 0>} : vector<16xi32>
    %add3A_452 = arith.constant 16 : i32
    %add3A_453 = vector.broadcast %add3A_452 : i32 to vector<16xi32>
    %add3A_454 = arith.addi %iota3A_451, %add3A_453 : vector<16xi32>
    %gather3A_455 = tpu.vector_load_idx %arg11[%add3A_454, %get3A_449] : memref<32x1024xf32, #tpu.memory_space<vmem>>[vector<16xi32>, vector<16xi32>], vector<16xf32>,
    %get3A_456 = arith.constant 0 : index
    %get3A_457 = tpu.vector_load %arg13[%get3A_456] {strides = array<i32>} : memref<16xf32, #tpu.memory_space<vmem>>, vector<16xf32>,
    %sub3A_458 = arith.subf %gather3A_450, %gather3A_455 : vector<16xf32>
    %add3A_459 = arith.addf %get3A_457, %sub3A_458 : vector<16xf32>
    %swap3A_460 = arith.constant 0 : index
    %swap3A_461 = tpu.vector_load %arg13[%swap3A_460] {strides = array<i32>} : memref<16xf32, #tpu.memory_space<vmem>>, vector<16xf32>,
    tpu.vector_store %arg13[%swap3A_460], %add3A_459 {strides = array<i32>} : memref<16xf32, #tpu.memory_space<vmem>>, vector<16xf32>,
    %add3A_462 = arith.constant 256 : i32
    %add3A_463 = arith.addi %mul3A_2, %add3A_462 : i32
    %dma_start3A_464 = arith.constant 0 : i32
    %dma_start3A_465 = tpu.memref_slice %arg6[%add3A_463, %dma_start3A_464] : memref<32768x1024xf32, #tpu.memory_space<hbm>> -> memref<32x1024xf32, #tpu.memory_space<hbm>>
    %dma_start3A_466 = arith.constant 0 : i32
    %dma_start3A_467 = tpu.memref_slice %arg6[%add3A_463, %dma_start3A_466] : memref<32768x1024xf32, #tpu.memory_space<hbm>> -> memref<32x1024xf32, #tpu.memory_space<hbm>>
    tpu.enqueue_dma source(%arg11 : memref<32x1024xf32, #tpu.memory_space<vmem>>) target(%dma_start3A_467 : memref<32x1024xf32, #tpu.memory_space<hbm>>) target_semaphore(%arg15 : memref<!tpu.dma_semaphore, #tpu.memory_space<semaphore_mem>>)
    %dma_wait3A_468 = arith.constant 288 : i32
    %dma_wait3A_469 = tpu.memref_slice %arg8[%dma_wait3A_468] : memref<1024xi32, #tpu.memory_space<vmem>> -> memref<32xi32, #tpu.memory_space<vmem>>
    %dma_wait3A_470 = arith.constant 0 : i32
    %dma_wait3A_471 = arith.constant 0 : i32
    %dma_wait3A_472 = tpu.memref_slice %arg4[%dma_wait3A_470, %dma_wait3A_471] : memref<1000x1024xf32, #tpu.memory_space<hbm>> -> memref<1000x1024xf32, #tpu.memory_space<hbm>>
    tpu.wait_indirect_dma semaphore(%arg14 : memref<!tpu.dma_semaphore, #tpu.memory_space<semaphore_mem>>) src(%dma_wait3A_472 : memref<1000x1024xf32, #tpu.memory_space<hbm>>) dst(%arg12 : memref<32x1024xf32, #tpu.memory_space<vmem>>)
    %dma_wait3A_473 = arith.constant 0 : i32
    %dma_wait3A_474 = tpu.memref_slice %arg6[%add3A_463, %dma_wait3A_473] : memref<32768x1024xf32, #tpu.memory_space<hbm>> -> memref<32x1024xf32, #tpu.memory_space<hbm>>
    %dma_wait3A_475 = arith.constant 0 : i32
    %dma_wait3A_476 = tpu.memref_slice %arg6[%add3A_463, %dma_wait3A_475] : memref<32768x1024xf32, #tpu.memory_space<hbm>> -> memref<32x1024xf32, #tpu.memory_space<hbm>>
    tpu.wait_dma2 semaphore(%arg15 : memref<!tpu.dma_semaphore, #tpu.memory_space<semaphore_mem>>) src(%arg11 : memref<32x1024xf32, #tpu.memory_space<vmem>>) dst(%dma_wait3A_476 : memref<32x1024xf32, #tpu.memory_space<hbm>>)
    %dma_start3A_477 = arith.constant 320 : i32
    %dma_start3A_478 = tpu.memref_slice %arg8[%dma_start3A_477] : memref<1024xi32, #tpu.memory_space<vmem>> -> memref<32xi32, #tpu.memory_space<vmem>>
    %dma_start3A_479 = arith.constant 0 : i32
    %dma_start3A_480 = arith.constant 0 : i32
    %dma_start3A_481 = tpu.memref_slice %arg4[%dma_start3A_479, %dma_start3A_480] : memref<1000x1024xf32, #tpu.memory_space<hbm>> -> memref<1000x1024xf32, #tpu.memory_space<hbm>>
    tpu.enqueue_indirect_dma source(%dma_start3A_481 : memref<1000x1024xf32, #tpu.memory_space<hbm>>) target(%arg11 : memref<32x1024xf32, #tpu.memory_space<vmem>>) offsets(%dma_start3A_478 : memref<32xi32, #tpu.memory_space<vmem>>) semaphore(%arg14 : memref<!tpu.dma_semaphore, #tpu.memory_space<semaphore_mem>>)
    %get3A_482 = arith.constant 288 : index
    %get3A_483 = tpu.vector_load %arg8[%get3A_482] {strides = array<i32>} : memref<1024xi32, #tpu.memory_space<vmem>>, vector<16xi32>,
    %get3A_484 = arith.constant 288 : index
    %get3A_485 = tpu.vector_load %arg9[%get3A_484] {strides = array<i32>} : memref<1024xi32, #tpu.memory_space<vmem>>, vector<16xi32>,
    %gather3A_486 = tpu.vector_load_idx %arg10[%get3A_483] : memref<1000xf32, #tpu.memory_space<vmem>>[vector<16xi32>], vector<16xf32>,
    %iota3A_487 = tpu.iota {dimensions = array<i32: 0>} : vector<16xi32>
    %add3A_488 = arith.constant 0 : i32
    %add3A_489 = vector.broadcast %add3A_488 : i32 to vector<16xi32>
    %add3A_490 = arith.addi %iota3A_487, %add3A_489 : vector<16xi32>
    %gather3A_491 = tpu.vector_load_idx %arg12[%add3A_490, %get3A_485] : memref<32x1024xf32, #tpu.memory_space<vmem>>[vector<16xi32>, vector<16xi32>], vector<16xf32>,
    %get3A_492 = arith.constant 0 : index
    %get3A_493 = tpu.vector_load %arg13[%get3A_492] {strides = array<i32>} : memref<16xf32, #tpu.memory_space<vmem>>, vector<16xf32>,
    %sub3A_494 = arith.subf %gather3A_486, %gather3A_491 : vector<16xf32>
    %add3A_495 = arith.addf %get3A_493, %sub3A_494 : vector<16xf32>
    %swap3A_496 = arith.constant 0 : index
    %swap3A_497 = tpu.vector_load %arg13[%swap3A_496] {strides = array<i32>} : memref<16xf32, #tpu.memory_space<vmem>>, vector<16xf32>,
    tpu.vector_store %arg13[%swap3A_496], %add3A_495 {strides = array<i32>} : memref<16xf32, #tpu.memory_space<vmem>>, vector<16xf32>,
    %get3A_498 = arith.constant 304 : index
    %get3A_499 = tpu.vector_load %arg8[%get3A_498] {strides = array<i32>} : memref<1024xi32, #tpu.memory_space<vmem>>, vector<16xi32>,
    %get3A_500 = arith.constant 304 : index
    %get3A_501 = tpu.vector_load %arg9[%get3A_500] {strides = array<i32>} : memref<1024xi32, #tpu.memory_space<vmem>>, vector<16xi32>,
    %gather3A_502 = tpu.vector_load_idx %arg10[%get3A_499] : memref<1000xf32, #tpu.memory_space<vmem>>[vector<16xi32>], vector<16xf32>,
    %iota3A_503 = tpu.iota {dimensions = array<i32: 0>} : vector<16xi32>
    %add3A_504 = arith.constant 16 : i32
    %add3A_505 = vector.broadcast %add3A_504 : i32 to vector<16xi32>
    %add3A_506 = arith.addi %iota3A_503, %add3A_505 : vector<16xi32>
    %gather3A_507 = tpu.vector_load_idx %arg12[%add3A_506, %get3A_501] : memref<32x1024xf32, #tpu.memory_space<vmem>>[vector<16xi32>, vector<16xi32>], vector<16xf32>,
    %get3A_508 = arith.constant 0 : index
    %get3A_509 = tpu.vector_load %arg13[%get3A_508] {strides = array<i32>} : memref<16xf32, #tpu.memory_space<vmem>>, vector<16xf32>,
    %sub3A_510 = arith.subf %gather3A_502, %gather3A_507 : vector<16xf32>
    %add3A_511 = arith.addf %get3A_509, %sub3A_510 : vector<16xf32>
    %swap3A_512 = arith.constant 0 : index
    %swap3A_513 = tpu.vector_load %arg13[%swap3A_512] {strides = array<i32>} : memref<16xf32, #tpu.memory_space<vmem>>, vector<16xf32>,
    tpu.vector_store %arg13[%swap3A_512], %add3A_511 {strides = array<i32>} : memref<16xf32, #tpu.memory_space<vmem>>, vector<16xf32>,
    %add3A_514 = arith.constant 288 : i32
    %add3A_515 = arith.addi %mul3A_2, %add3A_514 : i32
    %dma_start3A_516 = arith.constant 0 : i32
    %dma_start3A_517 = tpu.memref_slice %arg6[%add3A_515, %dma_start3A_516] : memref<32768x1024xf32, #tpu.memory_space<hbm>> -> memref<32x1024xf32, #tpu.memory_space<hbm>>
    %dma_start3A_518 = arith.constant 0 : i32
    %dma_start3A_519 = tpu.memref_slice %arg6[%add3A_515, %dma_start3A_518] : memref<32768x1024xf32, #tpu.memory_space<hbm>> -> memref<32x1024xf32, #tpu.memory_space<hbm>>
    tpu.enqueue_dma source(%arg12 : memref<32x1024xf32, #tpu.memory_space<vmem>>) target(%dma_start3A_519 : memref<32x1024xf32, #tpu.memory_space<hbm>>) target_semaphore(%arg15 : memref<!tpu.dma_semaphore, #tpu.memory_space<semaphore_mem>>)
    %dma_wait3A_520 = arith.constant 320 : i32
    %dma_wait3A_521 = tpu.memref_slice %arg8[%dma_wait3A_520] : memref<1024xi32, #tpu.memory_space<vmem>> -> memref<32xi32, #tpu.memory_space<vmem>>
    %dma_wait3A_522 = arith.constant 0 : i32
    %dma_wait3A_523 = arith.constant 0 : i32
    %dma_wait3A_524 = tpu.memref_slice %arg4[%dma_wait3A_522, %dma_wait3A_523] : memref<1000x1024xf32, #tpu.memory_space<hbm>> -> memref<1000x1024xf32, #tpu.memory_space<hbm>>
    tpu.wait_indirect_dma semaphore(%arg14 : memref<!tpu.dma_semaphore, #tpu.memory_space<semaphore_mem>>) src(%dma_wait3A_524 : memref<1000x1024xf32, #tpu.memory_space<hbm>>) dst(%arg11 : memref<32x1024xf32, #tpu.memory_space<vmem>>)
    %dma_wait3A_525 = arith.constant 0 : i32
    %dma_wait3A_526 = tpu.memref_slice %arg6[%add3A_515, %dma_wait3A_525] : memref<32768x1024xf32, #tpu.memory_space<hbm>> -> memref<32x1024xf32, #tpu.memory_space<hbm>>
    %dma_wait3A_527 = arith.constant 0 : i32
    %dma_wait3A_528 = tpu.memref_slice %arg6[%add3A_515, %dma_wait3A_527] : memref<32768x1024xf32, #tpu.memory_space<hbm>> -> memref<32x1024xf32, #tpu.memory_space<hbm>>
    tpu.wait_dma2 semaphore(%arg15 : memref<!tpu.dma_semaphore, #tpu.memory_space<semaphore_mem>>) src(%arg12 : memref<32x1024xf32, #tpu.memory_space<vmem>>) dst(%dma_wait3A_528 : memref<32x1024xf32, #tpu.memory_space<hbm>>)
    %dma_start3A_529 = arith.constant 352 : i32
    %dma_start3A_530 = tpu.memref_slice %arg8[%dma_start3A_529] : memref<1024xi32, #tpu.memory_space<vmem>> -> memref<32xi32, #tpu.memory_space<vmem>>
    %dma_start3A_531 = arith.constant 0 : i32
    %dma_start3A_532 = arith.constant 0 : i32
    %dma_start3A_533 = tpu.memref_slice %arg4[%dma_start3A_531, %dma_start3A_532] : memref<1000x1024xf32, #tpu.memory_space<hbm>> -> memref<1000x1024xf32, #tpu.memory_space<hbm>>
    tpu.enqueue_indirect_dma source(%dma_start3A_533 : memref<1000x1024xf32, #tpu.memory_space<hbm>>) target(%arg12 : memref<32x1024xf32, #tpu.memory_space<vmem>>) offsets(%dma_start3A_530 : memref<32xi32, #tpu.memory_space<vmem>>) semaphore(%arg14 : memref<!tpu.dma_semaphore, #tpu.memory_space<semaphore_mem>>)
    %get3A_534 = arith.constant 320 : index
    %get3A_535 = tpu.vector_load %arg8[%get3A_534] {strides = array<i32>} : memref<1024xi32, #tpu.memory_space<vmem>>, vector<16xi32>,
    %get3A_536 = arith.constant 320 : index
    %get3A_537 = tpu.vector_load %arg9[%get3A_536] {strides = array<i32>} : memref<1024xi32, #tpu.memory_space<vmem>>, vector<16xi32>,
    %gather3A_538 = tpu.vector_load_idx %arg10[%get3A_535] : memref<1000xf32, #tpu.memory_space<vmem>>[vector<16xi32>], vector<16xf32>,
    %iota3A_539 = tpu.iota {dimensions = array<i32: 0>} : vector<16xi32>
    %add3A_540 = arith.constant 0 : i32
    %add3A_541 = vector.broadcast %add3A_540 : i32 to vector<16xi32>
    %add3A_542 = arith.addi %iota3A_539, %add3A_541 : vector<16xi32>
    %gather3A_543 = tpu.vector_load_idx %arg11[%add3A_542, %get3A_537] : memref<32x1024xf32, #tpu.memory_space<vmem>>[vector<16xi32>, vector<16xi32>], vector<16xf32>,
    %get3A_544 = arith.constant 0 : index
    %get3A_545 = tpu.vector_load %arg13[%get3A_544] {strides = array<i32>} : memref<16xf32, #tpu.memory_space<vmem>>, vector<16xf32>,
    %sub3A_546 = arith.subf %gather3A_538, %gather3A_543 : vector<16xf32>
    %add3A_547 = arith.addf %get3A_545, %sub3A_546 : vector<16xf32>
    %swap3A_548 = arith.constant 0 : index
    %swap3A_549 = tpu.vector_load %arg13[%swap3A_548] {strides = array<i32>} : memref<16xf32, #tpu.memory_space<vmem>>, vector<16xf32>,
    tpu.vector_store %arg13[%swap3A_548], %add3A_547 {strides = array<i32>} : memref<16xf32, #tpu.memory_space<vmem>>, vector<16xf32>,
    %get3A_550 = arith.constant 336 : index
    %get3A_551 = tpu.vector_load %arg8[%get3A_550] {strides = array<i32>} : memref<1024xi32, #tpu.memory_space<vmem>>, vector<16xi32>,
    %get3A_552 = arith.constant 336 : index
    %get3A_553 = tpu.vector_load %arg9[%get3A_552] {strides = array<i32>} : memref<1024xi32, #tpu.memory_space<vmem>>, vector<16xi32>,
    %gather3A_554 = tpu.vector_load_idx %arg10[%get3A_551] : memref<1000xf32, #tpu.memory_space<vmem>>[vector<16xi32>], vector<16xf32>,
    %iota3A_555 = tpu.iota {dimensions = array<i32: 0>} : vector<16xi32>
    %add3A_556 = arith.constant 16 : i32
    %add3A_557 = vector.broadcast %add3A_556 : i32 to vector<16xi32>
    %add3A_558 = arith.addi %iota3A_555, %add3A_557 : vector<16xi32>
    %gather3A_559 = tpu.vector_load_idx %arg11[%add3A_558, %get3A_553] : memref<32x1024xf32, #tpu.memory_space<vmem>>[vector<16xi32>, vector<16xi32>], vector<16xf32>,
    %get3A_560 = arith.constant 0 : index
    %get3A_561 = tpu.vector_load %arg13[%get3A_560] {strides = array<i32>} : memref<16xf32, #tpu.memory_space<vmem>>, vector<16xf32>,
    %sub3A_562 = arith.subf %gather3A_554, %gather3A_559 : vector<16xf32>
    %add3A_563 = arith.addf %get3A_561, %sub3A_562 : vector<16xf32>
    %swap3A_564 = arith.constant 0 : index
    %swap3A_565 = tpu.vector_load %arg13[%swap3A_564] {strides = array<i32>} : memref<16xf32, #tpu.memory_space<vmem>>, vector<16xf32>,
    tpu.vector_store %arg13[%swap3A_564], %add3A_563 {strides = array<i32>} : memref<16xf32, #tpu.memory_space<vmem>>, vector<16xf32>,
    %add3A_566 = arith.constant 320 : i32
    %add3A_567 = arith.addi %mul3A_2, %add3A_566 : i32
    %dma_start3A_568 = arith.constant 0 : i32
    %dma_start3A_569 = tpu.memref_slice %arg6[%add3A_567, %dma_start3A_568] : memref<32768x1024xf32, #tpu.memory_space<hbm>> -> memref<32x1024xf32, #tpu.memory_space<hbm>>
    %dma_start3A_570 = arith.constant 0 : i32
    %dma_start3A_571 = tpu.memref_slice %arg6[%add3A_567, %dma_start3A_570] : memref<32768x1024xf32, #tpu.memory_space<hbm>> -> memref<32x1024xf32, #tpu.memory_space<hbm>>
    tpu.enqueue_dma source(%arg11 : memref<32x1024xf32, #tpu.memory_space<vmem>>) target(%dma_start3A_571 : memref<32x1024xf32, #tpu.memory_space<hbm>>) target_semaphore(%arg15 : memref<!tpu.dma_semaphore, #tpu.memory_space<semaphore_mem>>)
    %dma_wait3A_572 = arith.constant 352 : i32
    %dma_wait3A_573 = tpu.memref_slice %arg8[%dma_wait3A_572] : memref<1024xi32, #tpu.memory_space<vmem>> -> memref<32xi32, #tpu.memory_space<vmem>>
    %dma_wait3A_574 = arith.constant 0 : i32
    %dma_wait3A_575 = arith.constant 0 : i32
    %dma_wait3A_576 = tpu.memref_slice %arg4[%dma_wait3A_574, %dma_wait3A_575] : memref<1000x1024xf32, #tpu.memory_space<hbm>> -> memref<1000x1024xf32, #tpu.memory_space<hbm>>
    tpu.wait_indirect_dma semaphore(%arg14 : memref<!tpu.dma_semaphore, #tpu.memory_space<semaphore_mem>>) src(%dma_wait3A_576 : memref<1000x1024xf32, #tpu.memory_space<hbm>>) dst(%arg12 : memref<32x1024xf32, #tpu.memory_space<vmem>>)
    %dma_wait3A_577 = arith.constant 0 : i32
    %dma_wait3A_578 = tpu.memref_slice %arg6[%add3A_567, %dma_wait3A_577] : memref<32768x1024xf32, #tpu.memory_space<hbm>> -> memref<32x1024xf32, #tpu.memory_space<hbm>>
    %dma_wait3A_579 = arith.constant 0 : i32
    %dma_wait3A_580 = tpu.memref_slice %arg6[%add3A_567, %dma_wait3A_579] : memref<32768x1024xf32, #tpu.memory_space<hbm>> -> memref<32x1024xf32, #tpu.memory_space<hbm>>
    tpu.wait_dma2 semaphore(%arg15 : memref<!tpu.dma_semaphore, #tpu.memory_space<semaphore_mem>>) src(%arg11 : memref<32x1024xf32, #tpu.memory_space<vmem>>) dst(%dma_wait3A_580 : memref<32x1024xf32, #tpu.memory_space<hbm>>)
    %dma_start3A_581 = arith.constant 384 : i32
    %dma_start3A_582 = tpu.memref_slice %arg8[%dma_start3A_581] : memref<1024xi32, #tpu.memory_space<vmem>> -> memref<32xi32, #tpu.memory_space<vmem>>
    %dma_start3A_583 = arith.constant 0 : i32
    %dma_start3A_584 = arith.constant 0 : i32
    %dma_start3A_585 = tpu.memref_slice %arg4[%dma_start3A_583, %dma_start3A_584] : memref<1000x1024xf32, #tpu.memory_space<hbm>> -> memref<1000x1024xf32, #tpu.memory_space<hbm>>
    tpu.enqueue_indirect_dma source(%dma_start3A_585 : memref<1000x1024xf32, #tpu.memory_space<hbm>>) target(%arg11 : memref<32x1024xf32, #tpu.memory_space<vmem>>) offsets(%dma_start3A_582 : memref<32xi32, #tpu.memory_space<vmem>>) semaphore(%arg14 : memref<!tpu.dma_semaphore, #tpu.memory_space<semaphore_mem>>)
    %get3A_586 = arith.constant 352 : index
    %get3A_587 = tpu.vector_load %arg8[%get3A_586] {strides = array<i32>} : memref<1024xi32, #tpu.memory_space<vmem>>, vector<16xi32>,
    %get3A_588 = arith.constant 352 : index
    %get3A_589 = tpu.vector_load %arg9[%get3A_588] {strides = array<i32>} : memref<1024xi32, #tpu.memory_space<vmem>>, vector<16xi32>,
    %gather3A_590 = tpu.vector_load_idx %arg10[%get3A_587] : memref<1000xf32, #tpu.memory_space<vmem>>[vector<16xi32>], vector<16xf32>,
    %iota3A_591 = tpu.iota {dimensions = array<i32: 0>} : vector<16xi32>
    %add3A_592 = arith.constant 0 : i32
    %add3A_593 = vector.broadcast %add3A_592 : i32 to vector<16xi32>
    %add3A_594 = arith.addi %iota3A_591, %add3A_593 : vector<16xi32>
    %gather3A_595 = tpu.vector_load_idx %arg12[%add3A_594, %get3A_589] : memref<32x1024xf32, #tpu.memory_space<vmem>>[vector<16xi32>, vector<16xi32>], vector<16xf32>,
    %get3A_596 = arith.constant 0 : index
    %get3A_597 = tpu.vector_load %arg13[%get3A_596] {strides = array<i32>} : memref<16xf32, #tpu.memory_space<vmem>>, vector<16xf32>,
    %sub3A_598 = arith.subf %gather3A_590, %gather3A_595 : vector<16xf32>
    %add3A_599 = arith.addf %get3A_597, %sub3A_598 : vector<16xf32>
    %swap3A_600 = arith.constant 0 : index
    %swap3A_601 = tpu.vector_load %arg13[%swap3A_600] {strides = array<i32>} : memref<16xf32, #tpu.memory_space<vmem>>, vector<16xf32>,
    tpu.vector_store %arg13[%swap3A_600], %add3A_599 {strides = array<i32>} : memref<16xf32, #tpu.memory_space<vmem>>, vector<16xf32>,
    %get3A_602 = arith.constant 368 : index
    %get3A_603 = tpu.vector_load %arg8[%get3A_602] {strides = array<i32>} : memref<1024xi32, #tpu.memory_space<vmem>>, vector<16xi32>,
    %get3A_604 = arith.constant 368 : index
    %get3A_605 = tpu.vector_load %arg9[%get3A_604] {strides = array<i32>} : memref<1024xi32, #tpu.memory_space<vmem>>, vector<16xi32>,
    %gather3A_606 = tpu.vector_load_idx %arg10[%get3A_603] : memref<1000xf32, #tpu.memory_space<vmem>>[vector<16xi32>], vector<16xf32>,
    %iota3A_607 = tpu.iota {dimensions = array<i32: 0>} : vector<16xi32>
    %add3A_608 = arith.constant 16 : i32
    %add3A_609 = vector.broadcast %add3A_608 : i32 to vector<16xi32>
    %add3A_610 = arith.addi %iota3A_607, %add3A_609 : vector<16xi32>
    %gather3A_611 = tpu.vector_load_idx %arg12[%add3A_610, %get3A_605] : memref<32x1024xf32, #tpu.memory_space<vmem>>[vector<16xi32>, vector<16xi32>], vector<16xf32>,
    %get3A_612 = arith.constant 0 : index
    %get3A_613 = tpu.vector_load %arg13[%get3A_612] {strides = array<i32>} : memref<16xf32, #tpu.memory_space<vmem>>, vector<16xf32>,
    %sub3A_614 = arith.subf %gather3A_606, %gather3A_611 : vector<16xf32>
    %add3A_615 = arith.addf %get3A_613, %sub3A_614 : vector<16xf32>
    %swap3A_616 = arith.constant 0 : index
    %swap3A_617 = tpu.vector_load %arg13[%swap3A_616] {strides = array<i32>} : memref<16xf32, #tpu.memory_space<vmem>>, vector<16xf32>,
    tpu.vector_store %arg13[%swap3A_616], %add3A_615 {strides = array<i32>} : memref<16xf32, #tpu.memory_space<vmem>>, vector<16xf32>,
    %add3A_618 = arith.constant 352 : i32
    %add3A_619 = arith.addi %mul3A_2, %add3A_618 : i32
    %dma_start3A_620 = arith.constant 0 : i32
    %dma_start3A_621 = tpu.memref_slice %arg6[%add3A_619, %dma_start3A_620] : memref<32768x1024xf32, #tpu.memory_space<hbm>> -> memref<32x1024xf32, #tpu.memory_space<hbm>>
    %dma_start3A_622 = arith.constant 0 : i32
    %dma_start3A_623 = tpu.memref_slice %arg6[%add3A_619, %dma_start3A_622] : memref<32768x1024xf32, #tpu.memory_space<hbm>> -> memref<32x1024xf32, #tpu.memory_space<hbm>>
    tpu.enqueue_dma source(%arg12 : memref<32x1024xf32, #tpu.memory_space<vmem>>) target(%dma_start3A_623 : memref<32x1024xf32, #tpu.memory_space<hbm>>) target_semaphore(%arg15 : memref<!tpu.dma_semaphore, #tpu.memory_space<semaphore_mem>>)
    %dma_wait3A_624 = arith.constant 384 : i32
    %dma_wait3A_625 = tpu.memref_slice %arg8[%dma_wait3A_624] : memref<1024xi32, #tpu.memory_space<vmem>> -> memref<32xi32, #tpu.memory_space<vmem>>
    %dma_wait3A_626 = arith.constant 0 : i32
    %dma_wait3A_627 = arith.constant 0 : i32
    %dma_wait3A_628 = tpu.memref_slice %arg4[%dma_wait3A_626, %dma_wait3A_627] : memref<1000x1024xf32, #tpu.memory_space<hbm>> -> memref<1000x1024xf32, #tpu.memory_space<hbm>>
    tpu.wait_indirect_dma semaphore(%arg14 : memref<!tpu.dma_semaphore, #tpu.memory_space<semaphore_mem>>) src(%dma_wait3A_628 : memref<1000x1024xf32, #tpu.memory_space<hbm>>) dst(%arg11 : memref<32x1024xf32, #tpu.memory_space<vmem>>)
    %dma_wait3A_629 = arith.constant 0 : i32
    %dma_wait3A_630 = tpu.memref_slice %arg6[%add3A_619, %dma_wait3A_629] : memref<32768x1024xf32, #tpu.memory_space<hbm>> -> memref<32x1024xf32, #tpu.memory_space<hbm>>
    %dma_wait3A_631 = arith.constant 0 : i32
    %dma_wait3A_632 = tpu.memref_slice %arg6[%add3A_619, %dma_wait3A_631] : memref<32768x1024xf32, #tpu.memory_space<hbm>> -> memref<32x1024xf32, #tpu.memory_space<hbm>>
    tpu.wait_dma2 semaphore(%arg15 : memref<!tpu.dma_semaphore, #tpu.memory_space<semaphore_mem>>) src(%arg12 : memref<32x1024xf32, #tpu.memory_space<vmem>>) dst(%dma_wait3A_632 : memref<32x1024xf32, #tpu.memory_space<hbm>>)
    %dma_start3A_633 = arith.constant 416 : i32
    %dma_start3A_634 = tpu.memref_slice %arg8[%dma_start3A_633] : memref<1024xi32, #tpu.memory_space<vmem>> -> memref<32xi32, #tpu.memory_space<vmem>>
    %dma_start3A_635 = arith.constant 0 : i32
    %dma_start3A_636 = arith.constant 0 : i32
    %dma_start3A_637 = tpu.memref_slice %arg4[%dma_start3A_635, %dma_start3A_636] : memref<1000x1024xf32, #tpu.memory_space<hbm>> -> memref<1000x1024xf32, #tpu.memory_space<hbm>>
    tpu.enqueue_indirect_dma source(%dma_start3A_637 : memref<1000x1024xf32, #tpu.memory_space<hbm>>) target(%arg12 : memref<32x1024xf32, #tpu.memory_space<vmem>>) offsets(%dma_start3A_634 : memref<32xi32, #tpu.memory_space<vmem>>) semaphore(%arg14 : memref<!tpu.dma_semaphore, #tpu.memory_space<semaphore_mem>>)
    %get3A_638 = arith.constant 384 : index
    %get3A_639 = tpu.vector_load %arg8[%get3A_638] {strides = array<i32>} : memref<1024xi32, #tpu.memory_space<vmem>>, vector<16xi32>,
    %get3A_640 = arith.constant 384 : index
    %get3A_641 = tpu.vector_load %arg9[%get3A_640] {strides = array<i32>} : memref<1024xi32, #tpu.memory_space<vmem>>, vector<16xi32>,
    %gather3A_642 = tpu.vector_load_idx %arg10[%get3A_639] : memref<1000xf32, #tpu.memory_space<vmem>>[vector<16xi32>], vector<16xf32>,
    %iota3A_643 = tpu.iota {dimensions = array<i32: 0>} : vector<16xi32>
    %add3A_644 = arith.constant 0 : i32
    %add3A_645 = vector.broadcast %add3A_644 : i32 to vector<16xi32>
    %add3A_646 = arith.addi %iota3A_643, %add3A_645 : vector<16xi32>
    %gather3A_647 = tpu.vector_load_idx %arg11[%add3A_646, %get3A_641] : memref<32x1024xf32, #tpu.memory_space<vmem>>[vector<16xi32>, vector<16xi32>], vector<16xf32>,
    %get3A_648 = arith.constant 0 : index
    %get3A_649 = tpu.vector_load %arg13[%get3A_648] {strides = array<i32>} : memref<16xf32, #tpu.memory_space<vmem>>, vector<16xf32>,
    %sub3A_650 = arith.subf %gather3A_642, %gather3A_647 : vector<16xf32>
    %add3A_651 = arith.addf %get3A_649, %sub3A_650 : vector<16xf32>
    %swap3A_652 = arith.constant 0 : index
    %swap3A_653 = tpu.vector_load %arg13[%swap3A_652] {strides = array<i32>} : memref<16xf32, #tpu.memory_space<vmem>>, vector<16xf32>,
    tpu.vector_store %arg13[%swap3A_652], %add3A_651 {strides = array<i32>} : memref<16xf32, #tpu.memory_space<vmem>>, vector<16xf32>,
    %get3A_654 = arith.constant 400 : index
    %get3A_655 = tpu.vector_load %arg8[%get3A_654] {strides = array<i32>} : memref<1024xi32, #tpu.memory_space<vmem>>, vector<16xi32>,
    %get3A_656 = arith.constant 400 : index
    %get3A_657 = tpu.vector_load %arg9[%get3A_656] {strides = array<i32>} : memref<1024xi32, #tpu.memory_space<vmem>>, vector<16xi32>,
    %gather3A_658 = tpu.vector_load_idx %arg10[%get3A_655] : memref<1000xf32, #tpu.memory_space<vmem>>[vector<16xi32>], vector<16xf32>,
    %iota3A_659 = tpu.iota {dimensions = array<i32: 0>} : vector<16xi32>
    %add3A_660 = arith.constant 16 : i32
    %add3A_661 = vector.broadcast %add3A_660 : i32 to vector<16xi32>
    %add3A_662 = arith.addi %iota3A_659, %add3A_661 : vector<16xi32>
    %gather3A_663 = tpu.vector_load_idx %arg11[%add3A_662, %get3A_657] : memref<32x1024xf32, #tpu.memory_space<vmem>>[vector<16xi32>, vector<16xi32>], vector<16xf32>,
    %get3A_664 = arith.constant 0 : index
    %get3A_665 = tpu.vector_load %arg13[%get3A_664] {strides = array<i32>} : memref<16xf32, #tpu.memory_space<vmem>>, vector<16xf32>,
    %sub3A_666 = arith.subf %gather3A_658, %gather3A_663 : vector<16xf32>
    %add3A_667 = arith.addf %get3A_665, %sub3A_666 : vector<16xf32>
    %swap3A_668 = arith.constant 0 : index
    %swap3A_669 = tpu.vector_load %arg13[%swap3A_668] {strides = array<i32>} : memref<16xf32, #tpu.memory_space<vmem>>, vector<16xf32>,
    tpu.vector_store %arg13[%swap3A_668], %add3A_667 {strides = array<i32>} : memref<16xf32, #tpu.memory_space<vmem>>, vector<16xf32>,
    %add3A_670 = arith.constant 384 : i32
    %add3A_671 = arith.addi %mul3A_2, %add3A_670 : i32
    %dma_start3A_672 = arith.constant 0 : i32
    %dma_start3A_673 = tpu.memref_slice %arg6[%add3A_671, %dma_start3A_672] : memref<32768x1024xf32, #tpu.memory_space<hbm>> -> memref<32x1024xf32, #tpu.memory_space<hbm>>
    %dma_start3A_674 = arith.constant 0 : i32
    %dma_start3A_675 = tpu.memref_slice %arg6[%add3A_671, %dma_start3A_674] : memref<32768x1024xf32, #tpu.memory_space<hbm>> -> memref<32x1024xf32, #tpu.memory_space<hbm>>
    tpu.enqueue_dma source(%arg11 : memref<32x1024xf32, #tpu.memory_space<vmem>>) target(%dma_start3A_675 : memref<32x1024xf32, #tpu.memory_space<hbm>>) target_semaphore(%arg15 : memref<!tpu.dma_semaphore, #tpu.memory_space<semaphore_mem>>)
    %dma_wait3A_676 = arith.constant 416 : i32
    %dma_wait3A_677 = tpu.memref_slice %arg8[%dma_wait3A_676] : memref<1024xi32, #tpu.memory_space<vmem>> -> memref<32xi32, #tpu.memory_space<vmem>>
    %dma_wait3A_678 = arith.constant 0 : i32
    %dma_wait3A_679 = arith.constant 0 : i32
    %dma_wait3A_680 = tpu.memref_slice %arg4[%dma_wait3A_678, %dma_wait3A_679] : memref<1000x1024xf32, #tpu.memory_space<hbm>> -> memref<1000x1024xf32, #tpu.memory_space<hbm>>
    tpu.wait_indirect_dma semaphore(%arg14 : memref<!tpu.dma_semaphore, #tpu.memory_space<semaphore_mem>>) src(%dma_wait3A_680 : memref<1000x1024xf32, #tpu.memory_space<hbm>>) dst(%arg12 : memref<32x1024xf32, #tpu.memory_space<vmem>>)
    %dma_wait3A_681 = arith.constant 0 : i32
    %dma_wait3A_682 = tpu.memref_slice %arg6[%add3A_671, %dma_wait3A_681] : memref<32768x1024xf32, #tpu.memory_space<hbm>> -> memref<32x1024xf32, #tpu.memory_space<hbm>>
    %dma_wait3A_683 = arith.constant 0 : i32
    %dma_wait3A_684 = tpu.memref_slice %arg6[%add3A_671, %dma_wait3A_683] : memref<32768x1024xf32, #tpu.memory_space<hbm>> -> memref<32x1024xf32, #tpu.memory_space<hbm>>
    tpu.wait_dma2 semaphore(%arg15 : memref<!tpu.dma_semaphore, #tpu.memory_space<semaphore_mem>>) src(%arg11 : memref<32x1024xf32, #tpu.memory_space<vmem>>) dst(%dma_wait3A_684 : memref<32x1024xf32, #tpu.memory_space<hbm>>)
    %dma_start3A_685 = arith.constant 448 : i32
    %dma_start3A_686 = tpu.memref_slice %arg8[%dma_start3A_685] : memref<1024xi32, #tpu.memory_space<vmem>> -> memref<32xi32, #tpu.memory_space<vmem>>
    %dma_start3A_687 = arith.constant 0 : i32
    %dma_start3A_688 = arith.constant 0 : i32
    %dma_start3A_689 = tpu.memref_slice %arg4[%dma_start3A_687, %dma_start3A_688] : memref<1000x1024xf32, #tpu.memory_space<hbm>> -> memref<1000x1024xf32, #tpu.memory_space<hbm>>
    tpu.enqueue_indirect_dma source(%dma_start3A_689 : memref<1000x1024xf32, #tpu.memory_space<hbm>>) target(%arg11 : memref<32x1024xf32, #tpu.memory_space<vmem>>) offsets(%dma_start3A_686 : memref<32xi32, #tpu.memory_space<vmem>>) semaphore(%arg14 : memref<!tpu.dma_semaphore, #tpu.memory_space<semaphore_mem>>)
    %get3A_690 = arith.constant 416 : index
    %get3A_691 = tpu.vector_load %arg8[%get3A_690] {strides = array<i32>} : memref<1024xi32, #tpu.memory_space<vmem>>, vector<16xi32>,
    %get3A_692 = arith.constant 416 : index
    %get3A_693 = tpu.vector_load %arg9[%get3A_692] {strides = array<i32>} : memref<1024xi32, #tpu.memory_space<vmem>>, vector<16xi32>,
    %gather3A_694 = tpu.vector_load_idx %arg10[%get3A_691] : memref<1000xf32, #tpu.memory_space<vmem>>[vector<16xi32>], vector<16xf32>,
    %iota3A_695 = tpu.iota {dimensions = array<i32: 0>} : vector<16xi32>
    %add3A_696 = arith.constant 0 : i32
    %add3A_697 = vector.broadcast %add3A_696 : i32 to vector<16xi32>
    %add3A_698 = arith.addi %iota3A_695, %add3A_697 : vector<16xi32>
    %gather3A_699 = tpu.vector_load_idx %arg12[%add3A_698, %get3A_693] : memref<32x1024xf32, #tpu.memory_space<vmem>>[vector<16xi32>, vector<16xi32>], vector<16xf32>,
    %get3A_700 = arith.constant 0 : index
    %get3A_701 = tpu.vector_load %arg13[%get3A_700] {strides = array<i32>} : memref<16xf32, #tpu.memory_space<vmem>>, vector<16xf32>,
    %sub3A_702 = arith.subf %gather3A_694, %gather3A_699 : vector<16xf32>
    %add3A_703 = arith.addf %get3A_701, %sub3A_702 : vector<16xf32>
    %swap3A_704 = arith.constant 0 : index
    %swap3A_705 = tpu.vector_load %arg13[%swap3A_704] {strides = array<i32>} : memref<16xf32, #tpu.memory_space<vmem>>, vector<16xf32>,
    tpu.vector_store %arg13[%swap3A_704], %add3A_703 {strides = array<i32>} : memref<16xf32, #tpu.memory_space<vmem>>, vector<16xf32>,
    %get3A_706 = arith.constant 432 : index
    %get3A_707 = tpu.vector_load %arg8[%get3A_706] {strides = array<i32>} : memref<1024xi32, #tpu.memory_space<vmem>>, vector<16xi32>,
    %get3A_708 = arith.constant 432 : index
    %get3A_709 = tpu.vector_load %arg9[%get3A_708] {strides = array<i32>} : memref<1024xi32, #tpu.memory_space<vmem>>, vector<16xi32>,
    %gather3A_710 = tpu.vector_load_idx %arg10[%get3A_707] : memref<1000xf32, #tpu.memory_space<vmem>>[vector<16xi32>], vector<16xf32>,
    %iota3A_711 = tpu.iota {dimensions = array<i32: 0>} : vector<16xi32>
    %add3A_712 = arith.constant 16 : i32
    %add3A_713 = vector.broadcast %add3A_712 : i32 to vector<16xi32>
    %add3A_714 = arith.addi %iota3A_711, %add3A_713 : vector<16xi32>
    %gather3A_715 = tpu.vector_load_idx %arg12[%add3A_714, %get3A_709] : memref<32x1024xf32, #tpu.memory_space<vmem>>[vector<16xi32>, vector<16xi32>], vector<16xf32>,
    %get3A_716 = arith.constant 0 : index
    %get3A_717 = tpu.vector_load %arg13[%get3A_716] {strides = array<i32>} : memref<16xf32, #tpu.memory_space<vmem>>, vector<16xf32>,
    %sub3A_718 = arith.subf %gather3A_710, %gather3A_715 : vector<16xf32>
    %add3A_719 = arith.addf %get3A_717, %sub3A_718 : vector<16xf32>
    %swap3A_720 = arith.constant 0 : index
    %swap3A_721 = tpu.vector_load %arg13[%swap3A_720] {strides = array<i32>} : memref<16xf32, #tpu.memory_space<vmem>>, vector<16xf32>,
    tpu.vector_store %arg13[%swap3A_720], %add3A_719 {strides = array<i32>} : memref<16xf32, #tpu.memory_space<vmem>>, vector<16xf32>,
    %add3A_722 = arith.constant 416 : i32
    %add3A_723 = arith.addi %mul3A_2, %add3A_722 : i32
    %dma_start3A_724 = arith.constant 0 : i32
    %dma_start3A_725 = tpu.memref_slice %arg6[%add3A_723, %dma_start3A_724] : memref<32768x1024xf32, #tpu.memory_space<hbm>> -> memref<32x1024xf32, #tpu.memory_space<hbm>>
    %dma_start3A_726 = arith.constant 0 : i32
    %dma_start3A_727 = tpu.memref_slice %arg6[%add3A_723, %dma_start3A_726] : memref<32768x1024xf32, #tpu.memory_space<hbm>> -> memref<32x1024xf32, #tpu.memory_space<hbm>>
    tpu.enqueue_dma source(%arg12 : memref<32x1024xf32, #tpu.memory_space<vmem>>) target(%dma_start3A_727 : memref<32x1024xf32, #tpu.memory_space<hbm>>) target_semaphore(%arg15 : memref<!tpu.dma_semaphore, #tpu.memory_space<semaphore_mem>>)
    %dma_wait3A_728 = arith.constant 448 : i32
    %dma_wait3A_729 = tpu.memref_slice %arg8[%dma_wait3A_728] : memref<1024xi32, #tpu.memory_space<vmem>> -> memref<32xi32, #tpu.memory_space<vmem>>
    %dma_wait3A_730 = arith.constant 0 : i32
    %dma_wait3A_731 = arith.constant 0 : i32
    %dma_wait3A_732 = tpu.memref_slice %arg4[%dma_wait3A_730, %dma_wait3A_731] : memref<1000x1024xf32, #tpu.memory_space<hbm>> -> memref<1000x1024xf32, #tpu.memory_space<hbm>>
    tpu.wait_indirect_dma semaphore(%arg14 : memref<!tpu.dma_semaphore, #tpu.memory_space<semaphore_mem>>) src(%dma_wait3A_732 : memref<1000x1024xf32, #tpu.memory_space<hbm>>) dst(%arg11 : memref<32x1024xf32, #tpu.memory_space<vmem>>)
    %dma_wait3A_733 = arith.constant 0 : i32
    %dma_wait3A_734 = tpu.memref_slice %arg6[%add3A_723, %dma_wait3A_733] : memref<32768x1024xf32, #tpu.memory_space<hbm>> -> memref<32x1024xf32, #tpu.memory_space<hbm>>
    %dma_wait3A_735 = arith.constant 0 : i32
    %dma_wait3A_736 = tpu.memref_slice %arg6[%add3A_723, %dma_wait3A_735] : memref<32768x1024xf32, #tpu.memory_space<hbm>> -> memref<32x1024xf32, #tpu.memory_space<hbm>>
    tpu.wait_dma2 semaphore(%arg15 : memref<!tpu.dma_semaphore, #tpu.memory_space<semaphore_mem>>) src(%arg12 : memref<32x1024xf32, #tpu.memory_space<vmem>>) dst(%dma_wait3A_736 : memref<32x1024xf32, #tpu.memory_space<hbm>>)
    %dma_start3A_737 = arith.constant 480 : i32
    %dma_start3A_738 = tpu.memref_slice %arg8[%dma_start3A_737] : memref<1024xi32, #tpu.memory_space<vmem>> -> memref<32xi32, #tpu.memory_space<vmem>>
    %dma_start3A_739 = arith.constant 0 : i32
    %dma_start3A_740 = arith.constant 0 : i32
    %dma_start3A_741 = tpu.memref_slice %arg4[%dma_start3A_739, %dma_start3A_740] : memref<1000x1024xf32, #tpu.memory_space<hbm>> -> memref<1000x1024xf32, #tpu.memory_space<hbm>>
    tpu.enqueue_indirect_dma source(%dma_start3A_741 : memref<1000x1024xf32, #tpu.memory_space<hbm>>) target(%arg12 : memref<32x1024xf32, #tpu.memory_space<vmem>>) offsets(%dma_start3A_738 : memref<32xi32, #tpu.memory_space<vmem>>) semaphore(%arg14 : memref<!tpu.dma_semaphore, #tpu.memory_space<semaphore_mem>>)
    %get3A_742 = arith.constant 448 : index
    %get3A_743 = tpu.vector_load %arg8[%get3A_742] {strides = array<i32>} : memref<1024xi32, #tpu.memory_space<vmem>>, vector<16xi32>,
    %get3A_744 = arith.constant 448 : index
    %get3A_745 = tpu.vector_load %arg9[%get3A_744] {strides = array<i32>} : memref<1024xi32, #tpu.memory_space<vmem>>, vector<16xi32>,
    %gather3A_746 = tpu.vector_load_idx %arg10[%get3A_743] : memref<1000xf32, #tpu.memory_space<vmem>>[vector<16xi32>], vector<16xf32>,
    %iota3A_747 = tpu.iota {dimensions = array<i32: 0>} : vector<16xi32>
    %add3A_748 = arith.constant 0 : i32
    %add3A_749 = vector.broadcast %add3A_748 : i32 to vector<16xi32>
    %add3A_750 = arith.addi %iota3A_747, %add3A_749 : vector<16xi32>
    %gather3A_751 = tpu.vector_load_idx %arg11[%add3A_750, %get3A_745] : memref<32x1024xf32, #tpu.memory_space<vmem>>[vector<16xi32>, vector<16xi32>], vector<16xf32>,
    %get3A_752 = arith.constant 0 : index
    %get3A_753 = tpu.vector_load %arg13[%get3A_752] {strides = array<i32>} : memref<16xf32, #tpu.memory_space<vmem>>, vector<16xf32>,
    %sub3A_754 = arith.subf %gather3A_746, %gather3A_751 : vector<16xf32>
    %add3A_755 = arith.addf %get3A_753, %sub3A_754 : vector<16xf32>
    %swap3A_756 = arith.constant 0 : index
    %swap3A_757 = tpu.vector_load %arg13[%swap3A_756] {strides = array<i32>} : memref<16xf32, #tpu.memory_space<vmem>>, vector<16xf32>,
    tpu.vector_store %arg13[%swap3A_756], %add3A_755 {strides = array<i32>} : memref<16xf32, #tpu.memory_space<vmem>>, vector<16xf32>,
    %get3A_758 = arith.constant 464 : index
    %get3A_759 = tpu.vector_load %arg8[%get3A_758] {strides = array<i32>} : memref<1024xi32, #tpu.memory_space<vmem>>, vector<16xi32>,
    %get3A_760 = arith.constant 464 : index
    %get3A_761 = tpu.vector_load %arg9[%get3A_760] {strides = array<i32>} : memref<1024xi32, #tpu.memory_space<vmem>>, vector<16xi32>,
    %gather3A_762 = tpu.vector_load_idx %arg10[%get3A_759] : memref<1000xf32, #tpu.memory_space<vmem>>[vector<16xi32>], vector<16xf32>,
    %iota3A_763 = tpu.iota {dimensions = array<i32: 0>} : vector<16xi32>
    %add3A_764 = arith.constant 16 : i32
    %add3A_765 = vector.broadcast %add3A_764 : i32 to vector<16xi32>
    %add3A_766 = arith.addi %iota3A_763, %add3A_765 : vector<16xi32>
    %gather3A_767 = tpu.vector_load_idx %arg11[%add3A_766, %get3A_761] : memref<32x1024xf32, #tpu.memory_space<vmem>>[vector<16xi32>, vector<16xi32>], vector<16xf32>,
    %get3A_768 = arith.constant 0 : index
    %get3A_769 = tpu.vector_load %arg13[%get3A_768] {strides = array<i32>} : memref<16xf32, #tpu.memory_space<vmem>>, vector<16xf32>,
    %sub3A_770 = arith.subf %gather3A_762, %gather3A_767 : vector<16xf32>
    %add3A_771 = arith.addf %get3A_769, %sub3A_770 : vector<16xf32>
    %swap3A_772 = arith.constant 0 : index
    %swap3A_773 = tpu.vector_load %arg13[%swap3A_772] {strides = array<i32>} : memref<16xf32, #tpu.memory_space<vmem>>, vector<16xf32>,
    tpu.vector_store %arg13[%swap3A_772], %add3A_771 {strides = array<i32>} : memref<16xf32, #tpu.memory_space<vmem>>, vector<16xf32>,
    %add3A_774 = arith.constant 448 : i32
    %add3A_775 = arith.addi %mul3A_2, %add3A_774 : i32
    %dma_start3A_776 = arith.constant 0 : i32
    %dma_start3A_777 = tpu.memref_slice %arg6[%add3A_775, %dma_start3A_776] : memref<32768x1024xf32, #tpu.memory_space<hbm>> -> memref<32x1024xf32, #tpu.memory_space<hbm>>
    %dma_start3A_778 = arith.constant 0 : i32
    %dma_start3A_779 = tpu.memref_slice %arg6[%add3A_775, %dma_start3A_778] : memref<32768x1024xf32, #tpu.memory_space<hbm>> -> memref<32x1024xf32, #tpu.memory_space<hbm>>
    tpu.enqueue_dma source(%arg11 : memref<32x1024xf32, #tpu.memory_space<vmem>>) target(%dma_start3A_779 : memref<32x1024xf32, #tpu.memory_space<hbm>>) target_semaphore(%arg15 : memref<!tpu.dma_semaphore, #tpu.memory_space<semaphore_mem>>)
    %dma_wait3A_780 = arith.constant 480 : i32
    %dma_wait3A_781 = tpu.memref_slice %arg8[%dma_wait3A_780] : memref<1024xi32, #tpu.memory_space<vmem>> -> memref<32xi32, #tpu.memory_space<vmem>>
    %dma_wait3A_782 = arith.constant 0 : i32
    %dma_wait3A_783 = arith.constant 0 : i32
    %dma_wait3A_784 = tpu.memref_slice %arg4[%dma_wait3A_782, %dma_wait3A_783] : memref<1000x1024xf32, #tpu.memory_space<hbm>> -> memref<1000x1024xf32, #tpu.memory_space<hbm>>
    tpu.wait_indirect_dma semaphore(%arg14 : memref<!tpu.dma_semaphore, #tpu.memory_space<semaphore_mem>>) src(%dma_wait3A_784 : memref<1000x1024xf32, #tpu.memory_space<hbm>>) dst(%arg12 : memref<32x1024xf32, #tpu.memory_space<vmem>>)
    %dma_wait3A_785 = arith.constant 0 : i32
    %dma_wait3A_786 = tpu.memref_slice %arg6[%add3A_775, %dma_wait3A_785] : memref<32768x1024xf32, #tpu.memory_space<hbm>> -> memref<32x1024xf32, #tpu.memory_space<hbm>>
    %dma_wait3A_787 = arith.constant 0 : i32
    %dma_wait3A_788 = tpu.memref_slice %arg6[%add3A_775, %dma_wait3A_787] : memref<32768x1024xf32, #tpu.memory_space<hbm>> -> memref<32x1024xf32, #tpu.memory_space<hbm>>
    tpu.wait_dma2 semaphore(%arg15 : memref<!tpu.dma_semaphore, #tpu.memory_space<semaphore_mem>>) src(%arg11 : memref<32x1024xf32, #tpu.memory_space<vmem>>) dst(%dma_wait3A_788 : memref<32x1024xf32, #tpu.memory_space<hbm>>)
    %dma_start3A_789 = arith.constant 512 : i32
    %dma_start3A_790 = tpu.memref_slice %arg8[%dma_start3A_789] : memref<1024xi32, #tpu.memory_space<vmem>> -> memref<32xi32, #tpu.memory_space<vmem>>
    %dma_start3A_791 = arith.constant 0 : i32
    %dma_start3A_792 = arith.constant 0 : i32
    %dma_start3A_793 = tpu.memref_slice %arg4[%dma_start3A_791, %dma_start3A_792] : memref<1000x1024xf32, #tpu.memory_space<hbm>> -> memref<1000x1024xf32, #tpu.memory_space<hbm>>
    tpu.enqueue_indirect_dma source(%dma_start3A_793 : memref<1000x1024xf32, #tpu.memory_space<hbm>>) target(%arg11 : memref<32x1024xf32, #tpu.memory_space<vmem>>) offsets(%dma_start3A_790 : memref<32xi32, #tpu.memory_space<vmem>>) semaphore(%arg14 : memref<!tpu.dma_semaphore, #tpu.memory_space<semaphore_mem>>)
    %get3A_794 = arith.constant 480 : index
    %get3A_795 = tpu.vector_load %arg8[%get3A_794] {strides = array<i32>} : memref<1024xi32, #tpu.memory_space<vmem>>, vector<16xi32>,
    %get3A_796 = arith.constant 480 : index
    %get3A_797 = tpu.vector_load %arg9[%get3A_796] {strides = array<i32>} : memref<1024xi32, #tpu.memory_space<vmem>>, vector<16xi32>,
    %gather3A_798 = tpu.vector_load_idx %arg10[%get3A_795] : memref<1000xf32, #tpu.memory_space<vmem>>[vector<16xi32>], vector<16xf32>,
    %iota3A_799 = tpu.iota {dimensions = array<i32: 0>} : vector<16xi32>
    %add3A_800 = arith.constant 0 : i32
    %add3A_801 = vector.broadcast %add3A_800 : i32 to vector<16xi32>
    %add3A_802 = arith.addi %iota3A_799, %add3A_801 : vector<16xi32>
    %gather3A_803 = tpu.vector_load_idx %arg12[%add3A_802, %get3A_797] : memref<32x1024xf32, #tpu.memory_space<vmem>>[vector<16xi32>, vector<16xi32>], vector<16xf32>,
    %get3A_804 = arith.constant 0 : index
    %get3A_805 = tpu.vector_load %arg13[%get3A_804] {strides = array<i32>} : memref<16xf32, #tpu.memory_space<vmem>>, vector<16xf32>,
    %sub3A_806 = arith.subf %gather3A_798, %gather3A_803 : vector<16xf32>
    %add3A_807 = arith.addf %get3A_805, %sub3A_806 : vector<16xf32>
    %swap3A_808 = arith.constant 0 : index
    %swap3A_809 = tpu.vector_load %arg13[%swap3A_808] {strides = array<i32>} : memref<16xf32, #tpu.memory_space<vmem>>, vector<16xf32>,
    tpu.vector_store %arg13[%swap3A_808], %add3A_807 {strides = array<i32>} : memref<16xf32, #tpu.memory_space<vmem>>, vector<16xf32>,
    %get3A_810 = arith.constant 496 : index
    %get3A_811 = tpu.vector_load %arg8[%get3A_810] {strides = array<i32>} : memref<1024xi32, #tpu.memory_space<vmem>>, vector<16xi32>,
    %get3A_812 = arith.constant 496 : index
    %get3A_813 = tpu.vector_load %arg9[%get3A_812] {strides = array<i32>} : memref<1024xi32, #tpu.memory_space<vmem>>, vector<16xi32>,
    %gather3A_814 = tpu.vector_load_idx %arg10[%get3A_811] : memref<1000xf32, #tpu.memory_space<vmem>>[vector<16xi32>], vector<16xf32>,
    %iota3A_815 = tpu.iota {dimensions = array<i32: 0>} : vector<16xi32>
    %add3A_816 = arith.constant 16 : i32
    %add3A_817 = vector.broadcast %add3A_816 : i32 to vector<16xi32>
    %add3A_818 = arith.addi %iota3A_815, %add3A_817 : vector<16xi32>
    %gather3A_819 = tpu.vector_load_idx %arg12[%add3A_818, %get3A_813] : memref<32x1024xf32, #tpu.memory_space<vmem>>[vector<16xi32>, vector<16xi32>], vector<16xf32>,
    %get3A_820 = arith.constant 0 : index
    %get3A_821 = tpu.vector_load %arg13[%get3A_820] {strides = array<i32>} : memref<16xf32, #tpu.memory_space<vmem>>, vector<16xf32>,
    %sub3A_822 = arith.subf %gather3A_814, %gather3A_819 : vector<16xf32>
    %add3A_823 = arith.addf %get3A_821, %sub3A_822 : vector<16xf32>
    %swap3A_824 = arith.constant 0 : index
    %swap3A_825 = tpu.vector_load %arg13[%swap3A_824] {strides = array<i32>} : memref<16xf32, #tpu.memory_space<vmem>>, vector<16xf32>,
    tpu.vector_store %arg13[%swap3A_824], %add3A_823 {strides = array<i32>} : memref<16xf32, #tpu.memory_space<vmem>>, vector<16xf32>,
    %add3A_826 = arith.constant 480 : i32
    %add3A_827 = arith.addi %mul3A_2, %add3A_826 : i32
    %dma_start3A_828 = arith.constant 0 : i32
    %dma_start3A_829 = tpu.memref_slice %arg6[%add3A_827, %dma_start3A_828] : memref<32768x1024xf32, #tpu.memory_space<hbm>> -> memref<32x1024xf32, #tpu.memory_space<hbm>>
    %dma_start3A_830 = arith.constant 0 : i32
    %dma_start3A_831 = tpu.memref_slice %arg6[%add3A_827, %dma_start3A_830] : memref<32768x1024xf32, #tpu.memory_space<hbm>> -> memref<32x1024xf32, #tpu.memory_space<hbm>>
    tpu.enqueue_dma source(%arg12 : memref<32x1024xf32, #tpu.memory_space<vmem>>) target(%dma_start3A_831 : memref<32x1024xf32, #tpu.memory_space<hbm>>) target_semaphore(%arg15 : memref<!tpu.dma_semaphore, #tpu.memory_space<semaphore_mem>>)
    %dma_wait3A_832 = arith.constant 512 : i32
    %dma_wait3A_833 = tpu.memref_slice %arg8[%dma_wait3A_832] : memref<1024xi32, #tpu.memory_space<vmem>> -> memref<32xi32, #tpu.memory_space<vmem>>
    %dma_wait3A_834 = arith.constant 0 : i32
    %dma_wait3A_835 = arith.constant 0 : i32
    %dma_wait3A_836 = tpu.memref_slice %arg4[%dma_wait3A_834, %dma_wait3A_835] : memref<1000x1024xf32, #tpu.memory_space<hbm>> -> memref<1000x1024xf32, #tpu.memory_space<hbm>>
    tpu.wait_indirect_dma semaphore(%arg14 : memref<!tpu.dma_semaphore, #tpu.memory_space<semaphore_mem>>) src(%dma_wait3A_836 : memref<1000x1024xf32, #tpu.memory_space<hbm>>) dst(%arg11 : memref<32x1024xf32, #tpu.memory_space<vmem>>)
    %dma_wait3A_837 = arith.constant 0 : i32
    %dma_wait3A_838 = tpu.memref_slice %arg6[%add3A_827, %dma_wait3A_837] : memref<32768x1024xf32, #tpu.memory_space<hbm>> -> memref<32x1024xf32, #tpu.memory_space<hbm>>
    %dma_wait3A_839 = arith.constant 0 : i32
    %dma_wait3A_840 = tpu.memref_slice %arg6[%add3A_827, %dma_wait3A_839] : memref<32768x1024xf32, #tpu.memory_space<hbm>> -> memref<32x1024xf32, #tpu.memory_space<hbm>>
    tpu.wait_dma2 semaphore(%arg15 : memref<!tpu.dma_semaphore, #tpu.memory_space<semaphore_mem>>) src(%arg12 : memref<32x1024xf32, #tpu.memory_space<vmem>>) dst(%dma_wait3A_840 : memref<32x1024xf32, #tpu.memory_space<hbm>>)
    %dma_start3A_841 = arith.constant 544 : i32
    %dma_start3A_842 = tpu.memref_slice %arg8[%dma_start3A_841] : memref<1024xi32, #tpu.memory_space<vmem>> -> memref<32xi32, #tpu.memory_space<vmem>>
    %dma_start3A_843 = arith.constant 0 : i32
    %dma_start3A_844 = arith.constant 0 : i32
    %dma_start3A_845 = tpu.memref_slice %arg4[%dma_start3A_843, %dma_start3A_844] : memref<1000x1024xf32, #tpu.memory_space<hbm>> -> memref<1000x1024xf32, #tpu.memory_space<hbm>>
    tpu.enqueue_indirect_dma source(%dma_start3A_845 : memref<1000x1024xf32, #tpu.memory_space<hbm>>) target(%arg12 : memref<32x1024xf32, #tpu.memory_space<vmem>>) offsets(%dma_start3A_842 : memref<32xi32, #tpu.memory_space<vmem>>) semaphore(%arg14 : memref<!tpu.dma_semaphore, #tpu.memory_space<semaphore_mem>>)
    %get3A_846 = arith.constant 512 : index
    %get3A_847 = tpu.vector_load %arg8[%get3A_846] {strides = array<i32>} : memref<1024xi32, #tpu.memory_space<vmem>>, vector<16xi32>,
    %get3A_848 = arith.constant 512 : index
    %get3A_849 = tpu.vector_load %arg9[%get3A_848] {strides = array<i32>} : memref<1024xi32, #tpu.memory_space<vmem>>, vector<16xi32>,
    %gather3A_850 = tpu.vector_load_idx %arg10[%get3A_847] : memref<1000xf32, #tpu.memory_space<vmem>>[vector<16xi32>], vector<16xf32>,
    %iota3A_851 = tpu.iota {dimensions = array<i32: 0>} : vector<16xi32>
    %add3A_852 = arith.constant 0 : i32
    %add3A_853 = vector.broadcast %add3A_852 : i32 to vector<16xi32>
    %add3A_854 = arith.addi %iota3A_851, %add3A_853 : vector<16xi32>
    %gather3A_855 = tpu.vector_load_idx %arg11[%add3A_854, %get3A_849] : memref<32x1024xf32, #tpu.memory_space<vmem>>[vector<16xi32>, vector<16xi32>], vector<16xf32>,
    %get3A_856 = arith.constant 0 : index
    %get3A_857 = tpu.vector_load %arg13[%get3A_856] {strides = array<i32>} : memref<16xf32, #tpu.memory_space<vmem>>, vector<16xf32>,
    %sub3A_858 = arith.subf %gather3A_850, %gather3A_855 : vector<16xf32>
    %add3A_859 = arith.addf %get3A_857, %sub3A_858 : vector<16xf32>
    %swap3A_860 = arith.constant 0 : index
    %swap3A_861 = tpu.vector_load %arg13[%swap3A_860] {strides = array<i32>} : memref<16xf32, #tpu.memory_space<vmem>>, vector<16xf32>,
    tpu.vector_store %arg13[%swap3A_860], %add3A_859 {strides = array<i32>} : memref<16xf32, #tpu.memory_space<vmem>>, vector<16xf32>,
    %get3A_862 = arith.constant 528 : index
    %get3A_863 = tpu.vector_load %arg8[%get3A_862] {strides = array<i32>} : memref<1024xi32, #tpu.memory_space<vmem>>, vector<16xi32>,
    %get3A_864 = arith.constant 528 : index
    %get3A_865 = tpu.vector_load %arg9[%get3A_864] {strides = array<i32>} : memref<1024xi32, #tpu.memory_space<vmem>>, vector<16xi32>,
    %gather3A_866 = tpu.vector_load_idx %arg10[%get3A_863] : memref<1000xf32, #tpu.memory_space<vmem>>[vector<16xi32>], vector<16xf32>,
    %iota3A_867 = tpu.iota {dimensions = array<i32: 0>} : vector<16xi32>
    %add3A_868 = arith.constant 16 : i32
    %add3A_869 = vector.broadcast %add3A_868 : i32 to vector<16xi32>
    %add3A_870 = arith.addi %iota3A_867, %add3A_869 : vector<16xi32>
    %gather3A_871 = tpu.vector_load_idx %arg11[%add3A_870, %get3A_865] : memref<32x1024xf32, #tpu.memory_space<vmem>>[vector<16xi32>, vector<16xi32>], vector<16xf32>,
    %get3A_872 = arith.constant 0 : index
    %get3A_873 = tpu.vector_load %arg13[%get3A_872] {strides = array<i32>} : memref<16xf32, #tpu.memory_space<vmem>>, vector<16xf32>,
    %sub3A_874 = arith.subf %gather3A_866, %gather3A_871 : vector<16xf32>
    %add3A_875 = arith.addf %get3A_873, %sub3A_874 : vector<16xf32>
    %swap3A_876 = arith.constant 0 : index
    %swap3A_877 = tpu.vector_load %arg13[%swap3A_876] {strides = array<i32>} : memref<16xf32, #tpu.memory_space<vmem>>, vector<16xf32>,
    tpu.vector_store %arg13[%swap3A_876], %add3A_875 {strides = array<i32>} : memref<16xf32, #tpu.memory_space<vmem>>, vector<16xf32>,
    %add3A_878 = arith.constant 512 : i32
    %add3A_879 = arith.addi %mul3A_2, %add3A_878 : i32
    %dma_start3A_880 = arith.constant 0 : i32
    %dma_start3A_881 = tpu.memref_slice %arg6[%add3A_879, %dma_start3A_880] : memref<32768x1024xf32, #tpu.memory_space<hbm>> -> memref<32x1024xf32, #tpu.memory_space<hbm>>
    %dma_start3A_882 = arith.constant 0 : i32
    %dma_start3A_883 = tpu.memref_slice %arg6[%add3A_879, %dma_start3A_882] : memref<32768x1024xf32, #tpu.memory_space<hbm>> -> memref<32x1024xf32, #tpu.memory_space<hbm>>
    tpu.enqueue_dma source(%arg11 : memref<32x1024xf32, #tpu.memory_space<vmem>>) target(%dma_start3A_883 : memref<32x1024xf32, #tpu.memory_space<hbm>>) target_semaphore(%arg15 : memref<!tpu.dma_semaphore, #tpu.memory_space<semaphore_mem>>)
    %dma_wait3A_884 = arith.constant 544 : i32
    %dma_wait3A_885 = tpu.memref_slice %arg8[%dma_wait3A_884] : memref<1024xi32, #tpu.memory_space<vmem>> -> memref<32xi32, #tpu.memory_space<vmem>>
    %dma_wait3A_886 = arith.constant 0 : i32
    %dma_wait3A_887 = arith.constant 0 : i32
    %dma_wait3A_888 = tpu.memref_slice %arg4[%dma_wait3A_886, %dma_wait3A_887] : memref<1000x1024xf32, #tpu.memory_space<hbm>> -> memref<1000x1024xf32, #tpu.memory_space<hbm>>
    tpu.wait_indirect_dma semaphore(%arg14 : memref<!tpu.dma_semaphore, #tpu.memory_space<semaphore_mem>>) src(%dma_wait3A_888 : memref<1000x1024xf32, #tpu.memory_space<hbm>>) dst(%arg12 : memref<32x1024xf32, #tpu.memory_space<vmem>>)
    %dma_wait3A_889 = arith.constant 0 : i32
    %dma_wait3A_890 = tpu.memref_slice %arg6[%add3A_879, %dma_wait3A_889] : memref<32768x1024xf32, #tpu.memory_space<hbm>> -> memref<32x1024xf32, #tpu.memory_space<hbm>>
    %dma_wait3A_891 = arith.constant 0 : i32
    %dma_wait3A_892 = tpu.memref_slice %arg6[%add3A_879, %dma_wait3A_891] : memref<32768x1024xf32, #tpu.memory_space<hbm>> -> memref<32x1024xf32, #tpu.memory_space<hbm>>
    tpu.wait_dma2 semaphore(%arg15 : memref<!tpu.dma_semaphore, #tpu.memory_space<semaphore_mem>>) src(%arg11 : memref<32x1024xf32, #tpu.memory_space<vmem>>) dst(%dma_wait3A_892 : memref<32x1024xf32, #tpu.memory_space<hbm>>)
    %dma_start3A_893 = arith.constant 576 : i32
    %dma_start3A_894 = tpu.memref_slice %arg8[%dma_start3A_893] : memref<1024xi32, #tpu.memory_space<vmem>> -> memref<32xi32, #tpu.memory_space<vmem>>
    %dma_start3A_895 = arith.constant 0 : i32
    %dma_start3A_896 = arith.constant 0 : i32
    %dma_start3A_897 = tpu.memref_slice %arg4[%dma_start3A_895, %dma_start3A_896] : memref<1000x1024xf32, #tpu.memory_space<hbm>> -> memref<1000x1024xf32, #tpu.memory_space<hbm>>
    tpu.enqueue_indirect_dma source(%dma_start3A_897 : memref<1000x1024xf32, #tpu.memory_space<hbm>>) target(%arg11 : memref<32x1024xf32, #tpu.memory_space<vmem>>) offsets(%dma_start3A_894 : memref<32xi32, #tpu.memory_space<vmem>>) semaphore(%arg14 : memref<!tpu.dma_semaphore, #tpu.memory_space<semaphore_mem>>)
    %get3A_898 = arith.constant 544 : index
    %get3A_899 = tpu.vector_load %arg8[%get3A_898] {strides = array<i32>} : memref<1024xi32, #tpu.memory_space<vmem>>, vector<16xi32>,
    %get3A_900 = arith.constant 544 : index
    %get3A_901 = tpu.vector_load %arg9[%get3A_900] {strides = array<i32>} : memref<1024xi32, #tpu.memory_space<vmem>>, vector<16xi32>,
    %gather3A_902 = tpu.vector_load_idx %arg10[%get3A_899] : memref<1000xf32, #tpu.memory_space<vmem>>[vector<16xi32>], vector<16xf32>,
    %iota3A_903 = tpu.iota {dimensions = array<i32: 0>} : vector<16xi32>
    %add3A_904 = arith.constant 0 : i32
    %add3A_905 = vector.broadcast %add3A_904 : i32 to vector<16xi32>
    %add3A_906 = arith.addi %iota3A_903, %add3A_905 : vector<16xi32>
    %gather3A_907 = tpu.vector_load_idx %arg12[%add3A_906, %get3A_901] : memref<32x1024xf32, #tpu.memory_space<vmem>>[vector<16xi32>, vector<16xi32>], vector<16xf32>,
    %get3A_908 = arith.constant 0 : index
    %get3A_909 = tpu.vector_load %arg13[%get3A_908] {strides = array<i32>} : memref<16xf32, #tpu.memory_space<vmem>>, vector<16xf32>,
    %sub3A_910 = arith.subf %gather3A_902, %gather3A_907 : vector<16xf32>
    %add3A_911 = arith.addf %get3A_909, %sub3A_910 : vector<16xf32>
    %swap3A_912 = arith.constant 0 : index
    %swap3A_913 = tpu.vector_load %arg13[%swap3A_912] {strides = array<i32>} : memref<16xf32, #tpu.memory_space<vmem>>, vector<16xf32>,
    tpu.vector_store %arg13[%swap3A_912], %add3A_911 {strides = array<i32>} : memref<16xf32, #tpu.memory_space<vmem>>, vector<16xf32>,
    %get3A_914 = arith.constant 560 : index
    %get3A_915 = tpu.vector_load %arg8[%get3A_914] {strides = array<i32>} : memref<1024xi32, #tpu.memory_space<vmem>>, vector<16xi32>,
    %get3A_916 = arith.constant 560 : index
    %get3A_917 = tpu.vector_load %arg9[%get3A_916] {strides = array<i32>} : memref<1024xi32, #tpu.memory_space<vmem>>, vector<16xi32>,
    %gather3A_918 = tpu.vector_load_idx %arg10[%get3A_915] : memref<1000xf32, #tpu.memory_space<vmem>>[vector<16xi32>], vector<16xf32>,
    %iota3A_919 = tpu.iota {dimensions = array<i32: 0>} : vector<16xi32>
    %add3A_920 = arith.constant 16 : i32
    %add3A_921 = vector.broadcast %add3A_920 : i32 to vector<16xi32>
    %add3A_922 = arith.addi %iota3A_919, %add3A_921 : vector<16xi32>
    %gather3A_923 = tpu.vector_load_idx %arg12[%add3A_922, %get3A_917] : memref<32x1024xf32, #tpu.memory_space<vmem>>[vector<16xi32>, vector<16xi32>], vector<16xf32>,
    %get3A_924 = arith.constant 0 : index
    %get3A_925 = tpu.vector_load %arg13[%get3A_924] {strides = array<i32>} : memref<16xf32, #tpu.memory_space<vmem>>, vector<16xf32>,
    %sub3A_926 = arith.subf %gather3A_918, %gather3A_923 : vector<16xf32>
    %add3A_927 = arith.addf %get3A_925, %sub3A_926 : vector<16xf32>
    %swap3A_928 = arith.constant 0 : index
    %swap3A_929 = tpu.vector_load %arg13[%swap3A_928] {strides = array<i32>} : memref<16xf32, #tpu.memory_space<vmem>>, vector<16xf32>,
    tpu.vector_store %arg13[%swap3A_928], %add3A_927 {strides = array<i32>} : memref<16xf32, #tpu.memory_space<vmem>>, vector<16xf32>,
    %add3A_930 = arith.constant 544 : i32
    %add3A_931 = arith.addi %mul3A_2, %add3A_930 : i32
    %dma_start3A_932 = arith.constant 0 : i32
    %dma_start3A_933 = tpu.memref_slice %arg6[%add3A_931, %dma_start3A_932] : memref<32768x1024xf32, #tpu.memory_space<hbm>> -> memref<32x1024xf32, #tpu.memory_space<hbm>>
    %dma_start3A_934 = arith.constant 0 : i32
    %dma_start3A_935 = tpu.memref_slice %arg6[%add3A_931, %dma_start3A_934] : memref<32768x1024xf32, #tpu.memory_space<hbm>> -> memref<32x1024xf32, #tpu.memory_space<hbm>>
    tpu.enqueue_dma source(%arg12 : memref<32x1024xf32, #tpu.memory_space<vmem>>) target(%dma_start3A_935 : memref<32x1024xf32, #tpu.memory_space<hbm>>) target_semaphore(%arg15 : memref<!tpu.dma_semaphore, #tpu.memory_space<semaphore_mem>>)
    %dma_wait3A_936 = arith.constant 576 : i32
    %dma_wait3A_937 = tpu.memref_slice %arg8[%dma_wait3A_936] : memref<1024xi32, #tpu.memory_space<vmem>> -> memref<32xi32, #tpu.memory_space<vmem>>
    %dma_wait3A_938 = arith.constant 0 : i32
    %dma_wait3A_939 = arith.constant 0 : i32
    %dma_wait3A_940 = tpu.memref_slice %arg4[%dma_wait3A_938, %dma_wait3A_939] : memref<1000x1024xf32, #tpu.memory_space<hbm>> -> memref<1000x1024xf32, #tpu.memory_space<hbm>>
    tpu.wait_indirect_dma semaphore(%arg14 : memref<!tpu.dma_semaphore, #tpu.memory_space<semaphore_mem>>) src(%dma_wait3A_940 : memref<1000x1024xf32, #tpu.memory_space<hbm>>) dst(%arg11 : memref<32x1024xf32, #tpu.memory_space<vmem>>)
    %dma_wait3A_941 = arith.constant 0 : i32
    %dma_wait3A_942 = tpu.memref_slice %arg6[%add3A_931, %dma_wait3A_941] : memref<32768x1024xf32, #tpu.memory_space<hbm>> -> memref<32x1024xf32, #tpu.memory_space<hbm>>
    %dma_wait3A_943 = arith.constant 0 : i32
    %dma_wait3A_944 = tpu.memref_slice %arg6[%add3A_931, %dma_wait3A_943] : memref<32768x1024xf32, #tpu.memory_space<hbm>> -> memref<32x1024xf32, #tpu.memory_space<hbm>>
    tpu.wait_dma2 semaphore(%arg15 : memref<!tpu.dma_semaphore, #tpu.memory_space<semaphore_mem>>) src(%arg12 : memref<32x1024xf32, #tpu.memory_space<vmem>>) dst(%dma_wait3A_944 : memref<32x1024xf32, #tpu.memory_space<hbm>>)
    %dma_start3A_945 = arith.constant 608 : i32
    %dma_start3A_946 = tpu.memref_slice %arg8[%dma_start3A_945] : memref<1024xi32, #tpu.memory_space<vmem>> -> memref<32xi32, #tpu.memory_space<vmem>>
    %dma_start3A_947 = arith.constant 0 : i32
    %dma_start3A_948 = arith.constant 0 : i32
    %dma_start3A_949 = tpu.memref_slice %arg4[%dma_start3A_947, %dma_start3A_948] : memref<1000x1024xf32, #tpu.memory_space<hbm>> -> memref<1000x1024xf32, #tpu.memory_space<hbm>>
    tpu.enqueue_indirect_dma source(%dma_start3A_949 : memref<1000x1024xf32, #tpu.memory_space<hbm>>) target(%arg12 : memref<32x1024xf32, #tpu.memory_space<vmem>>) offsets(%dma_start3A_946 : memref<32xi32, #tpu.memory_space<vmem>>) semaphore(%arg14 : memref<!tpu.dma_semaphore, #tpu.memory_space<semaphore_mem>>)
    %get3A_950 = arith.constant 576 : index
    %get3A_951 = tpu.vector_load %arg8[%get3A_950] {strides = array<i32>} : memref<1024xi32, #tpu.memory_space<vmem>>, vector<16xi32>,
    %get3A_952 = arith.constant 576 : index
    %get3A_953 = tpu.vector_load %arg9[%get3A_952] {strides = array<i32>} : memref<1024xi32, #tpu.memory_space<vmem>>, vector<16xi32>,
    %gather3A_954 = tpu.vector_load_idx %arg10[%get3A_951] : memref<1000xf32, #tpu.memory_space<vmem>>[vector<16xi32>], vector<16xf32>,
    %iota3A_955 = tpu.iota {dimensions = array<i32: 0>} : vector<16xi32>
    %add3A_956 = arith.constant 0 : i32
    %add3A_957 = vector.broadcast %add3A_956 : i32 to vector<16xi32>
    %add3A_958 = arith.addi %iota3A_955, %add3A_957 : vector<16xi32>
    %gather3A_959 = tpu.vector_load_idx %arg11[%add3A_958, %get3A_953] : memref<32x1024xf32, #tpu.memory_space<vmem>>[vector<16xi32>, vector<16xi32>], vector<16xf32>,
    %get3A_960 = arith.constant 0 : index
    %get3A_961 = tpu.vector_load %arg13[%get3A_960] {strides = array<i32>} : memref<16xf32, #tpu.memory_space<vmem>>, vector<16xf32>,
    %sub3A_962 = arith.subf %gather3A_954, %gather3A_959 : vector<16xf32>
    %add3A_963 = arith.addf %get3A_961, %sub3A_962 : vector<16xf32>
    %swap3A_964 = arith.constant 0 : index
    %swap3A_965 = tpu.vector_load %arg13[%swap3A_964] {strides = array<i32>} : memref<16xf32, #tpu.memory_space<vmem>>, vector<16xf32>,
    tpu.vector_store %arg13[%swap3A_964], %add3A_963 {strides = array<i32>} : memref<16xf32, #tpu.memory_space<vmem>>, vector<16xf32>,
    %get3A_966 = arith.constant 592 : index
    %get3A_967 = tpu.vector_load %arg8[%get3A_966] {strides = array<i32>} : memref<1024xi32, #tpu.memory_space<vmem>>, vector<16xi32>,
    %get3A_968 = arith.constant 592 : index
    %get3A_969 = tpu.vector_load %arg9[%get3A_968] {strides = array<i32>} : memref<1024xi32, #tpu.memory_space<vmem>>, vector<16xi32>,
    %gather3A_970 = tpu.vector_load_idx %arg10[%get3A_967] : memref<1000xf32, #tpu.memory_space<vmem>>[vector<16xi32>], vector<16xf32>,
    %iota3A_971 = tpu.iota {dimensions = array<i32: 0>} : vector<16xi32>
    %add3A_972 = arith.constant 16 : i32
    %add3A_973 = vector.broadcast %add3A_972 : i32 to vector<16xi32>
    %add3A_974 = arith.addi %iota3A_971, %add3A_973 : vector<16xi32>
    %gather3A_975 = tpu.vector_load_idx %arg11[%add3A_974, %get3A_969] : memref<32x1024xf32, #tpu.memory_space<vmem>>[vector<16xi32>, vector<16xi32>], vector<16xf32>,
    %get3A_976 = arith.constant 0 : index
    %get3A_977 = tpu.vector_load %arg13[%get3A_976] {strides = array<i32>} : memref<16xf32, #tpu.memory_space<vmem>>, vector<16xf32>,
    %sub3A_978 = arith.subf %gather3A_970, %gather3A_975 : vector<16xf32>
    %add3A_979 = arith.addf %get3A_977, %sub3A_978 : vector<16xf32>
    %swap3A_980 = arith.constant 0 : index
    %swap3A_981 = tpu.vector_load %arg13[%swap3A_980] {strides = array<i32>} : memref<16xf32, #tpu.memory_space<vmem>>, vector<16xf32>,
    tpu.vector_store %arg13[%swap3A_980], %add3A_979 {strides = array<i32>} : memref<16xf32, #tpu.memory_space<vmem>>, vector<16xf32>,
    %add3A_982 = arith.constant 576 : i32
    %add3A_983 = arith.addi %mul3A_2, %add3A_982 : i32
    %dma_start3A_984 = arith.constant 0 : i32
    %dma_start3A_985 = tpu.memref_slice %arg6[%add3A_983, %dma_start3A_984] : memref<32768x1024xf32, #tpu.memory_space<hbm>> -> memref<32x1024xf32, #tpu.memory_space<hbm>>
    %dma_start3A_986 = arith.constant 0 : i32
    %dma_start3A_987 = tpu.memref_slice %arg6[%add3A_983, %dma_start3A_986] : memref<32768x1024xf32, #tpu.memory_space<hbm>> -> memref<32x1024xf32, #tpu.memory_space<hbm>>
    tpu.enqueue_dma source(%arg11 : memref<32x1024xf32, #tpu.memory_space<vmem>>) target(%dma_start3A_987 : memref<32x1024xf32, #tpu.memory_space<hbm>>) target_semaphore(%arg15 : memref<!tpu.dma_semaphore, #tpu.memory_space<semaphore_mem>>)
    %dma_wait3A_988 = arith.constant 608 : i32
    %dma_wait3A_989 = tpu.memref_slice %arg8[%dma_wait3A_988] : memref<1024xi32, #tpu.memory_space<vmem>> -> memref<32xi32, #tpu.memory_space<vmem>>
    %dma_wait3A_990 = arith.constant 0 : i32
    %dma_wait3A_991 = arith.constant 0 : i32
    %dma_wait3A_992 = tpu.memref_slice %arg4[%dma_wait3A_990, %dma_wait3A_991] : memref<1000x1024xf32, #tpu.memory_space<hbm>> -> memref<1000x1024xf32, #tpu.memory_space<hbm>>
    tpu.wait_indirect_dma semaphore(%arg14 : memref<!tpu.dma_semaphore, #tpu.memory_space<semaphore_mem>>) src(%dma_wait3A_992 : memref<1000x1024xf32, #tpu.memory_space<hbm>>) dst(%arg12 : memref<32x1024xf32, #tpu.memory_space<vmem>>)
    %dma_wait3A_993 = arith.constant 0 : i32
    %dma_wait3A_994 = tpu.memref_slice %arg6[%add3A_983, %dma_wait3A_993] : memref<32768x1024xf32, #tpu.memory_space<hbm>> -> memref<32x1024xf32, #tpu.memory_space<hbm>>
    %dma_wait3A_995 = arith.constant 0 : i32
    %dma_wait3A_996 = tpu.memref_slice %arg6[%add3A_983, %dma_wait3A_995] : memref<32768x1024xf32, #tpu.memory_space<hbm>> -> memref<32x1024xf32, #tpu.memory_space<hbm>>
    tpu.wait_dma2 semaphore(%arg15 : memref<!tpu.dma_semaphore, #tpu.memory_space<semaphore_mem>>) src(%arg11 : memref<32x1024xf32, #tpu.memory_space<vmem>>) dst(%dma_wait3A_996 : memref<32x1024xf32, #tpu.memory_space<hbm>>)
    %dma_start3A_997 = arith.constant 640 : i32
    %dma_start3A_998 = tpu.memref_slice %arg8[%dma_start3A_997] : memref<1024xi32, #tpu.memory_space<vmem>> -> memref<32xi32, #tpu.memory_space<vmem>>
    %dma_start3A_999 = arith.constant 0 : i32
    %dma_start3A_1000 = arith.constant 0 : i32
    %dma_start3A_1001 = tpu.memref_slice %arg4[%dma_start3A_999, %dma_start3A_1000] : memref<1000x1024xf32, #tpu.memory_space<hbm>> -> memref<1000x1024xf32, #tpu.memory_space<hbm>>
    tpu.enqueue_indirect_dma source(%dma_start3A_1001 : memref<1000x1024xf32, #tpu.memory_space<hbm>>) target(%arg11 : memref<32x1024xf32, #tpu.memory_space<vmem>>) offsets(%dma_start3A_998 : memref<32xi32, #tpu.memory_space<vmem>>) semaphore(%arg14 : memref<!tpu.dma_semaphore, #tpu.memory_space<semaphore_mem>>)
    %get3A_1002 = arith.constant 608 : index
    %get3A_1003 = tpu.vector_load %arg8[%get3A_1002] {strides = array<i32>} : memref<1024xi32, #tpu.memory_space<vmem>>, vector<16xi32>,
    %get3A_1004 = arith.constant 608 : index
    %get3A_1005 = tpu.vector_load %arg9[%get3A_1004] {strides = array<i32>} : memref<1024xi32, #tpu.memory_space<vmem>>, vector<16xi32>,
    %gather3A_1006 = tpu.vector_load_idx %arg10[%get3A_1003] : memref<1000xf32, #tpu.memory_space<vmem>>[vector<16xi32>], vector<16xf32>,
    %iota3A_1007 = tpu.iota {dimensions = array<i32: 0>} : vector<16xi32>
    %add3A_1008 = arith.constant 0 : i32
    %add3A_1009 = vector.broadcast %add3A_1008 : i32 to vector<16xi32>
    %add3A_1010 = arith.addi %iota3A_1007, %add3A_1009 : vector<16xi32>
    %gather3A_1011 = tpu.vector_load_idx %arg12[%add3A_1010, %get3A_1005] : memref<32x1024xf32, #tpu.memory_space<vmem>>[vector<16xi32>, vector<16xi32>], vector<16xf32>,
    %get3A_1012 = arith.constant 0 : index
    %get3A_1013 = tpu.vector_load %arg13[%get3A_1012] {strides = array<i32>} : memref<16xf32, #tpu.memory_space<vmem>>, vector<16xf32>,
    %sub3A_1014 = arith.subf %gather3A_1006, %gather3A_1011 : vector<16xf32>
    %add3A_1015 = arith.addf %get3A_1013, %sub3A_1014 : vector<16xf32>
    %swap3A_1016 = arith.constant 0 : index
    %swap3A_1017 = tpu.vector_load %arg13[%swap3A_1016] {strides = array<i32>} : memref<16xf32, #tpu.memory_space<vmem>>, vector<16xf32>,
    tpu.vector_store %arg13[%swap3A_1016], %add3A_1015 {strides = array<i32>} : memref<16xf32, #tpu.memory_space<vmem>>, vector<16xf32>,
    %get3A_1018 = arith.constant 624 : index
    %get3A_1019 = tpu.vector_load %arg8[%get3A_1018] {strides = array<i32>} : memref<1024xi32, #tpu.memory_space<vmem>>, vector<16xi32>,
    %get3A_1020 = arith.constant 624 : index
    %get3A_1021 = tpu.vector_load %arg9[%get3A_1020] {strides = array<i32>} : memref<1024xi32, #tpu.memory_space<vmem>>, vector<16xi32>,
    %gather3A_1022 = tpu.vector_load_idx %arg10[%get3A_1019] : memref<1000xf32, #tpu.memory_space<vmem>>[vector<16xi32>], vector<16xf32>,
    %iota3A_1023 = tpu.iota {dimensions = array<i32: 0>} : vector<16xi32>
    %add3A_1024 = arith.constant 16 : i32
    %add3A_1025 = vector.broadcast %add3A_1024 : i32 to vector<16xi32>
    %add3A_1026 = arith.addi %iota3A_1023, %add3A_1025 : vector<16xi32>
    %gather3A_1027 = tpu.vector_load_idx %arg12[%add3A_1026, %get3A_1021] : memref<32x1024xf32, #tpu.memory_space<vmem>>[vector<16xi32>, vector<16xi32>], vector<16xf32>,
    %get3A_1028 = arith.constant 0 : index
    %get3A_1029 = tpu.vector_load %arg13[%get3A_1028] {strides = array<i32>} : memref<16xf32, #tpu.memory_space<vmem>>, vector<16xf32>,
    %sub3A_1030 = arith.subf %gather3A_1022, %gather3A_1027 : vector<16xf32>
    %add3A_1031 = arith.addf %get3A_1029, %sub3A_1030 : vector<16xf32>
    %swap3A_1032 = arith.constant 0 : index
    %swap3A_1033 = tpu.vector_load %arg13[%swap3A_1032] {strides = array<i32>} : memref<16xf32, #tpu.memory_space<vmem>>, vector<16xf32>,
    tpu.vector_store %arg13[%swap3A_1032], %add3A_1031 {strides = array<i32>} : memref<16xf32, #tpu.memory_space<vmem>>, vector<16xf32>,
    %add3A_1034 = arith.constant 608 : i32
    %add3A_1035 = arith.addi %mul3A_2, %add3A_1034 : i32
    %dma_start3A_1036 = arith.constant 0 : i32
    %dma_start3A_1037 = tpu.memref_slice %arg6[%add3A_1035, %dma_start3A_1036] : memref<32768x1024xf32, #tpu.memory_space<hbm>> -> memref<32x1024xf32, #tpu.memory_space<hbm>>
    %dma_start3A_1038 = arith.constant 0 : i32
    %dma_start3A_1039 = tpu.memref_slice %arg6[%add3A_1035, %dma_start3A_1038] : memref<32768x1024xf32, #tpu.memory_space<hbm>> -> memref<32x1024xf32, #tpu.memory_space<hbm>>
    tpu.enqueue_dma source(%arg12 : memref<32x1024xf32, #tpu.memory_space<vmem>>) target(%dma_start3A_1039 : memref<32x1024xf32, #tpu.memory_space<hbm>>) target_semaphore(%arg15 : memref<!tpu.dma_semaphore, #tpu.memory_space<semaphore_mem>>)
    %dma_wait3A_1040 = arith.constant 640 : i32
    %dma_wait3A_1041 = tpu.memref_slice %arg8[%dma_wait3A_1040] : memref<1024xi32, #tpu.memory_space<vmem>> -> memref<32xi32, #tpu.memory_space<vmem>>
    %dma_wait3A_1042 = arith.constant 0 : i32
    %dma_wait3A_1043 = arith.constant 0 : i32
    %dma_wait3A_1044 = tpu.memref_slice %arg4[%dma_wait3A_1042, %dma_wait3A_1043] : memref<1000x1024xf32, #tpu.memory_space<hbm>> -> memref<1000x1024xf32, #tpu.memory_space<hbm>>
    tpu.wait_indirect_dma semaphore(%arg14 : memref<!tpu.dma_semaphore, #tpu.memory_space<semaphore_mem>>) src(%dma_wait3A_1044 : memref<1000x1024xf32, #tpu.memory_space<hbm>>) dst(%arg11 : memref<32x1024xf32, #tpu.memory_space<vmem>>)
    %dma_wait3A_1045 = arith.constant 0 : i32
    %dma_wait3A_1046 = tpu.memref_slice %arg6[%add3A_1035, %dma_wait3A_1045] : memref<32768x1024xf32, #tpu.memory_space<hbm>> -> memref<32x1024xf32, #tpu.memory_space<hbm>>
    %dma_wait3A_1047 = arith.constant 0 : i32
    %dma_wait3A_1048 = tpu.memref_slice %arg6[%add3A_1035, %dma_wait3A_1047] : memref<32768x1024xf32, #tpu.memory_space<hbm>> -> memref<32x1024xf32, #tpu.memory_space<hbm>>
    tpu.wait_dma2 semaphore(%arg15 : memref<!tpu.dma_semaphore, #tpu.memory_space<semaphore_mem>>) src(%arg12 : memref<32x1024xf32, #tpu.memory_space<vmem>>) dst(%dma_wait3A_1048 : memref<32x1024xf32, #tpu.memory_space<hbm>>)
    %dma_start3A_1049 = arith.constant 672 : i32
    %dma_start3A_1050 = tpu.memref_slice %arg8[%dma_start3A_1049] : memref<1024xi32, #tpu.memory_space<vmem>> -> memref<32xi32, #tpu.memory_space<vmem>>
    %dma_start3A_1051 = arith.constant 0 : i32
    %dma_start3A_1052 = arith.constant 0 : i32
    %dma_start3A_1053 = tpu.memref_slice %arg4[%dma_start3A_1051, %dma_start3A_1052] : memref<1000x1024xf32, #tpu.memory_space<hbm>> -> memref<1000x1024xf32, #tpu.memory_space<hbm>>
    tpu.enqueue_indirect_dma source(%dma_start3A_1053 : memref<1000x1024xf32, #tpu.memory_space<hbm>>) target(%arg12 : memref<32x1024xf32, #tpu.memory_space<vmem>>) offsets(%dma_start3A_1050 : memref<32xi32, #tpu.memory_space<vmem>>) semaphore(%arg14 : memref<!tpu.dma_semaphore, #tpu.memory_space<semaphore_mem>>)
    %get3A_1054 = arith.constant 640 : index
    %get3A_1055 = tpu.vector_load %arg8[%get3A_1054] {strides = array<i32>} : memref<1024xi32, #tpu.memory_space<vmem>>, vector<16xi32>,
    %get3A_1056 = arith.constant 640 : index
    %get3A_1057 = tpu.vector_load %arg9[%get3A_1056] {strides = array<i32>} : memref<1024xi32, #tpu.memory_space<vmem>>, vector<16xi32>,
    %gather3A_1058 = tpu.vector_load_idx %arg10[%get3A_1055] : memref<1000xf32, #tpu.memory_space<vmem>>[vector<16xi32>], vector<16xf32>,
    %iota3A_1059 = tpu.iota {dimensions = array<i32: 0>} : vector<16xi32>
    %add3A_1060 = arith.constant 0 : i32
    %add3A_1061 = vector.broadcast %add3A_1060 : i32 to vector<16xi32>
    %add3A_1062 = arith.addi %iota3A_1059, %add3A_1061 : vector<16xi32>
    %gather3A_1063 = tpu.vector_load_idx %arg11[%add3A_1062, %get3A_1057] : memref<32x1024xf32, #tpu.memory_space<vmem>>[vector<16xi32>, vector<16xi32>], vector<16xf32>,
    %get3A_1064 = arith.constant 0 : index
    %get3A_1065 = tpu.vector_load %arg13[%get3A_1064] {strides = array<i32>} : memref<16xf32, #tpu.memory_space<vmem>>, vector<16xf32>,
    %sub3A_1066 = arith.subf %gather3A_1058, %gather3A_1063 : vector<16xf32>
    %add3A_1067 = arith.addf %get3A_1065, %sub3A_1066 : vector<16xf32>
    %swap3A_1068 = arith.constant 0 : index
    %swap3A_1069 = tpu.vector_load %arg13[%swap3A_1068] {strides = array<i32>} : memref<16xf32, #tpu.memory_space<vmem>>, vector<16xf32>,
    tpu.vector_store %arg13[%swap3A_1068], %add3A_1067 {strides = array<i32>} : memref<16xf32, #tpu.memory_space<vmem>>, vector<16xf32>,
    %get3A_1070 = arith.constant 656 : index
    %get3A_1071 = tpu.vector_load %arg8[%get3A_1070] {strides = array<i32>} : memref<1024xi32, #tpu.memory_space<vmem>>, vector<16xi32>,
    %get3A_1072 = arith.constant 656 : index
    %get3A_1073 = tpu.vector_load %arg9[%get3A_1072] {strides = array<i32>} : memref<1024xi32, #tpu.memory_space<vmem>>, vector<16xi32>,
    %gather3A_1074 = tpu.vector_load_idx %arg10[%get3A_1071] : memref<1000xf32, #tpu.memory_space<vmem>>[vector<16xi32>], vector<16xf32>,
    %iota3A_1075 = tpu.iota {dimensions = array<i32: 0>} : vector<16xi32>
    %add3A_1076 = arith.constant 16 : i32
    %add3A_1077 = vector.broadcast %add3A_1076 : i32 to vector<16xi32>
    %add3A_1078 = arith.addi %iota3A_1075, %add3A_1077 : vector<16xi32>
    %gather3A_1079 = tpu.vector_load_idx %arg11[%add3A_1078, %get3A_1073] : memref<32x1024xf32, #tpu.memory_space<vmem>>[vector<16xi32>, vector<16xi32>], vector<16xf32>,
    %get3A_1080 = arith.constant 0 : index
    %get3A_1081 = tpu.vector_load %arg13[%get3A_1080] {strides = array<i32>} : memref<16xf32, #tpu.memory_space<vmem>>, vector<16xf32>,
    %sub3A_1082 = arith.subf %gather3A_1074, %gather3A_1079 : vector<16xf32>
    %add3A_1083 = arith.addf %get3A_1081, %sub3A_1082 : vector<16xf32>
    %swap3A_1084 = arith.constant 0 : index
    %swap3A_1085 = tpu.vector_load %arg13[%swap3A_1084] {strides = array<i32>} : memref<16xf32, #tpu.memory_space<vmem>>, vector<16xf32>,
    tpu.vector_store %arg13[%swap3A_1084], %add3A_1083 {strides = array<i32>} : memref<16xf32, #tpu.memory_space<vmem>>, vector<16xf32>,
    %add3A_1086 = arith.constant 640 : i32
    %add3A_1087 = arith.addi %mul3A_2, %add3A_1086 : i32
    %dma_start3A_1088 = arith.constant 0 : i32
    %dma_start3A_1089 = tpu.memref_slice %arg6[%add3A_1087, %dma_start3A_1088] : memref<32768x1024xf32, #tpu.memory_space<hbm>> -> memref<32x1024xf32, #tpu.memory_space<hbm>>
    %dma_start3A_1090 = arith.constant 0 : i32
    %dma_start3A_1091 = tpu.memref_slice %arg6[%add3A_1087, %dma_start3A_1090] : memref<32768x1024xf32, #tpu.memory_space<hbm>> -> memref<32x1024xf32, #tpu.memory_space<hbm>>
    tpu.enqueue_dma source(%arg11 : memref<32x1024xf32, #tpu.memory_space<vmem>>) target(%dma_start3A_1091 : memref<32x1024xf32, #tpu.memory_space<hbm>>) target_semaphore(%arg15 : memref<!tpu.dma_semaphore, #tpu.memory_space<semaphore_mem>>)
    %dma_wait3A_1092 = arith.constant 672 : i32
    %dma_wait3A_1093 = tpu.memref_slice %arg8[%dma_wait3A_1092] : memref<1024xi32, #tpu.memory_space<vmem>> -> memref<32xi32, #tpu.memory_space<vmem>>
    %dma_wait3A_1094 = arith.constant 0 : i32
    %dma_wait3A_1095 = arith.constant 0 : i32
    %dma_wait3A_1096 = tpu.memref_slice %arg4[%dma_wait3A_1094, %dma_wait3A_1095] : memref<1000x1024xf32, #tpu.memory_space<hbm>> -> memref<1000x1024xf32, #tpu.memory_space<hbm>>
    tpu.wait_indirect_dma semaphore(%arg14 : memref<!tpu.dma_semaphore, #tpu.memory_space<semaphore_mem>>) src(%dma_wait3A_1096 : memref<1000x1024xf32, #tpu.memory_space<hbm>>) dst(%arg12 : memref<32x1024xf32, #tpu.memory_space<vmem>>)
    %dma_wait3A_1097 = arith.constant 0 : i32
    %dma_wait3A_1098 = tpu.memref_slice %arg6[%add3A_1087, %dma_wait3A_1097] : memref<32768x1024xf32, #tpu.memory_space<hbm>> -> memref<32x1024xf32, #tpu.memory_space<hbm>>
    %dma_wait3A_1099 = arith.constant 0 : i32
    %dma_wait3A_1100 = tpu.memref_slice %arg6[%add3A_1087, %dma_wait3A_1099] : memref<32768x1024xf32, #tpu.memory_space<hbm>> -> memref<32x1024xf32, #tpu.memory_space<hbm>>
    tpu.wait_dma2 semaphore(%arg15 : memref<!tpu.dma_semaphore, #tpu.memory_space<semaphore_mem>>) src(%arg11 : memref<32x1024xf32, #tpu.memory_space<vmem>>) dst(%dma_wait3A_1100 : memref<32x1024xf32, #tpu.memory_space<hbm>>)
    %dma_start3A_1101 = arith.constant 704 : i32
    %dma_start3A_1102 = tpu.memref_slice %arg8[%dma_start3A_1101] : memref<1024xi32, #tpu.memory_space<vmem>> -> memref<32xi32, #tpu.memory_space<vmem>>
    %dma_start3A_1103 = arith.constant 0 : i32
    %dma_start3A_1104 = arith.constant 0 : i32
    %dma_start3A_1105 = tpu.memref_slice %arg4[%dma_start3A_1103, %dma_start3A_1104] : memref<1000x1024xf32, #tpu.memory_space<hbm>> -> memref<1000x1024xf32, #tpu.memory_space<hbm>>
    tpu.enqueue_indirect_dma source(%dma_start3A_1105 : memref<1000x1024xf32, #tpu.memory_space<hbm>>) target(%arg11 : memref<32x1024xf32, #tpu.memory_space<vmem>>) offsets(%dma_start3A_1102 : memref<32xi32, #tpu.memory_space<vmem>>) semaphore(%arg14 : memref<!tpu.dma_semaphore, #tpu.memory_space<semaphore_mem>>)
    %get3A_1106 = arith.constant 672 : index
    %get3A_1107 = tpu.vector_load %arg8[%get3A_1106] {strides = array<i32>} : memref<1024xi32, #tpu.memory_space<vmem>>, vector<16xi32>,
    %get3A_1108 = arith.constant 672 : index
    %get3A_1109 = tpu.vector_load %arg9[%get3A_1108] {strides = array<i32>} : memref<1024xi32, #tpu.memory_space<vmem>>, vector<16xi32>,
    %gather3A_1110 = tpu.vector_load_idx %arg10[%get3A_1107] : memref<1000xf32, #tpu.memory_space<vmem>>[vector<16xi32>], vector<16xf32>,
    %iota3A_1111 = tpu.iota {dimensions = array<i32: 0>} : vector<16xi32>
    %add3A_1112 = arith.constant 0 : i32
    %add3A_1113 = vector.broadcast %add3A_1112 : i32 to vector<16xi32>
    %add3A_1114 = arith.addi %iota3A_1111, %add3A_1113 : vector<16xi32>
    %gather3A_1115 = tpu.vector_load_idx %arg12[%add3A_1114, %get3A_1109] : memref<32x1024xf32, #tpu.memory_space<vmem>>[vector<16xi32>, vector<16xi32>], vector<16xf32>,
    %get3A_1116 = arith.constant 0 : index
    %get3A_1117 = tpu.vector_load %arg13[%get3A_1116] {strides = array<i32>} : memref<16xf32, #tpu.memory_space<vmem>>, vector<16xf32>,
    %sub3A_1118 = arith.subf %gather3A_1110, %gather3A_1115 : vector<16xf32>
    %add3A_1119 = arith.addf %get3A_1117, %sub3A_1118 : vector<16xf32>
    %swap3A_1120 = arith.constant 0 : index
    %swap3A_1121 = tpu.vector_load %arg13[%swap3A_1120] {strides = array<i32>} : memref<16xf32, #tpu.memory_space<vmem>>, vector<16xf32>,
    tpu.vector_store %arg13[%swap3A_1120], %add3A_1119 {strides = array<i32>} : memref<16xf32, #tpu.memory_space<vmem>>, vector<16xf32>,
    %get3A_1122 = arith.constant 688 : index
    %get3A_1123 = tpu.vector_load %arg8[%get3A_1122] {strides = array<i32>} : memref<1024xi32, #tpu.memory_space<vmem>>, vector<16xi32>,
    %get3A_1124 = arith.constant 688 : index
    %get3A_1125 = tpu.vector_load %arg9[%get3A_1124] {strides = array<i32>} : memref<1024xi32, #tpu.memory_space<vmem>>, vector<16xi32>,
    %gather3A_1126 = tpu.vector_load_idx %arg10[%get3A_1123] : memref<1000xf32, #tpu.memory_space<vmem>>[vector<16xi32>], vector<16xf32>,
    %iota3A_1127 = tpu.iota {dimensions = array<i32: 0>} : vector<16xi32>
    %add3A_1128 = arith.constant 16 : i32
    %add3A_1129 = vector.broadcast %add3A_1128 : i32 to vector<16xi32>
    %add3A_1130 = arith.addi %iota3A_1127, %add3A_1129 : vector<16xi32>
    %gather3A_1131 = tpu.vector_load_idx %arg12[%add3A_1130, %get3A_1125] : memref<32x1024xf32, #tpu.memory_space<vmem>>[vector<16xi32>, vector<16xi32>], vector<16xf32>,
    %get3A_1132 = arith.constant 0 : index
    %get3A_1133 = tpu.vector_load %arg13[%get3A_1132] {strides = array<i32>} : memref<16xf32, #tpu.memory_space<vmem>>, vector<16xf32>,
    %sub3A_1134 = arith.subf %gather3A_1126, %gather3A_1131 : vector<16xf32>
    %add3A_1135 = arith.addf %get3A_1133, %sub3A_1134 : vector<16xf32>
    %swap3A_1136 = arith.constant 0 : index
    %swap3A_1137 = tpu.vector_load %arg13[%swap3A_1136] {strides = array<i32>} : memref<16xf32, #tpu.memory_space<vmem>>, vector<16xf32>,
    tpu.vector_store %arg13[%swap3A_1136], %add3A_1135 {strides = array<i32>} : memref<16xf32, #tpu.memory_space<vmem>>, vector<16xf32>,
    %add3A_1138 = arith.constant 672 : i32
    %add3A_1139 = arith.addi %mul3A_2, %add3A_1138 : i32
    %dma_start3A_1140 = arith.constant 0 : i32
    %dma_start3A_1141 = tpu.memref_slice %arg6[%add3A_1139, %dma_start3A_1140] : memref<32768x1024xf32, #tpu.memory_space<hbm>> -> memref<32x1024xf32, #tpu.memory_space<hbm>>
    %dma_start3A_1142 = arith.constant 0 : i32
    %dma_start3A_1143 = tpu.memref_slice %arg6[%add3A_1139, %dma_start3A_1142] : memref<32768x1024xf32, #tpu.memory_space<hbm>> -> memref<32x1024xf32, #tpu.memory_space<hbm>>
    tpu.enqueue_dma source(%arg12 : memref<32x1024xf32, #tpu.memory_space<vmem>>) target(%dma_start3A_1143 : memref<32x1024xf32, #tpu.memory_space<hbm>>) target_semaphore(%arg15 : memref<!tpu.dma_semaphore, #tpu.memory_space<semaphore_mem>>)
    %dma_wait3A_1144 = arith.constant 704 : i32
    %dma_wait3A_1145 = tpu.memref_slice %arg8[%dma_wait3A_1144] : memref<1024xi32, #tpu.memory_space<vmem>> -> memref<32xi32, #tpu.memory_space<vmem>>
    %dma_wait3A_1146 = arith.constant 0 : i32
    %dma_wait3A_1147 = arith.constant 0 : i32
    %dma_wait3A_1148 = tpu.memref_slice %arg4[%dma_wait3A_1146, %dma_wait3A_1147] : memref<1000x1024xf32, #tpu.memory_space<hbm>> -> memref<1000x1024xf32, #tpu.memory_space<hbm>>
    tpu.wait_indirect_dma semaphore(%arg14 : memref<!tpu.dma_semaphore, #tpu.memory_space<semaphore_mem>>) src(%dma_wait3A_1148 : memref<1000x1024xf32, #tpu.memory_space<hbm>>) dst(%arg11 : memref<32x1024xf32, #tpu.memory_space<vmem>>)
    %dma_wait3A_1149 = arith.constant 0 : i32
    %dma_wait3A_1150 = tpu.memref_slice %arg6[%add3A_1139, %dma_wait3A_1149] : memref<32768x1024xf32, #tpu.memory_space<hbm>> -> memref<32x1024xf32, #tpu.memory_space<hbm>>
    %dma_wait3A_1151 = arith.constant 0 : i32
    %dma_wait3A_1152 = tpu.memref_slice %arg6[%add3A_1139, %dma_wait3A_1151] : memref<32768x1024xf32, #tpu.memory_space<hbm>> -> memref<32x1024xf32, #tpu.memory_space<hbm>>
    tpu.wait_dma2 semaphore(%arg15 : memref<!tpu.dma_semaphore, #tpu.memory_space<semaphore_mem>>) src(%arg12 : memref<32x1024xf32, #tpu.memory_space<vmem>>) dst(%dma_wait3A_1152 : memref<32x1024xf32, #tpu.memory_space<hbm>>)
    %dma_start3A_1153 = arith.constant 736 : i32
    %dma_start3A_1154 = tpu.memref_slice %arg8[%dma_start3A_1153] : memref<1024xi32, #tpu.memory_space<vmem>> -> memref<32xi32, #tpu.memory_space<vmem>>
    %dma_start3A_1155 = arith.constant 0 : i32
    %dma_start3A_1156 = arith.constant 0 : i32
    %dma_start3A_1157 = tpu.memref_slice %arg4[%dma_start3A_1155, %dma_start3A_1156] : memref<1000x1024xf32, #tpu.memory_space<hbm>> -> memref<1000x1024xf32, #tpu.memory_space<hbm>>
    tpu.enqueue_indirect_dma source(%dma_start3A_1157 : memref<1000x1024xf32, #tpu.memory_space<hbm>>) target(%arg12 : memref<32x1024xf32, #tpu.memory_space<vmem>>) offsets(%dma_start3A_1154 : memref<32xi32, #tpu.memory_space<vmem>>) semaphore(%arg14 : memref<!tpu.dma_semaphore, #tpu.memory_space<semaphore_mem>>)
    %get3A_1158 = arith.constant 704 : index
    %get3A_1159 = tpu.vector_load %arg8[%get3A_1158] {strides = array<i32>} : memref<1024xi32, #tpu.memory_space<vmem>>, vector<16xi32>,
    %get3A_1160 = arith.constant 704 : index
    %get3A_1161 = tpu.vector_load %arg9[%get3A_1160] {strides = array<i32>} : memref<1024xi32, #tpu.memory_space<vmem>>, vector<16xi32>,
    %gather3A_1162 = tpu.vector_load_idx %arg10[%get3A_1159] : memref<1000xf32, #tpu.memory_space<vmem>>[vector<16xi32>], vector<16xf32>,
    %iota3A_1163 = tpu.iota {dimensions = array<i32: 0>} : vector<16xi32>
    %add3A_1164 = arith.constant 0 : i32
    %add3A_1165 = vector.broadcast %add3A_1164 : i32 to vector<16xi32>
    %add3A_1166 = arith.addi %iota3A_1163, %add3A_1165 : vector<16xi32>
    %gather3A_1167 = tpu.vector_load_idx %arg11[%add3A_1166, %get3A_1161] : memref<32x1024xf32, #tpu.memory_space<vmem>>[vector<16xi32>, vector<16xi32>], vector<16xf32>,
    %get3A_1168 = arith.constant 0 : index
    %get3A_1169 = tpu.vector_load %arg13[%get3A_1168] {strides = array<i32>} : memref<16xf32, #tpu.memory_space<vmem>>, vector<16xf32>,
    %sub3A_1170 = arith.subf %gather3A_1162, %gather3A_1167 : vector<16xf32>
    %add3A_1171 = arith.addf %get3A_1169, %sub3A_1170 : vector<16xf32>
    %swap3A_1172 = arith.constant 0 : index
    %swap3A_1173 = tpu.vector_load %arg13[%swap3A_1172] {strides = array<i32>} : memref<16xf32, #tpu.memory_space<vmem>>, vector<16xf32>,
    tpu.vector_store %arg13[%swap3A_1172], %add3A_1171 {strides = array<i32>} : memref<16xf32, #tpu.memory_space<vmem>>, vector<16xf32>,
    %get3A_1174 = arith.constant 720 : index
    %get3A_1175 = tpu.vector_load %arg8[%get3A_1174] {strides = array<i32>} : memref<1024xi32, #tpu.memory_space<vmem>>, vector<16xi32>,
    %get3A_1176 = arith.constant 720 : index
    %get3A_1177 = tpu.vector_load %arg9[%get3A_1176] {strides = array<i32>} : memref<1024xi32, #tpu.memory_space<vmem>>, vector<16xi32>,
    %gather3A_1178 = tpu.vector_load_idx %arg10[%get3A_1175] : memref<1000xf32, #tpu.memory_space<vmem>>[vector<16xi32>], vector<16xf32>,
    %iota3A_1179 = tpu.iota {dimensions = array<i32: 0>} : vector<16xi32>
    %add3A_1180 = arith.constant 16 : i32
    %add3A_1181 = vector.broadcast %add3A_1180 : i32 to vector<16xi32>
    %add3A_1182 = arith.addi %iota3A_1179, %add3A_1181 : vector<16xi32>
    %gather3A_1183 = tpu.vector_load_idx %arg11[%add3A_1182, %get3A_1177] : memref<32x1024xf32, #tpu.memory_space<vmem>>[vector<16xi32>, vector<16xi32>], vector<16xf32>,
    %get3A_1184 = arith.constant 0 : index
    %get3A_1185 = tpu.vector_load %arg13[%get3A_1184] {strides = array<i32>} : memref<16xf32, #tpu.memory_space<vmem>>, vector<16xf32>,
    %sub3A_1186 = arith.subf %gather3A_1178, %gather3A_1183 : vector<16xf32>
    %add3A_1187 = arith.addf %get3A_1185, %sub3A_1186 : vector<16xf32>
    %swap3A_1188 = arith.constant 0 : index
    %swap3A_1189 = tpu.vector_load %arg13[%swap3A_1188] {strides = array<i32>} : memref<16xf32, #tpu.memory_space<vmem>>, vector<16xf32>,
    tpu.vector_store %arg13[%swap3A_1188], %add3A_1187 {strides = array<i32>} : memref<16xf32, #tpu.memory_space<vmem>>, vector<16xf32>,
    %add3A_1190 = arith.constant 704 : i32
    %add3A_1191 = arith.addi %mul3A_2, %add3A_1190 : i32
    %dma_start3A_1192 = arith.constant 0 : i32
    %dma_start3A_1193 = tpu.memref_slice %arg6[%add3A_1191, %dma_start3A_1192] : memref<32768x1024xf32, #tpu.memory_space<hbm>> -> memref<32x1024xf32, #tpu.memory_space<hbm>>
    %dma_start3A_1194 = arith.constant 0 : i32
    %dma_start3A_1195 = tpu.memref_slice %arg6[%add3A_1191, %dma_start3A_1194] : memref<32768x1024xf32, #tpu.memory_space<hbm>> -> memref<32x1024xf32, #tpu.memory_space<hbm>>
    tpu.enqueue_dma source(%arg11 : memref<32x1024xf32, #tpu.memory_space<vmem>>) target(%dma_start3A_1195 : memref<32x1024xf32, #tpu.memory_space<hbm>>) target_semaphore(%arg15 : memref<!tpu.dma_semaphore, #tpu.memory_space<semaphore_mem>>)
    %dma_wait3A_1196 = arith.constant 736 : i32
    %dma_wait3A_1197 = tpu.memref_slice %arg8[%dma_wait3A_1196] : memref<1024xi32, #tpu.memory_space<vmem>> -> memref<32xi32, #tpu.memory_space<vmem>>
    %dma_wait3A_1198 = arith.constant 0 : i32
    %dma_wait3A_1199 = arith.constant 0 : i32
    %dma_wait3A_1200 = tpu.memref_slice %arg4[%dma_wait3A_1198, %dma_wait3A_1199] : memref<1000x1024xf32, #tpu.memory_space<hbm>> -> memref<1000x1024xf32, #tpu.memory_space<hbm>>
    tpu.wait_indirect_dma semaphore(%arg14 : memref<!tpu.dma_semaphore, #tpu.memory_space<semaphore_mem>>) src(%dma_wait3A_1200 : memref<1000x1024xf32, #tpu.memory_space<hbm>>) dst(%arg12 : memref<32x1024xf32, #tpu.memory_space<vmem>>)
    %dma_wait3A_1201 = arith.constant 0 : i32
    %dma_wait3A_1202 = tpu.memref_slice %arg6[%add3A_1191, %dma_wait3A_1201] : memref<32768x1024xf32, #tpu.memory_space<hbm>> -> memref<32x1024xf32, #tpu.memory_space<hbm>>
    %dma_wait3A_1203 = arith.constant 0 : i32
    %dma_wait3A_1204 = tpu.memref_slice %arg6[%add3A_1191, %dma_wait3A_1203] : memref<32768x1024xf32, #tpu.memory_space<hbm>> -> memref<32x1024xf32, #tpu.memory_space<hbm>>
    tpu.wait_dma2 semaphore(%arg15 : memref<!tpu.dma_semaphore, #tpu.memory_space<semaphore_mem>>) src(%arg11 : memref<32x1024xf32, #tpu.memory_space<vmem>>) dst(%dma_wait3A_1204 : memref<32x1024xf32, #tpu.memory_space<hbm>>)
    %dma_start3A_1205 = arith.constant 768 : i32
    %dma_start3A_1206 = tpu.memref_slice %arg8[%dma_start3A_1205] : memref<1024xi32, #tpu.memory_space<vmem>> -> memref<32xi32, #tpu.memory_space<vmem>>
    %dma_start3A_1207 = arith.constant 0 : i32
    %dma_start3A_1208 = arith.constant 0 : i32
    %dma_start3A_1209 = tpu.memref_slice %arg4[%dma_start3A_1207, %dma_start3A_1208] : memref<1000x1024xf32, #tpu.memory_space<hbm>> -> memref<1000x1024xf32, #tpu.memory_space<hbm>>
    tpu.enqueue_indirect_dma source(%dma_start3A_1209 : memref<1000x1024xf32, #tpu.memory_space<hbm>>) target(%arg11 : memref<32x1024xf32, #tpu.memory_space<vmem>>) offsets(%dma_start3A_1206 : memref<32xi32, #tpu.memory_space<vmem>>) semaphore(%arg14 : memref<!tpu.dma_semaphore, #tpu.memory_space<semaphore_mem>>)
    %get3A_1210 = arith.constant 736 : index
    %get3A_1211 = tpu.vector_load %arg8[%get3A_1210] {strides = array<i32>} : memref<1024xi32, #tpu.memory_space<vmem>>, vector<16xi32>,
    %get3A_1212 = arith.constant 736 : index
    %get3A_1213 = tpu.vector_load %arg9[%get3A_1212] {strides = array<i32>} : memref<1024xi32, #tpu.memory_space<vmem>>, vector<16xi32>,
    %gather3A_1214 = tpu.vector_load_idx %arg10[%get3A_1211] : memref<1000xf32, #tpu.memory_space<vmem>>[vector<16xi32>], vector<16xf32>,
    %iota3A_1215 = tpu.iota {dimensions = array<i32: 0>} : vector<16xi32>
    %add3A_1216 = arith.constant 0 : i32
    %add3A_1217 = vector.broadcast %add3A_1216 : i32 to vector<16xi32>
    %add3A_1218 = arith.addi %iota3A_1215, %add3A_1217 : vector<16xi32>
    %gather3A_1219 = tpu.vector_load_idx %arg12[%add3A_1218, %get3A_1213] : memref<32x1024xf32, #tpu.memory_space<vmem>>[vector<16xi32>, vector<16xi32>], vector<16xf32>,
    %get3A_1220 = arith.constant 0 : index
    %get3A_1221 = tpu.vector_load %arg13[%get3A_1220] {strides = array<i32>} : memref<16xf32, #tpu.memory_space<vmem>>, vector<16xf32>,
    %sub3A_1222 = arith.subf %gather3A_1214, %gather3A_1219 : vector<16xf32>
    %add3A_1223 = arith.addf %get3A_1221, %sub3A_1222 : vector<16xf32>
    %swap3A_1224 = arith.constant 0 : index
    %swap3A_1225 = tpu.vector_load %arg13[%swap3A_1224] {strides = array<i32>} : memref<16xf32, #tpu.memory_space<vmem>>, vector<16xf32>,
    tpu.vector_store %arg13[%swap3A_1224], %add3A_1223 {strides = array<i32>} : memref<16xf32, #tpu.memory_space<vmem>>, vector<16xf32>,
    %get3A_1226 = arith.constant 752 : index
    %get3A_1227 = tpu.vector_load %arg8[%get3A_1226] {strides = array<i32>} : memref<1024xi32, #tpu.memory_space<vmem>>, vector<16xi32>,
    %get3A_1228 = arith.constant 752 : index
    %get3A_1229 = tpu.vector_load %arg9[%get3A_1228] {strides = array<i32>} : memref<1024xi32, #tpu.memory_space<vmem>>, vector<16xi32>,
    %gather3A_1230 = tpu.vector_load_idx %arg10[%get3A_1227] : memref<1000xf32, #tpu.memory_space<vmem>>[vector<16xi32>], vector<16xf32>,
    %iota3A_1231 = tpu.iota {dimensions = array<i32: 0>} : vector<16xi32>
    %add3A_1232 = arith.constant 16 : i32
    %add3A_1233 = vector.broadcast %add3A_1232 : i32 to vector<16xi32>
    %add3A_1234 = arith.addi %iota3A_1231, %add3A_1233 : vector<16xi32>
    %gather3A_1235 = tpu.vector_load_idx %arg12[%add3A_1234, %get3A_1229] : memref<32x1024xf32, #tpu.memory_space<vmem>>[vector<16xi32>, vector<16xi32>], vector<16xf32>,
    %get3A_1236 = arith.constant 0 : index
    %get3A_1237 = tpu.vector_load %arg13[%get3A_1236] {strides = array<i32>} : memref<16xf32, #tpu.memory_space<vmem>>, vector<16xf32>,
    %sub3A_1238 = arith.subf %gather3A_1230, %gather3A_1235 : vector<16xf32>
    %add3A_1239 = arith.addf %get3A_1237, %sub3A_1238 : vector<16xf32>
    %swap3A_1240 = arith.constant 0 : index
    %swap3A_1241 = tpu.vector_load %arg13[%swap3A_1240] {strides = array<i32>} : memref<16xf32, #tpu.memory_space<vmem>>, vector<16xf32>,
    tpu.vector_store %arg13[%swap3A_1240], %add3A_1239 {strides = array<i32>} : memref<16xf32, #tpu.memory_space<vmem>>, vector<16xf32>,
    %add3A_1242 = arith.constant 736 : i32
    %add3A_1243 = arith.addi %mul3A_2, %add3A_1242 : i32
    %dma_start3A_1244 = arith.constant 0 : i32
    %dma_start3A_1245 = tpu.memref_slice %arg6[%add3A_1243, %dma_start3A_1244] : memref<32768x1024xf32, #tpu.memory_space<hbm>> -> memref<32x1024xf32, #tpu.memory_space<hbm>>
    %dma_start3A_1246 = arith.constant 0 : i32
    %dma_start3A_1247 = tpu.memref_slice %arg6[%add3A_1243, %dma_start3A_1246] : memref<32768x1024xf32, #tpu.memory_space<hbm>> -> memref<32x1024xf32, #tpu.memory_space<hbm>>
    tpu.enqueue_dma source(%arg12 : memref<32x1024xf32, #tpu.memory_space<vmem>>) target(%dma_start3A_1247 : memref<32x1024xf32, #tpu.memory_space<hbm>>) target_semaphore(%arg15 : memref<!tpu.dma_semaphore, #tpu.memory_space<semaphore_mem>>)
    %dma_wait3A_1248 = arith.constant 768 : i32
    %dma_wait3A_1249 = tpu.memref_slice %arg8[%dma_wait3A_1248] : memref<1024xi32, #tpu.memory_space<vmem>> -> memref<32xi32, #tpu.memory_space<vmem>>
    %dma_wait3A_1250 = arith.constant 0 : i32
    %dma_wait3A_1251 = arith.constant 0 : i32
    %dma_wait3A_1252 = tpu.memref_slice %arg4[%dma_wait3A_1250, %dma_wait3A_1251] : memref<1000x1024xf32, #tpu.memory_space<hbm>> -> memref<1000x1024xf32, #tpu.memory_space<hbm>>
    tpu.wait_indirect_dma semaphore(%arg14 : memref<!tpu.dma_semaphore, #tpu.memory_space<semaphore_mem>>) src(%dma_wait3A_1252 : memref<1000x1024xf32, #tpu.memory_space<hbm>>) dst(%arg11 : memref<32x1024xf32, #tpu.memory_space<vmem>>)
    %dma_wait3A_1253 = arith.constant 0 : i32
    %dma_wait3A_1254 = tpu.memref_slice %arg6[%add3A_1243, %dma_wait3A_1253] : memref<32768x1024xf32, #tpu.memory_space<hbm>> -> memref<32x1024xf32, #tpu.memory_space<hbm>>
    %dma_wait3A_1255 = arith.constant 0 : i32
    %dma_wait3A_1256 = tpu.memref_slice %arg6[%add3A_1243, %dma_wait3A_1255] : memref<32768x1024xf32, #tpu.memory_space<hbm>> -> memref<32x1024xf32, #tpu.memory_space<hbm>>
    tpu.wait_dma2 semaphore(%arg15 : memref<!tpu.dma_semaphore, #tpu.memory_space<semaphore_mem>>) src(%arg12 : memref<32x1024xf32, #tpu.memory_space<vmem>>) dst(%dma_wait3A_1256 : memref<32x1024xf32, #tpu.memory_space<hbm>>)
    %dma_start3A_1257 = arith.constant 800 : i32
    %dma_start3A_1258 = tpu.memref_slice %arg8[%dma_start3A_1257] : memref<1024xi32, #tpu.memory_space<vmem>> -> memref<32xi32, #tpu.memory_space<vmem>>
    %dma_start3A_1259 = arith.constant 0 : i32
    %dma_start3A_1260 = arith.constant 0 : i32
    %dma_start3A_1261 = tpu.memref_slice %arg4[%dma_start3A_1259, %dma_start3A_1260] : memref<1000x1024xf32, #tpu.memory_space<hbm>> -> memref<1000x1024xf32, #tpu.memory_space<hbm>>
    tpu.enqueue_indirect_dma source(%dma_start3A_1261 : memref<1000x1024xf32, #tpu.memory_space<hbm>>) target(%arg12 : memref<32x1024xf32, #tpu.memory_space<vmem>>) offsets(%dma_start3A_1258 : memref<32xi32, #tpu.memory_space<vmem>>) semaphore(%arg14 : memref<!tpu.dma_semaphore, #tpu.memory_space<semaphore_mem>>)
    %get3A_1262 = arith.constant 768 : index
    %get3A_1263 = tpu.vector_load %arg8[%get3A_1262] {strides = array<i32>} : memref<1024xi32, #tpu.memory_space<vmem>>, vector<16xi32>,
    %get3A_1264 = arith.constant 768 : index
    %get3A_1265 = tpu.vector_load %arg9[%get3A_1264] {strides = array<i32>} : memref<1024xi32, #tpu.memory_space<vmem>>, vector<16xi32>,
    %gather3A_1266 = tpu.vector_load_idx %arg10[%get3A_1263] : memref<1000xf32, #tpu.memory_space<vmem>>[vector<16xi32>], vector<16xf32>,
    %iota3A_1267 = tpu.iota {dimensions = array<i32: 0>} : vector<16xi32>
    %add3A_1268 = arith.constant 0 : i32
    %add3A_1269 = vector.broadcast %add3A_1268 : i32 to vector<16xi32>
    %add3A_1270 = arith.addi %iota3A_1267, %add3A_1269 : vector<16xi32>
    %gather3A_1271 = tpu.vector_load_idx %arg11[%add3A_1270, %get3A_1265] : memref<32x1024xf32, #tpu.memory_space<vmem>>[vector<16xi32>, vector<16xi32>], vector<16xf32>,
    %get3A_1272 = arith.constant 0 : index
    %get3A_1273 = tpu.vector_load %arg13[%get3A_1272] {strides = array<i32>} : memref<16xf32, #tpu.memory_space<vmem>>, vector<16xf32>,
    %sub3A_1274 = arith.subf %gather3A_1266, %gather3A_1271 : vector<16xf32>
    %add3A_1275 = arith.addf %get3A_1273, %sub3A_1274 : vector<16xf32>
    %swap3A_1276 = arith.constant 0 : index
    %swap3A_1277 = tpu.vector_load %arg13[%swap3A_1276] {strides = array<i32>} : memref<16xf32, #tpu.memory_space<vmem>>, vector<16xf32>,
    tpu.vector_store %arg13[%swap3A_1276], %add3A_1275 {strides = array<i32>} : memref<16xf32, #tpu.memory_space<vmem>>, vector<16xf32>,
    %get3A_1278 = arith.constant 784 : index
    %get3A_1279 = tpu.vector_load %arg8[%get3A_1278] {strides = array<i32>} : memref<1024xi32, #tpu.memory_space<vmem>>, vector<16xi32>,
    %get3A_1280 = arith.constant 784 : index
    %get3A_1281 = tpu.vector_load %arg9[%get3A_1280] {strides = array<i32>} : memref<1024xi32, #tpu.memory_space<vmem>>, vector<16xi32>,
    %gather3A_1282 = tpu.vector_load_idx %arg10[%get3A_1279] : memref<1000xf32, #tpu.memory_space<vmem>>[vector<16xi32>], vector<16xf32>,
    %iota3A_1283 = tpu.iota {dimensions = array<i32: 0>} : vector<16xi32>
    %add3A_1284 = arith.constant 16 : i32
    %add3A_1285 = vector.broadcast %add3A_1284 : i32 to vector<16xi32>
    %add3A_1286 = arith.addi %iota3A_1283, %add3A_1285 : vector<16xi32>
    %gather3A_1287 = tpu.vector_load_idx %arg11[%add3A_1286, %get3A_1281] : memref<32x1024xf32, #tpu.memory_space<vmem>>[vector<16xi32>, vector<16xi32>], vector<16xf32>,
    %get3A_1288 = arith.constant 0 : index
    %get3A_1289 = tpu.vector_load %arg13[%get3A_1288] {strides = array<i32>} : memref<16xf32, #tpu.memory_space<vmem>>, vector<16xf32>,
    %sub3A_1290 = arith.subf %gather3A_1282, %gather3A_1287 : vector<16xf32>
    %add3A_1291 = arith.addf %get3A_1289, %sub3A_1290 : vector<16xf32>
    %swap3A_1292 = arith.constant 0 : index
    %swap3A_1293 = tpu.vector_load %arg13[%swap3A_1292] {strides = array<i32>} : memref<16xf32, #tpu.memory_space<vmem>>, vector<16xf32>,
    tpu.vector_store %arg13[%swap3A_1292], %add3A_1291 {strides = array<i32>} : memref<16xf32, #tpu.memory_space<vmem>>, vector<16xf32>,
    %add3A_1294 = arith.constant 768 : i32
    %add3A_1295 = arith.addi %mul3A_2, %add3A_1294 : i32
    %dma_start3A_1296 = arith.constant 0 : i32
    %dma_start3A_1297 = tpu.memref_slice %arg6[%add3A_1295, %dma_start3A_1296] : memref<32768x1024xf32, #tpu.memory_space<hbm>> -> memref<32x1024xf32, #tpu.memory_space<hbm>>
    %dma_start3A_1298 = arith.constant 0 : i32
    %dma_start3A_1299 = tpu.memref_slice %arg6[%add3A_1295, %dma_start3A_1298] : memref<32768x1024xf32, #tpu.memory_space<hbm>> -> memref<32x1024xf32, #tpu.memory_space<hbm>>
    tpu.enqueue_dma source(%arg11 : memref<32x1024xf32, #tpu.memory_space<vmem>>) target(%dma_start3A_1299 : memref<32x1024xf32, #tpu.memory_space<hbm>>) target_semaphore(%arg15 : memref<!tpu.dma_semaphore, #tpu.memory_space<semaphore_mem>>)
    %dma_wait3A_1300 = arith.constant 800 : i32
    %dma_wait3A_1301 = tpu.memref_slice %arg8[%dma_wait3A_1300] : memref<1024xi32, #tpu.memory_space<vmem>> -> memref<32xi32, #tpu.memory_space<vmem>>
    %dma_wait3A_1302 = arith.constant 0 : i32
    %dma_wait3A_1303 = arith.constant 0 : i32
    %dma_wait3A_1304 = tpu.memref_slice %arg4[%dma_wait3A_1302, %dma_wait3A_1303] : memref<1000x1024xf32, #tpu.memory_space<hbm>> -> memref<1000x1024xf32, #tpu.memory_space<hbm>>
    tpu.wait_indirect_dma semaphore(%arg14 : memref<!tpu.dma_semaphore, #tpu.memory_space<semaphore_mem>>) src(%dma_wait3A_1304 : memref<1000x1024xf32, #tpu.memory_space<hbm>>) dst(%arg12 : memref<32x1024xf32, #tpu.memory_space<vmem>>)
    %dma_wait3A_1305 = arith.constant 0 : i32
    %dma_wait3A_1306 = tpu.memref_slice %arg6[%add3A_1295, %dma_wait3A_1305] : memref<32768x1024xf32, #tpu.memory_space<hbm>> -> memref<32x1024xf32, #tpu.memory_space<hbm>>
    %dma_wait3A_1307 = arith.constant 0 : i32
    %dma_wait3A_1308 = tpu.memref_slice %arg6[%add3A_1295, %dma_wait3A_1307] : memref<32768x1024xf32, #tpu.memory_space<hbm>> -> memref<32x1024xf32, #tpu.memory_space<hbm>>
    tpu.wait_dma2 semaphore(%arg15 : memref<!tpu.dma_semaphore, #tpu.memory_space<semaphore_mem>>) src(%arg11 : memref<32x1024xf32, #tpu.memory_space<vmem>>) dst(%dma_wait3A_1308 : memref<32x1024xf32, #tpu.memory_space<hbm>>)
    %dma_start3A_1309 = arith.constant 832 : i32
    %dma_start3A_1310 = tpu.memref_slice %arg8[%dma_start3A_1309] : memref<1024xi32, #tpu.memory_space<vmem>> -> memref<32xi32, #tpu.memory_space<vmem>>
    %dma_start3A_1311 = arith.constant 0 : i32
    %dma_start3A_1312 = arith.constant 0 : i32
    %dma_start3A_1313 = tpu.memref_slice %arg4[%dma_start3A_1311, %dma_start3A_1312] : memref<1000x1024xf32, #tpu.memory_space<hbm>> -> memref<1000x1024xf32, #tpu.memory_space<hbm>>
    tpu.enqueue_indirect_dma source(%dma_start3A_1313 : memref<1000x1024xf32, #tpu.memory_space<hbm>>) target(%arg11 : memref<32x1024xf32, #tpu.memory_space<vmem>>) offsets(%dma_start3A_1310 : memref<32xi32, #tpu.memory_space<vmem>>) semaphore(%arg14 : memref<!tpu.dma_semaphore, #tpu.memory_space<semaphore_mem>>)
    %get3A_1314 = arith.constant 800 : index
    %get3A_1315 = tpu.vector_load %arg8[%get3A_1314] {strides = array<i32>} : memref<1024xi32, #tpu.memory_space<vmem>>, vector<16xi32>,
    %get3A_1316 = arith.constant 800 : index
    %get3A_1317 = tpu.vector_load %arg9[%get3A_1316] {strides = array<i32>} : memref<1024xi32, #tpu.memory_space<vmem>>, vector<16xi32>,
    %gather3A_1318 = tpu.vector_load_idx %arg10[%get3A_1315] : memref<1000xf32, #tpu.memory_space<vmem>>[vector<16xi32>], vector<16xf32>,
    %iota3A_1319 = tpu.iota {dimensions = array<i32: 0>} : vector<16xi32>
    %add3A_1320 = arith.constant 0 : i32
    %add3A_1321 = vector.broadcast %add3A_1320 : i32 to vector<16xi32>
    %add3A_1322 = arith.addi %iota3A_1319, %add3A_1321 : vector<16xi32>
    %gather3A_1323 = tpu.vector_load_idx %arg12[%add3A_1322, %get3A_1317] : memref<32x1024xf32, #tpu.memory_space<vmem>>[vector<16xi32>, vector<16xi32>], vector<16xf32>,
    %get3A_1324 = arith.constant 0 : index
    %get3A_1325 = tpu.vector_load %arg13[%get3A_1324] {strides = array<i32>} : memref<16xf32, #tpu.memory_space<vmem>>, vector<16xf32>,
    %sub3A_1326 = arith.subf %gather3A_1318, %gather3A_1323 : vector<16xf32>
    %add3A_1327 = arith.addf %get3A_1325, %sub3A_1326 : vector<16xf32>
    %swap3A_1328 = arith.constant 0 : index
    %swap3A_1329 = tpu.vector_load %arg13[%swap3A_1328] {strides = array<i32>} : memref<16xf32, #tpu.memory_space<vmem>>, vector<16xf32>,
    tpu.vector_store %arg13[%swap3A_1328], %add3A_1327 {strides = array<i32>} : memref<16xf32, #tpu.memory_space<vmem>>, vector<16xf32>,
    %get3A_1330 = arith.constant 816 : index
    %get3A_1331 = tpu.vector_load %arg8[%get3A_1330] {strides = array<i32>} : memref<1024xi32, #tpu.memory_space<vmem>>, vector<16xi32>,
    %get3A_1332 = arith.constant 816 : index
    %get3A_1333 = tpu.vector_load %arg9[%get3A_1332] {strides = array<i32>} : memref<1024xi32, #tpu.memory_space<vmem>>, vector<16xi32>,
    %gather3A_1334 = tpu.vector_load_idx %arg10[%get3A_1331] : memref<1000xf32, #tpu.memory_space<vmem>>[vector<16xi32>], vector<16xf32>,
    %iota3A_1335 = tpu.iota {dimensions = array<i32: 0>} : vector<16xi32>
    %add3A_1336 = arith.constant 16 : i32
    %add3A_1337 = vector.broadcast %add3A_1336 : i32 to vector<16xi32>
    %add3A_1338 = arith.addi %iota3A_1335, %add3A_1337 : vector<16xi32>
    %gather3A_1339 = tpu.vector_load_idx %arg12[%add3A_1338, %get3A_1333] : memref<32x1024xf32, #tpu.memory_space<vmem>>[vector<16xi32>, vector<16xi32>], vector<16xf32>,
    %get3A_1340 = arith.constant 0 : index
    %get3A_1341 = tpu.vector_load %arg13[%get3A_1340] {strides = array<i32>} : memref<16xf32, #tpu.memory_space<vmem>>, vector<16xf32>,
    %sub3A_1342 = arith.subf %gather3A_1334, %gather3A_1339 : vector<16xf32>
    %add3A_1343 = arith.addf %get3A_1341, %sub3A_1342 : vector<16xf32>
    %swap3A_1344 = arith.constant 0 : index
    %swap3A_1345 = tpu.vector_load %arg13[%swap3A_1344] {strides = array<i32>} : memref<16xf32, #tpu.memory_space<vmem>>, vector<16xf32>,
    tpu.vector_store %arg13[%swap3A_1344], %add3A_1343 {strides = array<i32>} : memref<16xf32, #tpu.memory_space<vmem>>, vector<16xf32>,
    %add3A_1346 = arith.constant 800 : i32
    %add3A_1347 = arith.addi %mul3A_2, %add3A_1346 : i32
    %dma_start3A_1348 = arith.constant 0 : i32
    %dma_start3A_1349 = tpu.memref_slice %arg6[%add3A_1347, %dma_start3A_1348] : memref<32768x1024xf32, #tpu.memory_space<hbm>> -> memref<32x1024xf32, #tpu.memory_space<hbm>>
    %dma_start3A_1350 = arith.constant 0 : i32
    %dma_start3A_1351 = tpu.memref_slice %arg6[%add3A_1347, %dma_start3A_1350] : memref<32768x1024xf32, #tpu.memory_space<hbm>> -> memref<32x1024xf32, #tpu.memory_space<hbm>>
    tpu.enqueue_dma source(%arg12 : memref<32x1024xf32, #tpu.memory_space<vmem>>) target(%dma_start3A_1351 : memref<32x1024xf32, #tpu.memory_space<hbm>>) target_semaphore(%arg15 : memref<!tpu.dma_semaphore, #tpu.memory_space<semaphore_mem>>)
    %dma_wait3A_1352 = arith.constant 832 : i32
    %dma_wait3A_1353 = tpu.memref_slice %arg8[%dma_wait3A_1352] : memref<1024xi32, #tpu.memory_space<vmem>> -> memref<32xi32, #tpu.memory_space<vmem>>
    %dma_wait3A_1354 = arith.constant 0 : i32
    %dma_wait3A_1355 = arith.constant 0 : i32
    %dma_wait3A_1356 = tpu.memref_slice %arg4[%dma_wait3A_1354, %dma_wait3A_1355] : memref<1000x1024xf32, #tpu.memory_space<hbm>> -> memref<1000x1024xf32, #tpu.memory_space<hbm>>
    tpu.wait_indirect_dma semaphore(%arg14 : memref<!tpu.dma_semaphore, #tpu.memory_space<semaphore_mem>>) src(%dma_wait3A_1356 : memref<1000x1024xf32, #tpu.memory_space<hbm>>) dst(%arg11 : memref<32x1024xf32, #tpu.memory_space<vmem>>)
    %dma_wait3A_1357 = arith.constant 0 : i32
    %dma_wait3A_1358 = tpu.memref_slice %arg6[%add3A_1347, %dma_wait3A_1357] : memref<32768x1024xf32, #tpu.memory_space<hbm>> -> memref<32x1024xf32, #tpu.memory_space<hbm>>
    %dma_wait3A_1359 = arith.constant 0 : i32
    %dma_wait3A_1360 = tpu.memref_slice %arg6[%add3A_1347, %dma_wait3A_1359] : memref<32768x1024xf32, #tpu.memory_space<hbm>> -> memref<32x1024xf32, #tpu.memory_space<hbm>>
    tpu.wait_dma2 semaphore(%arg15 : memref<!tpu.dma_semaphore, #tpu.memory_space<semaphore_mem>>) src(%arg12 : memref<32x1024xf32, #tpu.memory_space<vmem>>) dst(%dma_wait3A_1360 : memref<32x1024xf32, #tpu.memory_space<hbm>>)
    %dma_start3A_1361 = arith.constant 864 : i32
    %dma_start3A_1362 = tpu.memref_slice %arg8[%dma_start3A_1361] : memref<1024xi32, #tpu.memory_space<vmem>> -> memref<32xi32, #tpu.memory_space<vmem>>
    %dma_start3A_1363 = arith.constant 0 : i32
    %dma_start3A_1364 = arith.constant 0 : i32
    %dma_start3A_1365 = tpu.memref_slice %arg4[%dma_start3A_1363, %dma_start3A_1364] : memref<1000x1024xf32, #tpu.memory_space<hbm>> -> memref<1000x1024xf32, #tpu.memory_space<hbm>>
    tpu.enqueue_indirect_dma source(%dma_start3A_1365 : memref<1000x1024xf32, #tpu.memory_space<hbm>>) target(%arg12 : memref<32x1024xf32, #tpu.memory_space<vmem>>) offsets(%dma_start3A_1362 : memref<32xi32, #tpu.memory_space<vmem>>) semaphore(%arg14 : memref<!tpu.dma_semaphore, #tpu.memory_space<semaphore_mem>>)
    %get3A_1366 = arith.constant 832 : index
    %get3A_1367 = tpu.vector_load %arg8[%get3A_1366] {strides = array<i32>} : memref<1024xi32, #tpu.memory_space<vmem>>, vector<16xi32>,
    %get3A_1368 = arith.constant 832 : index
    %get3A_1369 = tpu.vector_load %arg9[%get3A_1368] {strides = array<i32>} : memref<1024xi32, #tpu.memory_space<vmem>>, vector<16xi32>,
    %gather3A_1370 = tpu.vector_load_idx %arg10[%get3A_1367] : memref<1000xf32, #tpu.memory_space<vmem>>[vector<16xi32>], vector<16xf32>,
    %iota3A_1371 = tpu.iota {dimensions = array<i32: 0>} : vector<16xi32>
    %add3A_1372 = arith.constant 0 : i32
    %add3A_1373 = vector.broadcast %add3A_1372 : i32 to vector<16xi32>
    %add3A_1374 = arith.addi %iota3A_1371, %add3A_1373 : vector<16xi32>
    %gather3A_1375 = tpu.vector_load_idx %arg11[%add3A_1374, %get3A_1369] : memref<32x1024xf32, #tpu.memory_space<vmem>>[vector<16xi32>, vector<16xi32>], vector<16xf32>,
    %get3A_1376 = arith.constant 0 : index
    %get3A_1377 = tpu.vector_load %arg13[%get3A_1376] {strides = array<i32>} : memref<16xf32, #tpu.memory_space<vmem>>, vector<16xf32>,
    %sub3A_1378 = arith.subf %gather3A_1370, %gather3A_1375 : vector<16xf32>
    %add3A_1379 = arith.addf %get3A_1377, %sub3A_1378 : vector<16xf32>
    %swap3A_1380 = arith.constant 0 : index
    %swap3A_1381 = tpu.vector_load %arg13[%swap3A_1380] {strides = array<i32>} : memref<16xf32, #tpu.memory_space<vmem>>, vector<16xf32>,
    tpu.vector_store %arg13[%swap3A_1380], %add3A_1379 {strides = array<i32>} : memref<16xf32, #tpu.memory_space<vmem>>, vector<16xf32>,
    %get3A_1382 = arith.constant 848 : index
    %get3A_1383 = tpu.vector_load %arg8[%get3A_1382] {strides = array<i32>} : memref<1024xi32, #tpu.memory_space<vmem>>, vector<16xi32>,
    %get3A_1384 = arith.constant 848 : index
    %get3A_1385 = tpu.vector_load %arg9[%get3A_1384] {strides = array<i32>} : memref<1024xi32, #tpu.memory_space<vmem>>, vector<16xi32>,
    %gather3A_1386 = tpu.vector_load_idx %arg10[%get3A_1383] : memref<1000xf32, #tpu.memory_space<vmem>>[vector<16xi32>], vector<16xf32>,
    %iota3A_1387 = tpu.iota {dimensions = array<i32: 0>} : vector<16xi32>
    %add3A_1388 = arith.constant 16 : i32
    %add3A_1389 = vector.broadcast %add3A_1388 : i32 to vector<16xi32>
    %add3A_1390 = arith.addi %iota3A_1387, %add3A_1389 : vector<16xi32>
    %gather3A_1391 = tpu.vector_load_idx %arg11[%add3A_1390, %get3A_1385] : memref<32x1024xf32, #tpu.memory_space<vmem>>[vector<16xi32>, vector<16xi32>], vector<16xf32>,
    %get3A_1392 = arith.constant 0 : index
    %get3A_1393 = tpu.vector_load %arg13[%get3A_1392] {strides = array<i32>} : memref<16xf32, #tpu.memory_space<vmem>>, vector<16xf32>,
    %sub3A_1394 = arith.subf %gather3A_1386, %gather3A_1391 : vector<16xf32>
    %add3A_1395 = arith.addf %get3A_1393, %sub3A_1394 : vector<16xf32>
    %swap3A_1396 = arith.constant 0 : index
    %swap3A_1397 = tpu.vector_load %arg13[%swap3A_1396] {strides = array<i32>} : memref<16xf32, #tpu.memory_space<vmem>>, vector<16xf32>,
    tpu.vector_store %arg13[%swap3A_1396], %add3A_1395 {strides = array<i32>} : memref<16xf32, #tpu.memory_space<vmem>>, vector<16xf32>,
    %add3A_1398 = arith.constant 832 : i32
    %add3A_1399 = arith.addi %mul3A_2, %add3A_1398 : i32
    %dma_start3A_1400 = arith.constant 0 : i32
    %dma_start3A_1401 = tpu.memref_slice %arg6[%add3A_1399, %dma_start3A_1400] : memref<32768x1024xf32, #tpu.memory_space<hbm>> -> memref<32x1024xf32, #tpu.memory_space<hbm>>
    %dma_start3A_1402 = arith.constant 0 : i32
    %dma_start3A_1403 = tpu.memref_slice %arg6[%add3A_1399, %dma_start3A_1402] : memref<32768x1024xf32, #tpu.memory_space<hbm>> -> memref<32x1024xf32, #tpu.memory_space<hbm>>
    tpu.enqueue_dma source(%arg11 : memref<32x1024xf32, #tpu.memory_space<vmem>>) target(%dma_start3A_1403 : memref<32x1024xf32, #tpu.memory_space<hbm>>) target_semaphore(%arg15 : memref<!tpu.dma_semaphore, #tpu.memory_space<semaphore_mem>>)
    %dma_wait3A_1404 = arith.constant 864 : i32
    %dma_wait3A_1405 = tpu.memref_slice %arg8[%dma_wait3A_1404] : memref<1024xi32, #tpu.memory_space<vmem>> -> memref<32xi32, #tpu.memory_space<vmem>>
    %dma_wait3A_1406 = arith.constant 0 : i32
    %dma_wait3A_1407 = arith.constant 0 : i32
    %dma_wait3A_1408 = tpu.memref_slice %arg4[%dma_wait3A_1406, %dma_wait3A_1407] : memref<1000x1024xf32, #tpu.memory_space<hbm>> -> memref<1000x1024xf32, #tpu.memory_space<hbm>>
    tpu.wait_indirect_dma semaphore(%arg14 : memref<!tpu.dma_semaphore, #tpu.memory_space<semaphore_mem>>) src(%dma_wait3A_1408 : memref<1000x1024xf32, #tpu.memory_space<hbm>>) dst(%arg12 : memref<32x1024xf32, #tpu.memory_space<vmem>>)
    %dma_wait3A_1409 = arith.constant 0 : i32
    %dma_wait3A_1410 = tpu.memref_slice %arg6[%add3A_1399, %dma_wait3A_1409] : memref<32768x1024xf32, #tpu.memory_space<hbm>> -> memref<32x1024xf32, #tpu.memory_space<hbm>>
    %dma_wait3A_1411 = arith.constant 0 : i32
    %dma_wait3A_1412 = tpu.memref_slice %arg6[%add3A_1399, %dma_wait3A_1411] : memref<32768x1024xf32, #tpu.memory_space<hbm>> -> memref<32x1024xf32, #tpu.memory_space<hbm>>
    tpu.wait_dma2 semaphore(%arg15 : memref<!tpu.dma_semaphore, #tpu.memory_space<semaphore_mem>>) src(%arg11 : memref<32x1024xf32, #tpu.memory_space<vmem>>) dst(%dma_wait3A_1412 : memref<32x1024xf32, #tpu.memory_space<hbm>>)
    %dma_start3A_1413 = arith.constant 896 : i32
    %dma_start3A_1414 = tpu.memref_slice %arg8[%dma_start3A_1413] : memref<1024xi32, #tpu.memory_space<vmem>> -> memref<32xi32, #tpu.memory_space<vmem>>
    %dma_start3A_1415 = arith.constant 0 : i32
    %dma_start3A_1416 = arith.constant 0 : i32
    %dma_start3A_1417 = tpu.memref_slice %arg4[%dma_start3A_1415, %dma_start3A_1416] : memref<1000x1024xf32, #tpu.memory_space<hbm>> -> memref<1000x1024xf32, #tpu.memory_space<hbm>>
    tpu.enqueue_indirect_dma source(%dma_start3A_1417 : memref<1000x1024xf32, #tpu.memory_space<hbm>>) target(%arg11 : memref<32x1024xf32, #tpu.memory_space<vmem>>) offsets(%dma_start3A_1414 : memref<32xi32, #tpu.memory_space<vmem>>) semaphore(%arg14 : memref<!tpu.dma_semaphore, #tpu.memory_space<semaphore_mem>>)
    %get3A_1418 = arith.constant 864 : index
    %get3A_1419 = tpu.vector_load %arg8[%get3A_1418] {strides = array<i32>} : memref<1024xi32, #tpu.memory_space<vmem>>, vector<16xi32>,
    %get3A_1420 = arith.constant 864 : index
    %get3A_1421 = tpu.vector_load %arg9[%get3A_1420] {strides = array<i32>} : memref<1024xi32, #tpu.memory_space<vmem>>, vector<16xi32>,
    %gather3A_1422 = tpu.vector_load_idx %arg10[%get3A_1419] : memref<1000xf32, #tpu.memory_space<vmem>>[vector<16xi32>], vector<16xf32>,
    %iota3A_1423 = tpu.iota {dimensions = array<i32: 0>} : vector<16xi32>
    %add3A_1424 = arith.constant 0 : i32
    %add3A_1425 = vector.broadcast %add3A_1424 : i32 to vector<16xi32>
    %add3A_1426 = arith.addi %iota3A_1423, %add3A_1425 : vector<16xi32>
    %gather3A_1427 = tpu.vector_load_idx %arg12[%add3A_1426, %get3A_1421] : memref<32x1024xf32, #tpu.memory_space<vmem>>[vector<16xi32>, vector<16xi32>], vector<16xf32>,
    %get3A_1428 = arith.constant 0 : index
    %get3A_1429 = tpu.vector_load %arg13[%get3A_1428] {strides = array<i32>} : memref<16xf32, #tpu.memory_space<vmem>>, vector<16xf32>,
    %sub3A_1430 = arith.subf %gather3A_1422, %gather3A_1427 : vector<16xf32>
    %add3A_1431 = arith.addf %get3A_1429, %sub3A_1430 : vector<16xf32>
    %swap3A_1432 = arith.constant 0 : index
    %swap3A_1433 = tpu.vector_load %arg13[%swap3A_1432] {strides = array<i32>} : memref<16xf32, #tpu.memory_space<vmem>>, vector<16xf32>,
    tpu.vector_store %arg13[%swap3A_1432], %add3A_1431 {strides = array<i32>} : memref<16xf32, #tpu.memory_space<vmem>>, vector<16xf32>,
    %get3A_1434 = arith.constant 880 : index
    %get3A_1435 = tpu.vector_load %arg8[%get3A_1434] {strides = array<i32>} : memref<1024xi32, #tpu.memory_space<vmem>>, vector<16xi32>,
    %get3A_1436 = arith.constant 880 : index
    %get3A_1437 = tpu.vector_load %arg9[%get3A_1436] {strides = array<i32>} : memref<1024xi32, #tpu.memory_space<vmem>>, vector<16xi32>,
    %gather3A_1438 = tpu.vector_load_idx %arg10[%get3A_1435] : memref<1000xf32, #tpu.memory_space<vmem>>[vector<16xi32>], vector<16xf32>,
    %iota3A_1439 = tpu.iota {dimensions = array<i32: 0>} : vector<16xi32>
    %add3A_1440 = arith.constant 16 : i32
    %add3A_1441 = vector.broadcast %add3A_1440 : i32 to vector<16xi32>
    %add3A_1442 = arith.addi %iota3A_1439, %add3A_1441 : vector<16xi32>
    %gather3A_1443 = tpu.vector_load_idx %arg12[%add3A_1442, %get3A_1437] : memref<32x1024xf32, #tpu.memory_space<vmem>>[vector<16xi32>, vector<16xi32>], vector<16xf32>,
    %get3A_1444 = arith.constant 0 : index
    %get3A_1445 = tpu.vector_load %arg13[%get3A_1444] {strides = array<i32>} : memref<16xf32, #tpu.memory_space<vmem>>, vector<16xf32>,
    %sub3A_1446 = arith.subf %gather3A_1438, %gather3A_1443 : vector<16xf32>
    %add3A_1447 = arith.addf %get3A_1445, %sub3A_1446 : vector<16xf32>
    %swap3A_1448 = arith.constant 0 : index
    %swap3A_1449 = tpu.vector_load %arg13[%swap3A_1448] {strides = array<i32>} : memref<16xf32, #tpu.memory_space<vmem>>, vector<16xf32>,
    tpu.vector_store %arg13[%swap3A_1448], %add3A_1447 {strides = array<i32>} : memref<16xf32, #tpu.memory_space<vmem>>, vector<16xf32>,
    %add3A_1450 = arith.constant 864 : i32
    %add3A_1451 = arith.addi %mul3A_2, %add3A_1450 : i32
    %dma_start3A_1452 = arith.constant 0 : i32
    %dma_start3A_1453 = tpu.memref_slice %arg6[%add3A_1451, %dma_start3A_1452] : memref<32768x1024xf32, #tpu.memory_space<hbm>> -> memref<32x1024xf32, #tpu.memory_space<hbm>>
    %dma_start3A_1454 = arith.constant 0 : i32
    %dma_start3A_1455 = tpu.memref_slice %arg6[%add3A_1451, %dma_start3A_1454] : memref<32768x1024xf32, #tpu.memory_space<hbm>> -> memref<32x1024xf32, #tpu.memory_space<hbm>>
    tpu.enqueue_dma source(%arg12 : memref<32x1024xf32, #tpu.memory_space<vmem>>) target(%dma_start3A_1455 : memref<32x1024xf32, #tpu.memory_space<hbm>>) target_semaphore(%arg15 : memref<!tpu.dma_semaphore, #tpu.memory_space<semaphore_mem>>)
    %dma_wait3A_1456 = arith.constant 896 : i32
    %dma_wait3A_1457 = tpu.memref_slice %arg8[%dma_wait3A_1456] : memref<1024xi32, #tpu.memory_space<vmem>> -> memref<32xi32, #tpu.memory_space<vmem>>
    %dma_wait3A_1458 = arith.constant 0 : i32
    %dma_wait3A_1459 = arith.constant 0 : i32
    %dma_wait3A_1460 = tpu.memref_slice %arg4[%dma_wait3A_1458, %dma_wait3A_1459] : memref<1000x1024xf32, #tpu.memory_space<hbm>> -> memref<1000x1024xf32, #tpu.memory_space<hbm>>
    tpu.wait_indirect_dma semaphore(%arg14 : memref<!tpu.dma_semaphore, #tpu.memory_space<semaphore_mem>>) src(%dma_wait3A_1460 : memref<1000x1024xf32, #tpu.memory_space<hbm>>) dst(%arg11 : memref<32x1024xf32, #tpu.memory_space<vmem>>)
    %dma_wait3A_1461 = arith.constant 0 : i32
    %dma_wait3A_1462 = tpu.memref_slice %arg6[%add3A_1451, %dma_wait3A_1461] : memref<32768x1024xf32, #tpu.memory_space<hbm>> -> memref<32x1024xf32, #tpu.memory_space<hbm>>
    %dma_wait3A_1463 = arith.constant 0 : i32
    %dma_wait3A_1464 = tpu.memref_slice %arg6[%add3A_1451, %dma_wait3A_1463] : memref<32768x1024xf32, #tpu.memory_space<hbm>> -> memref<32x1024xf32, #tpu.memory_space<hbm>>
    tpu.wait_dma2 semaphore(%arg15 : memref<!tpu.dma_semaphore, #tpu.memory_space<semaphore_mem>>) src(%arg12 : memref<32x1024xf32, #tpu.memory_space<vmem>>) dst(%dma_wait3A_1464 : memref<32x1024xf32, #tpu.memory_space<hbm>>)
    %dma_start3A_1465 = arith.constant 928 : i32
    %dma_start3A_1466 = tpu.memref_slice %arg8[%dma_start3A_1465] : memref<1024xi32, #tpu.memory_space<vmem>> -> memref<32xi32, #tpu.memory_space<vmem>>
    %dma_start3A_1467 = arith.constant 0 : i32
    %dma_start3A_1468 = arith.constant 0 : i32
    %dma_start3A_1469 = tpu.memref_slice %arg4[%dma_start3A_1467, %dma_start3A_1468] : memref<1000x1024xf32, #tpu.memory_space<hbm>> -> memref<1000x1024xf32, #tpu.memory_space<hbm>>
    tpu.enqueue_indirect_dma source(%dma_start3A_1469 : memref<1000x1024xf32, #tpu.memory_space<hbm>>) target(%arg12 : memref<32x1024xf32, #tpu.memory_space<vmem>>) offsets(%dma_start3A_1466 : memref<32xi32, #tpu.memory_space<vmem>>) semaphore(%arg14 : memref<!tpu.dma_semaphore, #tpu.memory_space<semaphore_mem>>)
    %get3A_1470 = arith.constant 896 : index
    %get3A_1471 = tpu.vector_load %arg8[%get3A_1470] {strides = array<i32>} : memref<1024xi32, #tpu.memory_space<vmem>>, vector<16xi32>,
    %get3A_1472 = arith.constant 896 : index
    %get3A_1473 = tpu.vector_load %arg9[%get3A_1472] {strides = array<i32>} : memref<1024xi32, #tpu.memory_space<vmem>>, vector<16xi32>,
    %gather3A_1474 = tpu.vector_load_idx %arg10[%get3A_1471] : memref<1000xf32, #tpu.memory_space<vmem>>[vector<16xi32>], vector<16xf32>,
    %iota3A_1475 = tpu.iota {dimensions = array<i32: 0>} : vector<16xi32>
    %add3A_1476 = arith.constant 0 : i32
    %add3A_1477 = vector.broadcast %add3A_1476 : i32 to vector<16xi32>
    %add3A_1478 = arith.addi %iota3A_1475, %add3A_1477 : vector<16xi32>
    %gather3A_1479 = tpu.vector_load_idx %arg11[%add3A_1478, %get3A_1473] : memref<32x1024xf32, #tpu.memory_space<vmem>>[vector<16xi32>, vector<16xi32>], vector<16xf32>,
    %get3A_1480 = arith.constant 0 : index
    %get3A_1481 = tpu.vector_load %arg13[%get3A_1480] {strides = array<i32>} : memref<16xf32, #tpu.memory_space<vmem>>, vector<16xf32>,
    %sub3A_1482 = arith.subf %gather3A_1474, %gather3A_1479 : vector<16xf32>
    %add3A_1483 = arith.addf %get3A_1481, %sub3A_1482 : vector<16xf32>
    %swap3A_1484 = arith.constant 0 : index
    %swap3A_1485 = tpu.vector_load %arg13[%swap3A_1484] {strides = array<i32>} : memref<16xf32, #tpu.memory_space<vmem>>, vector<16xf32>,
    tpu.vector_store %arg13[%swap3A_1484], %add3A_1483 {strides = array<i32>} : memref<16xf32, #tpu.memory_space<vmem>>, vector<16xf32>,
    %get3A_1486 = arith.constant 912 : index
    %get3A_1487 = tpu.vector_load %arg8[%get3A_1486] {strides = array<i32>} : memref<1024xi32, #tpu.memory_space<vmem>>, vector<16xi32>,
    %get3A_1488 = arith.constant 912 : index
    %get3A_1489 = tpu.vector_load %arg9[%get3A_1488] {strides = array<i32>} : memref<1024xi32, #tpu.memory_space<vmem>>, vector<16xi32>,
    %gather3A_1490 = tpu.vector_load_idx %arg10[%get3A_1487] : memref<1000xf32, #tpu.memory_space<vmem>>[vector<16xi32>], vector<16xf32>,
    %iota3A_1491 = tpu.iota {dimensions = array<i32: 0>} : vector<16xi32>
    %add3A_1492 = arith.constant 16 : i32
    %add3A_1493 = vector.broadcast %add3A_1492 : i32 to vector<16xi32>
    %add3A_1494 = arith.addi %iota3A_1491, %add3A_1493 : vector<16xi32>
    %gather3A_1495 = tpu.vector_load_idx %arg11[%add3A_1494, %get3A_1489] : memref<32x1024xf32, #tpu.memory_space<vmem>>[vector<16xi32>, vector<16xi32>], vector<16xf32>,
    %get3A_1496 = arith.constant 0 : index
    %get3A_1497 = tpu.vector_load %arg13[%get3A_1496] {strides = array<i32>} : memref<16xf32, #tpu.memory_space<vmem>>, vector<16xf32>,
    %sub3A_1498 = arith.subf %gather3A_1490, %gather3A_1495 : vector<16xf32>
    %add3A_1499 = arith.addf %get3A_1497, %sub3A_1498 : vector<16xf32>
    %swap3A_1500 = arith.constant 0 : index
    %swap3A_1501 = tpu.vector_load %arg13[%swap3A_1500] {strides = array<i32>} : memref<16xf32, #tpu.memory_space<vmem>>, vector<16xf32>,
    tpu.vector_store %arg13[%swap3A_1500], %add3A_1499 {strides = array<i32>} : memref<16xf32, #tpu.memory_space<vmem>>, vector<16xf32>,
    %add3A_1502 = arith.constant 896 : i32
    %add3A_1503 = arith.addi %mul3A_2, %add3A_1502 : i32
    %dma_start3A_1504 = arith.constant 0 : i32
    %dma_start3A_1505 = tpu.memref_slice %arg6[%add3A_1503, %dma_start3A_1504] : memref<32768x1024xf32, #tpu.memory_space<hbm>> -> memref<32x1024xf32, #tpu.memory_space<hbm>>
    %dma_start3A_1506 = arith.constant 0 : i32
    %dma_start3A_1507 = tpu.memref_slice %arg6[%add3A_1503, %dma_start3A_1506] : memref<32768x1024xf32, #tpu.memory_space<hbm>> -> memref<32x1024xf32, #tpu.memory_space<hbm>>
    tpu.enqueue_dma source(%arg11 : memref<32x1024xf32, #tpu.memory_space<vmem>>) target(%dma_start3A_1507 : memref<32x1024xf32, #tpu.memory_space<hbm>>) target_semaphore(%arg15 : memref<!tpu.dma_semaphore, #tpu.memory_space<semaphore_mem>>)
    %dma_wait3A_1508 = arith.constant 928 : i32
    %dma_wait3A_1509 = tpu.memref_slice %arg8[%dma_wait3A_1508] : memref<1024xi32, #tpu.memory_space<vmem>> -> memref<32xi32, #tpu.memory_space<vmem>>
    %dma_wait3A_1510 = arith.constant 0 : i32
    %dma_wait3A_1511 = arith.constant 0 : i32
    %dma_wait3A_1512 = tpu.memref_slice %arg4[%dma_wait3A_1510, %dma_wait3A_1511] : memref<1000x1024xf32, #tpu.memory_space<hbm>> -> memref<1000x1024xf32, #tpu.memory_space<hbm>>
    tpu.wait_indirect_dma semaphore(%arg14 : memref<!tpu.dma_semaphore, #tpu.memory_space<semaphore_mem>>) src(%dma_wait3A_1512 : memref<1000x1024xf32, #tpu.memory_space<hbm>>) dst(%arg12 : memref<32x1024xf32, #tpu.memory_space<vmem>>)
    %dma_wait3A_1513 = arith.constant 0 : i32
    %dma_wait3A_1514 = tpu.memref_slice %arg6[%add3A_1503, %dma_wait3A_1513] : memref<32768x1024xf32, #tpu.memory_space<hbm>> -> memref<32x1024xf32, #tpu.memory_space<hbm>>
    %dma_wait3A_1515 = arith.constant 0 : i32
    %dma_wait3A_1516 = tpu.memref_slice %arg6[%add3A_1503, %dma_wait3A_1515] : memref<32768x1024xf32, #tpu.memory_space<hbm>> -> memref<32x1024xf32, #tpu.memory_space<hbm>>
    tpu.wait_dma2 semaphore(%arg15 : memref<!tpu.dma_semaphore, #tpu.memory_space<semaphore_mem>>) src(%arg11 : memref<32x1024xf32, #tpu.memory_space<vmem>>) dst(%dma_wait3A_1516 : memref<32x1024xf32, #tpu.memory_space<hbm>>)
    %dma_start3A_1517 = arith.constant 960 : i32
    %dma_start3A_1518 = tpu.memref_slice %arg8[%dma_start3A_1517] : memref<1024xi32, #tpu.memory_space<vmem>> -> memref<32xi32, #tpu.memory_space<vmem>>
    %dma_start3A_1519 = arith.constant 0 : i32
    %dma_start3A_1520 = arith.constant 0 : i32
    %dma_start3A_1521 = tpu.memref_slice %arg4[%dma_start3A_1519, %dma_start3A_1520] : memref<1000x1024xf32, #tpu.memory_space<hbm>> -> memref<1000x1024xf32, #tpu.memory_space<hbm>>
    tpu.enqueue_indirect_dma source(%dma_start3A_1521 : memref<1000x1024xf32, #tpu.memory_space<hbm>>) target(%arg11 : memref<32x1024xf32, #tpu.memory_space<vmem>>) offsets(%dma_start3A_1518 : memref<32xi32, #tpu.memory_space<vmem>>) semaphore(%arg14 : memref<!tpu.dma_semaphore, #tpu.memory_space<semaphore_mem>>)
    %get3A_1522 = arith.constant 928 : index
    %get3A_1523 = tpu.vector_load %arg8[%get3A_1522] {strides = array<i32>} : memref<1024xi32, #tpu.memory_space<vmem>>, vector<16xi32>,
    %get3A_1524 = arith.constant 928 : index
    %get3A_1525 = tpu.vector_load %arg9[%get3A_1524] {strides = array<i32>} : memref<1024xi32, #tpu.memory_space<vmem>>, vector<16xi32>,
    %gather3A_1526 = tpu.vector_load_idx %arg10[%get3A_1523] : memref<1000xf32, #tpu.memory_space<vmem>>[vector<16xi32>], vector<16xf32>,
    %iota3A_1527 = tpu.iota {dimensions = array<i32: 0>} : vector<16xi32>
    %add3A_1528 = arith.constant 0 : i32
    %add3A_1529 = vector.broadcast %add3A_1528 : i32 to vector<16xi32>
    %add3A_1530 = arith.addi %iota3A_1527, %add3A_1529 : vector<16xi32>
    %gather3A_1531 = tpu.vector_load_idx %arg12[%add3A_1530, %get3A_1525] : memref<32x1024xf32, #tpu.memory_space<vmem>>[vector<16xi32>, vector<16xi32>], vector<16xf32>,
    %get3A_1532 = arith.constant 0 : index
    %get3A_1533 = tpu.vector_load %arg13[%get3A_1532] {strides = array<i32>} : memref<16xf32, #tpu.memory_space<vmem>>, vector<16xf32>,
    %sub3A_1534 = arith.subf %gather3A_1526, %gather3A_1531 : vector<16xf32>
    %add3A_1535 = arith.addf %get3A_1533, %sub3A_1534 : vector<16xf32>
    %swap3A_1536 = arith.constant 0 : index
    %swap3A_1537 = tpu.vector_load %arg13[%swap3A_1536] {strides = array<i32>} : memref<16xf32, #tpu.memory_space<vmem>>, vector<16xf32>,
    tpu.vector_store %arg13[%swap3A_1536], %add3A_1535 {strides = array<i32>} : memref<16xf32, #tpu.memory_space<vmem>>, vector<16xf32>,
    %get3A_1538 = arith.constant 944 : index
    %get3A_1539 = tpu.vector_load %arg8[%get3A_1538] {strides = array<i32>} : memref<1024xi32, #tpu.memory_space<vmem>>, vector<16xi32>,
    %get3A_1540 = arith.constant 944 : index
    %get3A_1541 = tpu.vector_load %arg9[%get3A_1540] {strides = array<i32>} : memref<1024xi32, #tpu.memory_space<vmem>>, vector<16xi32>,
    %gather3A_1542 = tpu.vector_load_idx %arg10[%get3A_1539] : memref<1000xf32, #tpu.memory_space<vmem>>[vector<16xi32>], vector<16xf32>,
    %iota3A_1543 = tpu.iota {dimensions = array<i32: 0>} : vector<16xi32>
    %add3A_1544 = arith.constant 16 : i32
    %add3A_1545 = vector.broadcast %add3A_1544 : i32 to vector<16xi32>
    %add3A_1546 = arith.addi %iota3A_1543, %add3A_1545 : vector<16xi32>
    %gather3A_1547 = tpu.vector_load_idx %arg12[%add3A_1546, %get3A_1541] : memref<32x1024xf32, #tpu.memory_space<vmem>>[vector<16xi32>, vector<16xi32>], vector<16xf32>,
    %get3A_1548 = arith.constant 0 : index
    %get3A_1549 = tpu.vector_load %arg13[%get3A_1548] {strides = array<i32>} : memref<16xf32, #tpu.memory_space<vmem>>, vector<16xf32>,
    %sub3A_1550 = arith.subf %gather3A_1542, %gather3A_1547 : vector<16xf32>
    %add3A_1551 = arith.addf %get3A_1549, %sub3A_1550 : vector<16xf32>
    %swap3A_1552 = arith.constant 0 : index
    %swap3A_1553 = tpu.vector_load %arg13[%swap3A_1552] {strides = array<i32>} : memref<16xf32, #tpu.memory_space<vmem>>, vector<16xf32>,
    tpu.vector_store %arg13[%swap3A_1552], %add3A_1551 {strides = array<i32>} : memref<16xf32, #tpu.memory_space<vmem>>, vector<16xf32>,
    %add3A_1554 = arith.constant 928 : i32
    %add3A_1555 = arith.addi %mul3A_2, %add3A_1554 : i32
    %dma_start3A_1556 = arith.constant 0 : i32
    %dma_start3A_1557 = tpu.memref_slice %arg6[%add3A_1555, %dma_start3A_1556] : memref<32768x1024xf32, #tpu.memory_space<hbm>> -> memref<32x1024xf32, #tpu.memory_space<hbm>>
    %dma_start3A_1558 = arith.constant 0 : i32
    %dma_start3A_1559 = tpu.memref_slice %arg6[%add3A_1555, %dma_start3A_1558] : memref<32768x1024xf32, #tpu.memory_space<hbm>> -> memref<32x1024xf32, #tpu.memory_space<hbm>>
    tpu.enqueue_dma source(%arg12 : memref<32x1024xf32, #tpu.memory_space<vmem>>) target(%dma_start3A_1559 : memref<32x1024xf32, #tpu.memory_space<hbm>>) target_semaphore(%arg15 : memref<!tpu.dma_semaphore, #tpu.memory_space<semaphore_mem>>)
    %dma_wait3A_1560 = arith.constant 960 : i32
    %dma_wait3A_1561 = tpu.memref_slice %arg8[%dma_wait3A_1560] : memref<1024xi32, #tpu.memory_space<vmem>> -> memref<32xi32, #tpu.memory_space<vmem>>
    %dma_wait3A_1562 = arith.constant 0 : i32
    %dma_wait3A_1563 = arith.constant 0 : i32
    %dma_wait3A_1564 = tpu.memref_slice %arg4[%dma_wait3A_1562, %dma_wait3A_1563] : memref<1000x1024xf32, #tpu.memory_space<hbm>> -> memref<1000x1024xf32, #tpu.memory_space<hbm>>
    tpu.wait_indirect_dma semaphore(%arg14 : memref<!tpu.dma_semaphore, #tpu.memory_space<semaphore_mem>>) src(%dma_wait3A_1564 : memref<1000x1024xf32, #tpu.memory_space<hbm>>) dst(%arg11 : memref<32x1024xf32, #tpu.memory_space<vmem>>)
    %dma_wait3A_1565 = arith.constant 0 : i32
    %dma_wait3A_1566 = tpu.memref_slice %arg6[%add3A_1555, %dma_wait3A_1565] : memref<32768x1024xf32, #tpu.memory_space<hbm>> -> memref<32x1024xf32, #tpu.memory_space<hbm>>
    %dma_wait3A_1567 = arith.constant 0 : i32
    %dma_wait3A_1568 = tpu.memref_slice %arg6[%add3A_1555, %dma_wait3A_1567] : memref<32768x1024xf32, #tpu.memory_space<hbm>> -> memref<32x1024xf32, #tpu.memory_space<hbm>>
    tpu.wait_dma2 semaphore(%arg15 : memref<!tpu.dma_semaphore, #tpu.memory_space<semaphore_mem>>) src(%arg12 : memref<32x1024xf32, #tpu.memory_space<vmem>>) dst(%dma_wait3A_1568 : memref<32x1024xf32, #tpu.memory_space<hbm>>)
    %dma_start3A_1569 = arith.constant 992 : i32
    %dma_start3A_1570 = tpu.memref_slice %arg8[%dma_start3A_1569] : memref<1024xi32, #tpu.memory_space<vmem>> -> memref<32xi32, #tpu.memory_space<vmem>>
    %dma_start3A_1571 = arith.constant 0 : i32
    %dma_start3A_1572 = arith.constant 0 : i32
    %dma_start3A_1573 = tpu.memref_slice %arg4[%dma_start3A_1571, %dma_start3A_1572] : memref<1000x1024xf32, #tpu.memory_space<hbm>> -> memref<1000x1024xf32, #tpu.memory_space<hbm>>
    tpu.enqueue_indirect_dma source(%dma_start3A_1573 : memref<1000x1024xf32, #tpu.memory_space<hbm>>) target(%arg12 : memref<32x1024xf32, #tpu.memory_space<vmem>>) offsets(%dma_start3A_1570 : memref<32xi32, #tpu.memory_space<vmem>>) semaphore(%arg14 : memref<!tpu.dma_semaphore, #tpu.memory_space<semaphore_mem>>)
    %get3A_1574 = arith.constant 960 : index
    %get3A_1575 = tpu.vector_load %arg8[%get3A_1574] {strides = array<i32>} : memref<1024xi32, #tpu.memory_space<vmem>>, vector<16xi32>,
    %get3A_1576 = arith.constant 960 : index
    %get3A_1577 = tpu.vector_load %arg9[%get3A_1576] {strides = array<i32>} : memref<1024xi32, #tpu.memory_space<vmem>>, vector<16xi32>,
    %gather3A_1578 = tpu.vector_load_idx %arg10[%get3A_1575] : memref<1000xf32, #tpu.memory_space<vmem>>[vector<16xi32>], vector<16xf32>,
    %iota3A_1579 = tpu.iota {dimensions = array<i32: 0>} : vector<16xi32>
    %add3A_1580 = arith.constant 0 : i32
    %add3A_1581 = vector.broadcast %add3A_1580 : i32 to vector<16xi32>
    %add3A_1582 = arith.addi %iota3A_1579, %add3A_1581 : vector<16xi32>
    %gather3A_1583 = tpu.vector_load_idx %arg11[%add3A_1582, %get3A_1577] : memref<32x1024xf32, #tpu.memory_space<vmem>>[vector<16xi32>, vector<16xi32>], vector<16xf32>,
    %get3A_1584 = arith.constant 0 : index
    %get3A_1585 = tpu.vector_load %arg13[%get3A_1584] {strides = array<i32>} : memref<16xf32, #tpu.memory_space<vmem>>, vector<16xf32>,
    %sub3A_1586 = arith.subf %gather3A_1578, %gather3A_1583 : vector<16xf32>
    %add3A_1587 = arith.addf %get3A_1585, %sub3A_1586 : vector<16xf32>
    %swap3A_1588 = arith.constant 0 : index
    %swap3A_1589 = tpu.vector_load %arg13[%swap3A_1588] {strides = array<i32>} : memref<16xf32, #tpu.memory_space<vmem>>, vector<16xf32>,
    tpu.vector_store %arg13[%swap3A_1588], %add3A_1587 {strides = array<i32>} : memref<16xf32, #tpu.memory_space<vmem>>, vector<16xf32>,
    %get3A_1590 = arith.constant 976 : index
    %get3A_1591 = tpu.vector_load %arg8[%get3A_1590] {strides = array<i32>} : memref<1024xi32, #tpu.memory_space<vmem>>, vector<16xi32>,
    %get3A_1592 = arith.constant 976 : index
    %get3A_1593 = tpu.vector_load %arg9[%get3A_1592] {strides = array<i32>} : memref<1024xi32, #tpu.memory_space<vmem>>, vector<16xi32>,
    %gather3A_1594 = tpu.vector_load_idx %arg10[%get3A_1591] : memref<1000xf32, #tpu.memory_space<vmem>>[vector<16xi32>], vector<16xf32>,
    %iota3A_1595 = tpu.iota {dimensions = array<i32: 0>} : vector<16xi32>
    %add3A_1596 = arith.constant 16 : i32
    %add3A_1597 = vector.broadcast %add3A_1596 : i32 to vector<16xi32>
    %add3A_1598 = arith.addi %iota3A_1595, %add3A_1597 : vector<16xi32>
    %gather3A_1599 = tpu.vector_load_idx %arg11[%add3A_1598, %get3A_1593] : memref<32x1024xf32, #tpu.memory_space<vmem>>[vector<16xi32>, vector<16xi32>], vector<16xf32>,
    %get3A_1600 = arith.constant 0 : index
    %get3A_1601 = tpu.vector_load %arg13[%get3A_1600] {strides = array<i32>} : memref<16xf32, #tpu.memory_space<vmem>>, vector<16xf32>,
    %sub3A_1602 = arith.subf %gather3A_1594, %gather3A_1599 : vector<16xf32>
    %add3A_1603 = arith.addf %get3A_1601, %sub3A_1602 : vector<16xf32>
    %swap3A_1604 = arith.constant 0 : index
    %swap3A_1605 = tpu.vector_load %arg13[%swap3A_1604] {strides = array<i32>} : memref<16xf32, #tpu.memory_space<vmem>>, vector<16xf32>,
    tpu.vector_store %arg13[%swap3A_1604], %add3A_1603 {strides = array<i32>} : memref<16xf32, #tpu.memory_space<vmem>>, vector<16xf32>,
    %add3A_1606 = arith.constant 960 : i32
    %add3A_1607 = arith.addi %mul3A_2, %add3A_1606 : i32
    %dma_start3A_1608 = arith.constant 0 : i32
    %dma_start3A_1609 = tpu.memref_slice %arg6[%add3A_1607, %dma_start3A_1608] : memref<32768x1024xf32, #tpu.memory_space<hbm>> -> memref<32x1024xf32, #tpu.memory_space<hbm>>
    %dma_start3A_1610 = arith.constant 0 : i32
    %dma_start3A_1611 = tpu.memref_slice %arg6[%add3A_1607, %dma_start3A_1610] : memref<32768x1024xf32, #tpu.memory_space<hbm>> -> memref<32x1024xf32, #tpu.memory_space<hbm>>
    tpu.enqueue_dma source(%arg11 : memref<32x1024xf32, #tpu.memory_space<vmem>>) target(%dma_start3A_1611 : memref<32x1024xf32, #tpu.memory_space<hbm>>) target_semaphore(%arg15 : memref<!tpu.dma_semaphore, #tpu.memory_space<semaphore_mem>>)
    %dma_wait3A_1612 = arith.constant 992 : i32
    %dma_wait3A_1613 = tpu.memref_slice %arg8[%dma_wait3A_1612] : memref<1024xi32, #tpu.memory_space<vmem>> -> memref<32xi32, #tpu.memory_space<vmem>>
    %dma_wait3A_1614 = arith.constant 0 : i32
    %dma_wait3A_1615 = arith.constant 0 : i32
    %dma_wait3A_1616 = tpu.memref_slice %arg4[%dma_wait3A_1614, %dma_wait3A_1615] : memref<1000x1024xf32, #tpu.memory_space<hbm>> -> memref<1000x1024xf32, #tpu.memory_space<hbm>>
    tpu.wait_indirect_dma semaphore(%arg14 : memref<!tpu.dma_semaphore, #tpu.memory_space<semaphore_mem>>) src(%dma_wait3A_1616 : memref<1000x1024xf32, #tpu.memory_space<hbm>>) dst(%arg12 : memref<32x1024xf32, #tpu.memory_space<vmem>>)
    %get3A_1617 = arith.constant 992 : index
    %get3A_1618 = tpu.vector_load %arg8[%get3A_1617] {strides = array<i32>} : memref<1024xi32, #tpu.memory_space<vmem>>, vector<16xi32>,
    %get3A_1619 = arith.constant 992 : index
    %get3A_1620 = tpu.vector_load %arg9[%get3A_1619] {strides = array<i32>} : memref<1024xi32, #tpu.memory_space<vmem>>, vector<16xi32>,
    %gather3A_1621 = tpu.vector_load_idx %arg10[%get3A_1618] : memref<1000xf32, #tpu.memory_space<vmem>>[vector<16xi32>], vector<16xf32>,
    %iota3A_1622 = tpu.iota {dimensions = array<i32: 0>} : vector<16xi32>
    %add3A_1623 = arith.constant 0 : i32
    %add3A_1624 = vector.broadcast %add3A_1623 : i32 to vector<16xi32>
    %add3A_1625 = arith.addi %iota3A_1622, %add3A_1624 : vector<16xi32>
    %gather3A_1626 = tpu.vector_load_idx %arg12[%add3A_1625, %get3A_1620] : memref<32x1024xf32, #tpu.memory_space<vmem>>[vector<16xi32>, vector<16xi32>], vector<16xf32>,
    %get3A_1627 = arith.constant 0 : index
    %get3A_1628 = tpu.vector_load %arg13[%get3A_1627] {strides = array<i32>} : memref<16xf32, #tpu.memory_space<vmem>>, vector<16xf32>,
    %sub3A_1629 = arith.subf %gather3A_1621, %gather3A_1626 : vector<16xf32>
    %add3A_1630 = arith.addf %get3A_1628, %sub3A_1629 : vector<16xf32>
    %swap3A_1631 = arith.constant 0 : index
    %swap3A_1632 = tpu.vector_load %arg13[%swap3A_1631] {strides = array<i32>} : memref<16xf32, #tpu.memory_space<vmem>>, vector<16xf32>,
    tpu.vector_store %arg13[%swap3A_1631], %add3A_1630 {strides = array<i32>} : memref<16xf32, #tpu.memory_space<vmem>>, vector<16xf32>,
    %get3A_1633 = arith.constant 1008 : index
    %get3A_1634 = tpu.vector_load %arg8[%get3A_1633] {strides = array<i32>} : memref<1024xi32, #tpu.memory_space<vmem>>, vector<16xi32>,
    %get3A_1635 = arith.constant 1008 : index
    %get3A_1636 = tpu.vector_load %arg9[%get3A_1635] {strides = array<i32>} : memref<1024xi32, #tpu.memory_space<vmem>>, vector<16xi32>,
    %gather3A_1637 = tpu.vector_load_idx %arg10[%get3A_1634] : memref<1000xf32, #tpu.memory_space<vmem>>[vector<16xi32>], vector<16xf32>,
    %iota3A_1638 = tpu.iota {dimensions = array<i32: 0>} : vector<16xi32>
    %add3A_1639 = arith.constant 16 : i32
    %add3A_1640 = vector.broadcast %add3A_1639 : i32 to vector<16xi32>
    %add3A_1641 = arith.addi %iota3A_1638, %add3A_1640 : vector<16xi32>
    %gather3A_1642 = tpu.vector_load_idx %arg12[%add3A_1641, %get3A_1636] : memref<32x1024xf32, #tpu.memory_space<vmem>>[vector<16xi32>, vector<16xi32>], vector<16xf32>,
    %get3A_1643 = arith.constant 0 : index
    %get3A_1644 = tpu.vector_load %arg13[%get3A_1643] {strides = array<i32>} : memref<16xf32, #tpu.memory_space<vmem>>, vector<16xf32>,
    %sub3A_1645 = arith.subf %gather3A_1637, %gather3A_1642 : vector<16xf32>
    %add3A_1646 = arith.addf %get3A_1644, %sub3A_1645 : vector<16xf32>
    %swap3A_1647 = arith.constant 0 : index
    %swap3A_1648 = tpu.vector_load %arg13[%swap3A_1647] {strides = array<i32>} : memref<16xf32, #tpu.memory_space<vmem>>, vector<16xf32>,
    tpu.vector_store %arg13[%swap3A_1647], %add3A_1646 {strides = array<i32>} : memref<16xf32, #tpu.memory_space<vmem>>, vector<16xf32>,
    %add3A_1649 = arith.constant 992 : i32
    %add3A_1650 = arith.addi %mul3A_2, %add3A_1649 : i32
    %dma_start3A_1651 = arith.constant 0 : i32
    %dma_start3A_1652 = tpu.memref_slice %arg6[%add3A_1650, %dma_start3A_1651] : memref<32768x1024xf32, #tpu.memory_space<hbm>> -> memref<32x1024xf32, #tpu.memory_space<hbm>>
    %dma_start3A_1653 = arith.constant 0 : i32
    %dma_start3A_1654 = tpu.memref_slice %arg6[%add3A_1650, %dma_start3A_1653] : memref<32768x1024xf32, #tpu.memory_space<hbm>> -> memref<32x1024xf32, #tpu.memory_space<hbm>>
    tpu.enqueue_dma source(%arg12 : memref<32x1024xf32, #tpu.memory_space<vmem>>) target(%dma_start3A_1654 : memref<32x1024xf32, #tpu.memory_space<hbm>>) target_semaphore(%arg15 : memref<!tpu.dma_semaphore, #tpu.memory_space<semaphore_mem>>)
    %dma_wait3A_1655 = arith.constant 0 : i32
    %dma_wait3A_1656 = tpu.memref_slice %arg6[%add3A_1607, %dma_wait3A_1655] : memref<32768x1024xf32, #tpu.memory_space<hbm>> -> memref<32x1024xf32, #tpu.memory_space<hbm>>
    %dma_wait3A_1657 = arith.constant 0 : i32
    %dma_wait3A_1658 = tpu.memref_slice %arg6[%add3A_1607, %dma_wait3A_1657] : memref<32768x1024xf32, #tpu.memory_space<hbm>> -> memref<32x1024xf32, #tpu.memory_space<hbm>>
    tpu.wait_dma2 semaphore(%arg15 : memref<!tpu.dma_semaphore, #tpu.memory_space<semaphore_mem>>) src(%arg11 : memref<32x1024xf32, #tpu.memory_space<vmem>>) dst(%dma_wait3A_1658 : memref<32x1024xf32, #tpu.memory_space<hbm>>)
    %dma_wait3A_1659 = arith.constant 0 : i32
    %dma_wait3A_1660 = tpu.memref_slice %arg6[%add3A_1650, %dma_wait3A_1659] : memref<32768x1024xf32, #tpu.memory_space<hbm>> -> memref<32x1024xf32, #tpu.memory_space<hbm>>
    %dma_wait3A_1661 = arith.constant 0 : i32
    %dma_wait3A_1662 = tpu.memref_slice %arg6[%add3A_1650, %dma_wait3A_1661] : memref<32768x1024xf32, #tpu.memory_space<hbm>> -> memref<32x1024xf32, #tpu.memory_space<hbm>>
    tpu.wait_dma2 semaphore(%arg15 : memref<!tpu.dma_semaphore, #tpu.memory_space<semaphore_mem>>) src(%arg12 : memref<32x1024xf32, #tpu.memory_space<vmem>>) dst(%dma_wait3A_1662 : memref<32x1024xf32, #tpu.memory_space<hbm>>)
    %mul3A_1663 = arith.constant 128 : i32
    %mul3A_1664 = arith.muli %add3A, %mul3A_1663 : i32
    "tpu.region"() ({
      %run_scoped3A = tpu.sem_alloc : memref<!tpu.dma_semaphore, #tpu.memory_space<semaphore_mem>>
      %dma_start3A_1665 = tpu.memref_slice %arg7[%mul3A_1664] : memref<4096xf32, #tpu.memory_space<hbm>> -> memref<16xf32, #tpu.memory_space<hbm>>
      %dma_start3A_1666 = tpu.memref_slice %arg7[%mul3A_1664] : memref<4096xf32, #tpu.memory_space<hbm>> -> memref<16xf32, #tpu.memory_space<hbm>>
      tpu.enqueue_dma source(%arg13 : memref<16xf32, #tpu.memory_space<vmem>>) target(%dma_start3A_1666 : memref<16xf32, #tpu.memory_space<hbm>>) target_semaphore(%run_scoped3A : memref<!tpu.dma_semaphore, #tpu.memory_space<semaphore_mem>>)
      %dma_wait3A_1667 = tpu.memref_slice %arg7[%mul3A_1664] : memref<4096xf32, #tpu.memory_space<hbm>> -> memref<16xf32, #tpu.memory_space<hbm>>
      %dma_wait3A_1668 = tpu.memref_slice %arg7[%mul3A_1664] : memref<4096xf32, #tpu.memory_space<hbm>> -> memref<16xf32, #tpu.memory_space<hbm>>
      tpu.wait_dma2 semaphore(%run_scoped3A : memref<!tpu.dma_semaphore, #tpu.memory_space<semaphore_mem>>) src(%arg13 : memref<16xf32, #tpu.memory_space<vmem>>) dst(%dma_wait3A_1668 : memref<16xf32, #tpu.memory_space<hbm>>)
      tpu.yield
    }) : () -> ()
    return
  }
}

module attributes {stable_mosaic.version = 14 : i64} {
  func.func @_lse_body(%arg0: memref<1000x1000xf32, #tpu.memory_space<vmem>>, %arg1: memref<1000xf32, #tpu.memory_space<vmem>>, %arg2: memref<1000x1024xf32, #tpu.memory_space<vmem>>) attributes {dimension_semantics = [], scalar_prefetch = 0 : i64, scratch_operands = 0 : i64, tpu.core_type = #tpu.core_type<tc>} {
    %get3A = arith.constant 0 : index
    %get3A_0 = arith.constant 0 : index
    %get3A_1 = vector.load %arg0[%get3A, %get3A_0] : memref<1000x1000xf32, #tpu.memory_space<vmem>>, vector<1000x1000xf32>
    %reduce_max3A = arith.constant dense<0xFF800000> : vector<1000xf32>
    %reduce_max3A_2 = vector.multi_reduction <maximumf>, %get3A_1, %reduce_max3A [1] : vector<1000x1000xf32> to vector<1000xf32>
    %broadcast_in_dim3A = vector.shape_cast %reduce_max3A_2 : vector<1000xf32> to vector<1000x1xf32>
    %sub3A = vector.broadcast %broadcast_in_dim3A : vector<1000x1xf32> to vector<1000x1000xf32>
    %sub3A_3 = arith.subf %get3A_1, %sub3A : vector<1000x1000xf32>
    %exp3A = math.exp %sub3A_3 : vector<1000x1000xf32>
    %reduce_sum3A = arith.constant dense<0.000000e+00> : vector<1000xf32>
    %reduce_sum3A_4 = vector.multi_reduction <add>, %exp3A, %reduce_sum3A [1] : vector<1000x1000xf32> to vector<1000xf32>
    %log3A = math.log %reduce_sum3A_4 : vector<1000xf32>
    %add3A = arith.addf %reduce_max3A_2, %log3A : vector<1000xf32>
    %swap3A = arith.constant 0 : index
    %swap3A_5 = vector.load %arg1[%swap3A] : memref<1000xf32, #tpu.memory_space<vmem>>, vector<1000xf32>
    tpu.vector_store %arg1[%swap3A], %add3A {strides = array<i32>} : memref<1000xf32, #tpu.memory_space<vmem>>, vector<1000xf32>,
    %broadcast_in_dim3A_6 = arith.constant 0.000000e+00 : f32
    %broadcast_in_dim3A_7 = vector.broadcast %broadcast_in_dim3A_6 : f32 to vector<1000x24xf32>
    %concatenate3A = tpu.concatenate %get3A_1, %broadcast_in_dim3A_7 in 1 : vector<1000x1000xf32>, vector<1000x24xf32> -> vector<1000x1024xf32>
    %swap3A_8 = arith.constant 0 : index
    %swap3A_9 = arith.constant 0 : index
    %swap3A_10 = vector.load %arg2[%swap3A_8, %swap3A_9] : memref<1000x1024xf32, #tpu.memory_space<vmem>>, vector<1000x1024xf32>
    tpu.vector_store %arg2[%swap3A_8, %swap3A_9], %concatenate3A {strides = array<i32>} : memref<1000x1024xf32, #tpu.memory_space<vmem>>, vector<1000x1024xf32>,
    return
  }
}

</mosaic_0001>

<sc_bundles>
// kernel: kernel.4.cloned.1.call-start
scs
__scs_entry_jumppad:
0x0: {  	(pc) =	sbr.rel $0x88, $3  }
0x1: {  	(tag) =	ssettag $0x0;
	lr =	simm.s32 $0x1  }
0x2: {  	[smem:$0x3F9E] =	sst lr;
	_ =	strace $0xD0000000  }
0x3: {  	_ = 	snop  }
0x4: {  	_ = 	snop  }
0x5: {  	_ = 	snop  }
0x6: {  	_ = 	snop  }
0x7: {  	_ = 	snop  }
__scs_overlays_trampoline_lowered:
0x8: {  	[smem:$0x3FAD] =	sst s0  }
0x9: {  	[smem:$0x3FAE] =	sst s1  }
0xa: {  	[smem:$0x3FAF] =	sst s2  }
0xb: {  	[smem:$0x3FB0] =	sst s3  }
0xc: {  	[smem:$0x3FB1] =	sst s4  }
0xd: {  	[smem:$0x3FB2] =	sst s5  }
0xe: {  	[smem:$0x3FB3] =	sst s6  }
0xf: {  	[smem:$0x3FB4] =	sst s7  }
0x10: {  	[smem:$0x3FB5] =	sst s8  }
0x11: {  	[smem:$0x3FB6] =	sst s9;
	s0 =	simm.s32 @!p0 $0x0  }
0x12: {  	s1 =	sld [smem:$0x3F9C];
	s0 =	simm.s32 @p0 $0x1  }
0x13: {  	[smem:$0x3FB7] =	sst s0;
	s0 =	simm.s32 @!p1 $0x0  }
0x14: {  	s2 =	sld [smem:$0x3F9B];
	s0 =	simm.s32 @p1 $0x1  }
0x15: {  	[smem:$0x3FB8] =	sst s0;
	s0 =	simm.s32 @!p2 $0x0  }
0x16: {  	s3 =	sld [smem:$0x3FDB];
	s0 =	simm.s32 @p2 $0x1  }
0x17: {  	s4 =	simm.s32 $0x1BF5;
	[smem:$0x3FBA] =	sst s0  }
0x18: {  	s0 =	sld [smem:$0x3F9D];
	_ =	swait.ge [sflag:s4], $0x0  }
0x19: {  	s7 =	sld [smem:$0x3F9E]  }
0x1a: {  	s8 =	sadd.s32 $0xFFFFE003, lr  }
0x1b: {  	s9 =	sadd.s32 $0xFFFFFEF7, lr;
	s5 =	simm.s32 $0xFFFFFFFF;
	p2 =	slt.u32 s8, $0xFFFFF086  }
0x1c: {  	p1 =	slt.u32 s9, $0xF7A;
	s5 =	simm.s32 @!p2 $0x0  }
0x1d: {  	s5 =	simm.s32 @p1 $0x1;
	p0 =	seq.s32 s7, s2  }
0x1e: {  	s7 =	smul.u32 @!p0 $0xF7A, s2;
	p2 =	seq.s32 @!p0 s5, $0x0  }
0x1f: {  	s9 =	smul.u32 $0xF7A, s1;
	s8 =	simm.s32 @!p0 $0x1BF5;
	p2 =	por !p2, p0  }
0x20: {  	[sflag:s8] =	ssyncset.s32 @!p0 $0xFFFFF086;
	s6 =	sadd.s32 @!p0 s3, s7;
	s7 =	simm.s32 @!p0 $0x108  }
0x21: {  	s3 =	sadd.s32 s3, s9;
	s6 =	sadd.s32 @!p0 $0x88, s6;
	s7 =	simm.s32 @p2 $0x1082  }
0x22: {  	[simem:s7], [sflag:s8] =	dma.local @!p0 [hbm:s6], $0xF7A  }
0x23: {  	s9 =	sor.u32 $0xD0000000, s2;
	s6 =	simm.s32 $0x108;
	_ =	swait.ge @!p0 [sflag:s8], $0x0  }
0x24: {  	s3 =	sadd.s32 $0x88, s3;
	s6 =	simm.s32 @!p1 $0x1082;
	[sflag:s4] =	ssyncset.s32 $0xFFFFF086  }
0x25: {  	[simem:s6], [sflag:s4] =	dma.local [hbm:s3], $0xF7A  }
0x26: {  	[smem:$0x3F9E] =	sst s1;
	(tag) =	ssettag s2;
	_ =	strace s9  }
0x27: {  	s1 =	sld [smem:$0x3FAE]  }
0x28: {  	s2 =	sld [smem:$0x3FAF]  }
0x29: {  	s4 =	sld [smem:$0x3FB1]  }
0x2a: {  	p0 =	seq.s32 s5, $0x0;
	s5 =	sld [smem:$0x3FB2]  }
0x2b: {  	s6 =	sld [smem:$0x3FB3]  }
0x2c: {  	s7 =	sld [smem:$0x3FB4]  }
0x2d: {  	s3 =	simm.s32 $0x108;
	s8 =	sld [smem:$0x3FB5]  }
0x2e: {  	s3 =	simm.s32 @!p0 $0x1082;
	s9 =	sld [smem:$0x3FB6]  }
0x2f: {  	lr =	sadd.s32 s0, s3;
	s0 =	sld [smem:$0x3FAD]  }
0x30: {  	s3 =	sld [smem:$0x3FB0]  }
0x31: {  	[smem:$0x3FB9] =	sst s10  }
0x32: {  	s10 =	sld [smem:$0x3FB7];
	_ =	sdelay $0x3  }
0x33: {  	p0 =	seq.s32 s10, $0x1;
	s10 =	sld [smem:$0x3FB9];
	_ =	sdelay $0x3  }
0x34: {  	[smem:$0x3FB9] =	sst s10  }
0x35: {  	s10 =	sld [smem:$0x3FB8];
	_ =	sdelay $0x3  }
0x36: {  	p1 =	seq.s32 s10, $0x1;
	s10 =	sld [smem:$0x3FB9];
	_ =	sdelay $0x3  }
0x37: {  	[smem:$0x3FB9] =	sst s10  }
0x38: {  	s10 =	sld [smem:$0x3FBA]  }
0x39: {  	_ = 	snop;
	(pc) =	sbr.ind lr, $3  }
0x3a: {  	_ = 	snop  }
0x3b: {  	_ = 	snop  }
0x3c: {  	p2 =	seq.s32 s10, $0x1;
	s10 =	sld [smem:$0x3FB9]  }
0x3d: {  	_ =	shalt  }
0x3e: {  	_ =	shalt  }
0x3f: {  	_ =	shalt  }
0x40: {  	_ =	shalt  }
0x41: {  	_ =	shalt  }
0x42: {  	_ =	shalt  }
0x43: {  	_ =	shalt  }
0x44: {  	_ =	shalt  }
0x45: {  	_ =	shalt  }
0x46: {  	_ =	shalt  }
0x47: {  	_ =	shalt  }
0x48: {  	_ =	shalt  }
0x49: {  	_ =	shalt  }
0x4a: {  	_ =	shalt  }
0x4b: {  	_ =	shalt  }
0x4c: {  	_ =	shalt  }
0x4d: {  	_ =	shalt  }
0x4e: {  	_ =	shalt  }
0x4f: {  	_ =	shalt  }
0x50: {  	_ =	shalt  }
0x51: {  	_ =	shalt  }
0x52: {  	_ =	shalt  }
0x53: {  	_ =	shalt  }
0x54: {  	_ =	shalt  }
0x55: {  	_ =	shalt  }
0x56: {  	_ =	shalt  }
0x57: {  	_ =	shalt  }
0x58: {  	_ =	shalt  }
0x59: {  	_ =	shalt  }
0x5a: {  	_ =	shalt  }
0x5b: {  	_ =	shalt  }
0x5c: {  	_ =	shalt  }
0x5d: {  	_ =	shalt  }
0x5e: {  	_ =	shalt  }
0x5f: {  	_ =	shalt  }
0x60: {  	_ =	shalt  }
0x61: {  	_ =	shalt  }
0x62: {  	_ =	shalt  }
0x63: {  	_ =	shalt  }
0x64: {  	_ =	shalt  }
0x65: {  	_ =	shalt  }
0x66: {  	_ =	shalt  }
0x67: {  	_ =	shalt  }
0x68: {  	_ =	shalt  }
0x69: {  	_ =	shalt  }
0x6a: {  	_ =	shalt  }
0x6b: {  	_ =	shalt  }
0x6c: {  	_ =	shalt  }
0x6d: {  	_ =	shalt  }
0x6e: {  	_ =	shalt  }
0x6f: {  	_ =	shalt  }
0x70: {  	_ =	shalt  }
0x71: {  	_ =	shalt  }
0x72: {  	_ =	shalt  }
0x73: {  	_ =	shalt  }
0x74: {  	_ =	shalt  }
0x75: {  	_ =	shalt  }
0x76: {  	_ =	shalt  }
0x77: {  	_ =	shalt  }
0x78: {  	_ =	shalt  }
0x79: {  	_ =	shalt  }
0x7a: {  	_ =	shalt  }
0x7b: {  	_ =	shalt  }
0x7c: {  	_ =	shalt  }
0x7d: {  	_ =	shalt  }
0x7e: {  	_ =	shalt  }
0x7f: {  	_ =	shalt  }
0x80: {  	_ =	shalt  }
0x81: {  	_ =	shalt  }
0x82: {  	_ =	shalt  }
0x83: {  	_ =	shalt  }
0x84: {  	_ =	shalt  }
0x85: {  	_ =	shalt  }
0x86: {  	_ =	shalt  }
0x87: {  	_ =	shalt  }
.Lfunc_end0:
.L_simem_size_0:
called_computation.1_lowered:
.L_overlay_start_0:
0x88: {  	s2 =	sld [smem:$0x3FD9]  }
0x89: {  	s3 =	sld [smem:$0x3FFE];
	_ =	sdelay $0x1  }
0x8a: {  	s1 =	srdreg.scid  }
0x8b: {  	s0 =	sand.u32 $0x1, s1  }
0x8c: {  	s14 =	sshll.u32 s0, $0xA;
	s2 =	sadd.s32 s3, s2  }
0x8d: {  	s2 =	sadd.s32 s2, s14  }
0x8e: {  	[smem:$0x3FC5] =	sst s2  }
0x8f: {  	_ = 	snop  }
0x90: {  	s2 =	sld [smem:$0x3FD0];
	_ =	sdelay $0x2  }
0x91: {  	s15 =	simm.s32 $0xA;
	s4 =	simm.s32 $0x10  }
0x92: {  	[smem:s4], [sflag:s15] =	dma.local [hbm:s2], $0x1  }
0x93: {  	_ =	swait.eq [sflag:s15], $0x1  }
0x94: {  	[sflag:s15] =	ssyncset.done $0x0  }
0x95: {  	[sflag:s15] =	ssyncadd.s32 $0xFFFFFFFF  }
0x96: {  	s16 =	sld [smem:$0x10];
	(tm) =	ssettm $0x1  }
0x97: {  	s17 =	sld [smem:$0x3FFB];
	_ =	sdelay $0x3  }
0x98: {  	_ =	strace s17  }
0x99: {  	s3 =	sld [smem:$0x3FFC];
	_ =	sdelay $0x3  }
0x9a: {  	_ =	strace s3  }
0x9b: {  	s3 =	sld [smem:$0x3FFD];
	_ =	sdelay $0x3  }
0x9c: {  	_ =	strace s3  }
0x9d: {  	_ =	strace $0x8FFFFFFF  }
0x9e: {  	s18 =	sld [smem:$0x3FDB];
	_ =	sdelay $0x1  }
0x9f: {  	s19 =	simm.s32 $_scs_section_size  }
0xa0: {  	s5 =	simm.s32 $_size__tile_overlayer_lowered;
	s6 =	simm.s32 $_tile_overlayer_lowered  }
0xa1: {  	s22 =	simm.s32 $0x1BFF;
	s21 =	sshll.u32 s6, $0x1;
	s3 =	sadd.s32 s19, s18  }
0xa2: {  	s7 =	simm.s32 $0x0;
	s20 =	sshll.u32 s5, $0x1;
	s5 =	sadd.s32 s21, s3  }
0xa3: {  	[timem:s7], [sflag:s22] =	dma.local [hbm:s5], s20  }
0xa4: {  	_ =	swait.ge [sflag:s22], s20  }
0xa5: {  	s4 =	ssub.s32 $0x0, s20;
	[sflag:s22] =	ssyncset.done $0x0  }
0xa6: {  	[sflag:s22] =	ssyncadd.s32 s4;
	_ =	sdelay $0x1  }
0xa7: {  	s23 =	simm.s32 $0x1B8B  }
0xa8: {  	_ =	swait.ge [sflag:s23], $0x1  }
0xa9: {  	[sflag:s23] =	ssyncset.done $0x0  }
0xaa: {  	s25 =	simm.s32 $0x1B8E;
	s24 =	sld [smem:$0x3FFE];
	[sflag:s23] =	ssyncadd.s32 $0xFFFFFFFF  }
0xab: {  	s26 =	simm.s32 $execute0_lowered;
	[smem:$0x3FD2] =	sst s25  }
0xac: {  	s5 =	sshll.u32 s26, $0x1;
	_ =	strace $0x80000046;
	[dreg:$0x1] =	wrdreg $0xFFFFFFFF  }
0xad: {  	s28 =	simm.s32 $_size_execute0_lowered;
	s3 =	sadd.s32 s3, s5;
	[dreg:$0x0] =	wrdreg $0x0  }
0xae: {  	s5 =	sshll.u32 s28, $0x1;
	[dreg:$0x2] =	wrdreg s3  }
0xaf: {  	[dreg:$0x3] =	wrdreg s5  }
0xb0: {  	[dreg:$0x4] =	wrdreg $0xC0  }
0xb1: {  	_ =	task [dreg:s7], $0x5FFFF  }
0xb2: {  	[dreg:$0x1] =	wrdreg $0xFFFFFFFF  }
0xb3: {  	[dreg:$0x0] =	wrdreg $0x60  }
0xb4: {  	[dreg:$0x2] =	wrdreg s24  }
0xb5: {  	[dreg:$0x3] =	wrdreg s16  }
0xb6: {  	[dreg:$0x4] =	wrdreg $0x9  }
0xb7: {  	_ =	task.clear_ibuf [dreg:s7], $0x5FFFF;
	_ =	strace $0x90000046  }
0xb8: {  	s29 =	simm.s32 $0x9;
	_ =	strace $0x80000048  }
0xb9: {  	_ =	swait.ge [sflag:s29], $0x1  }
0xba: {  	[sflag:s29] =	ssyncadd.s32 $0xFFFFFFFF  }
0xbb: {  	_ =	strace $0x90000048  }
0xbc: {  	_ =	sfence  }
0xbd: {  	s30 =	sld [smem:$0x0];
	_ =	sdelay $0x2  }
0xbe: {  	s31 =	sshll.u32 s1, $0xD;
	s1 =	sshrl.u32 s1, $0x2  }
0xbf: {  	s3 =	sand.u32 $0x4000, s31;
	s1 =	sadd.s32 s1, s30  }
0xc0: {  	s0 =	sor.u32 s3, s0;
	s1 =	sshll.u32 s1, $0x11  }
0xc1: {  	s0 =	sor.u32 s1, s0  }
0xc2: {  	s0 =	sadd.s32 $0x8F2B, s0  }
0xc3: {  	[sflag:s0] =	ssyncadd.remote.s32 $0x1  }
0xc4: {  	_ =	sfence.sel $0xFFFF  }
0xc5: {  	[dreg:$0x0] =	wrdreg $0xFFFFFFFF;
	(pc) =	sbr.abs _section_cstart, $3  }
0xc6: {  	[dreg:$0x1] =	wrdreg $0xFFFFFFFF  }
0xc7: {  	_ =	task.clear_ibuf [dreg:s7], $0x2FFFF;
	_ =	strace $0x9FFFFFFF  }
0xc8: {  	(tm) =	ssettm $0x7FFFFFFF  }
0xc9: {  	_ =	shalt  }
tec
execute0_lowered:
.L_overlay_start_1:
0x0: {  	(tag) =	ssettag $0x1  }
0x1: {  	s0 =	srdreg.scid;
	s3 =	stileid.u32  }
0x2: {  	s1 =	rddreg [dreg:$0x0];
	s4 =	sand.u32 $0x1, s0;
	s14 =	sshll.u32 s3, $0x1  }
0x3: {  	s2 =	rddreg [dreg:$0x1];
	s3 =	simm.s32 $0x0;
	s5 =	sor.u32 s4, s14  }
0x4: {  	[smem:$0x7FF] =	sst s3;
	s0 =	sshll.u32 s5, $0x7  }
0x5: {  	s15 =	sadd.s32 $0x3200, s1;
	_ =	strace $0x80000047;
	s6 =	sadd.s32 s0, s1  }
0x6: {  	[dreg:$0x3] =	wrdreg s15;
	s16 =	sshll.u32 s5, $0x11;
	s7 =	sadd.s32 $0x1200, s6  }
0x7: {  	s0 =	sadd.s32 s16, s1;
	s6 =	sadd.s32 $0x2200, s6;
	[dreg:$0x4] =	wrdreg s7  }
0x8: {  	s17 =	sadd.s32 $0x3600, s0;
	[dreg:$0x5] =	wrdreg s6  }
0x9: {  	s18 =	sadd.s32 $0x4600, s0;
	[dreg:$0x6] =	wrdreg s17  }
0xa: {  	s19 =	sadd.s32 $0x5600, s0;
	[dreg:$0x7] =	wrdreg s18  }
0xb: {  	s20 =	sadd.s32 $0x6600, s0;
	[dreg:$0x8] =	wrdreg s19  }
0xc: {  	s21 =	sadd.s32 $0x7600, s0;
	[dreg:$0x9] =	wrdreg s20  }
0xd: {  	s22 =	sadd.s32 $0x8600, s0;
	[dreg:$0xa] =	wrdreg s21  }
0xe: {  	s23 =	sadd.s32 $0x9600, s0;
	[dreg:$0xb] =	wrdreg s22  }
0xf: {  	s24 =	sadd.s32 $0xA600, s0;
	[dreg:$0xc] =	wrdreg s23  }
0x10: {  	s25 =	sadd.s32 $0xB600, s0;
	[dreg:$0xd] =	wrdreg s24  }
0x11: {  	s26 =	sadd.s32 $0xC600, s0;
	[dreg:$0xe] =	wrdreg s25  }
0x12: {  	s29 =	sadd.s32 $0xD600, s0;
	[dreg:$0xf] =	wrdreg s26  }
0x13: {  	s30 =	sadd.s32 $0xE600, s0;
	[dreg:$0x10] =	wrdreg s29  }
0x14: {  	s31 =	sadd.s32 $0xF600, s0;
	[dreg:$0x11] =	wrdreg s30  }
0x15: {  	s8 =	sadd.s32 $0x11600, s0;
	[dreg:$0x12] =	wrdreg s31  }
0x16: {  	s9 =	sadd.s32 $0x12600, s0;
	[dreg:$0x14] =	wrdreg s8  }
0x17: {  	s10 =	sadd.s32 $0x13600, s0;
	[dreg:$0x15] =	wrdreg s9  }
0x18: {  	s11 =	sadd.s32 $0x14600, s0;
	[dreg:$0x16] =	wrdreg s10  }
0x19: {  	s12 =	sadd.s32 $0x15600, s0;
	[dreg:$0x17] =	wrdreg s11  }
0x1a: {  	s13 =	sadd.s32 $0x16600, s0;
	[dreg:$0x18] =	wrdreg s12  }
0x1b: {  	v3 =	vlaneseq.u32;
	v0 =	vimm.f32 $0.0e+00;
	vm0 =	vmmov $0xffff;
	s14 =	sadd.s32 $0x17600, s0;
	[dreg:$0x19] =	wrdreg s13  }
0x1c: {  	v4 =	vimm.s32 $0x2380;
	vm1 =	vcmask $0x300;
	v5 =	vimm.s32 $0x6380;
	s15 =	sadd.s32 $0x18600, s0;
	[dreg:$0x1a] =	wrdreg s14  }
0x1d: {  	vm2 =	vcmask $0x704;
	v2 =	vshrl.u32 v3, $0x3;
	v1 =	vand.u32 $0x7, v3;
	s16 =	sadd.s32 $0x19600, s0;
	[dreg:$0x1b] =	wrdreg s15  }
0x1e: {  	v4 =	vsel vm1, $0x0, v4;
	v5 =	vsel vm1, $0x4000, v5;
	vm1 =	vcmask $0xB08;
	s7 =	sadd.s32 $0x10600, s0;
	[dreg:$0x1c] =	wrdreg s16  }
0x1f: {  	v3 =	vor.u32 $0x8, v3;
	v4 =	vsel vm2, $0x80, v4;
	v5 =	vsel vm2, $0x4080, v5;
	s17 =	sadd.s32 $0x1A600, s0;
	[dreg:$0x13] =	wrdreg s7  }
0x20: {  	vm2 =	vcmask $0xF0C;
	v4 =	vsel vm1, $0x100, v4;
	v5 =	vsel vm1, $0x4100, v5;
	s18 =	sadd.s32 $0x1B600, s0;
	[dreg:$0x1d] =	wrdreg s17  }
0x21: {  	vm1 =	vcmask $0x1310;
	v4 =	vsel vm2, $0x180, v4;
	v5 =	vsel vm2, $0x4180, v5;
	s19 =	sadd.s32 $0x1C600, s0;
	[dreg:$0x1e] =	wrdreg s18  }
0x22: {  	s28 =	simm.s32 $0x8C00;
	vm2 =	vcmask $0x1714;
	v4 =	vsel vm1, $0x200, v4;
	v5 =	vsel vm1, $0x4200, v5;
	s20 =	sadd.s32 $0x1D600, s0;
	[dreg:$0x1f] =	wrdreg s19  }
0x23: {  	s4 =	ssub.s32 $0x2, s4;
	vm1 =	vcmask $0x1B18;
	s21 =	sadd.s32 $0x1E600, s0;
	v4 =	vsel vm2, $0x280, v4;
	v5 =	vsel vm2, $0x4280, v5;
	[smem:$0x7F5] =	sst s20  }
0x24: {  	s5 =	sshll.u32 s5, $0x4;
	s23 =	sadd.s32 $0x1F600, s0;
	vm2 =	vcmask $0x1F1C;
	[smem:$0x7F6] =	sst s21;
	v4 =	vsel vm1, $0x300, v4;
	v5 =	vsel vm1, $0x4300, v5  }
0x25: {  	s1 =	sadd.s32 s5, s1;
	s25 =	sadd.s32 $0x20600, s0;
	[smem:$0x7F7] =	sst s23;
	vm1 =	vcmask $0x2320;
	v4 =	vsel vm2, $0x380, v4;
	v5 =	vsel vm2, $0x4380, v5  }
0x26: {  	s5 =	sadd.s32 $0x200, s2;
	s26 =	sadd.s32 $0x21600, s0;
	[smem:$0x7F8] =	sst s25;
	vm2 =	vcmask $0x2724;
	v4 =	vsel vm1, $0x2000, v4;
	v5 =	vsel vm1, $0x6000, v5  }
0x27: {  	s22 =	sshrl.u32 s4, $0x1;
	s0 =	sadd.s32 $0x22600, s0;
	[smem:$0x7F9] =	sst s26;
	vm1 =	vcmask $0x2B28;
	v4 =	vsel vm2, $0x2080, v4;
	v5 =	vsel vm2, $0x6080, v5  }
0x28: {  	s6 =	sadd.s32 $0x300, s2;
	s29 =	sadd.s32 $0x3400, s1;
	[smem:$0x7FA] =	sst s0;
	vm2 =	vcmask $0x2F2C;
	v4 =	vsel vm1, $0x2100, v4;
	v5 =	vsel vm1, $0x6100, v5  }
0x29: {  	s30 =	simm.s32 $0x400;
	s9 =	simm.s32 $0x800;
	[smem:$0x7FB] =	sst s29;
	vm1 =	vcmask $0x3330;
	v4 =	vsel vm2, $0x2180, v4;
	v5 =	vsel vm2, $0x6180, v5  }
0x2a: {  	s10 =	simm.s32 $0xC00;
	s31 =	simm.s32 $0x10C00;
	[smem:$0x7FC] =	sst s30;
	vm2 =	vcmask $0x3734;
	v4 =	vsel vm1, $0x2200, v4;
	v5 =	vsel vm1, $0x6200, v5  }
0x2b: {  	s24 =	ssub.s32 s4, s22;
	s4 =	sadd.s32 $0x100, s2;
	[smem:$0x7FD] =	sst s31;
	vm1 =	vcmask $0x3B38;
	v4 =	vsel vm2, $0x2280, v4;
	v5 =	vsel vm2, $0x6280, v5  }
0x2c: {  	v2 =	vmul.u32 $0x8, v2;
	s26 =	simm.s32 $0x1;
	s19 =	simm.s32 $0x2;
	s20 =	smax.u32 s24, $0x1;
	v4 =	vsel vm1, $0x2300, v4;
	v5 =	vsel vm1, $0x6300, v5  }
.LBB2_1:
0x2d: {  	[smem:$0x7F4] =	sst s20  }
0x2e: {  	s13 =	rddreg [dreg:$0x4];
	s0 =	simm.s32 $0x3  }
0x2f: {  	[tilespmem:s3], [sflag:$0x3] =	stream.linear.gather [hbm4b:s13+s3], $0x400, $0x38;
	[tilespmem:$0x10C80] =	vst v63  }
0x30: {  	_ =	swait.ge [sflag:s0], $0x400  }
0x31: {  	s21 =	sld [smem:$0x7FC]  }
0x32: {  	[sflag:s0] =	ssyncset.done $0x0  }
0x33: {  	s14 =	rddreg [dreg:$0x5];
	[sflag:s0] =	ssyncadd.s32 $0xFFFFFC00  }
0x34: {  	[tilespmem:s21], [sflag:$0x3] =	stream.linear.gather [hbm4b:s14+s3], $0x400, $0x38;
	[tilespmem:$0x10C80] =	vst v63  }
0x35: {  	_ =	swait.ge [sflag:s0], $0x400  }
0x36: {  	[sflag:s0] =	ssyncset.done $0x0  }
0x37: {  	s15 =	rddreg [dreg:$0x3];
	[sflag:s0] =	ssyncadd.s32 $0xFFFFFC00  }
0x38: {  	[tilespmem:s9], [sflag:$0x3] =	stream.linear.gather [hbm4b:s15+s3], $0x400, $0x38;
	[tilespmem:$0x10C80] =	vst v63  }
0x39: {  	_ =	swait.ge [sflag:s0], $0x400  }
0x3a: {  	[sflag:s0] =	ssyncset.done $0x0  }
0x3b: {  	[sflag:s0] =	ssyncadd.s32 $0xFFFFFC00  }
0x3c: {  	v6 =	vld [tilespmem:$0x0];
	_ =	sdelay $0x4  }
0x3d: {  	v7 =	vshll.u32 v6, $0x3  }
0x3e: {  	v6 =	vand.u32 $0x7, v6;
	v7 =	vand.u32 $0xFFFFFFC0, v7  }
0x3f: {  	v6 =	vor.u32 v6, v7  }
0x40: {  	v7 =	vperm.xlane v6, v1;
	_ =	sdelay $0x1  }
0x41: {  	v7 =	vadd.s32 v2, v7;
	_ =	sdelay $0x3  }
0x42: {  	[tilespmem:$0x10C00] =	vst v0  }
0x43: {  	[tilespmem:s10], [sflag:$0x1] =	stream.indirect_vreg.gather [hbm4b:s2+s3], $0x80, v7, vm0, $0xb8;
	[tilespmem:$0x10C80] =	vst v63  }
0x44: {  	s16 =	simm.s32 $0x1400;
	v6 =	vperm.xlane v6, v3  }
0x45: {  	[tilespmem:s16], [sflag:$0x1] =	stream.indirect_vreg.gather [hbm4b:s4+s3], $0x80, v7, vm0, $0xb8;
	[tilespmem:$0x10C80] =	vst v63  }
0x46: {  	s17 =	simm.s32 $0x1C00;
	v6 =	vadd.s32 v2, v6  }
0x47: {  	[tilespmem:s17], [sflag:$0x1] =	stream.indirect_vreg.gather [hbm4b:s5+s3], $0x80, v7, vm0, $0xb8;
	[tilespmem:$0x10C80] =	vst v63  }
0x48: {  	s18 =	simm.s32 $0x2400  }
0x49: {  	[tilespmem:s18], [sflag:$0x1] =	stream.indirect_vreg.gather [hbm4b:s6+s3], $0x80, v7, vm0, $0xb8;
	[tilespmem:$0x10C80] =	vst v63  }
0x4a: {  	s20 =	simm.s32 $0x2C00  }
0x4b: {  	[tilespmem:s20], [sflag:$0x1] =	stream.indirect_vreg.gather [hbm4b:s2+s3], $0x80, v6, vm0, $0xb8;
	[tilespmem:$0x10C80] =	vst v63  }
0x4c: {  	s22 =	simm.s32 $0x3400  }
0x4d: {  	[tilespmem:s22], [sflag:$0x1] =	stream.indirect_vreg.gather [hbm4b:s4+s3], $0x80, v6, vm0, $0xb8;
	[tilespmem:$0x10C80] =	vst v63  }
0x4e: {  	s23 =	simm.s32 $0x3C00  }
0x4f: {  	[tilespmem:s23], [sflag:$0x1] =	stream.indirect_vreg.gather [hbm4b:s5+s3], $0x80, v6, vm0, $0xb8;
	[tilespmem:$0x10C80] =	vst v63  }
0x50: {  	s24 =	simm.s32 $0x4400  }
0x51: {  	[tilespmem:s24], [sflag:$0x1] =	stream.indirect_vreg.gather [hbm4b:s6+s3], $0x80, v6, vm0, $0xb8;
	[tilespmem:$0x10C80] =	vst v63  }
0x52: {  	v6 =	vld [tilespmem:$0x10];
	_ =	sdelay $0x4  }
0x53: {  	v7 =	vshll.u32 v6, $0x3  }
0x54: {  	v6 =	vand.u32 $0x7, v6;
	v7 =	vand.u32 $0xFFFFFFC0, v7  }
0x55: {  	v6 =	vor.u32 v6, v7  }
0x56: {  	v7 =	vperm.xlane v6, v1;
	_ =	sdelay $0x1  }
0x57: {  	v7 =	vadd.s32 v2, v7;
	_ =	sdelay $0x3  }
0x58: {  	s25 =	simm.s32 $0x4C00  }
0x59: {  	[tilespmem:s25], [sflag:$0x1] =	stream.indirect_vreg.gather [hbm4b:s2+s3], $0x80, v7, vm0, $0xb8;
	[tilespmem:$0x10C80] =	vst v63  }
0x5a: {  	s29 =	simm.s32 $0x5400;
	v6 =	vperm.xlane v6, v3  }
0x5b: {  	[tilespmem:s29], [sflag:$0x1] =	stream.indirect_vreg.gather [hbm4b:s4+s3], $0x80, v7, vm0, $0xb8;
	[tilespmem:$0x10C80] =	vst v63  }
0x5c: {  	s30 =	simm.s32 $0x5C00;
	v6 =	vadd.s32 v2, v6  }
0x5d: {  	[tilespmem:s30], [sflag:$0x1] =	stream.indirect_vreg.gather [hbm4b:s5+s3], $0x80, v7, vm0, $0xb8;
	[tilespmem:$0x10C80] =	vst v63  }
0x5e: {  	s31 =	simm.s32 $0x6400  }
0x5f: {  	[tilespmem:s31], [sflag:$0x1] =	stream.indirect_vreg.gather [hbm4b:s6+s3], $0x80, v7, vm0, $0xb8;
	[tilespmem:$0x10C80] =	vst v63  }
0x60: {  	s8 =	simm.s32 $0x6C00  }
0x61: {  	[tilespmem:s8], [sflag:$0x1] =	stream.indirect_vreg.gather [hbm4b:s2+s3], $0x80, v6, vm0, $0xb8;
	[tilespmem:$0x10C80] =	vst v63  }
0x62: {  	s13 =	simm.s32 $0x7400  }
0x63: {  	[tilespmem:s13], [sflag:$0x1] =	stream.indirect_vreg.gather [hbm4b:s4+s3], $0x80, v6, vm0, $0xb8;
	[tilespmem:$0x10C80] =	vst v63  }
0x64: {  	s20 =	simm.s32 $0x7C00  }
0x65: {  	[tilespmem:s20], [sflag:$0x1] =	stream.indirect_vreg.gather [hbm4b:s5+s3], $0x80, v6, vm0, $0xb8;
	[tilespmem:$0x10C80] =	vst v63  }
0x66: {  	s25 =	simm.s32 $0x8400  }
0x67: {  	[tilespmem:s25], [sflag:$0x1] =	stream.indirect_vreg.gather [hbm4b:s6+s3], $0x80, v6, vm0, $0xb8;
	[tilespmem:$0x10C80] =	vst v63  }
0x68: {  	_ =	swait.ge [sflag:s26], $0x8000  }
0x69: {  	[sflag:s26] =	ssyncset.done $0x0  }
0x6a: {  	[sflag:s26] =	ssyncadd.s32 $0xFFFF8000  }
0x6b: {  	v6 =	vld [tilespmem:$0x20];
	_ =	sdelay $0x4  }
0x6c: {  	v7 =	vshll.u32 v6, $0x3  }
0x6d: {  	v6 =	vand.u32 $0x7, v6;
	v7 =	vand.u32 $0xFFFFFFC0, v7  }
0x6e: {  	v6 =	vor.u32 v6, v7  }
0x6f: {  	v7 =	vperm.xlane v6, v1;
	_ =	sdelay $0x1  }
0x70: {  	v7 =	vadd.s32 v2, v7;
	_ =	sdelay $0x4  }
0x71: {  	[tilespmem:s28], [sflag:$0x1] =	stream.indirect_vreg.gather [hbm4b:s2+s3], $0x80, v7, vm0, $0xb8;
	[tilespmem:$0x10C80] =	vst v63  }
0x72: {  	s29 =	simm.s32 $0x9400;
	v6 =	vperm.xlane v6, v3  }
0x73: {  	[tilespmem:s29], [sflag:$0x1] =	stream.indirect_vreg.gather [hbm4b:s4+s3], $0x80, v7, vm0, $0xb8;
	[tilespmem:$0x10C80] =	vst v63  }
0x74: {  	s30 =	simm.s32 $0x9C00;
	v6 =	vadd.s32 v2, v6  }
0x75: {  	[tilespmem:s30], [sflag:$0x1] =	stream.indirect_vreg.gather [hbm4b:s5+s3], $0x80, v7, vm0, $0xb8;
	[tilespmem:$0x10C80] =	vst v63  }
0x76: {  	s31 =	simm.s32 $0xA400  }
0x77: {  	[tilespmem:s31], [sflag:$0x1] =	stream.indirect_vreg.gather [hbm4b:s6+s3], $0x80, v7, vm0, $0xb8;
	[tilespmem:$0x10C80] =	vst v63  }
0x78: {  	s20 =	simm.s32 $0xAC00  }
0x79: {  	[tilespmem:s20], [sflag:$0x1] =	stream.indirect_vreg.gather [hbm4b:s2+s3], $0x80, v6, vm0, $0xb8;
	[tilespmem:$0x10C80] =	vst v63  }
0x7a: {  	s25 =	simm.s32 $0xB400  }
0x7b: {  	[tilespmem:s25], [sflag:$0x1] =	stream.indirect_vreg.gather [hbm4b:s4+s3], $0x80, v6, vm0, $0xb8;
	[tilespmem:$0x10C80] =	vst v63  }
0x7c: {  	s30 =	simm.s32 $0xBC00  }
0x7d: {  	[tilespmem:s30], [sflag:$0x1] =	stream.indirect_vreg.gather [hbm4b:s5+s3], $0x80, v6, vm0, $0xb8;
	[tilespmem:$0x10C80] =	vst v63  }
0x7e: {  	s31 =	simm.s32 $0xC400  }
0x7f: {  	[tilespmem:s31], [sflag:$0x1] =	stream.indirect_vreg.gather [hbm4b:s6+s3], $0x80, v6, vm0, $0xb8;
	[tilespmem:$0x10C80] =	vst v63  }
0x80: {  	v6 =	vld [tilespmem:$0x30];
	_ =	sdelay $0x4  }
0x81: {  	v7 =	vshll.u32 v6, $0x3  }
0x82: {  	v6 =	vand.u32 $0x7, v6;
	v7 =	vand.u32 $0xFFFFFFC0, v7  }
0x83: {  	v6 =	vor.u32 v6, v7  }
0x84: {  	v7 =	vperm.xlane v6, v1;
	_ =	sdelay $0x1  }
0x85: {  	v7 =	vadd.s32 v2, v7;
	_ =	sdelay $0x3  }
0x86: {  	s0 =	simm.s32 $0xCC00  }
0x87: {  	[tilespmem:s0], [sflag:$0x1] =	stream.indirect_vreg.gather [hbm4b:s2+s3], $0x80, v7, vm0, $0xb8;
	[tilespmem:$0x10C80] =	vst v63  }
0x88: {  	s25 =	simm.s32 $0xD400;
	v6 =	vperm.xlane v6, v3  }
0x89: {  	[tilespmem:s25], [sflag:$0x1] =	stream.indirect_vreg.gather [hbm4b:s4+s3], $0x80, v7, vm0, $0xb8;
	[tilespmem:$0x10C80] =	vst v63  }
0x8a: {  	v6 =	vadd.s32 v2, v6;
	s0 =	simm.s32 $0xDC00  }
0x8b: {  	[tilespmem:s0], [sflag:$0x1] =	stream.indirect_vreg.gather [hbm4b:s5+s3], $0x80, v7, vm0, $0xb8;
	[tilespmem:$0x10C80] =	vst v63  }
0x8c: {  	s25 =	simm.s32 $0xE400  }
0x8d: {  	[tilespmem:s25], [sflag:$0x1] =	stream.indirect_vreg.gather [hbm4b:s6+s3], $0x80, v7, vm0, $0xb8;
	[tilespmem:$0x10C80] =	vst v63  }
0x8e: {  	s0 =	simm.s32 $0xEC00  }
0x8f: {  	[tilespmem:s0], [sflag:$0x1] =	stream.indirect_vreg.gather [hbm4b:s2+s3], $0x80, v6, vm0, $0xb8;
	[tilespmem:$0x10C80] =	vst v63  }
0x90: {  	s25 =	simm.s32 $0xF400  }
0x91: {  	[tilespmem:s25], [sflag:$0x1] =	stream.indirect_vreg.gather [hbm4b:s4+s3], $0x80, v6, vm0, $0xb8;
	[tilespmem:$0x10C80] =	vst v63  }
0x92: {  	s0 =	simm.s32 $0xFC00  }
0x93: {  	[tilespmem:s0], [sflag:$0x1] =	stream.indirect_vreg.gather [hbm4b:s5+s3], $0x80, v6, vm0, $0xb8;
	[tilespmem:$0x10C80] =	vst v63  }
0x94: {  	s25 =	simm.s32 $0x10400  }
0x95: {  	[tilespmem:s25], [sflag:$0x1] =	stream.indirect_vreg.gather [hbm4b:s6+s3], $0x80, v6, vm0, $0xb8;
	[tilespmem:$0x10C80] =	vst v63  }
0x96: {  	v6 =	vld [tilespmem:$0x400];
	_ =	sdelay $0x3  }
0x97: {  	v7 =	vld [tilespmem:$0x0]  }
0x98: {  	v8 =	vshll.u32 v6, $0x3  }
0x99: {  	v6 =	vand.u32 $0x7F, v6;
	v8 =	vand.u32 $0xFFFFFC00, v8  }
0x9a: {  	v6 =	vor.u32 v6, v8  }
0x9b: {  	v6 =	vadd.s32 v4, v6;
	_ =	sdelay $0x2  }
0x9c: {  	v32 =	vld [tilespmem:$0x410]  }
0x9d: {  	v7 =	vld.idx.msk [tilespmem:v7+s9+$0x0], $0xffff  }
0x9e: {  	v6 =	vld.idx.msk [tilespmem:v6+s10+$0x0], $0xffff  }
0x9f: {  	v9 =	vld [tilespmem:$0x10C00]  }
0xa0: {  	v10 =	vld [tilespmem:$0x10]  }
0xa1: {  	v11 =	vshll.u32 v32, $0x3  }
0xa2: {  	v11 =	vand.u32 $0xFFFFFC00, v11;
	v8 =	vand.u32 $0x7F, v32  }
0xa3: {  	v6 =	vsub.f32 v7, v6;
	v7 =	vor.u32 v8, v11  }
0xa4: {  	v7 =	vadd.s32 v5, v7  }
0xa5: {  	v6 =	vadd.f32 v6, v9;
	_ =	sdelay $0x1  }
0xa6: {  	[tilespmem:$0x10C00] =	vst v6  }
0xa7: {  	v33 =	vld.idx.msk [tilespmem:v10+s9+$0x0], $0xffff  }
0xa8: {  	v7 =	vld.idx.msk [tilespmem:v7+s10+$0x0], $0xffff;
	_ =	sdelay $0x4  }
0xa9: {  	v7 =	vsub.f32 v33, v7;
	_ =	sdelay $0x1  }
0xaa: {  	v6 =	vadd.f32 v7, v6;
	_ =	sdelay $0x1  }
0xab: {  	s0 =	rddreg [dreg:$0x6];
	[tilespmem:$0x10C00] =	vst v6  }
0xac: {  	[hbm4b:s0+s3] =	stream.linear.scatter [tilespmem:s10], [sflag:$0x2], $0x8000, $0x38;
	[tilespmem:$0x10C80] =	vst v63  }
0xad: {  	_ =	swait.ge [sflag:s26], $0x8000  }
0xae: {  	[sflag:s26] =	ssyncset.done $0x0  }
0xaf: {  	[sflag:s26] =	ssyncadd.s32 $0xFFFF8000  }
0xb0: {  	_ =	swait.ge [sflag:s19], $0x8000  }
0xb1: {  	[sflag:s19] =	ssyncset.done $0x0  }
0xb2: {  	[sflag:s19] =	ssyncadd.s32 $0xFFFF8000  }
0xb3: {  	v6 =	vld [tilespmem:$0x40];
	_ =	sdelay $0x4  }
0xb4: {  	v7 =	vshll.u32 v6, $0x3  }
0xb5: {  	v6 =	vand.u32 $0x7, v6;
	v7 =	vand.u32 $0xFFFFFFC0, v7  }
0xb6: {  	v6 =	vor.u32 v6, v7  }
0xb7: {  	v7 =	vperm.xlane v6, v1;
	_ =	sdelay $0x1  }
0xb8: {  	v7 =	vadd.s32 v2, v7;
	_ =	sdelay $0x4  }
0xb9: {  	[tilespmem:s10], [sflag:$0x1] =	stream.indirect_vreg.gather [hbm4b:s2+s3], $0x80, v7, vm0, $0xb8;
	[tilespmem:$0x10C80] =	vst v63  }
0xba: {  	s1 =	simm.s32 $0x1400;
	v6 =	vperm.xlane v6, v3  }
0xbb: {  	[tilespmem:s1], [sflag:$0x1] =	stream.indirect_vreg.gather [hbm4b:s4+s3], $0x80, v7, vm0, $0xb8;
	[tilespmem:$0x10C80] =	vst v63  }
0xbc: {  	s21 =	simm.s32 $0x1C00;
	v6 =	vadd.s32 v2, v6  }
0xbd: {  	[tilespmem:s21], [sflag:$0x1] =	stream.indirect_vreg.gather [hbm4b:s5+s3], $0x80, v7, vm0, $0xb8;
	[tilespmem:$0x10C80] =	vst v63  }
0xbe: {  	s14 =	simm.s32 $0x2400  }
0xbf: {  	[tilespmem:s14], [sflag:$0x1] =	stream.indirect_vreg.gather [hbm4b:s6+s3], $0x80, v7, vm0, $0xb8;
	[tilespmem:$0x10C80] =	vst v63  }
0xc0: {  	s15 =	simm.s32 $0x2C00  }
0xc1: {  	[tilespmem:s15], [sflag:$0x1] =	stream.indirect_vreg.gather [hbm4b:s2+s3], $0x80, v6, vm0, $0xb8;
	[tilespmem:$0x10C80] =	vst v63  }
0xc2: {  	s16 =	simm.s32 $0x3400  }
0xc3: {  	[tilespmem:s16], [sflag:$0x1] =	stream.indirect_vreg.gather [hbm4b:s4+s3], $0x80, v6, vm0, $0xb8;
	[tilespmem:$0x10C80] =	vst v63  }
0xc4: {  	s17 =	simm.s32 $0x3C00  }
0xc5: {  	[tilespmem:s17], [sflag:$0x1] =	stream.indirect_vreg.gather [hbm4b:s5+s3], $0x80, v6, vm0, $0xb8;
	[tilespmem:$0x10C80] =	vst v63  }
0xc6: {  	s11 =	simm.s32 $0x4400  }
0xc7: {  	[tilespmem:s11], [sflag:$0x1] =	stream.indirect_vreg.gather [hbm4b:s6+s3], $0x80, v6, vm0, $0xb8;
	[tilespmem:$0x10C80] =	vst v63  }
0xc8: {  	v6 =	vld [tilespmem:$0x50];
	_ =	sdelay $0x4  }
0xc9: {  	v7 =	vshll.u32 v6, $0x3  }
0xca: {  	v6 =	vand.u32 $0x7, v6;
	v7 =	vand.u32 $0xFFFFFFC0, v7  }
0xcb: {  	v6 =	vor.u32 v6, v7  }
0xcc: {  	v7 =	vperm.xlane v6, v1;
	_ =	sdelay $0x1  }
0xcd: {  	v7 =	vadd.s32 v2, v7;
	_ =	sdelay $0x3  }
0xce: {  	s12 =	simm.s32 $0x4C00  }
0xcf: {  	[tilespmem:s12], [sflag:$0x1] =	stream.indirect_vreg.gather [hbm4b:s2+s3], $0x80, v7, vm0, $0xb8;
	[tilespmem:$0x10C80] =	vst v63  }
0xd0: {  	s7 =	simm.s32 $0x5400;
	v6 =	vperm.xlane v6, v3  }
0xd1: {  	[tilespmem:s7], [sflag:$0x1] =	stream.indirect_vreg.gather [hbm4b:s4+s3], $0x80, v7, vm0, $0xb8;
	[tilespmem:$0x10C80] =	vst v63  }
0xd2: {  	s18 =	simm.s32 $0x5C00;
	v6 =	vadd.s32 v2, v6  }
0xd3: {  	[tilespmem:s18], [sflag:$0x1] =	stream.indirect_vreg.gather [hbm4b:s5+s3], $0x80, v7, vm0, $0xb8;
	[tilespmem:$0x10C80] =	vst v63  }
0xd4: {  	s22 =	simm.s32 $0x6400  }
0xd5: {  	[tilespmem:s22], [sflag:$0x1] =	stream.indirect_vreg.gather [hbm4b:s6+s3], $0x80, v7, vm0, $0xb8;
	[tilespmem:$0x10C80] =	vst v63  }
0xd6: {  	s23 =	simm.s32 $0x6C00  }
0xd7: {  	[tilespmem:s23], [sflag:$0x1] =	stream.indirect_vreg.gather [hbm4b:s2+s3], $0x80, v6, vm0, $0xb8;
	[tilespmem:$0x10C80] =	vst v63  }
0xd8: {  	s24 =	simm.s32 $0x7400  }
0xd9: {  	[tilespmem:s24], [sflag:$0x1] =	stream.indirect_vreg.gather [hbm4b:s4+s3], $0x80, v6, vm0, $0xb8;
	[tilespmem:$0x10C80] =	vst v63  }
0xda: {  	s13 =	simm.s32 $0x7C00  }
0xdb: {  	[tilespmem:s13], [sflag:$0x1] =	stream.indirect_vreg.gather [hbm4b:s5+s3], $0x80, v6, vm0, $0xb8;
	[tilespmem:$0x10C80] =	vst v63  }
0xdc: {  	s8 =	simm.s32 $0x8400  }
0xdd: {  	[tilespmem:s8], [sflag:$0x1] =	stream.indirect_vreg.gather [hbm4b:s6+s3], $0x80, v6, vm0, $0xb8;
	[tilespmem:$0x10C80] =	vst v63  }
0xde: {  	v6 =	vld [tilespmem:$0x420];
	_ =	sdelay $0x3  }
0xdf: {  	v7 =	vld [tilespmem:$0x20]  }
0xe0: {  	v34 =	vshll.u32 v6, $0x3  }
0xe1: {  	v6 =	vand.u32 $0x7F, v6;
	v8 =	vand.u32 $0xFFFFFC00, v34  }
0xe2: {  	v6 =	vor.u32 v6, v8  }
0xe3: {  	v6 =	vadd.s32 v4, v6;
	_ =	sdelay $0x2  }
0xe4: {  	v35 =	vld [tilespmem:$0x430]  }
0xe5: {  	v7 =	vld.idx.msk [tilespmem:v7+s9+$0x0], $0xffff  }
0xe6: {  	v6 =	vld.idx.msk [tilespmem:v6+s28+$0x0], $0xffff  }
0xe7: {  	v36 =	vld [tilespmem:$0x10C00]  }
0xe8: {  	v37 =	vld [tilespmem:$0x30]  }
0xe9: {  	v38 =	vshll.u32 v35, $0x3  }
0xea: {  	v11 =	vand.u32 $0xFFFFFC00, v38;
	v8 =	vand.u32 $0x7F, v35  }
0xeb: {  	v6 =	vsub.f32 v7, v6;
	v7 =	vor.u32 v8, v11  }
0xec: {  	v7 =	vadd.s32 v5, v7  }
0xed: {  	v6 =	vadd.f32 v6, v36;
	_ =	sdelay $0x1  }
0xee: {  	[tilespmem:$0x10C00] =	vst v6  }
0xef: {  	v39 =	vld.idx.msk [tilespmem:v37+s9+$0x0], $0xffff  }
0xf0: {  	v7 =	vld.idx.msk [tilespmem:v7+s28+$0x0], $0xffff;
	_ =	sdelay $0x4  }
0xf1: {  	v7 =	vsub.f32 v39, v7;
	_ =	sdelay $0x1  }
0xf2: {  	v6 =	vadd.f32 v7, v6;
	_ =	sdelay $0x1  }
0xf3: {  	s16 =	rddreg [dreg:$0x7];
	[tilespmem:$0x10C00] =	vst v6  }
0xf4: {  	[hbm4b:s16+s3] =	stream.linear.scatter [tilespmem:s28], [sflag:$0x2], $0x8000, $0x38;
	[tilespmem:$0x10C80] =	vst v63  }
0xf5: {  	_ =	swait.ge [sflag:s26], $0x8000  }
0xf6: {  	[sflag:s26] =	ssyncset.done $0x0  }
0xf7: {  	[sflag:s26] =	ssyncadd.s32 $0xFFFF8000  }
0xf8: {  	_ =	swait.ge [sflag:s19], $0x8000  }
0xf9: {  	[sflag:s19] =	ssyncset.done $0x0  }
0xfa: {  	[sflag:s19] =	ssyncadd.s32 $0xFFFF8000  }
0xfb: {  	v6 =	vld [tilespmem:$0x60];
	_ =	sdelay $0x4  }
0xfc: {  	v7 =	vshll.u32 v6, $0x3  }
0xfd: {  	v6 =	vand.u32 $0x7, v6;
	v7 =	vand.u32 $0xFFFFFFC0, v7  }
0xfe: {  	v6 =	vor.u32 v6, v7  }
0xff: {  	v7 =	vperm.xlane v6, v1;
	_ =	sdelay $0x1  }
0x100: {  	v7 =	vadd.s32 v2, v7;
	_ =	sdelay $0x4  }
0x101: {  	[tilespmem:s28], [sflag:$0x1] =	stream.indirect_vreg.gather [hbm4b:s2+s3], $0x80, v7, vm0, $0xb8;
	[tilespmem:$0x10C80] =	vst v63  }
0x102: {  	s29 =	simm.s32 $0x9400;
	v6 =	vperm.xlane v6, v3  }
0x103: {  	[tilespmem:s29], [sflag:$0x1] =	stream.indirect_vreg.gather [hbm4b:s4+s3], $0x80, v7, vm0, $0xb8;
	[tilespmem:$0x10C80] =	vst v63  }
0x104: {  	s0 =	simm.s32 $0x9C00;
	v6 =	vadd.s32 v2, v6  }
0x105: {  	[tilespmem:s0], [sflag:$0x1] =	stream.indirect_vreg.gather [hbm4b:s5+s3], $0x80, v7, vm0, $0xb8;
	[tilespmem:$0x10C80] =	vst v63  }
0x106: {  	s1 =	simm.s32 $0xA400  }
0x107: {  	[tilespmem:s1], [sflag:$0x1] =	stream.indirect_vreg.gather [hbm4b:s6+s3], $0x80, v7, vm0, $0xb8;
	[tilespmem:$0x10C80] =	vst v63  }
0x108: {  	s7 =	simm.s32 $0xAC00  }
0x109: {  	[tilespmem:s7], [sflag:$0x1] =	stream.indirect_vreg.gather [hbm4b:s2+s3], $0x80, v6, vm0, $0xb8;
	[tilespmem:$0x10C80] =	vst v63  }
0x10a: {  	s22 =	simm.s32 $0xB400  }
0x10b: {  	[tilespmem:s22], [sflag:$0x1] =	stream.indirect_vreg.gather [hbm4b:s4+s3], $0x80, v6, vm0, $0xb8;
	[tilespmem:$0x10C80] =	vst v63  }
0x10c: {  	s23 =	simm.s32 $0xBC00  }
0x10d: {  	[tilespmem:s23], [sflag:$0x1] =	stream.indirect_vreg.gather [hbm4b:s5+s3], $0x80, v6, vm0, $0xb8;
	[tilespmem:$0x10C80] =	vst v63  }
0x10e: {  	s30 =	simm.s32 $0xC400  }
0x10f: {  	[tilespmem:s30], [sflag:$0x1] =	stream.indirect_vreg.gather [hbm4b:s6+s3], $0x80, v6, vm0, $0xb8;
	[tilespmem:$0x10C80] =	vst v63  }
0x110: {  	v6 =	vld [tilespmem:$0x70];
	_ =	sdelay $0x4  }
0x111: {  	v7 =	vshll.u32 v6, $0x3  }
0x112: {  	v6 =	vand.u32 $0x7, v6;
	v7 =	vand.u32 $0xFFFFFFC0, v7  }
0x113: {  	v6 =	vor.u32 v6, v7  }
0x114: {  	v7 =	vperm.xlane v6, v1;
	_ =	sdelay $0x1  }
0x115: {  	v7 =	vadd.s32 v2, v7;
	_ =	sdelay $0x3  }
0x116: {  	s31 =	simm.s32 $0xCC00  }
0x117: {  	[tilespmem:s31], [sflag:$0x1] =	stream.indirect_vreg.gather [hbm4b:s2+s3], $0x80, v7, vm0, $0xb8;
	[tilespmem:$0x10C80] =	vst v63  }
0x118: {  	s24 =	simm.s32 $0xD400;
	v6 =	vperm.xlane v6, v3  }
0x119: {  	[tilespmem:s24], [sflag:$0x1] =	stream.indirect_vreg.gather [hbm4b:s4+s3], $0x80, v7, vm0, $0xb8;
	[tilespmem:$0x10C80] =	vst v63  }
0x11a: {  	s29 =	simm.s32 $0xDC00;
	v6 =	vadd.s32 v2, v6  }
0x11b: {  	[tilespmem:s29], [sflag:$0x1] =	stream.indirect_vreg.gather [hbm4b:s5+s3], $0x80, v7, vm0, $0xb8;
	[tilespmem:$0x10C80] =	vst v63  }
0x11c: {  	s13 =	simm.s32 $0xE400  }
0x11d: {  	[tilespmem:s13], [sflag:$0x1] =	stream.indirect_vreg.gather [hbm4b:s6+s3], $0x80, v7, vm0, $0xb8;
	[tilespmem:$0x10C80] =	vst v63  }
0x11e: {  	s15 =	simm.s32 $0xEC00  }
0x11f: {  	[tilespmem:s15], [sflag:$0x1] =	stream.indirect_vreg.gather [hbm4b:s2+s3], $0x80, v6, vm0, $0xb8;
	[tilespmem:$0x10C80] =	vst v63  }
0x120: {  	s16 =	simm.s32 $0xF400  }
0x121: {  	[tilespmem:s16], [sflag:$0x1] =	stream.indirect_vreg.gather [hbm4b:s4+s3], $0x80, v6, vm0, $0xb8;
	[tilespmem:$0x10C80] =	vst v63  }
0x122: {  	s20 =	simm.s32 $0xFC00  }
0x123: {  	[tilespmem:s20], [sflag:$0x1] =	stream.indirect_vreg.gather [hbm4b:s5+s3], $0x80, v6, vm0, $0xb8;
	[tilespmem:$0x10C80] =	vst v63  }
0x124: {  	s25 =	simm.s32 $0x10400  }
0x125: {  	[tilespmem:s25], [sflag:$0x1] =	stream.indirect_vreg.gather [hbm4b:s6+s3], $0x80, v6, vm0, $0xb8;
	[tilespmem:$0x10C80] =	vst v63  }
0x126: {  	v6 =	vld [tilespmem:$0x440];
	_ =	sdelay $0x3  }
0x127: {  	v7 =	vld [tilespmem:$0x40]  }
0x128: {  	v40 =	vshll.u32 v6, $0x3  }
0x129: {  	v6 =	vand.u32 $0x7F, v6;
	v8 =	vand.u32 $0xFFFFFC00, v40  }
0x12a: {  	v6 =	vor.u32 v6, v8  }
0x12b: {  	v6 =	vadd.s32 v4, v6;
	_ =	sdelay $0x2  }
0x12c: {  	v41 =	vld [tilespmem:$0x450]  }
0x12d: {  	v7 =	vld.idx.msk [tilespmem:v7+s9+$0x0], $0xffff  }
0x12e: {  	v6 =	vld.idx.msk [tilespmem:v6+s10+$0x0], $0xffff  }
0x12f: {  	v42 =	vld [tilespmem:$0x10C00]  }
0x130: {  	v43 =	vld [tilespmem:$0x50]  }
0x131: {  	v44 =	vshll.u32 v41, $0x3  }
0x132: {  	v11 =	vand.u32 $0xFFFFFC00, v44;
	v8 =	vand.u32 $0x7F, v41  }
0x133: {  	v6 =	vsub.f32 v7, v6;
	v7 =	vor.u32 v8, v11  }
0x134: {  	v7 =	vadd.s32 v5, v7  }
0x135: {  	v6 =	vadd.f32 v6, v42;
	_ =	sdelay $0x1  }
0x136: {  	[tilespmem:$0x10C00] =	vst v6  }
0x137: {  	v45 =	vld.idx.msk [tilespmem:v43+s9+$0x0], $0xffff  }
0x138: {  	v7 =	vld.idx.msk [tilespmem:v7+s10+$0x0], $0xffff;
	_ =	sdelay $0x4  }
0x139: {  	v7 =	vsub.f32 v45, v7;
	_ =	sdelay $0x1  }
0x13a: {  	v6 =	vadd.f32 v7, v6;
	_ =	sdelay $0x1  }
0x13b: {  	s25 =	rddreg [dreg:$0x8];
	[tilespmem:$0x10C00] =	vst v6  }
0x13c: {  	[hbm4b:s25+s3] =	stream.linear.scatter [tilespmem:s10], [sflag:$0x2], $0x8000, $0x38;
	[tilespmem:$0x10C80] =	vst v63  }
0x13d: {  	_ =	swait.ge [sflag:s26], $0x8000  }
0x13e: {  	[sflag:s26] =	ssyncset.done $0x0  }
0x13f: {  	[sflag:s26] =	ssyncadd.s32 $0xFFFF8000  }
0x140: {  	_ =	swait.ge [sflag:s19], $0x8000  }
0x141: {  	[sflag:s19] =	ssyncset.done $0x0  }
0x142: {  	[sflag:s19] =	ssyncadd.s32 $0xFFFF8000  }
0x143: {  	v6 =	vld [tilespmem:$0x80];
	_ =	sdelay $0x4  }
0x144: {  	v7 =	vshll.u32 v6, $0x3  }
0x145: {  	v6 =	vand.u32 $0x7, v6;
	v7 =	vand.u32 $0xFFFFFFC0, v7  }
0x146: {  	v6 =	vor.u32 v6, v7  }
0x147: {  	v7 =	vperm.xlane v6, v1;
	_ =	sdelay $0x1  }
0x148: {  	v7 =	vadd.s32 v2, v7;
	_ =	sdelay $0x4  }
0x149: {  	[tilespmem:s10], [sflag:$0x1] =	stream.indirect_vreg.gather [hbm4b:s2+s3], $0x80, v7, vm0, $0xb8;
	[tilespmem:$0x10C80] =	vst v63  }
0x14a: {  	s25 =	simm.s32 $0x1400;
	v6 =	vperm.xlane v6, v3  }
0x14b: {  	[tilespmem:s25], [sflag:$0x1] =	stream.indirect_vreg.gather [hbm4b:s4+s3], $0x80, v7, vm0, $0xb8;
	[tilespmem:$0x10C80] =	vst v63  }
0x14c: {  	s21 =	simm.s32 $0x1C00;
	v6 =	vadd.s32 v2, v6  }
0x14d: {  	[tilespmem:s21], [sflag:$0x1] =	stream.indirect_vreg.gather [hbm4b:s5+s3], $0x80, v7, vm0, $0xb8;
	[tilespmem:$0x10C80] =	vst v63  }
0x14e: {  	s21 =	simm.s32 $0x2400  }
0x14f: {  	[tilespmem:s21], [sflag:$0x1] =	stream.indirect_vreg.gather [hbm4b:s6+s3], $0x80, v7, vm0, $0xb8;
	[tilespmem:$0x10C80] =	vst v63  }
0x150: {  	s21 =	simm.s32 $0x2C00  }
0x151: {  	[tilespmem:s21], [sflag:$0x1] =	stream.indirect_vreg.gather [hbm4b:s2+s3], $0x80, v6, vm0, $0xb8;
	[tilespmem:$0x10C80] =	vst v63  }
0x152: {  	s21 =	simm.s32 $0x3400  }
0x153: {  	[tilespmem:s21], [sflag:$0x1] =	stream.indirect_vreg.gather [hbm4b:s4+s3], $0x80, v6, vm0, $0xb8;
	[tilespmem:$0x10C80] =	vst v63  }
0x154: {  	s21 =	simm.s32 $0x3C00  }
0x155: {  	[tilespmem:s21], [sflag:$0x1] =	stream.indirect_vreg.gather [hbm4b:s5+s3], $0x80, v6, vm0, $0xb8;
	[tilespmem:$0x10C80] =	vst v63  }
0x156: {  	s21 =	simm.s32 $0x4400  }
0x157: {  	[tilespmem:s21], [sflag:$0x1] =	stream.indirect_vreg.gather [hbm4b:s6+s3], $0x80, v6, vm0, $0xb8;
	[tilespmem:$0x10C80] =	vst v63  }
0x158: {  	v6 =	vld [tilespmem:$0x90];
	_ =	sdelay $0x4  }
0x159: {  	v7 =	vshll.u32 v6, $0x3  }
0x15a: {  	v6 =	vand.u32 $0x7, v6;
	v7 =	vand.u32 $0xFFFFFFC0, v7  }
0x15b: {  	v6 =	vor.u32 v6, v7  }
0x15c: {  	v7 =	vperm.xlane v6, v1;
	_ =	sdelay $0x1  }
0x15d: {  	v7 =	vadd.s32 v2, v7;
	_ =	sdelay $0x3  }
0x15e: {  	s21 =	simm.s32 $0x4C00  }
0x15f: {  	[tilespmem:s21], [sflag:$0x1] =	stream.indirect_vreg.gather [hbm4b:s2+s3], $0x80, v7, vm0, $0xb8;
	[tilespmem:$0x10C80] =	vst v63  }
0x160: {  	v6 =	vperm.xlane v6, v3;
	s21 =	simm.s32 $0x5400  }
0x161: {  	[tilespmem:s21], [sflag:$0x1] =	stream.indirect_vreg.gather [hbm4b:s4+s3], $0x80, v7, vm0, $0xb8;
	[tilespmem:$0x10C80] =	vst v63  }
0x162: {  	s11 =	simm.s32 $0x5C00;
	v6 =	vadd.s32 v2, v6  }
0x163: {  	[tilespmem:s11], [sflag:$0x1] =	stream.indirect_vreg.gather [hbm4b:s5+s3], $0x80, v7, vm0, $0xb8;
	[tilespmem:$0x10C80] =	vst v63  }
0x164: {  	s14 =	simm.s32 $0x6400  }
0x165: {  	[tilespmem:s14], [sflag:$0x1] =	stream.indirect_vreg.gather [hbm4b:s6+s3], $0x80, v7, vm0, $0xb8;
	[tilespmem:$0x10C80] =	vst v63  }
0x166: {  	s17 =	simm.s32 $0x6C00  }
0x167: {  	[tilespmem:s17], [sflag:$0x1] =	stream.indirect_vreg.gather [hbm4b:s2+s3], $0x80, v6, vm0, $0xb8;
	[tilespmem:$0x10C80] =	vst v63  }
0x168: {  	s18 =	simm.s32 $0x7400  }
0x169: {  	[tilespmem:s18], [sflag:$0x1] =	stream.indirect_vreg.gather [hbm4b:s4+s3], $0x80, v6, vm0, $0xb8;
	[tilespmem:$0x10C80] =	vst v63  }
0x16a: {  	s14 =	simm.s32 $0x7C00  }
0x16b: {  	[tilespmem:s14], [sflag:$0x1] =	stream.indirect_vreg.gather [hbm4b:s5+s3], $0x80, v6, vm0, $0xb8;
	[tilespmem:$0x10C80] =	vst v63  }
0x16c: {  	s20 =	simm.s32 $0x8400  }
0x16d: {  	[tilespmem:s20], [sflag:$0x1] =	stream.indirect_vreg.gather [hbm4b:s6+s3], $0x80, v6, vm0, $0xb8;
	[tilespmem:$0x10C80] =	vst v63  }
0x16e: {  	v6 =	vld [tilespmem:$0x460];
	_ =	sdelay $0x3  }
0x16f: {  	v7 =	vld [tilespmem:$0x60]  }
0x170: {  	v46 =	vshll.u32 v6, $0x3  }
0x171: {  	v6 =	vand.u32 $0x7F, v6;
	v8 =	vand.u32 $0xFFFFFC00, v46  }
0x172: {  	v6 =	vor.u32 v6, v8  }
0x173: {  	v6 =	vadd.s32 v4, v6;
	_ =	sdelay $0x2  }
0x174: {  	v47 =	vld [tilespmem:$0x470]  }
0x175: {  	v7 =	vld.idx.msk [tilespmem:v7+s9+$0x0], $0xffff  }
0x176: {  	v6 =	vld.idx.msk [tilespmem:v6+s28+$0x0], $0xffff  }
0x177: {  	v48 =	vld [tilespmem:$0x10C00]  }
0x178: {  	v49 =	vld [tilespmem:$0x70]  }
0x179: {  	v50 =	vshll.u32 v47, $0x3  }
0x17a: {  	v11 =	vand.u32 $0xFFFFFC00, v50;
	v8 =	vand.u32 $0x7F, v47  }
0x17b: {  	v6 =	vsub.f32 v7, v6;
	v7 =	vor.u32 v8, v11  }
0x17c: {  	v7 =	vadd.s32 v5, v7  }
0x17d: {  	v6 =	vadd.f32 v6, v48;
	_ =	sdelay $0x1  }
0x17e: {  	[tilespmem:$0x10C00] =	vst v6  }
0x17f: {  	v51 =	vld.idx.msk [tilespmem:v49+s9+$0x0], $0xffff  }
0x180: {  	v7 =	vld.idx.msk [tilespmem:v7+s28+$0x0], $0xffff;
	_ =	sdelay $0x4  }
0x181: {  	v7 =	vsub.f32 v51, v7;
	_ =	sdelay $0x1  }
0x182: {  	v6 =	vadd.f32 v7, v6;
	_ =	sdelay $0x1  }
0x183: {  	s14 =	rddreg [dreg:$0x9];
	[tilespmem:$0x10C00] =	vst v6  }
0x184: {  	[hbm4b:s14+s3] =	stream.linear.scatter [tilespmem:s28], [sflag:$0x2], $0x8000, $0x38;
	[tilespmem:$0x10C80] =	vst v63  }
0x185: {  	_ =	swait.ge [sflag:s26], $0x8000  }
0x186: {  	[sflag:s26] =	ssyncset.done $0x0  }
0x187: {  	[sflag:s26] =	ssyncadd.s32 $0xFFFF8000  }
0x188: {  	_ =	swait.ge [sflag:s19], $0x8000  }
0x189: {  	[sflag:s19] =	ssyncset.done $0x0  }
0x18a: {  	[sflag:s19] =	ssyncadd.s32 $0xFFFF8000  }
0x18b: {  	v6 =	vld [tilespmem:$0xA0];
	_ =	sdelay $0x4  }
0x18c: {  	v7 =	vshll.u32 v6, $0x3  }
0x18d: {  	v6 =	vand.u32 $0x7, v6;
	v7 =	vand.u32 $0xFFFFFFC0, v7  }
0x18e: {  	v6 =	vor.u32 v6, v7  }
0x18f: {  	v7 =	vperm.xlane v6, v1;
	_ =	sdelay $0x1  }
0x190: {  	v7 =	vadd.s32 v2, v7;
	_ =	sdelay $0x4  }
0x191: {  	[tilespmem:s28], [sflag:$0x1] =	stream.indirect_vreg.gather [hbm4b:s2+s3], $0x80, v7, vm0, $0xb8;
	[tilespmem:$0x10C80] =	vst v63  }
0x192: {  	s12 =	simm.s32 $0x9400;
	v6 =	vperm.xlane v6, v3  }
0x193: {  	[tilespmem:s12], [sflag:$0x1] =	stream.indirect_vreg.gather [hbm4b:s4+s3], $0x80, v7, vm0, $0xb8;
	[tilespmem:$0x10C80] =	vst v63  }
0x194: {  	v6 =	vadd.s32 v2, v6  }
0x195: {  	[tilespmem:s0], [sflag:$0x1] =	stream.indirect_vreg.gather [hbm4b:s5+s3], $0x80, v7, vm0, $0xb8;
	[tilespmem:$0x10C80] =	vst v63  }
0x196: {  	_ = 	snop  }
0x197: {  	[tilespmem:s1], [sflag:$0x1] =	stream.indirect_vreg.gather [hbm4b:s6+s3], $0x80, v7, vm0, $0xb8;
	[tilespmem:$0x10C80] =	vst v63  }
0x198: {  	_ = 	snop  }
0x199: {  	[tilespmem:s7], [sflag:$0x1] =	stream.indirect_vreg.gather [hbm4b:s2+s3], $0x80, v6, vm0, $0xb8;
	[tilespmem:$0x10C80] =	vst v63  }
0x19a: {  	s11 =	simm.s32 $0xB400  }
0x19b: {  	[tilespmem:s11], [sflag:$0x1] =	stream.indirect_vreg.gather [hbm4b:s4+s3], $0x80, v6, vm0, $0xb8;
	[tilespmem:$0x10C80] =	vst v63  }
0x19c: {  	s22 =	simm.s32 $0xBC00  }
0x19d: {  	[tilespmem:s22], [sflag:$0x1] =	stream.indirect_vreg.gather [hbm4b:s5+s3], $0x80, v6, vm0, $0xb8;
	[tilespmem:$0x10C80] =	vst v63  }
0x19e: {  	s23 =	simm.s32 $0xC400  }
0x19f: {  	[tilespmem:s23], [sflag:$0x1] =	stream.indirect_vreg.gather [hbm4b:s6+s3], $0x80, v6, vm0, $0xb8;
	[tilespmem:$0x10C80] =	vst v63  }
0x1a0: {  	v6 =	vld [tilespmem:$0xB0];
	_ =	sdelay $0x4  }
0x1a1: {  	v7 =	vshll.u32 v6, $0x3  }
0x1a2: {  	v6 =	vand.u32 $0x7, v6;
	v7 =	vand.u32 $0xFFFFFFC0, v7  }
0x1a3: {  	v6 =	vor.u32 v6, v7  }
0x1a4: {  	v7 =	vperm.xlane v6, v1;
	_ =	sdelay $0x1  }
0x1a5: {  	v7 =	vadd.s32 v2, v7;
	_ =	sdelay $0x3  }
0x1a6: {  	s31 =	simm.s32 $0xCC00  }
0x1a7: {  	[tilespmem:s31], [sflag:$0x1] =	stream.indirect_vreg.gather [hbm4b:s2+s3], $0x80, v7, vm0, $0xb8;
	[tilespmem:$0x10C80] =	vst v63  }
0x1a8: {  	s30 =	simm.s32 $0xD400;
	v6 =	vperm.xlane v6, v3  }
0x1a9: {  	[tilespmem:s30], [sflag:$0x1] =	stream.indirect_vreg.gather [hbm4b:s4+s3], $0x80, v7, vm0, $0xb8;
	[tilespmem:$0x10C80] =	vst v63  }
0x1aa: {  	s24 =	simm.s32 $0xDC00;
	v6 =	vadd.s32 v2, v6  }
0x1ab: {  	[tilespmem:s24], [sflag:$0x1] =	stream.indirect_vreg.gather [hbm4b:s5+s3], $0x80, v7, vm0, $0xb8;
	[tilespmem:$0x10C80] =	vst v63  }
0x1ac: {  	s29 =	simm.s32 $0xE400  }
0x1ad: {  	[tilespmem:s29], [sflag:$0x1] =	stream.indirect_vreg.gather [hbm4b:s6+s3], $0x80, v7, vm0, $0xb8;
	[tilespmem:$0x10C80] =	vst v63  }
0x1ae: {  	s15 =	simm.s32 $0xEC00  }
0x1af: {  	[tilespmem:s15], [sflag:$0x1] =	stream.indirect_vreg.gather [hbm4b:s2+s3], $0x80, v6, vm0, $0xb8;
	[tilespmem:$0x10C80] =	vst v63  }
0x1b0: {  	s8 =	simm.s32 $0xF400  }
0x1b1: {  	[tilespmem:s8], [sflag:$0x1] =	stream.indirect_vreg.gather [hbm4b:s4+s3], $0x80, v6, vm0, $0xb8;
	[tilespmem:$0x10C80] =	vst v63  }
0x1b2: {  	s13 =	simm.s32 $0xFC00  }
0x1b3: {  	[tilespmem:s13], [sflag:$0x1] =	stream.indirect_vreg.gather [hbm4b:s5+s3], $0x80, v6, vm0, $0xb8;
	[tilespmem:$0x10C80] =	vst v63  }
0x1b4: {  	s16 =	simm.s32 $0x10400  }
0x1b5: {  	[tilespmem:s16], [sflag:$0x1] =	stream.indirect_vreg.gather [hbm4b:s6+s3], $0x80, v6, vm0, $0xb8;
	[tilespmem:$0x10C80] =	vst v63  }
0x1b6: {  	v6 =	vld [tilespmem:$0x480];
	_ =	sdelay $0x3  }
0x1b7: {  	v7 =	vld [tilespmem:$0x80]  }
0x1b8: {  	v52 =	vshll.u32 v6, $0x3  }
0x1b9: {  	v6 =	vand.u32 $0x7F, v6;
	v8 =	vand.u32 $0xFFFFFC00, v52  }
0x1ba: {  	v6 =	vor.u32 v6, v8  }
0x1bb: {  	v6 =	vadd.s32 v4, v6;
	_ =	sdelay $0x2  }
0x1bc: {  	v53 =	vld [tilespmem:$0x490]  }
0x1bd: {  	v7 =	vld.idx.msk [tilespmem:v7+s9+$0x0], $0xffff  }
0x1be: {  	v6 =	vld.idx.msk [tilespmem:v6+s10+$0x0], $0xffff  }
0x1bf: {  	v54 =	vld [tilespmem:$0x10C00]  }
0x1c0: {  	v55 =	vld [tilespmem:$0x90]  }
0x1c1: {  	v56 =	vshll.u32 v53, $0x3  }
0x1c2: {  	v11 =	vand.u32 $0xFFFFFC00, v56;
	v8 =	vand.u32 $0x7F, v53  }
0x1c3: {  	v6 =	vsub.f32 v7, v6;
	v7 =	vor.u32 v8, v11  }
0x1c4: {  	v7 =	vadd.s32 v5, v7  }
0x1c5: {  	v6 =	vadd.f32 v6, v54;
	_ =	sdelay $0x1  }
0x1c6: {  	[tilespmem:$0x10C00] =	vst v6  }
0x1c7: {  	v57 =	vld.idx.msk [tilespmem:v55+s9+$0x0], $0xffff  }
0x1c8: {  	v7 =	vld.idx.msk [tilespmem:v7+s10+$0x0], $0xffff;
	_ =	sdelay $0x4  }
0x1c9: {  	v7 =	vsub.f32 v57, v7;
	_ =	sdelay $0x1  }
0x1ca: {  	v6 =	vadd.f32 v7, v6;
	_ =	sdelay $0x1  }
0x1cb: {  	s16 =	rddreg [dreg:$0xa];
	[tilespmem:$0x10C00] =	vst v6  }
0x1cc: {  	[hbm4b:s16+s3] =	stream.linear.scatter [tilespmem:s10], [sflag:$0x2], $0x8000, $0x38;
	[tilespmem:$0x10C80] =	vst v63  }
0x1cd: {  	_ =	swait.ge [sflag:s26], $0x8000  }
0x1ce: {  	[sflag:s26] =	ssyncset.done $0x0  }
0x1cf: {  	[sflag:s26] =	ssyncadd.s32 $0xFFFF8000  }
0x1d0: {  	_ =	swait.ge [sflag:s19], $0x8000  }
0x1d1: {  	[sflag:s19] =	ssyncset.done $0x0  }
0x1d2: {  	[sflag:s19] =	ssyncadd.s32 $0xFFFF8000  }
0x1d3: {  	v6 =	vld [tilespmem:$0xC0];
	_ =	sdelay $0x4  }
0x1d4: {  	v7 =	vshll.u32 v6, $0x3  }
0x1d5: {  	v6 =	vand.u32 $0x7, v6;
	v7 =	vand.u32 $0xFFFFFFC0, v7  }
0x1d6: {  	v6 =	vor.u32 v6, v7  }
0x1d7: {  	v7 =	vperm.xlane v6, v1;
	_ =	sdelay $0x1  }
0x1d8: {  	v7 =	vadd.s32 v2, v7;
	_ =	sdelay $0x4  }
0x1d9: {  	[tilespmem:s10], [sflag:$0x1] =	stream.indirect_vreg.gather [hbm4b:s2+s3], $0x80, v7, vm0, $0xb8;
	[tilespmem:$0x10C80] =	vst v63  }
0x1da: {  	s20 =	simm.s32 $0x1400;
	v6 =	vperm.xlane v6, v3  }
0x1db: {  	[tilespmem:s20], [sflag:$0x1] =	stream.indirect_vreg.gather [hbm4b:s4+s3], $0x80, v7, vm0, $0xb8;
	[tilespmem:$0x10C80] =	vst v63  }
0x1dc: {  	s25 =	simm.s32 $0x1C00;
	v6 =	vadd.s32 v2, v6  }
0x1dd: {  	[tilespmem:s25], [sflag:$0x1] =	stream.indirect_vreg.gather [hbm4b:s5+s3], $0x80, v7, vm0, $0xb8;
	[tilespmem:$0x10C80] =	vst v63  }
0x1de: {  	s20 =	simm.s32 $0x2400  }
0x1df: {  	[tilespmem:s20], [sflag:$0x1] =	stream.indirect_vreg.gather [hbm4b:s6+s3], $0x80, v7, vm0, $0xb8;
	[tilespmem:$0x10C80] =	vst v63  }
0x1e0: {  	s20 =	simm.s32 $0x2C00  }
0x1e1: {  	[tilespmem:s20], [sflag:$0x1] =	stream.indirect_vreg.gather [hbm4b:s2+s3], $0x80, v6, vm0, $0xb8;
	[tilespmem:$0x10C80] =	vst v63  }
0x1e2: {  	s20 =	simm.s32 $0x3400  }
0x1e3: {  	[tilespmem:s20], [sflag:$0x1] =	stream.indirect_vreg.gather [hbm4b:s4+s3], $0x80, v6, vm0, $0xb8;
	[tilespmem:$0x10C80] =	vst v63  }
0x1e4: {  	s20 =	simm.s32 $0x3C00  }
0x1e5: {  	[tilespmem:s20], [sflag:$0x1] =	stream.indirect_vreg.gather [hbm4b:s5+s3], $0x80, v6, vm0, $0xb8;
	[tilespmem:$0x10C80] =	vst v63  }
0x1e6: {  	s20 =	simm.s32 $0x4400  }
0x1e7: {  	[tilespmem:s20], [sflag:$0x1] =	stream.indirect_vreg.gather [hbm4b:s6+s3], $0x80, v6, vm0, $0xb8;
	[tilespmem:$0x10C80] =	vst v63  }
0x1e8: {  	v6 =	vld [tilespmem:$0xD0];
	_ =	sdelay $0x4  }
0x1e9: {  	v7 =	vshll.u32 v6, $0x3  }
0x1ea: {  	v6 =	vand.u32 $0x7, v6;
	v7 =	vand.u32 $0xFFFFFFC0, v7  }
0x1eb: {  	v6 =	vor.u32 v6, v7  }
0x1ec: {  	v7 =	vperm.xlane v6, v1;
	_ =	sdelay $0x1  }
0x1ed: {  	v7 =	vadd.s32 v2, v7;
	_ =	sdelay $0x3  }
0x1ee: {  	s20 =	simm.s32 $0x4C00  }
0x1ef: {  	[tilespmem:s20], [sflag:$0x1] =	stream.indirect_vreg.gather [hbm4b:s2+s3], $0x80, v7, vm0, $0xb8;
	[tilespmem:$0x10C80] =	vst v63  }
0x1f0: {  	v6 =	vperm.xlane v6, v3;
	s20 =	simm.s32 $0x5400  }
0x1f1: {  	[tilespmem:s20], [sflag:$0x1] =	stream.indirect_vreg.gather [hbm4b:s4+s3], $0x80, v7, vm0, $0xb8;
	[tilespmem:$0x10C80] =	vst v63  }
0x1f2: {  	s21 =	simm.s32 $0x5C00;
	v6 =	vadd.s32 v2, v6  }
0x1f3: {  	[tilespmem:s21], [sflag:$0x1] =	stream.indirect_vreg.gather [hbm4b:s5+s3], $0x80, v7, vm0, $0xb8;
	[tilespmem:$0x10C80] =	vst v63  }
0x1f4: {  	s21 =	simm.s32 $0x6400  }
0x1f5: {  	[tilespmem:s21], [sflag:$0x1] =	stream.indirect_vreg.gather [hbm4b:s6+s3], $0x80, v7, vm0, $0xb8;
	[tilespmem:$0x10C80] =	vst v63  }
0x1f6: {  	s17 =	simm.s32 $0x6C00  }
0x1f7: {  	[tilespmem:s17], [sflag:$0x1] =	stream.indirect_vreg.gather [hbm4b:s2+s3], $0x80, v6, vm0, $0xb8;
	[tilespmem:$0x10C80] =	vst v63  }
0x1f8: {  	s18 =	simm.s32 $0x7400  }
0x1f9: {  	[tilespmem:s18], [sflag:$0x1] =	stream.indirect_vreg.gather [hbm4b:s4+s3], $0x80, v6, vm0, $0xb8;
	[tilespmem:$0x10C80] =	vst v63  }
0x1fa: {  	s20 =	simm.s32 $0x7C00  }
0x1fb: {  	[tilespmem:s20], [sflag:$0x1] =	stream.indirect_vreg.gather [hbm4b:s5+s3], $0x80, v6, vm0, $0xb8;
	[tilespmem:$0x10C80] =	vst v63  }
0x1fc: {  	s20 =	simm.s32 $0x8400  }
0x1fd: {  	[tilespmem:s20], [sflag:$0x1] =	stream.indirect_vreg.gather [hbm4b:s6+s3], $0x80, v6, vm0, $0xb8;
	[tilespmem:$0x10C80] =	vst v63  }
0x1fe: {  	v6 =	vld [tilespmem:$0x4A0];
	_ =	sdelay $0x3  }
0x1ff: {  	v7 =	vld [tilespmem:$0xA0]  }
0x200: {  	v58 =	vshll.u32 v6, $0x3  }
0x201: {  	v6 =	vand.u32 $0x7F, v6;
	v8 =	vand.u32 $0xFFFFFC00, v58  }
0x202: {  	v6 =	vor.u32 v6, v8  }
0x203: {  	v6 =	vadd.s32 v4, v6;
	_ =	sdelay $0x2  }
0x204: {  	v59 =	vld [tilespmem:$0x4B0]  }
0x205: {  	v7 =	vld.idx.msk [tilespmem:v7+s9+$0x0], $0xffff  }
0x206: {  	v6 =	vld.idx.msk [tilespmem:v6+s28+$0x0], $0xffff  }
0x207: {  	v60 =	vld [tilespmem:$0x10C00]  }
0x208: {  	v61 =	vld [tilespmem:$0xB0]  }
0x209: {  	v62 =	vshll.u32 v59, $0x3  }
0x20a: {  	v11 =	vand.u32 $0xFFFFFC00, v62;
	v8 =	vand.u32 $0x7F, v59  }
0x20b: {  	v6 =	vsub.f32 v7, v6;
	v7 =	vor.u32 v8, v11  }
0x20c: {  	v7 =	vadd.s32 v5, v7  }
0x20d: {  	v6 =	vadd.f32 v6, v60;
	_ =	sdelay $0x1  }
0x20e: {  	[tilespmem:$0x10C00] =	vst v6  }
0x20f: {  	v63 =	vld.idx.msk [tilespmem:v61+s9+$0x0], $0xffff  }
0x210: {  	v7 =	vld.idx.msk [tilespmem:v7+s28+$0x0], $0xffff;
	_ =	sdelay $0x4  }
0x211: {  	v7 =	vsub.f32 v63, v7;
	_ =	sdelay $0x1  }
0x212: {  	v6 =	vadd.f32 v7, v6;
	_ =	sdelay $0x1  }
0x213: {  	s20 =	rddreg [dreg:$0xb];
	[tilespmem:$0x10C00] =	vst v6  }
0x214: {  	[hbm4b:s20+s3] =	stream.linear.scatter [tilespmem:s28], [sflag:$0x2], $0x8000, $0x38;
	[tilespmem:$0x10C80] =	vst v63  }
0x215: {  	_ =	swait.ge [sflag:s26], $0x8000  }
0x216: {  	[sflag:s26] =	ssyncset.done $0x0  }
0x217: {  	[sflag:s26] =	ssyncadd.s32 $0xFFFF8000  }
0x218: {  	_ =	swait.ge [sflag:s19], $0x8000  }
0x219: {  	[sflag:s19] =	ssyncset.done $0x0  }
0x21a: {  	[sflag:s19] =	ssyncadd.s32 $0xFFFF8000  }
0x21b: {  	v6 =	vld [tilespmem:$0xE0];
	_ =	sdelay $0x4  }
0x21c: {  	v7 =	vshll.u32 v6, $0x3  }
0x21d: {  	v6 =	vand.u32 $0x7, v6;
	v7 =	vand.u32 $0xFFFFFFC0, v7  }
0x21e: {  	v6 =	vor.u32 v6, v7  }
0x21f: {  	v7 =	vperm.xlane v6, v1;
	_ =	sdelay $0x1  }
0x220: {  	v7 =	vadd.s32 v2, v7;
	_ =	sdelay $0x4  }
0x221: {  	[tilespmem:s28], [sflag:$0x1] =	stream.indirect_vreg.gather [hbm4b:s2+s3], $0x80, v7, vm0, $0xb8;
	[tilespmem:$0x10C80] =	vst v63  }
0x222: {  	s14 =	simm.s32 $0x9400;
	v6 =	vperm.xlane v6, v3  }
0x223: {  	[tilespmem:s14], [sflag:$0x1] =	stream.indirect_vreg.gather [hbm4b:s4+s3], $0x80, v7, vm0, $0xb8;
	[tilespmem:$0x10C80] =	vst v63  }
0x224: {  	s12 =	simm.s32 $0x9C00;
	v6 =	vadd.s32 v2, v6  }
0x225: {  	[tilespmem:s12], [sflag:$0x1] =	stream.indirect_vreg.gather [hbm4b:s5+s3], $0x80, v7, vm0, $0xb8;
	[tilespmem:$0x10C80] =	vst v63  }
0x226: {  	s1 =	simm.s32 $0xA400  }
0x227: {  	[tilespmem:s1], [sflag:$0x1] =	stream.indirect_vreg.gather [hbm4b:s6+s3], $0x80, v7, vm0, $0xb8;
	[tilespmem:$0x10C80] =	vst v63  }
0x228: {  	s7 =	simm.s32 $0xAC00  }
0x229: {  	[tilespmem:s7], [sflag:$0x1] =	stream.indirect_vreg.gather [hbm4b:s2+s3], $0x80, v6, vm0, $0xb8;
	[tilespmem:$0x10C80] =	vst v63  }
0x22a: {  	s0 =	simm.s32 $0xB400  }
0x22b: {  	[tilespmem:s0], [sflag:$0x1] =	stream.indirect_vreg.gather [hbm4b:s4+s3], $0x80, v6, vm0, $0xb8;
	[tilespmem:$0x10C80] =	vst v63  }
0x22c: {  	s22 =	simm.s32 $0xBC00  }
0x22d: {  	[tilespmem:s22], [sflag:$0x1] =	stream.indirect_vreg.gather [hbm4b:s5+s3], $0x80, v6, vm0, $0xb8;
	[tilespmem:$0x10C80] =	vst v63  }
0x22e: {  	s23 =	simm.s32 $0xC400  }
0x22f: {  	[tilespmem:s23], [sflag:$0x1] =	stream.indirect_vreg.gather [hbm4b:s6+s3], $0x80, v6, vm0, $0xb8;
	[tilespmem:$0x10C80] =	vst v63  }
0x230: {  	v6 =	vld [tilespmem:$0xF0];
	_ =	sdelay $0x4  }
0x231: {  	v7 =	vshll.u32 v6, $0x3  }
0x232: {  	v6 =	vand.u32 $0x7, v6;
	v7 =	vand.u32 $0xFFFFFFC0, v7  }
0x233: {  	v6 =	vor.u32 v6, v7  }
0x234: {  	v7 =	vperm.xlane v6, v1;
	_ =	sdelay $0x1  }
0x235: {  	v7 =	vadd.s32 v2, v7;
	_ =	sdelay $0x3  }
0x236: {  	s31 =	simm.s32 $0xCC00  }
0x237: {  	[tilespmem:s31], [sflag:$0x1] =	stream.indirect_vreg.gather [hbm4b:s2+s3], $0x80, v7, vm0, $0xb8;
	[tilespmem:$0x10C80] =	vst v63  }
0x238: {  	s30 =	simm.s32 $0xD400;
	v6 =	vperm.xlane v6, v3  }
0x239: {  	[tilespmem:s30], [sflag:$0x1] =	stream.indirect_vreg.gather [hbm4b:s4+s3], $0x80, v7, vm0, $0xb8;
	[tilespmem:$0x10C80] =	vst v63  }
0x23a: {  	s24 =	simm.s32 $0xDC00;
	v6 =	vadd.s32 v2, v6  }
0x23b: {  	[tilespmem:s24], [sflag:$0x1] =	stream.indirect_vreg.gather [hbm4b:s5+s3], $0x80, v7, vm0, $0xb8;
	[tilespmem:$0x10C80] =	vst v63  }
0x23c: {  	s29 =	simm.s32 $0xE400  }
0x23d: {  	[tilespmem:s29], [sflag:$0x1] =	stream.indirect_vreg.gather [hbm4b:s6+s3], $0x80, v7, vm0, $0xb8;
	[tilespmem:$0x10C80] =	vst v63  }
0x23e: {  	s15 =	simm.s32 $0xEC00  }
0x23f: {  	[tilespmem:s15], [sflag:$0x1] =	stream.indirect_vreg.gather [hbm4b:s2+s3], $0x80, v6, vm0, $0xb8;
	[tilespmem:$0x10C80] =	vst v63  }
0x240: {  	s8 =	simm.s32 $0xF400  }
0x241: {  	[tilespmem:s8], [sflag:$0x1] =	stream.indirect_vreg.gather [hbm4b:s4+s3], $0x80, v6, vm0, $0xb8;
	[tilespmem:$0x10C80] =	vst v63  }
0x242: {  	s11 =	simm.s32 $0xFC00  }
0x243: {  	[tilespmem:s11], [sflag:$0x1] =	stream.indirect_vreg.gather [hbm4b:s5+s3], $0x80, v6, vm0, $0xb8;
	[tilespmem:$0x10C80] =	vst v63  }
0x244: {  	s13 =	simm.s32 $0x10400  }
0x245: {  	[tilespmem:s13], [sflag:$0x1] =	stream.indirect_vreg.gather [hbm4b:s6+s3], $0x80, v6, vm0, $0xb8;
	[tilespmem:$0x10C80] =	vst v63  }
0x246: {  	v6 =	vld [tilespmem:$0x4C0];
	_ =	sdelay $0x3  }
0x247: {  	v7 =	vld [tilespmem:$0xC0]  }
0x248: {  	v12 =	vshll.u32 v6, $0x3  }
0x249: {  	v6 =	vand.u32 $0x7F, v6;
	v8 =	vand.u32 $0xFFFFFC00, v12  }
0x24a: {  	v6 =	vor.u32 v6, v8  }
0x24b: {  	v6 =	vadd.s32 v4, v6;
	_ =	sdelay $0x2  }
0x24c: {  	v13 =	vld [tilespmem:$0x4D0]  }
0x24d: {  	v7 =	vld.idx.msk [tilespmem:v7+s9+$0x0], $0xffff  }
0x24e: {  	v6 =	vld.idx.msk [tilespmem:v6+s10+$0x0], $0xffff  }
0x24f: {  	v14 =	vld [tilespmem:$0x10C00]  }
0x250: {  	v15 =	vld [tilespmem:$0xD0]  }
0x251: {  	v16 =	vshll.u32 v13, $0x3  }
0x252: {  	v11 =	vand.u32 $0xFFFFFC00, v16;
	v8 =	vand.u32 $0x7F, v13  }
0x253: {  	v6 =	vsub.f32 v7, v6;
	v7 =	vor.u32 v8, v11  }
0x254: {  	v7 =	vadd.s32 v5, v7  }
0x255: {  	v6 =	vadd.f32 v6, v14;
	_ =	sdelay $0x1  }
0x256: {  	[tilespmem:$0x10C00] =	vst v6  }
0x257: {  	v17 =	vld.idx.msk [tilespmem:v15+s9+$0x0], $0xffff  }
0x258: {  	v7 =	vld.idx.msk [tilespmem:v7+s10+$0x0], $0xffff;
	_ =	sdelay $0x4  }
0x259: {  	v7 =	vsub.f32 v17, v7;
	_ =	sdelay $0x1  }
0x25a: {  	v6 =	vadd.f32 v7, v6;
	_ =	sdelay $0x1  }
0x25b: {  	s13 =	rddreg [dreg:$0xc];
	[tilespmem:$0x10C00] =	vst v6  }
0x25c: {  	[hbm4b:s13+s3] =	stream.linear.scatter [tilespmem:s10], [sflag:$0x2], $0x8000, $0x38;
	[tilespmem:$0x10C80] =	vst v63  }
0x25d: {  	_ =	swait.ge [sflag:s26], $0x8000  }
0x25e: {  	[sflag:s26] =	ssyncset.done $0x0  }
0x25f: {  	[sflag:s26] =	ssyncadd.s32 $0xFFFF8000  }
0x260: {  	_ =	swait.ge [sflag:s19], $0x8000  }
0x261: {  	[sflag:s19] =	ssyncset.done $0x0  }
0x262: {  	[sflag:s19] =	ssyncadd.s32 $0xFFFF8000  }
0x263: {  	v6 =	vld [tilespmem:$0x100];
	_ =	sdelay $0x4  }
0x264: {  	v7 =	vshll.u32 v6, $0x3  }
0x265: {  	v6 =	vand.u32 $0x7, v6;
	v7 =	vand.u32 $0xFFFFFFC0, v7  }
0x266: {  	v6 =	vor.u32 v6, v7  }
0x267: {  	v7 =	vperm.xlane v6, v1;
	_ =	sdelay $0x1  }
0x268: {  	v7 =	vadd.s32 v2, v7;
	_ =	sdelay $0x4  }
0x269: {  	[tilespmem:s10], [sflag:$0x1] =	stream.indirect_vreg.gather [hbm4b:s2+s3], $0x80, v7, vm0, $0xb8;
	[tilespmem:$0x10C80] =	vst v63  }
0x26a: {  	s20 =	simm.s32 $0x1400;
	v6 =	vperm.xlane v6, v3  }
0x26b: {  	[tilespmem:s20], [sflag:$0x1] =	stream.indirect_vreg.gather [hbm4b:s4+s3], $0x80, v7, vm0, $0xb8;
	[tilespmem:$0x10C80] =	vst v63  }
0x26c: {  	s25 =	simm.s32 $0x1C00;
	v6 =	vadd.s32 v2, v6  }
0x26d: {  	[tilespmem:s25], [sflag:$0x1] =	stream.indirect_vreg.gather [hbm4b:s5+s3], $0x80, v7, vm0, $0xb8;
	[tilespmem:$0x10C80] =	vst v63  }
0x26e: {  	s25 =	simm.s32 $0x2400  }
0x26f: {  	[tilespmem:s25], [sflag:$0x1] =	stream.indirect_vreg.gather [hbm4b:s6+s3], $0x80, v7, vm0, $0xb8;
	[tilespmem:$0x10C80] =	vst v63  }
0x270: {  	s25 =	simm.s32 $0x2C00  }
0x271: {  	[tilespmem:s25], [sflag:$0x1] =	stream.indirect_vreg.gather [hbm4b:s2+s3], $0x80, v6, vm0, $0xb8;
	[tilespmem:$0x10C80] =	vst v63  }
0x272: {  	s25 =	simm.s32 $0x3400  }
0x273: {  	[tilespmem:s25], [sflag:$0x1] =	stream.indirect_vreg.gather [hbm4b:s4+s3], $0x80, v6, vm0, $0xb8;
	[tilespmem:$0x10C80] =	vst v63  }
0x274: {  	s25 =	simm.s32 $0x3C00  }
0x275: {  	[tilespmem:s25], [sflag:$0x1] =	stream.indirect_vreg.gather [hbm4b:s5+s3], $0x80, v6, vm0, $0xb8;
	[tilespmem:$0x10C80] =	vst v63  }
0x276: {  	s25 =	simm.s32 $0x4400  }
0x277: {  	[tilespmem:s25], [sflag:$0x1] =	stream.indirect_vreg.gather [hbm4b:s6+s3], $0x80, v6, vm0, $0xb8;
	[tilespmem:$0x10C80] =	vst v63  }
0x278: {  	v6 =	vld [tilespmem:$0x110];
	_ =	sdelay $0x4  }
0x279: {  	v7 =	vshll.u32 v6, $0x3  }
0x27a: {  	v6 =	vand.u32 $0x7, v6;
	v7 =	vand.u32 $0xFFFFFFC0, v7  }
0x27b: {  	v6 =	vor.u32 v6, v7  }
0x27c: {  	v7 =	vperm.xlane v6, v1;
	_ =	sdelay $0x1  }
0x27d: {  	v7 =	vadd.s32 v2, v7;
	_ =	sdelay $0x3  }
0x27e: {  	s25 =	simm.s32 $0x4C00  }
0x27f: {  	[tilespmem:s25], [sflag:$0x1] =	stream.indirect_vreg.gather [hbm4b:s2+s3], $0x80, v7, vm0, $0xb8;
	[tilespmem:$0x10C80] =	vst v63  }
0x280: {  	v6 =	vperm.xlane v6, v3;
	s25 =	simm.s32 $0x5400  }
0x281: {  	[tilespmem:s25], [sflag:$0x1] =	stream.indirect_vreg.gather [hbm4b:s4+s3], $0x80, v7, vm0, $0xb8;
	[tilespmem:$0x10C80] =	vst v63  }
0x282: {  	s16 =	simm.s32 $0x5C00;
	v6 =	vadd.s32 v2, v6  }
0x283: {  	[tilespmem:s16], [sflag:$0x1] =	stream.indirect_vreg.gather [hbm4b:s5+s3], $0x80, v7, vm0, $0xb8;
	[tilespmem:$0x10C80] =	vst v63  }
0x284: {  	s21 =	simm.s32 $0x6400  }
0x285: {  	[tilespmem:s21], [sflag:$0x1] =	stream.indirect_vreg.gather [hbm4b:s6+s3], $0x80, v7, vm0, $0xb8;
	[tilespmem:$0x10C80] =	vst v63  }
0x286: {  	s17 =	simm.s32 $0x6C00  }
0x287: {  	[tilespmem:s17], [sflag:$0x1] =	stream.indirect_vreg.gather [hbm4b:s2+s3], $0x80, v6, vm0, $0xb8;
	[tilespmem:$0x10C80] =	vst v63  }
0x288: {  	s18 =	simm.s32 $0x7400  }
0x289: {  	[tilespmem:s18], [sflag:$0x1] =	stream.indirect_vreg.gather [hbm4b:s4+s3], $0x80, v6, vm0, $0xb8;
	[tilespmem:$0x10C80] =	vst v63  }
0x28a: {  	s21 =	simm.s32 $0x7C00  }
0x28b: {  	[tilespmem:s21], [sflag:$0x1] =	stream.indirect_vreg.gather [hbm4b:s5+s3], $0x80, v6, vm0, $0xb8;
	[tilespmem:$0x10C80] =	vst v63  }
0x28c: {  	s20 =	simm.s32 $0x8400  }
0x28d: {  	[tilespmem:s20], [sflag:$0x1] =	stream.indirect_vreg.gather [hbm4b:s6+s3], $0x80, v6, vm0, $0xb8;
	[tilespmem:$0x10C80] =	vst v63  }
0x28e: {  	v6 =	vld [tilespmem:$0x4E0];
	_ =	sdelay $0x3  }
0x28f: {  	v7 =	vld [tilespmem:$0xE0]  }
0x290: {  	v18 =	vshll.u32 v6, $0x3  }
0x291: {  	v6 =	vand.u32 $0x7F, v6;
	v8 =	vand.u32 $0xFFFFFC00, v18  }
0x292: {  	v6 =	vor.u32 v6, v8  }
0x293: {  	v6 =	vadd.s32 v4, v6;
	_ =	sdelay $0x2  }
0x294: {  	v19 =	vld [tilespmem:$0x4F0]  }
0x295: {  	v7 =	vld.idx.msk [tilespmem:v7+s9+$0x0], $0xffff  }
0x296: {  	v6 =	vld.idx.msk [tilespmem:v6+s28+$0x0], $0xffff  }
0x297: {  	v20 =	vld [tilespmem:$0x10C00]  }
0x298: {  	v21 =	vld [tilespmem:$0xF0]  }
0x299: {  	v22 =	vshll.u32 v19, $0x3  }
0x29a: {  	v11 =	vand.u32 $0xFFFFFC00, v22;
	v8 =	vand.u32 $0x7F, v19  }
0x29b: {  	v6 =	vsub.f32 v7, v6;
	v7 =	vor.u32 v8, v11  }
0x29c: {  	v7 =	vadd.s32 v5, v7  }
0x29d: {  	v6 =	vadd.f32 v6, v20;
	_ =	sdelay $0x1  }
0x29e: {  	[tilespmem:$0x10C00] =	vst v6  }
0x29f: {  	v23 =	vld.idx.msk [tilespmem:v21+s9+$0x0], $0xffff  }
0x2a0: {  	v7 =	vld.idx.msk [tilespmem:v7+s28+$0x0], $0xffff;
	_ =	sdelay $0x4  }
0x2a1: {  	v7 =	vsub.f32 v23, v7;
	_ =	sdelay $0x1  }
0x2a2: {  	v6 =	vadd.f32 v7, v6;
	_ =	sdelay $0x1  }
0x2a3: {  	s21 =	rddreg [dreg:$0xd];
	[tilespmem:$0x10C00] =	vst v6  }
0x2a4: {  	[hbm4b:s21+s3] =	stream.linear.scatter [tilespmem:s28], [sflag:$0x2], $0x8000, $0x38;
	[tilespmem:$0x10C80] =	vst v63  }
0x2a5: {  	_ =	swait.ge [sflag:s26], $0x8000  }
0x2a6: {  	[sflag:s26] =	ssyncset.done $0x0  }
0x2a7: {  	[sflag:s26] =	ssyncadd.s32 $0xFFFF8000  }
0x2a8: {  	_ =	swait.ge [sflag:s19], $0x8000  }
0x2a9: {  	[sflag:s19] =	ssyncset.done $0x0  }
0x2aa: {  	[sflag:s19] =	ssyncadd.s32 $0xFFFF8000  }
0x2ab: {  	v6 =	vld [tilespmem:$0x120];
	_ =	sdelay $0x4  }
0x2ac: {  	v7 =	vshll.u32 v6, $0x3  }
0x2ad: {  	v6 =	vand.u32 $0x7, v6;
	v7 =	vand.u32 $0xFFFFFFC0, v7  }
0x2ae: {  	v6 =	vor.u32 v6, v7  }
0x2af: {  	v7 =	vperm.xlane v6, v1;
	_ =	sdelay $0x1  }
0x2b0: {  	v7 =	vadd.s32 v2, v7;
	_ =	sdelay $0x4  }
0x2b1: {  	[tilespmem:s28], [sflag:$0x1] =	stream.indirect_vreg.gather [hbm4b:s2+s3], $0x80, v7, vm0, $0xb8;
	[tilespmem:$0x10C80] =	vst v63  }
0x2b2: {  	s14 =	simm.s32 $0x9400;
	v6 =	vperm.xlane v6, v3  }
0x2b3: {  	[tilespmem:s14], [sflag:$0x1] =	stream.indirect_vreg.gather [hbm4b:s4+s3], $0x80, v7, vm0, $0xb8;
	[tilespmem:$0x10C80] =	vst v63  }
0x2b4: {  	s12 =	simm.s32 $0x9C00;
	v6 =	vadd.s32 v2, v6  }
0x2b5: {  	[tilespmem:s12], [sflag:$0x1] =	stream.indirect_vreg.gather [hbm4b:s5+s3], $0x80, v7, vm0, $0xb8;
	[tilespmem:$0x10C80] =	vst v63  }
0x2b6: {  	s1 =	simm.s32 $0xA400  }
0x2b7: {  	[tilespmem:s1], [sflag:$0x1] =	stream.indirect_vreg.gather [hbm4b:s6+s3], $0x80, v7, vm0, $0xb8;
	[tilespmem:$0x10C80] =	vst v63  }
0x2b8: {  	s7 =	simm.s32 $0xAC00  }
0x2b9: {  	[tilespmem:s7], [sflag:$0x1] =	stream.indirect_vreg.gather [hbm4b:s2+s3], $0x80, v6, vm0, $0xb8;
	[tilespmem:$0x10C80] =	vst v63  }
0x2ba: {  	s0 =	simm.s32 $0xB400  }
0x2bb: {  	[tilespmem:s0], [sflag:$0x1] =	stream.indirect_vreg.gather [hbm4b:s4+s3], $0x80, v6, vm0, $0xb8;
	[tilespmem:$0x10C80] =	vst v63  }
0x2bc: {  	s22 =	simm.s32 $0xBC00  }
0x2bd: {  	[tilespmem:s22], [sflag:$0x1] =	stream.indirect_vreg.gather [hbm4b:s5+s3], $0x80, v6, vm0, $0xb8;
	[tilespmem:$0x10C80] =	vst v63  }
0x2be: {  	s23 =	simm.s32 $0xC400  }
0x2bf: {  	[tilespmem:s23], [sflag:$0x1] =	stream.indirect_vreg.gather [hbm4b:s6+s3], $0x80, v6, vm0, $0xb8;
	[tilespmem:$0x10C80] =	vst v63  }
0x2c0: {  	v6 =	vld [tilespmem:$0x130];
	_ =	sdelay $0x4  }
0x2c1: {  	v7 =	vshll.u32 v6, $0x3  }
0x2c2: {  	v6 =	vand.u32 $0x7, v6;
	v7 =	vand.u32 $0xFFFFFFC0, v7  }
0x2c3: {  	v6 =	vor.u32 v6, v7  }
0x2c4: {  	v7 =	vperm.xlane v6, v1;
	_ =	sdelay $0x1  }
0x2c5: {  	v7 =	vadd.s32 v2, v7;
	_ =	sdelay $0x3  }
0x2c6: {  	s31 =	simm.s32 $0xCC00  }
0x2c7: {  	[tilespmem:s31], [sflag:$0x1] =	stream.indirect_vreg.gather [hbm4b:s2+s3], $0x80, v7, vm0, $0xb8;
	[tilespmem:$0x10C80] =	vst v63  }
0x2c8: {  	s23 =	simm.s32 $0xD400;
	v6 =	vperm.xlane v6, v3  }
0x2c9: {  	[tilespmem:s23], [sflag:$0x1] =	stream.indirect_vreg.gather [hbm4b:s4+s3], $0x80, v7, vm0, $0xb8;
	[tilespmem:$0x10C80] =	vst v63  }
0x2ca: {  	s24 =	simm.s32 $0xDC00;
	v6 =	vadd.s32 v2, v6  }
0x2cb: {  	[tilespmem:s24], [sflag:$0x1] =	stream.indirect_vreg.gather [hbm4b:s5+s3], $0x80, v7, vm0, $0xb8;
	[tilespmem:$0x10C80] =	vst v63  }
0x2cc: {  	s30 =	simm.s32 $0xE400  }
0x2cd: {  	[tilespmem:s30], [sflag:$0x1] =	stream.indirect_vreg.gather [hbm4b:s6+s3], $0x80, v7, vm0, $0xb8;
	[tilespmem:$0x10C80] =	vst v63  }
0x2ce: {  	s29 =	simm.s32 $0xEC00  }
0x2cf: {  	[tilespmem:s29], [sflag:$0x1] =	stream.indirect_vreg.gather [hbm4b:s2+s3], $0x80, v6, vm0, $0xb8;
	[tilespmem:$0x10C80] =	vst v63  }
0x2d0: {  	s8 =	simm.s32 $0xF400  }
0x2d1: {  	[tilespmem:s8], [sflag:$0x1] =	stream.indirect_vreg.gather [hbm4b:s4+s3], $0x80, v6, vm0, $0xb8;
	[tilespmem:$0x10C80] =	vst v63  }
0x2d2: {  	s15 =	simm.s32 $0xFC00  }
0x2d3: {  	[tilespmem:s15], [sflag:$0x1] =	stream.indirect_vreg.gather [hbm4b:s5+s3], $0x80, v6, vm0, $0xb8;
	[tilespmem:$0x10C80] =	vst v63  }
0x2d4: {  	s11 =	simm.s32 $0x10400  }
0x2d5: {  	[tilespmem:s11], [sflag:$0x1] =	stream.indirect_vreg.gather [hbm4b:s6+s3], $0x80, v6, vm0, $0xb8;
	[tilespmem:$0x10C80] =	vst v63  }
0x2d6: {  	v6 =	vld [tilespmem:$0x500];
	_ =	sdelay $0x3  }
0x2d7: {  	v7 =	vld [tilespmem:$0x100]  }
0x2d8: {  	v24 =	vshll.u32 v6, $0x3  }
0x2d9: {  	v6 =	vand.u32 $0x7F, v6;
	v8 =	vand.u32 $0xFFFFFC00, v24  }
0x2da: {  	v6 =	vor.u32 v6, v8  }
0x2db: {  	v6 =	vadd.s32 v4, v6;
	_ =	sdelay $0x2  }
0x2dc: {  	v25 =	vld [tilespmem:$0x510]  }
0x2dd: {  	v7 =	vld.idx.msk [tilespmem:v7+s9+$0x0], $0xffff  }
0x2de: {  	v6 =	vld.idx.msk [tilespmem:v6+s10+$0x0], $0xffff  }
0x2df: {  	v26 =	vld [tilespmem:$0x10C00]  }
0x2e0: {  	v27 =	vld [tilespmem:$0x110]  }
0x2e1: {  	v28 =	vshll.u32 v25, $0x3  }
0x2e2: {  	v11 =	vand.u32 $0xFFFFFC00, v28;
	v8 =	vand.u32 $0x7F, v25  }
0x2e3: {  	v6 =	vsub.f32 v7, v6;
	v7 =	vor.u32 v8, v11  }
0x2e4: {  	v7 =	vadd.s32 v5, v7  }
0x2e5: {  	v6 =	vadd.f32 v6, v26;
	_ =	sdelay $0x1  }
0x2e6: {  	[tilespmem:$0x10C00] =	vst v6  }
0x2e7: {  	v29 =	vld.idx.msk [tilespmem:v27+s9+$0x0], $0xffff  }
0x2e8: {  	v7 =	vld.idx.msk [tilespmem:v7+s10+$0x0], $0xffff;
	_ =	sdelay $0x4  }
0x2e9: {  	v7 =	vsub.f32 v29, v7;
	_ =	sdelay $0x1  }
0x2ea: {  	v6 =	vadd.f32 v7, v6;
	_ =	sdelay $0x1  }
0x2eb: {  	s29 =	rddreg [dreg:$0xe];
	[tilespmem:$0x10C00] =	vst v6  }
0x2ec: {  	[hbm4b:s29+s3] =	stream.linear.scatter [tilespmem:s10], [sflag:$0x2], $0x8000, $0x38;
	[tilespmem:$0x10C80] =	vst v63  }
0x2ed: {  	_ =	swait.ge [sflag:s26], $0x8000  }
0x2ee: {  	[sflag:s26] =	ssyncset.done $0x0  }
0x2ef: {  	[sflag:s26] =	ssyncadd.s32 $0xFFFF8000  }
0x2f0: {  	_ =	swait.ge [sflag:s19], $0x8000  }
0x2f1: {  	[sflag:s19] =	ssyncset.done $0x0  }
0x2f2: {  	[sflag:s19] =	ssyncadd.s32 $0xFFFF8000  }
0x2f3: {  	v6 =	vld [tilespmem:$0x140];
	_ =	sdelay $0x4  }
0x2f4: {  	v7 =	vshll.u32 v6, $0x3  }
0x2f5: {  	v6 =	vand.u32 $0x7, v6;
	v7 =	vand.u32 $0xFFFFFFC0, v7  }
0x2f6: {  	v6 =	vor.u32 v6, v7  }
0x2f7: {  	v7 =	vperm.xlane v6, v1;
	_ =	sdelay $0x1  }
0x2f8: {  	v7 =	vadd.s32 v2, v7;
	_ =	sdelay $0x4  }
0x2f9: {  	[tilespmem:s10], [sflag:$0x1] =	stream.indirect_vreg.gather [hbm4b:s2+s3], $0x80, v7, vm0, $0xb8;
	[tilespmem:$0x10C80] =	vst v63  }
0x2fa: {  	s30 =	simm.s32 $0x1400;
	v6 =	vperm.xlane v6, v3  }
0x2fb: {  	[tilespmem:s30], [sflag:$0x1] =	stream.indirect_vreg.gather [hbm4b:s4+s3], $0x80, v7, vm0, $0xb8;
	[tilespmem:$0x10C80] =	vst v63  }
0x2fc: {  	s13 =	simm.s32 $0x1C00;
	v6 =	vadd.s32 v2, v6  }
0x2fd: {  	[tilespmem:s13], [sflag:$0x1] =	stream.indirect_vreg.gather [hbm4b:s5+s3], $0x80, v7, vm0, $0xb8;
	[tilespmem:$0x10C80] =	vst v63  }
0x2fe: {  	s29 =	simm.s32 $0x2400  }
0x2ff: {  	[tilespmem:s29], [sflag:$0x1] =	stream.indirect_vreg.gather [hbm4b:s6+s3], $0x80, v7, vm0, $0xb8;
	[tilespmem:$0x10C80] =	vst v63  }
0x300: {  	s30 =	simm.s32 $0x2C00  }
0x301: {  	[tilespmem:s30], [sflag:$0x1] =	stream.indirect_vreg.gather [hbm4b:s2+s3], $0x80, v6, vm0, $0xb8;
	[tilespmem:$0x10C80] =	vst v63  }
0x302: {  	s29 =	simm.s32 $0x3400  }
0x303: {  	[tilespmem:s29], [sflag:$0x1] =	stream.indirect_vreg.gather [hbm4b:s4+s3], $0x80, v6, vm0, $0xb8;
	[tilespmem:$0x10C80] =	vst v63  }
0x304: {  	s30 =	simm.s32 $0x3C00  }
0x305: {  	[tilespmem:s30], [sflag:$0x1] =	stream.indirect_vreg.gather [hbm4b:s5+s3], $0x80, v6, vm0, $0xb8;
	[tilespmem:$0x10C80] =	vst v63  }
0x306: {  	s29 =	simm.s32 $0x4400  }
0x307: {  	[tilespmem:s29], [sflag:$0x1] =	stream.indirect_vreg.gather [hbm4b:s6+s3], $0x80, v6, vm0, $0xb8;
	[tilespmem:$0x10C80] =	vst v63  }
0x308: {  	v6 =	vld [tilespmem:$0x150];
	_ =	sdelay $0x4  }
0x309: {  	v7 =	vshll.u32 v6, $0x3  }
0x30a: {  	v6 =	vand.u32 $0x7, v6;
	v7 =	vand.u32 $0xFFFFFFC0, v7  }
0x30b: {  	v6 =	vor.u32 v6, v7  }
0x30c: {  	v7 =	vperm.xlane v6, v1;
	_ =	sdelay $0x1  }
0x30d: {  	v7 =	vadd.s32 v2, v7;
	_ =	sdelay $0x3  }
0x30e: {  	s30 =	simm.s32 $0x4C00  }
0x30f: {  	[tilespmem:s30], [sflag:$0x1] =	stream.indirect_vreg.gather [hbm4b:s2+s3], $0x80, v7, vm0, $0xb8;
	[tilespmem:$0x10C80] =	vst v63  }
0x310: {  	s29 =	simm.s32 $0x5400;
	v6 =	vperm.xlane v6, v3  }
0x311: {  	[tilespmem:s29], [sflag:$0x1] =	stream.indirect_vreg.gather [hbm4b:s4+s3], $0x80, v7, vm0, $0xb8;
	[tilespmem:$0x10C80] =	vst v63  }
0x312: {  	s16 =	simm.s32 $0x5C00;
	v6 =	vadd.s32 v2, v6  }
0x313: {  	[tilespmem:s16], [sflag:$0x1] =	stream.indirect_vreg.gather [hbm4b:s5+s3], $0x80, v7, vm0, $0xb8;
	[tilespmem:$0x10C80] =	vst v63  }
0x314: {  	s30 =	simm.s32 $0x6400  }
0x315: {  	[tilespmem:s30], [sflag:$0x1] =	stream.indirect_vreg.gather [hbm4b:s6+s3], $0x80, v7, vm0, $0xb8;
	[tilespmem:$0x10C80] =	vst v63  }
0x316: {  	s25 =	simm.s32 $0x6C00  }
0x317: {  	[tilespmem:s25], [sflag:$0x1] =	stream.indirect_vreg.gather [hbm4b:s2+s3], $0x80, v6, vm0, $0xb8;
	[tilespmem:$0x10C80] =	vst v63  }
0x318: {  	s18 =	simm.s32 $0x7400  }
0x319: {  	[tilespmem:s18], [sflag:$0x1] =	stream.indirect_vreg.gather [hbm4b:s4+s3], $0x80, v6, vm0, $0xb8;
	[tilespmem:$0x10C80] =	vst v63  }
0x31a: {  	s20 =	simm.s32 $0x7C00  }
0x31b: {  	[tilespmem:s20], [sflag:$0x1] =	stream.indirect_vreg.gather [hbm4b:s5+s3], $0x80, v6, vm0, $0xb8;
	[tilespmem:$0x10C80] =	vst v63  }
0x31c: {  	s30 =	simm.s32 $0x8400  }
0x31d: {  	[tilespmem:s30], [sflag:$0x1] =	stream.indirect_vreg.gather [hbm4b:s6+s3], $0x80, v6, vm0, $0xb8;
	[tilespmem:$0x10C80] =	vst v63  }
0x31e: {  	v6 =	vld [tilespmem:$0x520];
	_ =	sdelay $0x3  }
0x31f: {  	v7 =	vld [tilespmem:$0x120]  }
0x320: {  	v30 =	vshll.u32 v6, $0x3  }
0x321: {  	v6 =	vand.u32 $0x7F, v6;
	v8 =	vand.u32 $0xFFFFFC00, v30  }
0x322: {  	v6 =	vor.u32 v6, v8  }
0x323: {  	v6 =	vadd.s32 v4, v6;
	_ =	sdelay $0x2  }
0x324: {  	v31 =	vld [tilespmem:$0x530]  }
0x325: {  	v7 =	vld.idx.msk [tilespmem:v7+s9+$0x0], $0xffff  }
0x326: {  	v6 =	vld.idx.msk [tilespmem:v6+s28+$0x0], $0xffff  }
0x327: {  	v32 =	vld [tilespmem:$0x10C00]  }
0x328: {  	v33 =	vld [tilespmem:$0x130]  }
0x329: {  	v34 =	vshll.u32 v31, $0x3  }
0x32a: {  	v11 =	vand.u32 $0xFFFFFC00, v34;
	v8 =	vand.u32 $0x7F, v31  }
0x32b: {  	v6 =	vsub.f32 v7, v6;
	v7 =	vor.u32 v8, v11  }
0x32c: {  	v7 =	vadd.s32 v5, v7  }
0x32d: {  	v6 =	vadd.f32 v6, v32;
	_ =	sdelay $0x1  }
0x32e: {  	[tilespmem:$0x10C00] =	vst v6  }
0x32f: {  	v35 =	vld.idx.msk [tilespmem:v33+s9+$0x0], $0xffff  }
0x330: {  	v7 =	vld.idx.msk [tilespmem:v7+s28+$0x0], $0xffff;
	_ =	sdelay $0x4  }
0x331: {  	v7 =	vsub.f32 v35, v7;
	_ =	sdelay $0x1  }
0x332: {  	v6 =	vadd.f32 v7, v6;
	_ =	sdelay $0x1  }
0x333: {  	s18 =	rddreg [dreg:$0xf];
	[tilespmem:$0x10C00] =	vst v6  }
0x334: {  	[hbm4b:s18+s3] =	stream.linear.scatter [tilespmem:s28], [sflag:$0x2], $0x8000, $0x38;
	[tilespmem:$0x10C80] =	vst v63  }
0x335: {  	_ =	swait.ge [sflag:s26], $0x8000  }
0x336: {  	[sflag:s26] =	ssyncset.done $0x0  }
0x337: {  	[sflag:s26] =	ssyncadd.s32 $0xFFFF8000  }
0x338: {  	_ =	swait.ge [sflag:s19], $0x8000  }
0x339: {  	[sflag:s19] =	ssyncset.done $0x0  }
0x33a: {  	[sflag:s19] =	ssyncadd.s32 $0xFFFF8000  }
0x33b: {  	v6 =	vld [tilespmem:$0x160];
	_ =	sdelay $0x4  }
0x33c: {  	v7 =	vshll.u32 v6, $0x3  }
0x33d: {  	v6 =	vand.u32 $0x7, v6;
	v7 =	vand.u32 $0xFFFFFFC0, v7  }
0x33e: {  	v6 =	vor.u32 v6, v7  }
0x33f: {  	v7 =	vperm.xlane v6, v1;
	_ =	sdelay $0x1  }
0x340: {  	v7 =	vadd.s32 v2, v7;
	_ =	sdelay $0x4  }
0x341: {  	[tilespmem:s28], [sflag:$0x1] =	stream.indirect_vreg.gather [hbm4b:s2+s3], $0x80, v7, vm0, $0xb8;
	[tilespmem:$0x10C80] =	vst v63  }
0x342: {  	s14 =	simm.s32 $0x9400;
	v6 =	vperm.xlane v6, v3  }
0x343: {  	[tilespmem:s14], [sflag:$0x1] =	stream.indirect_vreg.gather [hbm4b:s4+s3], $0x80, v7, vm0, $0xb8;
	[tilespmem:$0x10C80] =	vst v63  }
0x344: {  	s12 =	simm.s32 $0x9C00;
	v6 =	vadd.s32 v2, v6  }
0x345: {  	[tilespmem:s12], [sflag:$0x1] =	stream.indirect_vreg.gather [hbm4b:s5+s3], $0x80, v7, vm0, $0xb8;
	[tilespmem:$0x10C80] =	vst v63  }
0x346: {  	s1 =	simm.s32 $0xA400  }
0x347: {  	[tilespmem:s1], [sflag:$0x1] =	stream.indirect_vreg.gather [hbm4b:s6+s3], $0x80, v7, vm0, $0xb8;
	[tilespmem:$0x10C80] =	vst v63  }
0x348: {  	s7 =	simm.s32 $0xAC00  }
0x349: {  	[tilespmem:s7], [sflag:$0x1] =	stream.indirect_vreg.gather [hbm4b:s2+s3], $0x80, v6, vm0, $0xb8;
	[tilespmem:$0x10C80] =	vst v63  }
0x34a: {  	s0 =	simm.s32 $0xB400  }
0x34b: {  	[tilespmem:s0], [sflag:$0x1] =	stream.indirect_vreg.gather [hbm4b:s4+s3], $0x80, v6, vm0, $0xb8;
	[tilespmem:$0x10C80] =	vst v63  }
0x34c: {  	s17 =	simm.s32 $0xBC00  }
0x34d: {  	[tilespmem:s17], [sflag:$0x1] =	stream.indirect_vreg.gather [hbm4b:s5+s3], $0x80, v6, vm0, $0xb8;
	[tilespmem:$0x10C80] =	vst v63  }
0x34e: {  	s21 =	simm.s32 $0xC400  }
0x34f: {  	[tilespmem:s21], [sflag:$0x1] =	stream.indirect_vreg.gather [hbm4b:s6+s3], $0x80, v6, vm0, $0xb8;
	[tilespmem:$0x10C80] =	vst v63  }
0x350: {  	v6 =	vld [tilespmem:$0x170];
	_ =	sdelay $0x4  }
0x351: {  	v7 =	vshll.u32 v6, $0x3  }
0x352: {  	v6 =	vand.u32 $0x7, v6;
	v7 =	vand.u32 $0xFFFFFFC0, v7  }
0x353: {  	v6 =	vor.u32 v6, v7  }
0x354: {  	v7 =	vperm.xlane v6, v1;
	_ =	sdelay $0x1  }
0x355: {  	v7 =	vadd.s32 v2, v7;
	_ =	sdelay $0x3  }
0x356: {  	s31 =	simm.s32 $0xCC00  }
0x357: {  	[tilespmem:s31], [sflag:$0x1] =	stream.indirect_vreg.gather [hbm4b:s2+s3], $0x80, v7, vm0, $0xb8;
	[tilespmem:$0x10C80] =	vst v63  }
0x358: {  	s21 =	simm.s32 $0xD400;
	v6 =	vperm.xlane v6, v3  }
0x359: {  	[tilespmem:s21], [sflag:$0x1] =	stream.indirect_vreg.gather [hbm4b:s4+s3], $0x80, v7, vm0, $0xb8;
	[tilespmem:$0x10C80] =	vst v63  }
0x35a: {  	s22 =	simm.s32 $0xDC00;
	v6 =	vadd.s32 v2, v6  }
0x35b: {  	[tilespmem:s22], [sflag:$0x1] =	stream.indirect_vreg.gather [hbm4b:s5+s3], $0x80, v7, vm0, $0xb8;
	[tilespmem:$0x10C80] =	vst v63  }
0x35c: {  	s24 =	simm.s32 $0xE400  }
0x35d: {  	[tilespmem:s24], [sflag:$0x1] =	stream.indirect_vreg.gather [hbm4b:s6+s3], $0x80, v7, vm0, $0xb8;
	[tilespmem:$0x10C80] =	vst v63  }
0x35e: {  	s23 =	simm.s32 $0xEC00  }
0x35f: {  	[tilespmem:s23], [sflag:$0x1] =	stream.indirect_vreg.gather [hbm4b:s2+s3], $0x80, v6, vm0, $0xb8;
	[tilespmem:$0x10C80] =	vst v63  }
0x360: {  	s8 =	simm.s32 $0xF400  }
0x361: {  	[tilespmem:s8], [sflag:$0x1] =	stream.indirect_vreg.gather [hbm4b:s4+s3], $0x80, v6, vm0, $0xb8;
	[tilespmem:$0x10C80] =	vst v63  }
0x362: {  	s15 =	simm.s32 $0xFC00  }
0x363: {  	[tilespmem:s15], [sflag:$0x1] =	stream.indirect_vreg.gather [hbm4b:s5+s3], $0x80, v6, vm0, $0xb8;
	[tilespmem:$0x10C80] =	vst v63  }
0x364: {  	s11 =	simm.s32 $0x10400  }
0x365: {  	[tilespmem:s11], [sflag:$0x1] =	stream.indirect_vreg.gather [hbm4b:s6+s3], $0x80, v6, vm0, $0xb8;
	[tilespmem:$0x10C80] =	vst v63  }
0x366: {  	v6 =	vld [tilespmem:$0x540];
	_ =	sdelay $0x3  }
0x367: {  	v7 =	vld [tilespmem:$0x140]  }
0x368: {  	v36 =	vshll.u32 v6, $0x3  }
0x369: {  	v6 =	vand.u32 $0x7F, v6;
	v8 =	vand.u32 $0xFFFFFC00, v36  }
0x36a: {  	v6 =	vor.u32 v6, v8  }
0x36b: {  	v6 =	vadd.s32 v4, v6;
	_ =	sdelay $0x2  }
0x36c: {  	v37 =	vld [tilespmem:$0x550]  }
0x36d: {  	v7 =	vld.idx.msk [tilespmem:v7+s9+$0x0], $0xffff  }
0x36e: {  	v6 =	vld.idx.msk [tilespmem:v6+s10+$0x0], $0xffff  }
0x36f: {  	v38 =	vld [tilespmem:$0x10C00]  }
0x370: {  	v39 =	vld [tilespmem:$0x150]  }
0x371: {  	v40 =	vshll.u32 v37, $0x3  }
0x372: {  	v11 =	vand.u32 $0xFFFFFC00, v40;
	v8 =	vand.u32 $0x7F, v37  }
0x373: {  	v6 =	vsub.f32 v7, v6;
	v7 =	vor.u32 v8, v11  }
0x374: {  	v7 =	vadd.s32 v5, v7  }
0x375: {  	v6 =	vadd.f32 v6, v38;
	_ =	sdelay $0x1  }
0x376: {  	[tilespmem:$0x10C00] =	vst v6  }
0x377: {  	v41 =	vld.idx.msk [tilespmem:v39+s9+$0x0], $0xffff  }
0x378: {  	v7 =	vld.idx.msk [tilespmem:v7+s10+$0x0], $0xffff;
	_ =	sdelay $0x4  }
0x379: {  	v7 =	vsub.f32 v41, v7;
	_ =	sdelay $0x1  }
0x37a: {  	v6 =	vadd.f32 v7, v6;
	_ =	sdelay $0x1  }
0x37b: {  	s11 =	rddreg [dreg:$0x10];
	[tilespmem:$0x10C00] =	vst v6  }
0x37c: {  	[hbm4b:s11+s3] =	stream.linear.scatter [tilespmem:s10], [sflag:$0x2], $0x8000, $0x38;
	[tilespmem:$0x10C80] =	vst v63  }
0x37d: {  	_ =	swait.ge [sflag:s26], $0x8000  }
0x37e: {  	[sflag:s26] =	ssyncset.done $0x0  }
0x37f: {  	[sflag:s26] =	ssyncadd.s32 $0xFFFF8000  }
0x380: {  	_ =	swait.ge [sflag:s19], $0x8000  }
0x381: {  	[sflag:s19] =	ssyncset.done $0x0  }
0x382: {  	[sflag:s19] =	ssyncadd.s32 $0xFFFF8000  }
0x383: {  	v6 =	vld [tilespmem:$0x180];
	_ =	sdelay $0x4  }
0x384: {  	v7 =	vshll.u32 v6, $0x3  }
0x385: {  	v6 =	vand.u32 $0x7, v6;
	v7 =	vand.u32 $0xFFFFFFC0, v7  }
0x386: {  	v6 =	vor.u32 v6, v7  }
0x387: {  	v7 =	vperm.xlane v6, v1;
	_ =	sdelay $0x1  }
0x388: {  	v7 =	vadd.s32 v2, v7;
	_ =	sdelay $0x4  }
0x389: {  	[tilespmem:s10], [sflag:$0x1] =	stream.indirect_vreg.gather [hbm4b:s2+s3], $0x80, v7, vm0, $0xb8;
	[tilespmem:$0x10C80] =	vst v63  }
0x38a: {  	s20 =	simm.s32 $0x1400;
	v6 =	vperm.xlane v6, v3  }
0x38b: {  	[tilespmem:s20], [sflag:$0x1] =	stream.indirect_vreg.gather [hbm4b:s4+s3], $0x80, v7, vm0, $0xb8;
	[tilespmem:$0x10C80] =	vst v63  }
0x38c: {  	s13 =	simm.s32 $0x1C00;
	v6 =	vadd.s32 v2, v6  }
0x38d: {  	[tilespmem:s13], [sflag:$0x1] =	stream.indirect_vreg.gather [hbm4b:s5+s3], $0x80, v7, vm0, $0xb8;
	[tilespmem:$0x10C80] =	vst v63  }
0x38e: {  	s23 =	simm.s32 $0x2400  }
0x38f: {  	[tilespmem:s23], [sflag:$0x1] =	stream.indirect_vreg.gather [hbm4b:s6+s3], $0x80, v7, vm0, $0xb8;
	[tilespmem:$0x10C80] =	vst v63  }
0x390: {  	s20 =	simm.s32 $0x2C00  }
0x391: {  	[tilespmem:s20], [sflag:$0x1] =	stream.indirect_vreg.gather [hbm4b:s2+s3], $0x80, v6, vm0, $0xb8;
	[tilespmem:$0x10C80] =	vst v63  }
0x392: {  	s23 =	simm.s32 $0x3400  }
0x393: {  	[tilespmem:s23], [sflag:$0x1] =	stream.indirect_vreg.gather [hbm4b:s4+s3], $0x80, v6, vm0, $0xb8;
	[tilespmem:$0x10C80] =	vst v63  }
0x394: {  	s20 =	simm.s32 $0x3C00  }
0x395: {  	[tilespmem:s20], [sflag:$0x1] =	stream.indirect_vreg.gather [hbm4b:s5+s3], $0x80, v6, vm0, $0xb8;
	[tilespmem:$0x10C80] =	vst v63  }
0x396: {  	s23 =	simm.s32 $0x4400  }
0x397: {  	[tilespmem:s23], [sflag:$0x1] =	stream.indirect_vreg.gather [hbm4b:s6+s3], $0x80, v6, vm0, $0xb8;
	[tilespmem:$0x10C80] =	vst v63  }
0x398: {  	v6 =	vld [tilespmem:$0x190];
	_ =	sdelay $0x4  }
0x399: {  	v7 =	vshll.u32 v6, $0x3  }
0x39a: {  	v6 =	vand.u32 $0x7, v6;
	v7 =	vand.u32 $0xFFFFFFC0, v7  }
0x39b: {  	v6 =	vor.u32 v6, v7  }
0x39c: {  	v7 =	vperm.xlane v6, v1;
	_ =	sdelay $0x1  }
0x39d: {  	v7 =	vadd.s32 v2, v7;
	_ =	sdelay $0x3  }
0x39e: {  	s20 =	simm.s32 $0x4C00  }
0x39f: {  	[tilespmem:s20], [sflag:$0x1] =	stream.indirect_vreg.gather [hbm4b:s2+s3], $0x80, v7, vm0, $0xb8;
	[tilespmem:$0x10C80] =	vst v63  }
0x3a0: {  	s23 =	simm.s32 $0x5400;
	v6 =	vperm.xlane v6, v3  }
0x3a1: {  	[tilespmem:s23], [sflag:$0x1] =	stream.indirect_vreg.gather [hbm4b:s4+s3], $0x80, v7, vm0, $0xb8;
	[tilespmem:$0x10C80] =	vst v63  }
0x3a2: {  	s16 =	simm.s32 $0x5C00;
	v6 =	vadd.s32 v2, v6  }
0x3a3: {  	[tilespmem:s16], [sflag:$0x1] =	stream.indirect_vreg.gather [hbm4b:s5+s3], $0x80, v7, vm0, $0xb8;
	[tilespmem:$0x10C80] =	vst v63  }
0x3a4: {  	s29 =	simm.s32 $0x6400  }
0x3a5: {  	[tilespmem:s29], [sflag:$0x1] =	stream.indirect_vreg.gather [hbm4b:s6+s3], $0x80, v7, vm0, $0xb8;
	[tilespmem:$0x10C80] =	vst v63  }
0x3a6: {  	s29 =	simm.s32 $0x6C00  }
0x3a7: {  	[tilespmem:s29], [sflag:$0x1] =	stream.indirect_vreg.gather [hbm4b:s2+s3], $0x80, v6, vm0, $0xb8;
	[tilespmem:$0x10C80] =	vst v63  }
0x3a8: {  	s25 =	simm.s32 $0x7400  }
0x3a9: {  	[tilespmem:s25], [sflag:$0x1] =	stream.indirect_vreg.gather [hbm4b:s4+s3], $0x80, v6, vm0, $0xb8;
	[tilespmem:$0x10C80] =	vst v63  }
0x3aa: {  	s20 =	simm.s32 $0x7C00  }
0x3ab: {  	[tilespmem:s20], [sflag:$0x1] =	stream.indirect_vreg.gather [hbm4b:s5+s3], $0x80, v6, vm0, $0xb8;
	[tilespmem:$0x10C80] =	vst v63  }
0x3ac: {  	s20 =	simm.s32 $0x8400  }
0x3ad: {  	[tilespmem:s20], [sflag:$0x1] =	stream.indirect_vreg.gather [hbm4b:s6+s3], $0x80, v6, vm0, $0xb8;
	[tilespmem:$0x10C80] =	vst v63  }
0x3ae: {  	v6 =	vld [tilespmem:$0x560];
	_ =	sdelay $0x3  }
0x3af: {  	v7 =	vld [tilespmem:$0x160]  }
0x3b0: {  	v42 =	vshll.u32 v6, $0x3  }
0x3b1: {  	v6 =	vand.u32 $0x7F, v6;
	v8 =	vand.u32 $0xFFFFFC00, v42  }
0x3b2: {  	v6 =	vor.u32 v6, v8  }
0x3b3: {  	v6 =	vadd.s32 v4, v6;
	_ =	sdelay $0x2  }
0x3b4: {  	v43 =	vld [tilespmem:$0x570]  }
0x3b5: {  	v7 =	vld.idx.msk [tilespmem:v7+s9+$0x0], $0xffff  }
0x3b6: {  	v6 =	vld.idx.msk [tilespmem:v6+s28+$0x0], $0xffff  }
0x3b7: {  	v44 =	vld [tilespmem:$0x10C00]  }
0x3b8: {  	v45 =	vld [tilespmem:$0x170]  }
0x3b9: {  	v46 =	vshll.u32 v43, $0x3  }
0x3ba: {  	v11 =	vand.u32 $0xFFFFFC00, v46;
	v8 =	vand.u32 $0x7F, v43  }
0x3bb: {  	v6 =	vsub.f32 v7, v6;
	v7 =	vor.u32 v8, v11  }
0x3bc: {  	v7 =	vadd.s32 v5, v7  }
0x3bd: {  	v6 =	vadd.f32 v6, v44;
	_ =	sdelay $0x1  }
0x3be: {  	[tilespmem:$0x10C00] =	vst v6  }
0x3bf: {  	v47 =	vld.idx.msk [tilespmem:v45+s9+$0x0], $0xffff  }
0x3c0: {  	v7 =	vld.idx.msk [tilespmem:v7+s28+$0x0], $0xffff;
	_ =	sdelay $0x4  }
0x3c1: {  	v7 =	vsub.f32 v47, v7;
	_ =	sdelay $0x1  }
0x3c2: {  	v6 =	vadd.f32 v7, v6;
	_ =	sdelay $0x1  }
0x3c3: {  	s11 =	rddreg [dreg:$0x11];
	[tilespmem:$0x10C00] =	vst v6  }
0x3c4: {  	[hbm4b:s11+s3] =	stream.linear.scatter [tilespmem:s28], [sflag:$0x2], $0x8000, $0x38;
	[tilespmem:$0x10C80] =	vst v63  }
0x3c5: {  	_ =	swait.ge [sflag:s26], $0x8000  }
0x3c6: {  	[sflag:s26] =	ssyncset.done $0x0  }
0x3c7: {  	[sflag:s26] =	ssyncadd.s32 $0xFFFF8000  }
0x3c8: {  	_ =	swait.ge [sflag:s19], $0x8000  }
0x3c9: {  	[sflag:s19] =	ssyncset.done $0x0  }
0x3ca: {  	[sflag:s19] =	ssyncadd.s32 $0xFFFF8000  }
0x3cb: {  	v6 =	vld [tilespmem:$0x1A0];
	_ =	sdelay $0x4  }
0x3cc: {  	v7 =	vshll.u32 v6, $0x3  }
0x3cd: {  	v6 =	vand.u32 $0x7, v6;
	v7 =	vand.u32 $0xFFFFFFC0, v7  }
0x3ce: {  	v6 =	vor.u32 v6, v7  }
0x3cf: {  	v7 =	vperm.xlane v6, v1;
	_ =	sdelay $0x1  }
0x3d0: {  	v7 =	vadd.s32 v2, v7;
	_ =	sdelay $0x4  }
0x3d1: {  	[tilespmem:s28], [sflag:$0x1] =	stream.indirect_vreg.gather [hbm4b:s2+s3], $0x80, v7, vm0, $0xb8;
	[tilespmem:$0x10C80] =	vst v63  }
0x3d2: {  	s14 =	simm.s32 $0x9400;
	v6 =	vperm.xlane v6, v3  }
0x3d3: {  	[tilespmem:s14], [sflag:$0x1] =	stream.indirect_vreg.gather [hbm4b:s4+s3], $0x80, v7, vm0, $0xb8;
	[tilespmem:$0x10C80] =	vst v63  }
0x3d4: {  	s12 =	simm.s32 $0x9C00;
	v6 =	vadd.s32 v2, v6  }
0x3d5: {  	[tilespmem:s12], [sflag:$0x1] =	stream.indirect_vreg.gather [hbm4b:s5+s3], $0x80, v7, vm0, $0xb8;
	[tilespmem:$0x10C80] =	vst v63  }
0x3d6: {  	s30 =	simm.s32 $0xA400  }
0x3d7: {  	[tilespmem:s30], [sflag:$0x1] =	stream.indirect_vreg.gather [hbm4b:s6+s3], $0x80, v7, vm0, $0xb8;
	[tilespmem:$0x10C80] =	vst v63  }
0x3d8: {  	s7 =	simm.s32 $0xAC00  }
0x3d9: {  	[tilespmem:s7], [sflag:$0x1] =	stream.indirect_vreg.gather [hbm4b:s2+s3], $0x80, v6, vm0, $0xb8;
	[tilespmem:$0x10C80] =	vst v63  }
0x3da: {  	s18 =	simm.s32 $0xB400  }
0x3db: {  	[tilespmem:s18], [sflag:$0x1] =	stream.indirect_vreg.gather [hbm4b:s4+s3], $0x80, v6, vm0, $0xb8;
	[tilespmem:$0x10C80] =	vst v63  }
0x3dc: {  	s1 =	simm.s32 $0xBC00  }
0x3dd: {  	[tilespmem:s1], [sflag:$0x1] =	stream.indirect_vreg.gather [hbm4b:s5+s3], $0x80, v6, vm0, $0xb8;
	[tilespmem:$0x10C80] =	vst v63  }
0x3de: {  	s0 =	simm.s32 $0xC400  }
0x3df: {  	[tilespmem:s0], [sflag:$0x1] =	stream.indirect_vreg.gather [hbm4b:s6+s3], $0x80, v6, vm0, $0xb8;
	[tilespmem:$0x10C80] =	vst v63  }
0x3e0: {  	v6 =	vld [tilespmem:$0x1B0];
	_ =	sdelay $0x4  }
0x3e1: {  	v7 =	vshll.u32 v6, $0x3  }
0x3e2: {  	v6 =	vand.u32 $0x7, v6;
	v7 =	vand.u32 $0xFFFFFFC0, v7  }
0x3e3: {  	v6 =	vor.u32 v6, v7  }
0x3e4: {  	v7 =	vperm.xlane v6, v1;
	_ =	sdelay $0x1  }
0x3e5: {  	v7 =	vadd.s32 v2, v7;
	_ =	sdelay $0x3  }
0x3e6: {  	s31 =	simm.s32 $0xCC00  }
0x3e7: {  	[tilespmem:s31], [sflag:$0x1] =	stream.indirect_vreg.gather [hbm4b:s2+s3], $0x80, v7, vm0, $0xb8;
	[tilespmem:$0x10C80] =	vst v63  }
0x3e8: {  	s20 =	simm.s32 $0xD400;
	v6 =	vperm.xlane v6, v3  }
0x3e9: {  	[tilespmem:s20], [sflag:$0x1] =	stream.indirect_vreg.gather [hbm4b:s4+s3], $0x80, v7, vm0, $0xb8;
	[tilespmem:$0x10C80] =	vst v63  }
0x3ea: {  	s17 =	simm.s32 $0xDC00;
	v6 =	vadd.s32 v2, v6  }
0x3eb: {  	[tilespmem:s17], [sflag:$0x1] =	stream.indirect_vreg.gather [hbm4b:s5+s3], $0x80, v7, vm0, $0xb8;
	[tilespmem:$0x10C80] =	vst v63  }
0x3ec: {  	s24 =	simm.s32 $0xE400  }
0x3ed: {  	[tilespmem:s24], [sflag:$0x1] =	stream.indirect_vreg.gather [hbm4b:s6+s3], $0x80, v7, vm0, $0xb8;
	[tilespmem:$0x10C80] =	vst v63  }
0x3ee: {  	s22 =	simm.s32 $0xEC00  }
0x3ef: {  	[tilespmem:s22], [sflag:$0x1] =	stream.indirect_vreg.gather [hbm4b:s2+s3], $0x80, v6, vm0, $0xb8;
	[tilespmem:$0x10C80] =	vst v63  }
0x3f0: {  	s21 =	simm.s32 $0xF400  }
0x3f1: {  	[tilespmem:s21], [sflag:$0x1] =	stream.indirect_vreg.gather [hbm4b:s4+s3], $0x80, v6, vm0, $0xb8;
	[tilespmem:$0x10C80] =	vst v63  }
0x3f2: {  	s15 =	simm.s32 $0xFC00  }
0x3f3: {  	[tilespmem:s15], [sflag:$0x1] =	stream.indirect_vreg.gather [hbm4b:s5+s3], $0x80, v6, vm0, $0xb8;
	[tilespmem:$0x10C80] =	vst v63  }
0x3f4: {  	s8 =	simm.s32 $0x10400  }
0x3f5: {  	[tilespmem:s8], [sflag:$0x1] =	stream.indirect_vreg.gather [hbm4b:s6+s3], $0x80, v6, vm0, $0xb8;
	[tilespmem:$0x10C80] =	vst v63  }
0x3f6: {  	v6 =	vld [tilespmem:$0x580];
	_ =	sdelay $0x3  }
0x3f7: {  	v7 =	vld [tilespmem:$0x180]  }
0x3f8: {  	v48 =	vshll.u32 v6, $0x3  }
0x3f9: {  	v6 =	vand.u32 $0x7F, v6;
	v8 =	vand.u32 $0xFFFFFC00, v48  }
0x3fa: {  	v6 =	vor.u32 v6, v8  }
0x3fb: {  	v6 =	vadd.s32 v4, v6;
	_ =	sdelay $0x2  }
0x3fc: {  	v49 =	vld [tilespmem:$0x590]  }
0x3fd: {  	v7 =	vld.idx.msk [tilespmem:v7+s9+$0x0], $0xffff  }
0x3fe: {  	v6 =	vld.idx.msk [tilespmem:v6+s10+$0x0], $0xffff  }
0x3ff: {  	v50 =	vld [tilespmem:$0x10C00]  }
0x400: {  	v51 =	vld [tilespmem:$0x190]  }
0x401: {  	v52 =	vshll.u32 v49, $0x3  }
0x402: {  	v11 =	vand.u32 $0xFFFFFC00, v52;
	v8 =	vand.u32 $0x7F, v49  }
0x403: {  	v6 =	vsub.f32 v7, v6;
	v7 =	vor.u32 v8, v11  }
0x404: {  	v7 =	vadd.s32 v5, v7  }
0x405: {  	v6 =	vadd.f32 v6, v50;
	_ =	sdelay $0x1  }
0x406: {  	[tilespmem:$0x10C00] =	vst v6  }
0x407: {  	v53 =	vld.idx.msk [tilespmem:v51+s9+$0x0], $0xffff  }
0x408: {  	v7 =	vld.idx.msk [tilespmem:v7+s10+$0x0], $0xffff;
	_ =	sdelay $0x4  }
0x409: {  	v7 =	vsub.f32 v53, v7;
	_ =	sdelay $0x1  }
0x40a: {  	v6 =	vadd.f32 v7, v6;
	_ =	sdelay $0x1  }
0x40b: {  	s21 =	rddreg [dreg:$0x12];
	[tilespmem:$0x10C00] =	vst v6  }
0x40c: {  	[hbm4b:s21+s3] =	stream.linear.scatter [tilespmem:s10], [sflag:$0x2], $0x8000, $0x38;
	[tilespmem:$0x10C80] =	vst v63  }
0x40d: {  	_ =	swait.ge [sflag:s26], $0x8000  }
0x40e: {  	[sflag:s26] =	ssyncset.done $0x0  }
0x40f: {  	[sflag:s26] =	ssyncadd.s32 $0xFFFF8000  }
0x410: {  	_ =	swait.ge [sflag:s19], $0x8000  }
0x411: {  	[sflag:s19] =	ssyncset.done $0x0  }
0x412: {  	[sflag:s19] =	ssyncadd.s32 $0xFFFF8000  }
0x413: {  	v6 =	vld [tilespmem:$0x1C0];
	_ =	sdelay $0x4  }
0x414: {  	v7 =	vshll.u32 v6, $0x3  }
0x415: {  	v6 =	vand.u32 $0x7, v6;
	v7 =	vand.u32 $0xFFFFFFC0, v7  }
0x416: {  	v6 =	vor.u32 v6, v7  }
0x417: {  	v7 =	vperm.xlane v6, v1;
	_ =	sdelay $0x1  }
0x418: {  	v7 =	vadd.s32 v2, v7;
	_ =	sdelay $0x4  }
0x419: {  	[tilespmem:s10], [sflag:$0x1] =	stream.indirect_vreg.gather [hbm4b:s2+s3], $0x80, v7, vm0, $0xb8;
	[tilespmem:$0x10C80] =	vst v63  }
0x41a: {  	s21 =	simm.s32 $0x1400;
	v6 =	vperm.xlane v6, v3  }
0x41b: {  	[tilespmem:s21], [sflag:$0x1] =	stream.indirect_vreg.gather [hbm4b:s4+s3], $0x80, v7, vm0, $0xb8;
	[tilespmem:$0x10C80] =	vst v63  }
0x41c: {  	s13 =	simm.s32 $0x1C00;
	v6 =	vadd.s32 v2, v6  }
0x41d: {  	[tilespmem:s13], [sflag:$0x1] =	stream.indirect_vreg.gather [hbm4b:s5+s3], $0x80, v7, vm0, $0xb8;
	[tilespmem:$0x10C80] =	vst v63  }
0x41e: {  	s21 =	simm.s32 $0x2400  }
0x41f: {  	[tilespmem:s21], [sflag:$0x1] =	stream.indirect_vreg.gather [hbm4b:s6+s3], $0x80, v7, vm0, $0xb8;
	[tilespmem:$0x10C80] =	vst v63  }
0x420: {  	s20 =	simm.s32 $0x2C00  }
0x421: {  	[tilespmem:s20], [sflag:$0x1] =	stream.indirect_vreg.gather [hbm4b:s2+s3], $0x80, v6, vm0, $0xb8;
	[tilespmem:$0x10C80] =	vst v63  }
0x422: {  	s21 =	simm.s32 $0x3400  }
0x423: {  	[tilespmem:s21], [sflag:$0x1] =	stream.indirect_vreg.gather [hbm4b:s4+s3], $0x80, v6, vm0, $0xb8;
	[tilespmem:$0x10C80] =	vst v63  }
0x424: {  	s20 =	simm.s32 $0x3C00  }
0x425: {  	[tilespmem:s20], [sflag:$0x1] =	stream.indirect_vreg.gather [hbm4b:s5+s3], $0x80, v6, vm0, $0xb8;
	[tilespmem:$0x10C80] =	vst v63  }
0x426: {  	s21 =	simm.s32 $0x4400  }
0x427: {  	[tilespmem:s21], [sflag:$0x1] =	stream.indirect_vreg.gather [hbm4b:s6+s3], $0x80, v6, vm0, $0xb8;
	[tilespmem:$0x10C80] =	vst v63  }
0x428: {  	v6 =	vld [tilespmem:$0x1D0];
	_ =	sdelay $0x4  }
0x429: {  	v7 =	vshll.u32 v6, $0x3  }
0x42a: {  	v6 =	vand.u32 $0x7, v6;
	v7 =	vand.u32 $0xFFFFFFC0, v7  }
0x42b: {  	v6 =	vor.u32 v6, v7  }
0x42c: {  	v7 =	vperm.xlane v6, v1;
	_ =	sdelay $0x1  }
0x42d: {  	v7 =	vadd.s32 v2, v7;
	_ =	sdelay $0x3  }
0x42e: {  	s20 =	simm.s32 $0x4C00  }
0x42f: {  	[tilespmem:s20], [sflag:$0x1] =	stream.indirect_vreg.gather [hbm4b:s2+s3], $0x80, v7, vm0, $0xb8;
	[tilespmem:$0x10C80] =	vst v63  }
0x430: {  	s21 =	simm.s32 $0x5400;
	v6 =	vperm.xlane v6, v3  }
0x431: {  	[tilespmem:s21], [sflag:$0x1] =	stream.indirect_vreg.gather [hbm4b:s4+s3], $0x80, v7, vm0, $0xb8;
	[tilespmem:$0x10C80] =	vst v63  }
0x432: {  	s16 =	simm.s32 $0x5C00;
	v6 =	vadd.s32 v2, v6  }
0x433: {  	[tilespmem:s16], [sflag:$0x1] =	stream.indirect_vreg.gather [hbm4b:s5+s3], $0x80, v7, vm0, $0xb8;
	[tilespmem:$0x10C80] =	vst v63  }
0x434: {  	s23 =	simm.s32 $0x6400  }
0x435: {  	[tilespmem:s23], [sflag:$0x1] =	stream.indirect_vreg.gather [hbm4b:s6+s3], $0x80, v7, vm0, $0xb8;
	[tilespmem:$0x10C80] =	vst v63  }
0x436: {  	s29 =	simm.s32 $0x6C00  }
0x437: {  	[tilespmem:s29], [sflag:$0x1] =	stream.indirect_vreg.gather [hbm4b:s2+s3], $0x80, v6, vm0, $0xb8;
	[tilespmem:$0x10C80] =	vst v63  }
0x438: {  	s25 =	simm.s32 $0x7400  }
0x439: {  	[tilespmem:s25], [sflag:$0x1] =	stream.indirect_vreg.gather [hbm4b:s4+s3], $0x80, v6, vm0, $0xb8;
	[tilespmem:$0x10C80] =	vst v63  }
0x43a: {  	s25 =	simm.s32 $0x7C00  }
0x43b: {  	[tilespmem:s25], [sflag:$0x1] =	stream.indirect_vreg.gather [hbm4b:s5+s3], $0x80, v6, vm0, $0xb8;
	[tilespmem:$0x10C80] =	vst v63  }
0x43c: {  	s29 =	simm.s32 $0x8400  }
0x43d: {  	[tilespmem:s29], [sflag:$0x1] =	stream.indirect_vreg.gather [hbm4b:s6+s3], $0x80, v6, vm0, $0xb8;
	[tilespmem:$0x10C80] =	vst v63  }
0x43e: {  	v6 =	vld [tilespmem:$0x5A0];
	_ =	sdelay $0x3  }
0x43f: {  	v7 =	vld [tilespmem:$0x1A0]  }
0x440: {  	v54 =	vshll.u32 v6, $0x3  }
0x441: {  	v6 =	vand.u32 $0x7F, v6;
	v8 =	vand.u32 $0xFFFFFC00, v54  }
0x442: {  	v6 =	vor.u32 v6, v8  }
0x443: {  	v6 =	vadd.s32 v4, v6;
	_ =	sdelay $0x2  }
0x444: {  	v55 =	vld [tilespmem:$0x5B0]  }
0x445: {  	v7 =	vld.idx.msk [tilespmem:v7+s9+$0x0], $0xffff  }
0x446: {  	v6 =	vld.idx.msk [tilespmem:v6+s28+$0x0], $0xffff  }
0x447: {  	v56 =	vld [tilespmem:$0x10C00]  }
0x448: {  	v57 =	vld [tilespmem:$0x1B0]  }
0x449: {  	v58 =	vshll.u32 v55, $0x3  }
0x44a: {  	v11 =	vand.u32 $0xFFFFFC00, v58;
	v8 =	vand.u32 $0x7F, v55  }
0x44b: {  	v6 =	vsub.f32 v7, v6;
	v7 =	vor.u32 v8, v11  }
0x44c: {  	v7 =	vadd.s32 v5, v7  }
0x44d: {  	v6 =	vadd.f32 v6, v56;
	_ =	sdelay $0x1  }
0x44e: {  	[tilespmem:$0x10C00] =	vst v6  }
0x44f: {  	v59 =	vld.idx.msk [tilespmem:v57+s9+$0x0], $0xffff  }
0x450: {  	v7 =	vld.idx.msk [tilespmem:v7+s28+$0x0], $0xffff;
	_ =	sdelay $0x4  }
0x451: {  	v7 =	vsub.f32 v59, v7;
	_ =	sdelay $0x1  }
0x452: {  	v6 =	vadd.f32 v7, v6;
	_ =	sdelay $0x1  }
0x453: {  	s25 =	rddreg [dreg:$0x13];
	[tilespmem:$0x10C00] =	vst v6  }
0x454: {  	[hbm4b:s25+s3] =	stream.linear.scatter [tilespmem:s28], [sflag:$0x2], $0x8000, $0x38;
	[tilespmem:$0x10C80] =	vst v63  }
0x455: {  	_ =	swait.ge [sflag:s26], $0x8000  }
0x456: {  	[sflag:s26] =	ssyncset.done $0x0  }
0x457: {  	[sflag:s26] =	ssyncadd.s32 $0xFFFF8000  }
0x458: {  	_ =	swait.ge [sflag:s19], $0x8000  }
0x459: {  	[sflag:s19] =	ssyncset.done $0x0  }
0x45a: {  	[sflag:s19] =	ssyncadd.s32 $0xFFFF8000  }
0x45b: {  	v6 =	vld [tilespmem:$0x1E0];
	_ =	sdelay $0x4  }
0x45c: {  	v7 =	vshll.u32 v6, $0x3  }
0x45d: {  	v6 =	vand.u32 $0x7, v6;
	v7 =	vand.u32 $0xFFFFFFC0, v7  }
0x45e: {  	v6 =	vor.u32 v6, v7  }
0x45f: {  	v7 =	vperm.xlane v6, v1;
	_ =	sdelay $0x1  }
0x460: {  	v7 =	vadd.s32 v2, v7;
	_ =	sdelay $0x4  }
0x461: {  	[tilespmem:s28], [sflag:$0x1] =	stream.indirect_vreg.gather [hbm4b:s2+s3], $0x80, v7, vm0, $0xb8;
	[tilespmem:$0x10C80] =	vst v63  }
0x462: {  	s11 =	simm.s32 $0x9400;
	v6 =	vperm.xlane v6, v3  }
0x463: {  	[tilespmem:s11], [sflag:$0x1] =	stream.indirect_vreg.gather [hbm4b:s4+s3], $0x80, v7, vm0, $0xb8;
	[tilespmem:$0x10C80] =	vst v63  }
0x464: {  	s29 =	simm.s32 $0x9C00;
	v6 =	vadd.s32 v2, v6  }
0x465: {  	[tilespmem:s29], [sflag:$0x1] =	stream.indirect_vreg.gather [hbm4b:s5+s3], $0x80, v7, vm0, $0xb8;
	[tilespmem:$0x10C80] =	vst v63  }
0x466: {  	s14 =	simm.s32 $0xA400  }
0x467: {  	[tilespmem:s14], [sflag:$0x1] =	stream.indirect_vreg.gather [hbm4b:s6+s3], $0x80, v7, vm0, $0xb8;
	[tilespmem:$0x10C80] =	vst v63  }
0x468: {  	s7 =	simm.s32 $0xAC00  }
0x469: {  	[tilespmem:s7], [sflag:$0x1] =	stream.indirect_vreg.gather [hbm4b:s2+s3], $0x80, v6, vm0, $0xb8;
	[tilespmem:$0x10C80] =	vst v63  }
0x46a: {  	s12 =	simm.s32 $0xB400  }
0x46b: {  	[tilespmem:s12], [sflag:$0x1] =	stream.indirect_vreg.gather [hbm4b:s4+s3], $0x80, v6, vm0, $0xb8;
	[tilespmem:$0x10C80] =	vst v63  }
0x46c: {  	s1 =	simm.s32 $0xBC00  }
0x46d: {  	[tilespmem:s1], [sflag:$0x1] =	stream.indirect_vreg.gather [hbm4b:s5+s3], $0x80, v6, vm0, $0xb8;
	[tilespmem:$0x10C80] =	vst v63  }
0x46e: {  	s0 =	simm.s32 $0xC400  }
0x46f: {  	[tilespmem:s0], [sflag:$0x1] =	stream.indirect_vreg.gather [hbm4b:s6+s3], $0x80, v6, vm0, $0xb8;
	[tilespmem:$0x10C80] =	vst v63  }
0x470: {  	v6 =	vld [tilespmem:$0x1F0];
	_ =	sdelay $0x4  }
0x471: {  	v7 =	vshll.u32 v6, $0x3  }
0x472: {  	v6 =	vand.u32 $0x7, v6;
	v7 =	vand.u32 $0xFFFFFFC0, v7  }
0x473: {  	v6 =	vor.u32 v6, v7  }
0x474: {  	v7 =	vperm.xlane v6, v1;
	_ =	sdelay $0x1  }
0x475: {  	v7 =	vadd.s32 v2, v7;
	_ =	sdelay $0x3  }
0x476: {  	s30 =	simm.s32 $0xCC00  }
0x477: {  	[tilespmem:s30], [sflag:$0x1] =	stream.indirect_vreg.gather [hbm4b:s2+s3], $0x80, v7, vm0, $0xb8;
	[tilespmem:$0x10C80] =	vst v63  }
0x478: {  	s31 =	simm.s32 $0xD400;
	v6 =	vperm.xlane v6, v3  }
0x479: {  	[tilespmem:s31], [sflag:$0x1] =	stream.indirect_vreg.gather [hbm4b:s4+s3], $0x80, v7, vm0, $0xb8;
	[tilespmem:$0x10C80] =	vst v63  }
0x47a: {  	s17 =	simm.s32 $0xDC00;
	v6 =	vadd.s32 v2, v6  }
0x47b: {  	[tilespmem:s17], [sflag:$0x1] =	stream.indirect_vreg.gather [hbm4b:s5+s3], $0x80, v7, vm0, $0xb8;
	[tilespmem:$0x10C80] =	vst v63  }
0x47c: {  	s24 =	simm.s32 $0xE400  }
0x47d: {  	[tilespmem:s24], [sflag:$0x1] =	stream.indirect_vreg.gather [hbm4b:s6+s3], $0x80, v7, vm0, $0xb8;
	[tilespmem:$0x10C80] =	vst v63  }
0x47e: {  	s22 =	simm.s32 $0xEC00  }
0x47f: {  	[tilespmem:s22], [sflag:$0x1] =	stream.indirect_vreg.gather [hbm4b:s2+s3], $0x80, v6, vm0, $0xb8;
	[tilespmem:$0x10C80] =	vst v63  }
0x480: {  	s18 =	simm.s32 $0xF400  }
0x481: {  	[tilespmem:s18], [sflag:$0x1] =	stream.indirect_vreg.gather [hbm4b:s4+s3], $0x80, v6, vm0, $0xb8;
	[tilespmem:$0x10C80] =	vst v63  }
0x482: {  	s15 =	simm.s32 $0xFC00  }
0x483: {  	[tilespmem:s15], [sflag:$0x1] =	stream.indirect_vreg.gather [hbm4b:s5+s3], $0x80, v6, vm0, $0xb8;
	[tilespmem:$0x10C80] =	vst v63  }
0x484: {  	s8 =	simm.s32 $0x10400  }
0x485: {  	[tilespmem:s8], [sflag:$0x1] =	stream.indirect_vreg.gather [hbm4b:s6+s3], $0x80, v6, vm0, $0xb8;
	[tilespmem:$0x10C80] =	vst v63  }
0x486: {  	v6 =	vld [tilespmem:$0x5C0];
	_ =	sdelay $0x3  }
0x487: {  	v7 =	vld [tilespmem:$0x1C0]  }
0x488: {  	v60 =	vshll.u32 v6, $0x3  }
0x489: {  	v6 =	vand.u32 $0x7F, v6;
	v8 =	vand.u32 $0xFFFFFC00, v60  }
0x48a: {  	v6 =	vor.u32 v6, v8  }
0x48b: {  	v6 =	vadd.s32 v4, v6;
	_ =	sdelay $0x2  }
0x48c: {  	v61 =	vld [tilespmem:$0x5D0]  }
0x48d: {  	v7 =	vld.idx.msk [tilespmem:v7+s9+$0x0], $0xffff  }
0x48e: {  	v6 =	vld.idx.msk [tilespmem:v6+s10+$0x0], $0xffff  }
0x48f: {  	v62 =	vld [tilespmem:$0x10C00]  }
0x490: {  	v63 =	vld [tilespmem:$0x1D0]  }
0x491: {  	v12 =	vshll.u32 v61, $0x3  }
0x492: {  	v11 =	vand.u32 $0xFFFFFC00, v12;
	v8 =	vand.u32 $0x7F, v61  }
0x493: {  	v6 =	vsub.f32 v7, v6;
	v7 =	vor.u32 v8, v11  }
0x494: {  	v7 =	vadd.s32 v5, v7  }
0x495: {  	v6 =	vadd.f32 v6, v62;
	_ =	sdelay $0x1  }
0x496: {  	[tilespmem:$0x10C00] =	vst v6  }
0x497: {  	v13 =	vld.idx.msk [tilespmem:v63+s9+$0x0], $0xffff  }
0x498: {  	v7 =	vld.idx.msk [tilespmem:v7+s10+$0x0], $0xffff;
	_ =	sdelay $0x4  }
0x499: {  	v7 =	vsub.f32 v13, v7;
	_ =	sdelay $0x1  }
0x49a: {  	v6 =	vadd.f32 v7, v6;
	_ =	sdelay $0x1  }
0x49b: {  	s18 =	rddreg [dreg:$0x14];
	[tilespmem:$0x10C00] =	vst v6  }
0x49c: {  	[hbm4b:s18+s3] =	stream.linear.scatter [tilespmem:s10], [sflag:$0x2], $0x8000, $0x38;
	[tilespmem:$0x10C80] =	vst v63  }
0x49d: {  	_ =	swait.ge [sflag:s26], $0x8000  }
0x49e: {  	[sflag:s26] =	ssyncset.done $0x0  }
0x49f: {  	[sflag:s26] =	ssyncadd.s32 $0xFFFF8000  }
0x4a0: {  	_ =	swait.ge [sflag:s19], $0x8000  }
0x4a1: {  	[sflag:s19] =	ssyncset.done $0x0  }
0x4a2: {  	[sflag:s19] =	ssyncadd.s32 $0xFFFF8000  }
0x4a3: {  	v6 =	vld [tilespmem:$0x200];
	_ =	sdelay $0x4  }
0x4a4: {  	v7 =	vshll.u32 v6, $0x3  }
0x4a5: {  	v6 =	vand.u32 $0x7, v6;
	v7 =	vand.u32 $0xFFFFFFC0, v7  }
0x4a6: {  	v6 =	vor.u32 v6, v7  }
0x4a7: {  	v7 =	vperm.xlane v6, v1;
	_ =	sdelay $0x1  }
0x4a8: {  	v7 =	vadd.s32 v2, v7;
	_ =	sdelay $0x4  }
0x4a9: {  	[tilespmem:s10], [sflag:$0x1] =	stream.indirect_vreg.gather [hbm4b:s2+s3], $0x80, v7, vm0, $0xb8;
	[tilespmem:$0x10C80] =	vst v63  }
0x4aa: {  	s22 =	simm.s32 $0x1400;
	v6 =	vperm.xlane v6, v3  }
0x4ab: {  	[tilespmem:s22], [sflag:$0x1] =	stream.indirect_vreg.gather [hbm4b:s4+s3], $0x80, v7, vm0, $0xb8;
	[tilespmem:$0x10C80] =	vst v63  }
0x4ac: {  	s20 =	simm.s32 $0x1C00;
	v6 =	vadd.s32 v2, v6  }
0x4ad: {  	[tilespmem:s20], [sflag:$0x1] =	stream.indirect_vreg.gather [hbm4b:s5+s3], $0x80, v7, vm0, $0xb8;
	[tilespmem:$0x10C80] =	vst v63  }
0x4ae: {  	s22 =	simm.s32 $0x2400  }
0x4af: {  	[tilespmem:s22], [sflag:$0x1] =	stream.indirect_vreg.gather [hbm4b:s6+s3], $0x80, v7, vm0, $0xb8;
	[tilespmem:$0x10C80] =	vst v63  }
0x4b0: {  	s22 =	simm.s32 $0x2C00  }
0x4b1: {  	[tilespmem:s22], [sflag:$0x1] =	stream.indirect_vreg.gather [hbm4b:s2+s3], $0x80, v6, vm0, $0xb8;
	[tilespmem:$0x10C80] =	vst v63  }
0x4b2: {  	s22 =	simm.s32 $0x3400  }
0x4b3: {  	[tilespmem:s22], [sflag:$0x1] =	stream.indirect_vreg.gather [hbm4b:s4+s3], $0x80, v6, vm0, $0xb8;
	[tilespmem:$0x10C80] =	vst v63  }
0x4b4: {  	s22 =	simm.s32 $0x3C00  }
0x4b5: {  	[tilespmem:s22], [sflag:$0x1] =	stream.indirect_vreg.gather [hbm4b:s5+s3], $0x80, v6, vm0, $0xb8;
	[tilespmem:$0x10C80] =	vst v63  }
0x4b6: {  	s22 =	simm.s32 $0x4400  }
0x4b7: {  	[tilespmem:s22], [sflag:$0x1] =	stream.indirect_vreg.gather [hbm4b:s6+s3], $0x80, v6, vm0, $0xb8;
	[tilespmem:$0x10C80] =	vst v63  }
0x4b8: {  	v6 =	vld [tilespmem:$0x210];
	_ =	sdelay $0x4  }
0x4b9: {  	v7 =	vshll.u32 v6, $0x3  }
0x4ba: {  	v6 =	vand.u32 $0x7, v6;
	v7 =	vand.u32 $0xFFFFFFC0, v7  }
0x4bb: {  	v6 =	vor.u32 v6, v7  }
0x4bc: {  	v7 =	vperm.xlane v6, v1;
	_ =	sdelay $0x1  }
0x4bd: {  	v7 =	vadd.s32 v2, v7;
	_ =	sdelay $0x3  }
0x4be: {  	s22 =	simm.s32 $0x4C00  }
0x4bf: {  	[tilespmem:s22], [sflag:$0x1] =	stream.indirect_vreg.gather [hbm4b:s2+s3], $0x80, v7, vm0, $0xb8;
	[tilespmem:$0x10C80] =	vst v63  }
0x4c0: {  	v6 =	vperm.xlane v6, v3;
	s22 =	simm.s32 $0x5400  }
0x4c1: {  	[tilespmem:s22], [sflag:$0x1] =	stream.indirect_vreg.gather [hbm4b:s4+s3], $0x80, v7, vm0, $0xb8;
	[tilespmem:$0x10C80] =	vst v63  }
0x4c2: {  	s16 =	simm.s32 $0x5C00;
	v6 =	vadd.s32 v2, v6  }
0x4c3: {  	[tilespmem:s16], [sflag:$0x1] =	stream.indirect_vreg.gather [hbm4b:s5+s3], $0x80, v7, vm0, $0xb8;
	[tilespmem:$0x10C80] =	vst v63  }
0x4c4: {  	s21 =	simm.s32 $0x6400  }
0x4c5: {  	[tilespmem:s21], [sflag:$0x1] =	stream.indirect_vreg.gather [hbm4b:s6+s3], $0x80, v7, vm0, $0xb8;
	[tilespmem:$0x10C80] =	vst v63  }
0x4c6: {  	s23 =	simm.s32 $0x6C00  }
0x4c7: {  	[tilespmem:s23], [sflag:$0x1] =	stream.indirect_vreg.gather [hbm4b:s2+s3], $0x80, v6, vm0, $0xb8;
	[tilespmem:$0x10C80] =	vst v63  }
0x4c8: {  	s13 =	simm.s32 $0x7400  }
0x4c9: {  	[tilespmem:s13], [sflag:$0x1] =	stream.indirect_vreg.gather [hbm4b:s4+s3], $0x80, v6, vm0, $0xb8;
	[tilespmem:$0x10C80] =	vst v63  }
0x4ca: {  	s23 =	simm.s32 $0x7C00  }
0x4cb: {  	[tilespmem:s23], [sflag:$0x1] =	stream.indirect_vreg.gather [hbm4b:s5+s3], $0x80, v6, vm0, $0xb8;
	[tilespmem:$0x10C80] =	vst v63  }
0x4cc: {  	s23 =	simm.s32 $0x8400  }
0x4cd: {  	[tilespmem:s23], [sflag:$0x1] =	stream.indirect_vreg.gather [hbm4b:s6+s3], $0x80, v6, vm0, $0xb8;
	[tilespmem:$0x10C80] =	vst v63  }
0x4ce: {  	v6 =	vld [tilespmem:$0x5E0];
	_ =	sdelay $0x3  }
0x4cf: {  	v7 =	vld [tilespmem:$0x1E0]  }
0x4d0: {  	v14 =	vshll.u32 v6, $0x3  }
0x4d1: {  	v6 =	vand.u32 $0x7F, v6;
	v8 =	vand.u32 $0xFFFFFC00, v14  }
0x4d2: {  	v6 =	vor.u32 v6, v8  }
0x4d3: {  	v6 =	vadd.s32 v4, v6;
	_ =	sdelay $0x2  }
0x4d4: {  	v15 =	vld [tilespmem:$0x5F0]  }
0x4d5: {  	v7 =	vld.idx.msk [tilespmem:v7+s9+$0x0], $0xffff  }
0x4d6: {  	v6 =	vld.idx.msk [tilespmem:v6+s28+$0x0], $0xffff  }
0x4d7: {  	v16 =	vld [tilespmem:$0x10C00]  }
0x4d8: {  	v17 =	vld [tilespmem:$0x1F0]  }
0x4d9: {  	v18 =	vshll.u32 v15, $0x3  }
0x4da: {  	v11 =	vand.u32 $0xFFFFFC00, v18;
	v8 =	vand.u32 $0x7F, v15  }
0x4db: {  	v6 =	vsub.f32 v7, v6;
	v7 =	vor.u32 v8, v11  }
0x4dc: {  	v7 =	vadd.s32 v5, v7  }
0x4dd: {  	v6 =	vadd.f32 v6, v16;
	_ =	sdelay $0x1  }
0x4de: {  	[tilespmem:$0x10C00] =	vst v6  }
0x4df: {  	v19 =	vld.idx.msk [tilespmem:v17+s9+$0x0], $0xffff  }
0x4e0: {  	v7 =	vld.idx.msk [tilespmem:v7+s28+$0x0], $0xffff;
	_ =	sdelay $0x4  }
0x4e1: {  	v7 =	vsub.f32 v19, v7;
	_ =	sdelay $0x1  }
0x4e2: {  	v6 =	vadd.f32 v7, v6;
	_ =	sdelay $0x1  }
0x4e3: {  	s23 =	rddreg [dreg:$0x15];
	[tilespmem:$0x10C00] =	vst v6  }
0x4e4: {  	[hbm4b:s23+s3] =	stream.linear.scatter [tilespmem:s28], [sflag:$0x2], $0x8000, $0x38;
	[tilespmem:$0x10C80] =	vst v63  }
0x4e5: {  	_ =	swait.ge [sflag:s26], $0x8000  }
0x4e6: {  	[sflag:s26] =	ssyncset.done $0x0  }
0x4e7: {  	[sflag:s26] =	ssyncadd.s32 $0xFFFF8000  }
0x4e8: {  	_ =	swait.ge [sflag:s19], $0x8000  }
0x4e9: {  	[sflag:s19] =	ssyncset.done $0x0  }
0x4ea: {  	[sflag:s19] =	ssyncadd.s32 $0xFFFF8000  }
0x4eb: {  	v6 =	vld [tilespmem:$0x220];
	_ =	sdelay $0x4  }
0x4ec: {  	v7 =	vshll.u32 v6, $0x3  }
0x4ed: {  	v6 =	vand.u32 $0x7, v6;
	v7 =	vand.u32 $0xFFFFFFC0, v7  }
0x4ee: {  	v6 =	vor.u32 v6, v7  }
0x4ef: {  	v7 =	vperm.xlane v6, v1;
	_ =	sdelay $0x1  }
0x4f0: {  	v7 =	vadd.s32 v2, v7;
	_ =	sdelay $0x4  }
0x4f1: {  	[tilespmem:s28], [sflag:$0x1] =	stream.indirect_vreg.gather [hbm4b:s2+s3], $0x80, v7, vm0, $0xb8;
	[tilespmem:$0x10C80] =	vst v63  }
0x4f2: {  	s11 =	simm.s32 $0x9400;
	v6 =	vperm.xlane v6, v3  }
0x4f3: {  	[tilespmem:s11], [sflag:$0x1] =	stream.indirect_vreg.gather [hbm4b:s4+s3], $0x80, v7, vm0, $0xb8;
	[tilespmem:$0x10C80] =	vst v63  }
0x4f4: {  	s29 =	simm.s32 $0x9C00;
	v6 =	vadd.s32 v2, v6  }
0x4f5: {  	[tilespmem:s29], [sflag:$0x1] =	stream.indirect_vreg.gather [hbm4b:s5+s3], $0x80, v7, vm0, $0xb8;
	[tilespmem:$0x10C80] =	vst v63  }
0x4f6: {  	s25 =	simm.s32 $0xA400  }
0x4f7: {  	[tilespmem:s25], [sflag:$0x1] =	stream.indirect_vreg.gather [hbm4b:s6+s3], $0x80, v7, vm0, $0xb8;
	[tilespmem:$0x10C80] =	vst v63  }
0x4f8: {  	s7 =	simm.s32 $0xAC00  }
0x4f9: {  	[tilespmem:s7], [sflag:$0x1] =	stream.indirect_vreg.gather [hbm4b:s2+s3], $0x80, v6, vm0, $0xb8;
	[tilespmem:$0x10C80] =	vst v63  }
0x4fa: {  	s12 =	simm.s32 $0xB400  }
0x4fb: {  	[tilespmem:s12], [sflag:$0x1] =	stream.indirect_vreg.gather [hbm4b:s4+s3], $0x80, v6, vm0, $0xb8;
	[tilespmem:$0x10C80] =	vst v63  }
0x4fc: {  	s1 =	simm.s32 $0xBC00  }
0x4fd: {  	[tilespmem:s1], [sflag:$0x1] =	stream.indirect_vreg.gather [hbm4b:s5+s3], $0x80, v6, vm0, $0xb8;
	[tilespmem:$0x10C80] =	vst v63  }
0x4fe: {  	s0 =	simm.s32 $0xC400  }
0x4ff: {  	[tilespmem:s0], [sflag:$0x1] =	stream.indirect_vreg.gather [hbm4b:s6+s3], $0x80, v6, vm0, $0xb8;
	[tilespmem:$0x10C80] =	vst v63  }
0x500: {  	v6 =	vld [tilespmem:$0x230];
	_ =	sdelay $0x4  }
0x501: {  	v7 =	vshll.u32 v6, $0x3  }
0x502: {  	v6 =	vand.u32 $0x7, v6;
	v7 =	vand.u32 $0xFFFFFFC0, v7  }
0x503: {  	v6 =	vor.u32 v6, v7  }
0x504: {  	v7 =	vperm.xlane v6, v1;
	_ =	sdelay $0x1  }
0x505: {  	v7 =	vadd.s32 v2, v7;
	_ =	sdelay $0x3  }
0x506: {  	s25 =	simm.s32 $0xCC00  }
0x507: {  	[tilespmem:s25], [sflag:$0x1] =	stream.indirect_vreg.gather [hbm4b:s2+s3], $0x80, v7, vm0, $0xb8;
	[tilespmem:$0x10C80] =	vst v63  }
0x508: {  	s31 =	simm.s32 $0xD400;
	v6 =	vperm.xlane v6, v3  }
0x509: {  	[tilespmem:s31], [sflag:$0x1] =	stream.indirect_vreg.gather [hbm4b:s4+s3], $0x80, v7, vm0, $0xb8;
	[tilespmem:$0x10C80] =	vst v63  }
0x50a: {  	s30 =	simm.s32 $0xDC00;
	v6 =	vadd.s32 v2, v6  }
0x50b: {  	[tilespmem:s30], [sflag:$0x1] =	stream.indirect_vreg.gather [hbm4b:s5+s3], $0x80, v7, vm0, $0xb8;
	[tilespmem:$0x10C80] =	vst v63  }
0x50c: {  	s24 =	simm.s32 $0xE400  }
0x50d: {  	[tilespmem:s24], [sflag:$0x1] =	stream.indirect_vreg.gather [hbm4b:s6+s3], $0x80, v7, vm0, $0xb8;
	[tilespmem:$0x10C80] =	vst v63  }
0x50e: {  	s17 =	simm.s32 $0xEC00  }
0x50f: {  	[tilespmem:s17], [sflag:$0x1] =	stream.indirect_vreg.gather [hbm4b:s2+s3], $0x80, v6, vm0, $0xb8;
	[tilespmem:$0x10C80] =	vst v63  }
0x510: {  	s14 =	simm.s32 $0xF400  }
0x511: {  	[tilespmem:s14], [sflag:$0x1] =	stream.indirect_vreg.gather [hbm4b:s4+s3], $0x80, v6, vm0, $0xb8;
	[tilespmem:$0x10C80] =	vst v63  }
0x512: {  	s15 =	simm.s32 $0xFC00  }
0x513: {  	[tilespmem:s15], [sflag:$0x1] =	stream.indirect_vreg.gather [hbm4b:s5+s3], $0x80, v6, vm0, $0xb8;
	[tilespmem:$0x10C80] =	vst v63  }
0x514: {  	s8 =	simm.s32 $0x10400  }
0x515: {  	[tilespmem:s8], [sflag:$0x1] =	stream.indirect_vreg.gather [hbm4b:s6+s3], $0x80, v6, vm0, $0xb8;
	[tilespmem:$0x10C80] =	vst v63  }
0x516: {  	v6 =	vld [tilespmem:$0x600];
	_ =	sdelay $0x3  }
0x517: {  	v7 =	vld [tilespmem:$0x200]  }
0x518: {  	v20 =	vshll.u32 v6, $0x3  }
0x519: {  	v6 =	vand.u32 $0x7F, v6;
	v8 =	vand.u32 $0xFFFFFC00, v20  }
0x51a: {  	v6 =	vor.u32 v6, v8  }
0x51b: {  	v6 =	vadd.s32 v4, v6;
	_ =	sdelay $0x2  }
0x51c: {  	v21 =	vld [tilespmem:$0x610]  }
0x51d: {  	v7 =	vld.idx.msk [tilespmem:v7+s9+$0x0], $0xffff  }
0x51e: {  	v6 =	vld.idx.msk [tilespmem:v6+s10+$0x0], $0xffff  }
0x51f: {  	v22 =	vld [tilespmem:$0x10C00]  }
0x520: {  	v23 =	vld [tilespmem:$0x210]  }
0x521: {  	v24 =	vshll.u32 v21, $0x3  }
0x522: {  	v11 =	vand.u32 $0xFFFFFC00, v24;
	v8 =	vand.u32 $0x7F, v21  }
0x523: {  	v6 =	vsub.f32 v7, v6;
	v7 =	vor.u32 v8, v11  }
0x524: {  	v7 =	vadd.s32 v5, v7  }
0x525: {  	v6 =	vadd.f32 v6, v22;
	_ =	sdelay $0x1  }
0x526: {  	[tilespmem:$0x10C00] =	vst v6  }
0x527: {  	v25 =	vld.idx.msk [tilespmem:v23+s9+$0x0], $0xffff  }
0x528: {  	v7 =	vld.idx.msk [tilespmem:v7+s10+$0x0], $0xffff;
	_ =	sdelay $0x4  }
0x529: {  	v7 =	vsub.f32 v25, v7;
	_ =	sdelay $0x1  }
0x52a: {  	v6 =	vadd.f32 v7, v6;
	_ =	sdelay $0x1  }
0x52b: {  	s30 =	rddreg [dreg:$0x16];
	[tilespmem:$0x10C00] =	vst v6  }
0x52c: {  	[hbm4b:s30+s3] =	stream.linear.scatter [tilespmem:s10], [sflag:$0x2], $0x8000, $0x38;
	[tilespmem:$0x10C80] =	vst v63  }
0x52d: {  	_ =	swait.ge [sflag:s26], $0x8000  }
0x52e: {  	[sflag:s26] =	ssyncset.done $0x0  }
0x52f: {  	[sflag:s26] =	ssyncadd.s32 $0xFFFF8000  }
0x530: {  	_ =	swait.ge [sflag:s19], $0x8000  }
0x531: {  	[sflag:s19] =	ssyncset.done $0x0  }
0x532: {  	[sflag:s19] =	ssyncadd.s32 $0xFFFF8000  }
0x533: {  	v6 =	vld [tilespmem:$0x240];
	_ =	sdelay $0x4  }
0x534: {  	v7 =	vshll.u32 v6, $0x3  }
0x535: {  	v6 =	vand.u32 $0x7, v6;
	v7 =	vand.u32 $0xFFFFFFC0, v7  }
0x536: {  	v6 =	vor.u32 v6, v7  }
0x537: {  	v7 =	vperm.xlane v6, v1;
	_ =	sdelay $0x1  }
0x538: {  	v7 =	vadd.s32 v2, v7;
	_ =	sdelay $0x4  }
0x539: {  	[tilespmem:s10], [sflag:$0x1] =	stream.indirect_vreg.gather [hbm4b:s2+s3], $0x80, v7, vm0, $0xb8;
	[tilespmem:$0x10C80] =	vst v63  }
0x53a: {  	s30 =	simm.s32 $0x1400;
	v6 =	vperm.xlane v6, v3  }
0x53b: {  	[tilespmem:s30], [sflag:$0x1] =	stream.indirect_vreg.gather [hbm4b:s4+s3], $0x80, v7, vm0, $0xb8;
	[tilespmem:$0x10C80] =	vst v63  }
0x53c: {  	s18 =	simm.s32 $0x1C00;
	v6 =	vadd.s32 v2, v6  }
0x53d: {  	[tilespmem:s18], [sflag:$0x1] =	stream.indirect_vreg.gather [hbm4b:s5+s3], $0x80, v7, vm0, $0xb8;
	[tilespmem:$0x10C80] =	vst v63  }
0x53e: {  	s30 =	simm.s32 $0x2400  }
0x53f: {  	[tilespmem:s30], [sflag:$0x1] =	stream.indirect_vreg.gather [hbm4b:s6+s3], $0x80, v7, vm0, $0xb8;
	[tilespmem:$0x10C80] =	vst v63  }
0x540: {  	s30 =	simm.s32 $0x2C00  }
0x541: {  	[tilespmem:s30], [sflag:$0x1] =	stream.indirect_vreg.gather [hbm4b:s2+s3], $0x80, v6, vm0, $0xb8;
	[tilespmem:$0x10C80] =	vst v63  }
0x542: {  	s30 =	simm.s32 $0x3400  }
0x543: {  	[tilespmem:s30], [sflag:$0x1] =	stream.indirect_vreg.gather [hbm4b:s4+s3], $0x80, v6, vm0, $0xb8;
	[tilespmem:$0x10C80] =	vst v63  }
0x544: {  	s30 =	simm.s32 $0x3C00  }
0x545: {  	[tilespmem:s30], [sflag:$0x1] =	stream.indirect_vreg.gather [hbm4b:s5+s3], $0x80, v6, vm0, $0xb8;
	[tilespmem:$0x10C80] =	vst v63  }
0x546: {  	s30 =	simm.s32 $0x4400  }
0x547: {  	[tilespmem:s30], [sflag:$0x1] =	stream.indirect_vreg.gather [hbm4b:s6+s3], $0x80, v6, vm0, $0xb8;
	[tilespmem:$0x10C80] =	vst v63  }
0x548: {  	v6 =	vld [tilespmem:$0x250];
	_ =	sdelay $0x4  }
0x549: {  	v7 =	vshll.u32 v6, $0x3  }
0x54a: {  	v6 =	vand.u32 $0x7, v6;
	v7 =	vand.u32 $0xFFFFFFC0, v7  }
0x54b: {  	v6 =	vor.u32 v6, v7  }
0x54c: {  	v7 =	vperm.xlane v6, v1;
	_ =	sdelay $0x1  }
0x54d: {  	v7 =	vadd.s32 v2, v7;
	_ =	sdelay $0x3  }
0x54e: {  	s30 =	simm.s32 $0x4C00  }
0x54f: {  	[tilespmem:s30], [sflag:$0x1] =	stream.indirect_vreg.gather [hbm4b:s2+s3], $0x80, v7, vm0, $0xb8;
	[tilespmem:$0x10C80] =	vst v63  }
0x550: {  	v6 =	vperm.xlane v6, v3;
	s30 =	simm.s32 $0x5400  }
0x551: {  	[tilespmem:s30], [sflag:$0x1] =	stream.indirect_vreg.gather [hbm4b:s4+s3], $0x80, v7, vm0, $0xb8;
	[tilespmem:$0x10C80] =	vst v63  }
0x552: {  	s22 =	simm.s32 $0x5C00;
	v6 =	vadd.s32 v2, v6  }
0x553: {  	[tilespmem:s22], [sflag:$0x1] =	stream.indirect_vreg.gather [hbm4b:s5+s3], $0x80, v7, vm0, $0xb8;
	[tilespmem:$0x10C80] =	vst v63  }
0x554: {  	s21 =	simm.s32 $0x6400  }
0x555: {  	[tilespmem:s21], [sflag:$0x1] =	stream.indirect_vreg.gather [hbm4b:s6+s3], $0x80, v7, vm0, $0xb8;
	[tilespmem:$0x10C80] =	vst v63  }
0x556: {  	s16 =	simm.s32 $0x6C00  }
0x557: {  	[tilespmem:s16], [sflag:$0x1] =	stream.indirect_vreg.gather [hbm4b:s2+s3], $0x80, v6, vm0, $0xb8;
	[tilespmem:$0x10C80] =	vst v63  }
0x558: {  	s13 =	simm.s32 $0x7400  }
0x559: {  	[tilespmem:s13], [sflag:$0x1] =	stream.indirect_vreg.gather [hbm4b:s4+s3], $0x80, v6, vm0, $0xb8;
	[tilespmem:$0x10C80] =	vst v63  }
0x55a: {  	s16 =	simm.s32 $0x7C00  }
0x55b: {  	[tilespmem:s16], [sflag:$0x1] =	stream.indirect_vreg.gather [hbm4b:s5+s3], $0x80, v6, vm0, $0xb8;
	[tilespmem:$0x10C80] =	vst v63  }
0x55c: {  	s20 =	simm.s32 $0x8400  }
0x55d: {  	[tilespmem:s20], [sflag:$0x1] =	stream.indirect_vreg.gather [hbm4b:s6+s3], $0x80, v6, vm0, $0xb8;
	[tilespmem:$0x10C80] =	vst v63  }
0x55e: {  	v6 =	vld [tilespmem:$0x620];
	_ =	sdelay $0x3  }
0x55f: {  	v7 =	vld [tilespmem:$0x220]  }
0x560: {  	v26 =	vshll.u32 v6, $0x3  }
0x561: {  	v6 =	vand.u32 $0x7F, v6;
	v8 =	vand.u32 $0xFFFFFC00, v26  }
0x562: {  	v6 =	vor.u32 v6, v8  }
0x563: {  	v6 =	vadd.s32 v4, v6;
	_ =	sdelay $0x2  }
0x564: {  	v27 =	vld [tilespmem:$0x630]  }
0x565: {  	v7 =	vld.idx.msk [tilespmem:v7+s9+$0x0], $0xffff  }
0x566: {  	v6 =	vld.idx.msk [tilespmem:v6+s28+$0x0], $0xffff  }
0x567: {  	v28 =	vld [tilespmem:$0x10C00]  }
0x568: {  	v29 =	vld [tilespmem:$0x230]  }
0x569: {  	v30 =	vshll.u32 v27, $0x3  }
0x56a: {  	v11 =	vand.u32 $0xFFFFFC00, v30;
	v8 =	vand.u32 $0x7F, v27  }
0x56b: {  	v6 =	vsub.f32 v7, v6;
	v7 =	vor.u32 v8, v11  }
0x56c: {  	v7 =	vadd.s32 v5, v7  }
0x56d: {  	v6 =	vadd.f32 v6, v28;
	_ =	sdelay $0x1  }
0x56e: {  	[tilespmem:$0x10C00] =	vst v6  }
0x56f: {  	v31 =	vld.idx.msk [tilespmem:v29+s9+$0x0], $0xffff  }
0x570: {  	v7 =	vld.idx.msk [tilespmem:v7+s28+$0x0], $0xffff;
	_ =	sdelay $0x4  }
0x571: {  	v7 =	vsub.f32 v31, v7;
	_ =	sdelay $0x1  }
0x572: {  	v6 =	vadd.f32 v7, v6;
	_ =	sdelay $0x1  }
0x573: {  	s20 =	rddreg [dreg:$0x17];
	[tilespmem:$0x10C00] =	vst v6  }
0x574: {  	[hbm4b:s20+s3] =	stream.linear.scatter [tilespmem:s28], [sflag:$0x2], $0x8000, $0x38;
	[tilespmem:$0x10C80] =	vst v63  }
0x575: {  	_ =	swait.ge [sflag:s26], $0x8000  }
0x576: {  	[sflag:s26] =	ssyncset.done $0x0  }
0x577: {  	[sflag:s26] =	ssyncadd.s32 $0xFFFF8000  }
0x578: {  	_ =	swait.ge [sflag:s19], $0x8000  }
0x579: {  	[sflag:s19] =	ssyncset.done $0x0  }
0x57a: {  	[sflag:s19] =	ssyncadd.s32 $0xFFFF8000  }
0x57b: {  	v6 =	vld [tilespmem:$0x260];
	_ =	sdelay $0x4  }
0x57c: {  	v7 =	vshll.u32 v6, $0x3  }
0x57d: {  	v6 =	vand.u32 $0x7, v6;
	v7 =	vand.u32 $0xFFFFFFC0, v7  }
0x57e: {  	v6 =	vor.u32 v6, v7  }
0x57f: {  	v7 =	vperm.xlane v6, v1;
	_ =	sdelay $0x1  }
0x580: {  	v7 =	vadd.s32 v2, v7;
	_ =	sdelay $0x4  }
0x581: {  	[tilespmem:s28], [sflag:$0x1] =	stream.indirect_vreg.gather [hbm4b:s2+s3], $0x80, v7, vm0, $0xb8;
	[tilespmem:$0x10C80] =	vst v63  }
0x582: {  	s11 =	simm.s32 $0x9400;
	v6 =	vperm.xlane v6, v3  }
0x583: {  	[tilespmem:s11], [sflag:$0x1] =	stream.indirect_vreg.gather [hbm4b:s4+s3], $0x80, v7, vm0, $0xb8;
	[tilespmem:$0x10C80] =	vst v63  }
0x584: {  	s29 =	simm.s32 $0x9C00;
	v6 =	vadd.s32 v2, v6  }
0x585: {  	[tilespmem:s29], [sflag:$0x1] =	stream.indirect_vreg.gather [hbm4b:s5+s3], $0x80, v7, vm0, $0xb8;
	[tilespmem:$0x10C80] =	vst v63  }
0x586: {  	s23 =	simm.s32 $0xA400  }
0x587: {  	[tilespmem:s23], [sflag:$0x1] =	stream.indirect_vreg.gather [hbm4b:s6+s3], $0x80, v7, vm0, $0xb8;
	[tilespmem:$0x10C80] =	vst v63  }
0x588: {  	s7 =	simm.s32 $0xAC00  }
0x589: {  	[tilespmem:s7], [sflag:$0x1] =	stream.indirect_vreg.gather [hbm4b:s2+s3], $0x80, v6, vm0, $0xb8;
	[tilespmem:$0x10C80] =	vst v63  }
0x58a: {  	s12 =	simm.s32 $0xB400  }
0x58b: {  	[tilespmem:s12], [sflag:$0x1] =	stream.indirect_vreg.gather [hbm4b:s4+s3], $0x80, v6, vm0, $0xb8;
	[tilespmem:$0x10C80] =	vst v63  }
0x58c: {  	s1 =	simm.s32 $0xBC00  }
0x58d: {  	[tilespmem:s1], [sflag:$0x1] =	stream.indirect_vreg.gather [hbm4b:s5+s3], $0x80, v6, vm0, $0xb8;
	[tilespmem:$0x10C80] =	vst v63  }
0x58e: {  	s0 =	simm.s32 $0xC400  }
0x58f: {  	[tilespmem:s0], [sflag:$0x1] =	stream.indirect_vreg.gather [hbm4b:s6+s3], $0x80, v6, vm0, $0xb8;
	[tilespmem:$0x10C80] =	vst v63  }
0x590: {  	v6 =	vld [tilespmem:$0x270];
	_ =	sdelay $0x4  }
0x591: {  	v7 =	vshll.u32 v6, $0x3  }
0x592: {  	v6 =	vand.u32 $0x7, v6;
	v7 =	vand.u32 $0xFFFFFFC0, v7  }
0x593: {  	v6 =	vor.u32 v6, v7  }
0x594: {  	v7 =	vperm.xlane v6, v1;
	_ =	sdelay $0x1  }
0x595: {  	v7 =	vadd.s32 v2, v7;
	_ =	sdelay $0x3  }
0x596: {  	s23 =	simm.s32 $0xCC00  }
0x597: {  	[tilespmem:s23], [sflag:$0x1] =	stream.indirect_vreg.gather [hbm4b:s2+s3], $0x80, v7, vm0, $0xb8;
	[tilespmem:$0x10C80] =	vst v63  }
0x598: {  	s31 =	simm.s32 $0xD400;
	v6 =	vperm.xlane v6, v3  }
0x599: {  	[tilespmem:s31], [sflag:$0x1] =	stream.indirect_vreg.gather [hbm4b:s4+s3], $0x80, v7, vm0, $0xb8;
	[tilespmem:$0x10C80] =	vst v63  }
0x59a: {  	s25 =	simm.s32 $0xDC00;
	v6 =	vadd.s32 v2, v6  }
0x59b: {  	[tilespmem:s25], [sflag:$0x1] =	stream.indirect_vreg.gather [hbm4b:s5+s3], $0x80, v7, vm0, $0xb8;
	[tilespmem:$0x10C80] =	vst v63  }
0x59c: {  	s24 =	simm.s32 $0xE400  }
0x59d: {  	[tilespmem:s24], [sflag:$0x1] =	stream.indirect_vreg.gather [hbm4b:s6+s3], $0x80, v7, vm0, $0xb8;
	[tilespmem:$0x10C80] =	vst v63  }
0x59e: {  	s17 =	simm.s32 $0xEC00  }
0x59f: {  	[tilespmem:s17], [sflag:$0x1] =	stream.indirect_vreg.gather [hbm4b:s2+s3], $0x80, v6, vm0, $0xb8;
	[tilespmem:$0x10C80] =	vst v63  }
0x5a0: {  	s14 =	simm.s32 $0xF400  }
0x5a1: {  	[tilespmem:s14], [sflag:$0x1] =	stream.indirect_vreg.gather [hbm4b:s4+s3], $0x80, v6, vm0, $0xb8;
	[tilespmem:$0x10C80] =	vst v63  }
0x5a2: {  	s15 =	simm.s32 $0xFC00  }
0x5a3: {  	[tilespmem:s15], [sflag:$0x1] =	stream.indirect_vreg.gather [hbm4b:s5+s3], $0x80, v6, vm0, $0xb8;
	[tilespmem:$0x10C80] =	vst v63  }
0x5a4: {  	s8 =	simm.s32 $0x10400  }
0x5a5: {  	[tilespmem:s8], [sflag:$0x1] =	stream.indirect_vreg.gather [hbm4b:s6+s3], $0x80, v6, vm0, $0xb8;
	[tilespmem:$0x10C80] =	vst v63  }
0x5a6: {  	v6 =	vld [tilespmem:$0x640];
	_ =	sdelay $0x3  }
0x5a7: {  	v7 =	vld [tilespmem:$0x240]  }
0x5a8: {  	v32 =	vshll.u32 v6, $0x3  }
0x5a9: {  	v6 =	vand.u32 $0x7F, v6;
	v8 =	vand.u32 $0xFFFFFC00, v32  }
0x5aa: {  	v6 =	vor.u32 v6, v8  }
0x5ab: {  	v6 =	vadd.s32 v4, v6;
	_ =	sdelay $0x2  }
0x5ac: {  	v33 =	vld [tilespmem:$0x650]  }
0x5ad: {  	v7 =	vld.idx.msk [tilespmem:v7+s9+$0x0], $0xffff  }
0x5ae: {  	v6 =	vld.idx.msk [tilespmem:v6+s10+$0x0], $0xffff  }
0x5af: {  	v34 =	vld [tilespmem:$0x10C00]  }
0x5b0: {  	v35 =	vld [tilespmem:$0x250]  }
0x5b1: {  	v36 =	vshll.u32 v33, $0x3  }
0x5b2: {  	v11 =	vand.u32 $0xFFFFFC00, v36;
	v8 =	vand.u32 $0x7F, v33  }
0x5b3: {  	v6 =	vsub.f32 v7, v6;
	v7 =	vor.u32 v8, v11  }
0x5b4: {  	v7 =	vadd.s32 v5, v7  }
0x5b5: {  	v6 =	vadd.f32 v6, v34;
	_ =	sdelay $0x1  }
0x5b6: {  	[tilespmem:$0x10C00] =	vst v6  }
0x5b7: {  	v37 =	vld.idx.msk [tilespmem:v35+s9+$0x0], $0xffff  }
0x5b8: {  	v7 =	vld.idx.msk [tilespmem:v7+s10+$0x0], $0xffff;
	_ =	sdelay $0x4  }
0x5b9: {  	v7 =	vsub.f32 v37, v7;
	_ =	sdelay $0x1  }
0x5ba: {  	v6 =	vadd.f32 v7, v6;
	_ =	sdelay $0x1  }
0x5bb: {  	s24 =	rddreg [dreg:$0x18];
	[tilespmem:$0x10C00] =	vst v6  }
0x5bc: {  	[hbm4b:s24+s3] =	stream.linear.scatter [tilespmem:s10], [sflag:$0x2], $0x8000, $0x38;
	[tilespmem:$0x10C80] =	vst v63  }
0x5bd: {  	_ =	swait.ge [sflag:s26], $0x8000  }
0x5be: {  	[sflag:s26] =	ssyncset.done $0x0  }
0x5bf: {  	[sflag:s26] =	ssyncadd.s32 $0xFFFF8000  }
0x5c0: {  	_ =	swait.ge [sflag:s19], $0x8000  }
0x5c1: {  	[sflag:s19] =	ssyncset.done $0x0  }
0x5c2: {  	[sflag:s19] =	ssyncadd.s32 $0xFFFF8000  }
0x5c3: {  	v6 =	vld [tilespmem:$0x280];
	_ =	sdelay $0x4  }
0x5c4: {  	v7 =	vshll.u32 v6, $0x3  }
0x5c5: {  	v6 =	vand.u32 $0x7, v6;
	v7 =	vand.u32 $0xFFFFFFC0, v7  }
0x5c6: {  	v6 =	vor.u32 v6, v7  }
0x5c7: {  	v7 =	vperm.xlane v6, v1;
	_ =	sdelay $0x1  }
0x5c8: {  	v7 =	vadd.s32 v2, v7;
	_ =	sdelay $0x4  }
0x5c9: {  	[tilespmem:s10], [sflag:$0x1] =	stream.indirect_vreg.gather [hbm4b:s2+s3], $0x80, v7, vm0, $0xb8;
	[tilespmem:$0x10C80] =	vst v63  }
0x5ca: {  	s25 =	simm.s32 $0x1400;
	v6 =	vperm.xlane v6, v3  }
0x5cb: {  	[tilespmem:s25], [sflag:$0x1] =	stream.indirect_vreg.gather [hbm4b:s4+s3], $0x80, v7, vm0, $0xb8;
	[tilespmem:$0x10C80] =	vst v63  }
0x5cc: {  	s18 =	simm.s32 $0x1C00;
	v6 =	vadd.s32 v2, v6  }
0x5cd: {  	[tilespmem:s18], [sflag:$0x1] =	stream.indirect_vreg.gather [hbm4b:s5+s3], $0x80, v7, vm0, $0xb8;
	[tilespmem:$0x10C80] =	vst v63  }
0x5ce: {  	s20 =	simm.s32 $0x2400  }
0x5cf: {  	[tilespmem:s20], [sflag:$0x1] =	stream.indirect_vreg.gather [hbm4b:s6+s3], $0x80, v7, vm0, $0xb8;
	[tilespmem:$0x10C80] =	vst v63  }
0x5d0: {  	s24 =	simm.s32 $0x2C00  }
0x5d1: {  	[tilespmem:s24], [sflag:$0x1] =	stream.indirect_vreg.gather [hbm4b:s2+s3], $0x80, v6, vm0, $0xb8;
	[tilespmem:$0x10C80] =	vst v63  }
0x5d2: {  	s18 =	simm.s32 $0x3400  }
0x5d3: {  	[tilespmem:s18], [sflag:$0x1] =	stream.indirect_vreg.gather [hbm4b:s4+s3], $0x80, v6, vm0, $0xb8;
	[tilespmem:$0x10C80] =	vst v63  }
0x5d4: {  	s20 =	simm.s32 $0x3C00  }
0x5d5: {  	[tilespmem:s20], [sflag:$0x1] =	stream.indirect_vreg.gather [hbm4b:s5+s3], $0x80, v6, vm0, $0xb8;
	[tilespmem:$0x10C80] =	vst v63  }
0x5d6: {  	s24 =	simm.s32 $0x4400  }
0x5d7: {  	[tilespmem:s24], [sflag:$0x1] =	stream.indirect_vreg.gather [hbm4b:s6+s3], $0x80, v6, vm0, $0xb8;
	[tilespmem:$0x10C80] =	vst v63  }
0x5d8: {  	v6 =	vld [tilespmem:$0x290];
	_ =	sdelay $0x4  }
0x5d9: {  	v7 =	vshll.u32 v6, $0x3  }
0x5da: {  	v6 =	vand.u32 $0x7, v6;
	v7 =	vand.u32 $0xFFFFFFC0, v7  }
0x5db: {  	v6 =	vor.u32 v6, v7  }
0x5dc: {  	v7 =	vperm.xlane v6, v1;
	_ =	sdelay $0x1  }
0x5dd: {  	v7 =	vadd.s32 v2, v7;
	_ =	sdelay $0x3  }
0x5de: {  	s18 =	simm.s32 $0x4C00  }
0x5df: {  	[tilespmem:s18], [sflag:$0x1] =	stream.indirect_vreg.gather [hbm4b:s2+s3], $0x80, v7, vm0, $0xb8;
	[tilespmem:$0x10C80] =	vst v63  }
0x5e0: {  	s20 =	simm.s32 $0x5400;
	v6 =	vperm.xlane v6, v3  }
0x5e1: {  	[tilespmem:s20], [sflag:$0x1] =	stream.indirect_vreg.gather [hbm4b:s4+s3], $0x80, v7, vm0, $0xb8;
	[tilespmem:$0x10C80] =	vst v63  }
0x5e2: {  	s30 =	simm.s32 $0x5C00;
	v6 =	vadd.s32 v2, v6  }
0x5e3: {  	[tilespmem:s30], [sflag:$0x1] =	stream.indirect_vreg.gather [hbm4b:s5+s3], $0x80, v7, vm0, $0xb8;
	[tilespmem:$0x10C80] =	vst v63  }
0x5e4: {  	s21 =	simm.s32 $0x6400  }
0x5e5: {  	[tilespmem:s21], [sflag:$0x1] =	stream.indirect_vreg.gather [hbm4b:s6+s3], $0x80, v7, vm0, $0xb8;
	[tilespmem:$0x10C80] =	vst v63  }
0x5e6: {  	s24 =	simm.s32 $0x6C00  }
0x5e7: {  	[tilespmem:s24], [sflag:$0x1] =	stream.indirect_vreg.gather [hbm4b:s2+s3], $0x80, v6, vm0, $0xb8;
	[tilespmem:$0x10C80] =	vst v63  }
0x5e8: {  	s22 =	simm.s32 $0x7400  }
0x5e9: {  	[tilespmem:s22], [sflag:$0x1] =	stream.indirect_vreg.gather [hbm4b:s4+s3], $0x80, v6, vm0, $0xb8;
	[tilespmem:$0x10C80] =	vst v63  }
0x5ea: {  	s30 =	simm.s32 $0x7C00  }
0x5eb: {  	[tilespmem:s30], [sflag:$0x1] =	stream.indirect_vreg.gather [hbm4b:s5+s3], $0x80, v6, vm0, $0xb8;
	[tilespmem:$0x10C80] =	vst v63  }
0x5ec: {  	s20 =	simm.s32 $0x8400  }
0x5ed: {  	[tilespmem:s20], [sflag:$0x1] =	stream.indirect_vreg.gather [hbm4b:s6+s3], $0x80, v6, vm0, $0xb8;
	[tilespmem:$0x10C80] =	vst v63  }
0x5ee: {  	v6 =	vld [tilespmem:$0x660];
	_ =	sdelay $0x3  }
0x5ef: {  	v7 =	vld [tilespmem:$0x260]  }
0x5f0: {  	v38 =	vshll.u32 v6, $0x3  }
0x5f1: {  	v6 =	vand.u32 $0x7F, v6;
	v8 =	vand.u32 $0xFFFFFC00, v38  }
0x5f2: {  	v6 =	vor.u32 v6, v8  }
0x5f3: {  	v6 =	vadd.s32 v4, v6;
	_ =	sdelay $0x2  }
0x5f4: {  	v39 =	vld [tilespmem:$0x670]  }
0x5f5: {  	v7 =	vld.idx.msk [tilespmem:v7+s9+$0x0], $0xffff  }
0x5f6: {  	v6 =	vld.idx.msk [tilespmem:v6+s28+$0x0], $0xffff  }
0x5f7: {  	v40 =	vld [tilespmem:$0x10C00]  }
0x5f8: {  	v41 =	vld [tilespmem:$0x270]  }
0x5f9: {  	v42 =	vshll.u32 v39, $0x3  }
0x5fa: {  	v11 =	vand.u32 $0xFFFFFC00, v42;
	v8 =	vand.u32 $0x7F, v39  }
0x5fb: {  	v6 =	vsub.f32 v7, v6;
	v7 =	vor.u32 v8, v11  }
0x5fc: {  	v7 =	vadd.s32 v5, v7  }
0x5fd: {  	v6 =	vadd.f32 v6, v40;
	_ =	sdelay $0x1  }
0x5fe: {  	[tilespmem:$0x10C00] =	vst v6  }
0x5ff: {  	v43 =	vld.idx.msk [tilespmem:v41+s9+$0x0], $0xffff  }
0x600: {  	v7 =	vld.idx.msk [tilespmem:v7+s28+$0x0], $0xffff;
	_ =	sdelay $0x4  }
0x601: {  	v7 =	vsub.f32 v43, v7;
	_ =	sdelay $0x1  }
0x602: {  	v6 =	vadd.f32 v7, v6;
	_ =	sdelay $0x1  }
0x603: {  	s22 =	rddreg [dreg:$0x19];
	[tilespmem:$0x10C00] =	vst v6  }
0x604: {  	[hbm4b:s22+s3] =	stream.linear.scatter [tilespmem:s28], [sflag:$0x2], $0x8000, $0x38;
	[tilespmem:$0x10C80] =	vst v63  }
0x605: {  	_ =	swait.ge [sflag:s26], $0x8000  }
0x606: {  	[sflag:s26] =	ssyncset.done $0x0  }
0x607: {  	[sflag:s26] =	ssyncadd.s32 $0xFFFF8000  }
0x608: {  	_ =	swait.ge [sflag:s19], $0x8000  }
0x609: {  	[sflag:s19] =	ssyncset.done $0x0  }
0x60a: {  	[sflag:s19] =	ssyncadd.s32 $0xFFFF8000  }
0x60b: {  	v6 =	vld [tilespmem:$0x2A0];
	_ =	sdelay $0x4  }
0x60c: {  	v7 =	vshll.u32 v6, $0x3  }
0x60d: {  	v6 =	vand.u32 $0x7, v6;
	v7 =	vand.u32 $0xFFFFFFC0, v7  }
0x60e: {  	v6 =	vor.u32 v6, v7  }
0x60f: {  	v7 =	vperm.xlane v6, v1;
	_ =	sdelay $0x1  }
0x610: {  	v7 =	vadd.s32 v2, v7;
	_ =	sdelay $0x4  }
0x611: {  	[tilespmem:s28], [sflag:$0x1] =	stream.indirect_vreg.gather [hbm4b:s2+s3], $0x80, v7, vm0, $0xb8;
	[tilespmem:$0x10C80] =	vst v63  }
0x612: {  	s16 =	simm.s32 $0x9400;
	v6 =	vperm.xlane v6, v3  }
0x613: {  	[tilespmem:s16], [sflag:$0x1] =	stream.indirect_vreg.gather [hbm4b:s4+s3], $0x80, v7, vm0, $0xb8;
	[tilespmem:$0x10C80] =	vst v63  }
0x614: {  	s30 =	simm.s32 $0x9C00;
	v6 =	vadd.s32 v2, v6  }
0x615: {  	[tilespmem:s30], [sflag:$0x1] =	stream.indirect_vreg.gather [hbm4b:s5+s3], $0x80, v7, vm0, $0xb8;
	[tilespmem:$0x10C80] =	vst v63  }
0x616: {  	s13 =	simm.s32 $0xA400  }
0x617: {  	[tilespmem:s13], [sflag:$0x1] =	stream.indirect_vreg.gather [hbm4b:s6+s3], $0x80, v7, vm0, $0xb8;
	[tilespmem:$0x10C80] =	vst v63  }
0x618: {  	s7 =	simm.s32 $0xAC00  }
0x619: {  	[tilespmem:s7], [sflag:$0x1] =	stream.indirect_vreg.gather [hbm4b:s2+s3], $0x80, v6, vm0, $0xb8;
	[tilespmem:$0x10C80] =	vst v63  }
0x61a: {  	s11 =	simm.s32 $0xB400  }
0x61b: {  	[tilespmem:s11], [sflag:$0x1] =	stream.indirect_vreg.gather [hbm4b:s4+s3], $0x80, v6, vm0, $0xb8;
	[tilespmem:$0x10C80] =	vst v63  }
0x61c: {  	s1 =	simm.s32 $0xBC00  }
0x61d: {  	[tilespmem:s1], [sflag:$0x1] =	stream.indirect_vreg.gather [hbm4b:s5+s3], $0x80, v6, vm0, $0xb8;
	[tilespmem:$0x10C80] =	vst v63  }
0x61e: {  	s0 =	simm.s32 $0xC400  }
0x61f: {  	[tilespmem:s0], [sflag:$0x1] =	stream.indirect_vreg.gather [hbm4b:s6+s3], $0x80, v6, vm0, $0xb8;
	[tilespmem:$0x10C80] =	vst v63  }
0x620: {  	v6 =	vld [tilespmem:$0x2B0];
	_ =	sdelay $0x4  }
0x621: {  	v7 =	vshll.u32 v6, $0x3  }
0x622: {  	v6 =	vand.u32 $0x7, v6;
	v7 =	vand.u32 $0xFFFFFFC0, v7  }
0x623: {  	v6 =	vor.u32 v6, v7  }
0x624: {  	v7 =	vperm.xlane v6, v1;
	_ =	sdelay $0x1  }
0x625: {  	v7 =	vadd.s32 v2, v7;
	_ =	sdelay $0x3  }
0x626: {  	s1 =	simm.s32 $0xCC00  }
0x627: {  	[tilespmem:s1], [sflag:$0x1] =	stream.indirect_vreg.gather [hbm4b:s2+s3], $0x80, v7, vm0, $0xb8;
	[tilespmem:$0x10C80] =	vst v63  }
0x628: {  	s31 =	simm.s32 $0xD400;
	v6 =	vperm.xlane v6, v3  }
0x629: {  	[tilespmem:s31], [sflag:$0x1] =	stream.indirect_vreg.gather [hbm4b:s4+s3], $0x80, v7, vm0, $0xb8;
	[tilespmem:$0x10C80] =	vst v63  }
0x62a: {  	s23 =	simm.s32 $0xDC00;
	v6 =	vadd.s32 v2, v6  }
0x62b: {  	[tilespmem:s23], [sflag:$0x1] =	stream.indirect_vreg.gather [hbm4b:s5+s3], $0x80, v7, vm0, $0xb8;
	[tilespmem:$0x10C80] =	vst v63  }
0x62c: {  	s29 =	simm.s32 $0xE400  }
0x62d: {  	[tilespmem:s29], [sflag:$0x1] =	stream.indirect_vreg.gather [hbm4b:s6+s3], $0x80, v7, vm0, $0xb8;
	[tilespmem:$0x10C80] =	vst v63  }
0x62e: {  	s17 =	simm.s32 $0xEC00  }
0x62f: {  	[tilespmem:s17], [sflag:$0x1] =	stream.indirect_vreg.gather [hbm4b:s2+s3], $0x80, v6, vm0, $0xb8;
	[tilespmem:$0x10C80] =	vst v63  }
0x630: {  	s12 =	simm.s32 $0xF400  }
0x631: {  	[tilespmem:s12], [sflag:$0x1] =	stream.indirect_vreg.gather [hbm4b:s4+s3], $0x80, v6, vm0, $0xb8;
	[tilespmem:$0x10C80] =	vst v63  }
0x632: {  	s14 =	simm.s32 $0xFC00  }
0x633: {  	[tilespmem:s14], [sflag:$0x1] =	stream.indirect_vreg.gather [hbm4b:s5+s3], $0x80, v6, vm0, $0xb8;
	[tilespmem:$0x10C80] =	vst v63  }
0x634: {  	s8 =	simm.s32 $0x10400  }
0x635: {  	[tilespmem:s8], [sflag:$0x1] =	stream.indirect_vreg.gather [hbm4b:s6+s3], $0x80, v6, vm0, $0xb8;
	[tilespmem:$0x10C80] =	vst v63  }
0x636: {  	v6 =	vld [tilespmem:$0x680];
	_ =	sdelay $0x3  }
0x637: {  	v7 =	vld [tilespmem:$0x280]  }
0x638: {  	v44 =	vshll.u32 v6, $0x3  }
0x639: {  	v6 =	vand.u32 $0x7F, v6;
	v8 =	vand.u32 $0xFFFFFC00, v44  }
0x63a: {  	v6 =	vor.u32 v6, v8  }
0x63b: {  	v6 =	vadd.s32 v4, v6;
	_ =	sdelay $0x2  }
0x63c: {  	v45 =	vld [tilespmem:$0x690]  }
0x63d: {  	v7 =	vld.idx.msk [tilespmem:v7+s9+$0x0], $0xffff  }
0x63e: {  	v6 =	vld.idx.msk [tilespmem:v6+s10+$0x0], $0xffff  }
0x63f: {  	v46 =	vld [tilespmem:$0x10C00]  }
0x640: {  	v47 =	vld [tilespmem:$0x290]  }
0x641: {  	v48 =	vshll.u32 v45, $0x3  }
0x642: {  	v11 =	vand.u32 $0xFFFFFC00, v48;
	v8 =	vand.u32 $0x7F, v45  }
0x643: {  	v6 =	vsub.f32 v7, v6;
	v7 =	vor.u32 v8, v11  }
0x644: {  	v7 =	vadd.s32 v5, v7  }
0x645: {  	v6 =	vadd.f32 v6, v46;
	_ =	sdelay $0x1  }
0x646: {  	[tilespmem:$0x10C00] =	vst v6  }
0x647: {  	v49 =	vld.idx.msk [tilespmem:v47+s9+$0x0], $0xffff  }
0x648: {  	v7 =	vld.idx.msk [tilespmem:v7+s10+$0x0], $0xffff;
	_ =	sdelay $0x4  }
0x649: {  	v7 =	vsub.f32 v49, v7;
	_ =	sdelay $0x1  }
0x64a: {  	v6 =	vadd.f32 v7, v6;
	_ =	sdelay $0x1  }
0x64b: {  	s14 =	rddreg [dreg:$0x1a];
	[tilespmem:$0x10C00] =	vst v6  }
0x64c: {  	[hbm4b:s14+s3] =	stream.linear.scatter [tilespmem:s10], [sflag:$0x2], $0x8000, $0x38;
	[tilespmem:$0x10C80] =	vst v63  }
0x64d: {  	_ =	swait.ge [sflag:s26], $0x8000  }
0x64e: {  	[sflag:s26] =	ssyncset.done $0x0  }
0x64f: {  	[sflag:s26] =	ssyncadd.s32 $0xFFFF8000  }
0x650: {  	_ =	swait.ge [sflag:s19], $0x8000  }
0x651: {  	[sflag:s19] =	ssyncset.done $0x0  }
0x652: {  	[sflag:s19] =	ssyncadd.s32 $0xFFFF8000  }
0x653: {  	v6 =	vld [tilespmem:$0x2C0];
	_ =	sdelay $0x4  }
0x654: {  	v7 =	vshll.u32 v6, $0x3  }
0x655: {  	v6 =	vand.u32 $0x7, v6;
	v7 =	vand.u32 $0xFFFFFFC0, v7  }
0x656: {  	v6 =	vor.u32 v6, v7  }
0x657: {  	v7 =	vperm.xlane v6, v1;
	_ =	sdelay $0x1  }
0x658: {  	v7 =	vadd.s32 v2, v7;
	_ =	sdelay $0x4  }
0x659: {  	[tilespmem:s10], [sflag:$0x1] =	stream.indirect_vreg.gather [hbm4b:s2+s3], $0x80, v7, vm0, $0xb8;
	[tilespmem:$0x10C80] =	vst v63  }
0x65a: {  	s29 =	simm.s32 $0x1400;
	v6 =	vperm.xlane v6, v3  }
0x65b: {  	[tilespmem:s29], [sflag:$0x1] =	stream.indirect_vreg.gather [hbm4b:s4+s3], $0x80, v7, vm0, $0xb8;
	[tilespmem:$0x10C80] =	vst v63  }
0x65c: {  	s25 =	simm.s32 $0x1C00;
	v6 =	vadd.s32 v2, v6  }
0x65d: {  	[tilespmem:s25], [sflag:$0x1] =	stream.indirect_vreg.gather [hbm4b:s5+s3], $0x80, v7, vm0, $0xb8;
	[tilespmem:$0x10C80] =	vst v63  }
0x65e: {  	s20 =	simm.s32 $0x2400  }
0x65f: {  	[tilespmem:s20], [sflag:$0x1] =	stream.indirect_vreg.gather [hbm4b:s6+s3], $0x80, v7, vm0, $0xb8;
	[tilespmem:$0x10C80] =	vst v63  }
0x660: {  	s29 =	simm.s32 $0x2C00  }
0x661: {  	[tilespmem:s29], [sflag:$0x1] =	stream.indirect_vreg.gather [hbm4b:s2+s3], $0x80, v6, vm0, $0xb8;
	[tilespmem:$0x10C80] =	vst v63  }
0x662: {  	s20 =	simm.s32 $0x3400  }
0x663: {  	[tilespmem:s20], [sflag:$0x1] =	stream.indirect_vreg.gather [hbm4b:s4+s3], $0x80, v6, vm0, $0xb8;
	[tilespmem:$0x10C80] =	vst v63  }
0x664: {  	s29 =	simm.s32 $0x3C00  }
0x665: {  	[tilespmem:s29], [sflag:$0x1] =	stream.indirect_vreg.gather [hbm4b:s5+s3], $0x80, v6, vm0, $0xb8;
	[tilespmem:$0x10C80] =	vst v63  }
0x666: {  	s20 =	simm.s32 $0x4400  }
0x667: {  	[tilespmem:s20], [sflag:$0x1] =	stream.indirect_vreg.gather [hbm4b:s6+s3], $0x80, v6, vm0, $0xb8;
	[tilespmem:$0x10C80] =	vst v63  }
0x668: {  	v6 =	vld [tilespmem:$0x2D0];
	_ =	sdelay $0x4  }
0x669: {  	v7 =	vshll.u32 v6, $0x3  }
0x66a: {  	v6 =	vand.u32 $0x7, v6;
	v7 =	vand.u32 $0xFFFFFFC0, v7  }
0x66b: {  	v6 =	vor.u32 v6, v7  }
0x66c: {  	v7 =	vperm.xlane v6, v1;
	_ =	sdelay $0x1  }
0x66d: {  	v7 =	vadd.s32 v2, v7;
	_ =	sdelay $0x3  }
0x66e: {  	s29 =	simm.s32 $0x4C00  }
0x66f: {  	[tilespmem:s29], [sflag:$0x1] =	stream.indirect_vreg.gather [hbm4b:s2+s3], $0x80, v7, vm0, $0xb8;
	[tilespmem:$0x10C80] =	vst v63  }
0x670: {  	s20 =	simm.s32 $0x5400;
	v6 =	vperm.xlane v6, v3  }
0x671: {  	[tilespmem:s20], [sflag:$0x1] =	stream.indirect_vreg.gather [hbm4b:s4+s3], $0x80, v7, vm0, $0xb8;
	[tilespmem:$0x10C80] =	vst v63  }
0x672: {  	s18 =	simm.s32 $0x5C00;
	v6 =	vadd.s32 v2, v6  }
0x673: {  	[tilespmem:s18], [sflag:$0x1] =	stream.indirect_vreg.gather [hbm4b:s5+s3], $0x80, v7, vm0, $0xb8;
	[tilespmem:$0x10C80] =	vst v63  }
0x674: {  	s21 =	simm.s32 $0x6400  }
0x675: {  	[tilespmem:s21], [sflag:$0x1] =	stream.indirect_vreg.gather [hbm4b:s6+s3], $0x80, v7, vm0, $0xb8;
	[tilespmem:$0x10C80] =	vst v63  }
0x676: {  	s29 =	simm.s32 $0x6C00  }
0x677: {  	[tilespmem:s29], [sflag:$0x1] =	stream.indirect_vreg.gather [hbm4b:s2+s3], $0x80, v6, vm0, $0xb8;
	[tilespmem:$0x10C80] =	vst v63  }
0x678: {  	s24 =	simm.s32 $0x7400  }
0x679: {  	[tilespmem:s24], [sflag:$0x1] =	stream.indirect_vreg.gather [hbm4b:s4+s3], $0x80, v6, vm0, $0xb8;
	[tilespmem:$0x10C80] =	vst v63  }
0x67a: {  	s20 =	simm.s32 $0x7C00  }
0x67b: {  	[tilespmem:s20], [sflag:$0x1] =	stream.indirect_vreg.gather [hbm4b:s5+s3], $0x80, v6, vm0, $0xb8;
	[tilespmem:$0x10C80] =	vst v63  }
0x67c: {  	s20 =	simm.s32 $0x8400  }
0x67d: {  	[tilespmem:s20], [sflag:$0x1] =	stream.indirect_vreg.gather [hbm4b:s6+s3], $0x80, v6, vm0, $0xb8;
	[tilespmem:$0x10C80] =	vst v63  }
0x67e: {  	v6 =	vld [tilespmem:$0x6A0];
	_ =	sdelay $0x3  }
0x67f: {  	v7 =	vld [tilespmem:$0x2A0]  }
0x680: {  	v50 =	vshll.u32 v6, $0x3  }
0x681: {  	v6 =	vand.u32 $0x7F, v6;
	v8 =	vand.u32 $0xFFFFFC00, v50  }
0x682: {  	v6 =	vor.u32 v6, v8  }
0x683: {  	v6 =	vadd.s32 v4, v6;
	_ =	sdelay $0x2  }
0x684: {  	v51 =	vld [tilespmem:$0x6B0]  }
0x685: {  	v7 =	vld.idx.msk [tilespmem:v7+s9+$0x0], $0xffff  }
0x686: {  	v6 =	vld.idx.msk [tilespmem:v6+s28+$0x0], $0xffff  }
0x687: {  	v52 =	vld [tilespmem:$0x10C00]  }
0x688: {  	v53 =	vld [tilespmem:$0x2B0]  }
0x689: {  	v54 =	vshll.u32 v51, $0x3  }
0x68a: {  	v11 =	vand.u32 $0xFFFFFC00, v54;
	v8 =	vand.u32 $0x7F, v51  }
0x68b: {  	v6 =	vsub.f32 v7, v6;
	v7 =	vor.u32 v8, v11  }
0x68c: {  	v7 =	vadd.s32 v5, v7  }
0x68d: {  	v6 =	vadd.f32 v6, v52;
	_ =	sdelay $0x1  }
0x68e: {  	[tilespmem:$0x10C00] =	vst v6  }
0x68f: {  	v55 =	vld.idx.msk [tilespmem:v53+s9+$0x0], $0xffff  }
0x690: {  	v7 =	vld.idx.msk [tilespmem:v7+s28+$0x0], $0xffff;
	_ =	sdelay $0x4  }
0x691: {  	v7 =	vsub.f32 v55, v7;
	_ =	sdelay $0x1  }
0x692: {  	v6 =	vadd.f32 v7, v6;
	_ =	sdelay $0x1  }
0x693: {  	s14 =	rddreg [dreg:$0x1b];
	[tilespmem:$0x10C00] =	vst v6  }
0x694: {  	[hbm4b:s14+s3] =	stream.linear.scatter [tilespmem:s28], [sflag:$0x2], $0x8000, $0x38;
	[tilespmem:$0x10C80] =	vst v63  }
0x695: {  	_ =	swait.ge [sflag:s26], $0x8000  }
0x696: {  	[sflag:s26] =	ssyncset.done $0x0  }
0x697: {  	[sflag:s26] =	ssyncadd.s32 $0xFFFF8000  }
0x698: {  	_ =	swait.ge [sflag:s19], $0x8000  }
0x699: {  	[sflag:s19] =	ssyncset.done $0x0  }
0x69a: {  	[sflag:s19] =	ssyncadd.s32 $0xFFFF8000  }
0x69b: {  	v6 =	vld [tilespmem:$0x2E0];
	_ =	sdelay $0x4  }
0x69c: {  	v7 =	vshll.u32 v6, $0x3  }
0x69d: {  	v6 =	vand.u32 $0x7, v6;
	v7 =	vand.u32 $0xFFFFFFC0, v7  }
0x69e: {  	v6 =	vor.u32 v6, v7  }
0x69f: {  	v7 =	vperm.xlane v6, v1;
	_ =	sdelay $0x1  }
0x6a0: {  	v7 =	vadd.s32 v2, v7;
	_ =	sdelay $0x4  }
0x6a1: {  	[tilespmem:s28], [sflag:$0x1] =	stream.indirect_vreg.gather [hbm4b:s2+s3], $0x80, v7, vm0, $0xb8;
	[tilespmem:$0x10C80] =	vst v63  }
0x6a2: {  	s15 =	simm.s32 $0x9400;
	v6 =	vperm.xlane v6, v3  }
0x6a3: {  	[tilespmem:s15], [sflag:$0x1] =	stream.indirect_vreg.gather [hbm4b:s4+s3], $0x80, v7, vm0, $0xb8;
	[tilespmem:$0x10C80] =	vst v63  }
0x6a4: {  	s16 =	simm.s32 $0x9C00;
	v6 =	vadd.s32 v2, v6  }
0x6a5: {  	[tilespmem:s16], [sflag:$0x1] =	stream.indirect_vreg.gather [hbm4b:s5+s3], $0x80, v7, vm0, $0xb8;
	[tilespmem:$0x10C80] =	vst v63  }
0x6a6: {  	s13 =	simm.s32 $0xA400  }
0x6a7: {  	[tilespmem:s13], [sflag:$0x1] =	stream.indirect_vreg.gather [hbm4b:s6+s3], $0x80, v7, vm0, $0xb8;
	[tilespmem:$0x10C80] =	vst v63  }
0x6a8: {  	s30 =	simm.s32 $0xAC00  }
0x6a9: {  	[tilespmem:s30], [sflag:$0x1] =	stream.indirect_vreg.gather [hbm4b:s2+s3], $0x80, v6, vm0, $0xb8;
	[tilespmem:$0x10C80] =	vst v63  }
0x6aa: {  	s11 =	simm.s32 $0xB400  }
0x6ab: {  	[tilespmem:s11], [sflag:$0x1] =	stream.indirect_vreg.gather [hbm4b:s4+s3], $0x80, v6, vm0, $0xb8;
	[tilespmem:$0x10C80] =	vst v63  }
0x6ac: {  	s22 =	simm.s32 $0xBC00  }
0x6ad: {  	[tilespmem:s22], [sflag:$0x1] =	stream.indirect_vreg.gather [hbm4b:s5+s3], $0x80, v6, vm0, $0xb8;
	[tilespmem:$0x10C80] =	vst v63  }
0x6ae: {  	s7 =	simm.s32 $0xC400  }
0x6af: {  	[tilespmem:s7], [sflag:$0x1] =	stream.indirect_vreg.gather [hbm4b:s6+s3], $0x80, v6, vm0, $0xb8;
	[tilespmem:$0x10C80] =	vst v63  }
0x6b0: {  	v6 =	vld [tilespmem:$0x2F0];
	_ =	sdelay $0x4  }
0x6b1: {  	v7 =	vshll.u32 v6, $0x3  }
0x6b2: {  	v6 =	vand.u32 $0x7, v6;
	v7 =	vand.u32 $0xFFFFFFC0, v7  }
0x6b3: {  	v6 =	vor.u32 v6, v7  }
0x6b4: {  	v7 =	vperm.xlane v6, v1;
	_ =	sdelay $0x1  }
0x6b5: {  	v7 =	vadd.s32 v2, v7;
	_ =	sdelay $0x3  }
0x6b6: {  	s22 =	simm.s32 $0xCC00  }
0x6b7: {  	[tilespmem:s22], [sflag:$0x1] =	stream.indirect_vreg.gather [hbm4b:s2+s3], $0x80, v7, vm0, $0xb8;
	[tilespmem:$0x10C80] =	vst v63  }
0x6b8: {  	s31 =	simm.s32 $0xD400;
	v6 =	vperm.xlane v6, v3  }
0x6b9: {  	[tilespmem:s31], [sflag:$0x1] =	stream.indirect_vreg.gather [hbm4b:s4+s3], $0x80, v7, vm0, $0xb8;
	[tilespmem:$0x10C80] =	vst v63  }
0x6ba: {  	s0 =	simm.s32 $0xDC00;
	v6 =	vadd.s32 v2, v6  }
0x6bb: {  	[tilespmem:s0], [sflag:$0x1] =	stream.indirect_vreg.gather [hbm4b:s5+s3], $0x80, v7, vm0, $0xb8;
	[tilespmem:$0x10C80] =	vst v63  }
0x6bc: {  	s23 =	simm.s32 $0xE400  }
0x6bd: {  	[tilespmem:s23], [sflag:$0x1] =	stream.indirect_vreg.gather [hbm4b:s6+s3], $0x80, v7, vm0, $0xb8;
	[tilespmem:$0x10C80] =	vst v63  }
0x6be: {  	s17 =	simm.s32 $0xEC00  }
0x6bf: {  	[tilespmem:s17], [sflag:$0x1] =	stream.indirect_vreg.gather [hbm4b:s2+s3], $0x80, v6, vm0, $0xb8;
	[tilespmem:$0x10C80] =	vst v63  }
0x6c0: {  	s1 =	simm.s32 $0xF400  }
0x6c1: {  	[tilespmem:s1], [sflag:$0x1] =	stream.indirect_vreg.gather [hbm4b:s4+s3], $0x80, v6, vm0, $0xb8;
	[tilespmem:$0x10C80] =	vst v63  }
0x6c2: {  	s12 =	simm.s32 $0xFC00  }
0x6c3: {  	[tilespmem:s12], [sflag:$0x1] =	stream.indirect_vreg.gather [hbm4b:s5+s3], $0x80, v6, vm0, $0xb8;
	[tilespmem:$0x10C80] =	vst v63  }
0x6c4: {  	s8 =	simm.s32 $0x10400  }
0x6c5: {  	[tilespmem:s8], [sflag:$0x1] =	stream.indirect_vreg.gather [hbm4b:s6+s3], $0x80, v6, vm0, $0xb8;
	[tilespmem:$0x10C80] =	vst v63  }
0x6c6: {  	v6 =	vld [tilespmem:$0x6C0];
	_ =	sdelay $0x3  }
0x6c7: {  	v7 =	vld [tilespmem:$0x2C0]  }
0x6c8: {  	v56 =	vshll.u32 v6, $0x3  }
0x6c9: {  	v6 =	vand.u32 $0x7F, v6;
	v8 =	vand.u32 $0xFFFFFC00, v56  }
0x6ca: {  	v6 =	vor.u32 v6, v8  }
0x6cb: {  	v6 =	vadd.s32 v4, v6;
	_ =	sdelay $0x2  }
0x6cc: {  	v57 =	vld [tilespmem:$0x6D0]  }
0x6cd: {  	v7 =	vld.idx.msk [tilespmem:v7+s9+$0x0], $0xffff  }
0x6ce: {  	v6 =	vld.idx.msk [tilespmem:v6+s10+$0x0], $0xffff  }
0x6cf: {  	v58 =	vld [tilespmem:$0x10C00]  }
0x6d0: {  	v59 =	vld [tilespmem:$0x2D0]  }
0x6d1: {  	v60 =	vshll.u32 v57, $0x3  }
0x6d2: {  	v11 =	vand.u32 $0xFFFFFC00, v60;
	v8 =	vand.u32 $0x7F, v57  }
0x6d3: {  	v6 =	vsub.f32 v7, v6;
	v7 =	vor.u32 v8, v11  }
0x6d4: {  	v7 =	vadd.s32 v5, v7  }
0x6d5: {  	v6 =	vadd.f32 v6, v58;
	_ =	sdelay $0x1  }
0x6d6: {  	[tilespmem:$0x10C00] =	vst v6  }
0x6d7: {  	v61 =	vld.idx.msk [tilespmem:v59+s9+$0x0], $0xffff  }
0x6d8: {  	v7 =	vld.idx.msk [tilespmem:v7+s10+$0x0], $0xffff;
	_ =	sdelay $0x4  }
0x6d9: {  	v7 =	vsub.f32 v61, v7;
	_ =	sdelay $0x1  }
0x6da: {  	v6 =	vadd.f32 v7, v6;
	_ =	sdelay $0x1  }
0x6db: {  	s12 =	rddreg [dreg:$0x1c];
	[tilespmem:$0x10C00] =	vst v6  }
0x6dc: {  	[hbm4b:s12+s3] =	stream.linear.scatter [tilespmem:s10], [sflag:$0x2], $0x8000, $0x38;
	[tilespmem:$0x10C80] =	vst v63  }
0x6dd: {  	_ =	swait.ge [sflag:s26], $0x8000  }
0x6de: {  	[sflag:s26] =	ssyncset.done $0x0  }
0x6df: {  	[sflag:s26] =	ssyncadd.s32 $0xFFFF8000  }
0x6e0: {  	_ =	swait.ge [sflag:s19], $0x8000  }
0x6e1: {  	[sflag:s19] =	ssyncset.done $0x0  }
0x6e2: {  	[sflag:s19] =	ssyncadd.s32 $0xFFFF8000  }
0x6e3: {  	v6 =	vld [tilespmem:$0x300];
	_ =	sdelay $0x4  }
0x6e4: {  	v7 =	vshll.u32 v6, $0x3  }
0x6e5: {  	v6 =	vand.u32 $0x7, v6;
	v7 =	vand.u32 $0xFFFFFFC0, v7  }
0x6e6: {  	v6 =	vor.u32 v6, v7  }
0x6e7: {  	v7 =	vperm.xlane v6, v1;
	_ =	sdelay $0x1  }
0x6e8: {  	v7 =	vadd.s32 v2, v7;
	_ =	sdelay $0x4  }
0x6e9: {  	[tilespmem:s10], [sflag:$0x1] =	stream.indirect_vreg.gather [hbm4b:s2+s3], $0x80, v7, vm0, $0xb8;
	[tilespmem:$0x10C80] =	vst v63  }
0x6ea: {  	s20 =	simm.s32 $0x1400;
	v6 =	vperm.xlane v6, v3  }
0x6eb: {  	[tilespmem:s20], [sflag:$0x1] =	stream.indirect_vreg.gather [hbm4b:s4+s3], $0x80, v7, vm0, $0xb8;
	[tilespmem:$0x10C80] =	vst v63  }
0x6ec: {  	s25 =	simm.s32 $0x1C00;
	v6 =	vadd.s32 v2, v6  }
0x6ed: {  	[tilespmem:s25], [sflag:$0x1] =	stream.indirect_vreg.gather [hbm4b:s5+s3], $0x80, v7, vm0, $0xb8;
	[tilespmem:$0x10C80] =	vst v63  }
0x6ee: {  	s20 =	simm.s32 $0x2400  }
0x6ef: {  	[tilespmem:s20], [sflag:$0x1] =	stream.indirect_vreg.gather [hbm4b:s6+s3], $0x80, v7, vm0, $0xb8;
	[tilespmem:$0x10C80] =	vst v63  }
0x6f0: {  	s25 =	simm.s32 $0x2C00  }
0x6f1: {  	[tilespmem:s25], [sflag:$0x1] =	stream.indirect_vreg.gather [hbm4b:s2+s3], $0x80, v6, vm0, $0xb8;
	[tilespmem:$0x10C80] =	vst v63  }
0x6f2: {  	s20 =	simm.s32 $0x3400  }
0x6f3: {  	[tilespmem:s20], [sflag:$0x1] =	stream.indirect_vreg.gather [hbm4b:s4+s3], $0x80, v6, vm0, $0xb8;
	[tilespmem:$0x10C80] =	vst v63  }
0x6f4: {  	s25 =	simm.s32 $0x3C00  }
0x6f5: {  	[tilespmem:s25], [sflag:$0x1] =	stream.indirect_vreg.gather [hbm4b:s5+s3], $0x80, v6, vm0, $0xb8;
	[tilespmem:$0x10C80] =	vst v63  }
0x6f6: {  	s20 =	simm.s32 $0x4400  }
0x6f7: {  	[tilespmem:s20], [sflag:$0x1] =	stream.indirect_vreg.gather [hbm4b:s6+s3], $0x80, v6, vm0, $0xb8;
	[tilespmem:$0x10C80] =	vst v63  }
0x6f8: {  	v6 =	vld [tilespmem:$0x310];
	_ =	sdelay $0x4  }
0x6f9: {  	v7 =	vshll.u32 v6, $0x3  }
0x6fa: {  	v6 =	vand.u32 $0x7, v6;
	v7 =	vand.u32 $0xFFFFFFC0, v7  }
0x6fb: {  	v6 =	vor.u32 v6, v7  }
0x6fc: {  	v7 =	vperm.xlane v6, v1;
	_ =	sdelay $0x1  }
0x6fd: {  	v7 =	vadd.s32 v2, v7;
	_ =	sdelay $0x3  }
0x6fe: {  	s25 =	simm.s32 $0x4C00  }
0x6ff: {  	[tilespmem:s25], [sflag:$0x1] =	stream.indirect_vreg.gather [hbm4b:s2+s3], $0x80, v7, vm0, $0xb8;
	[tilespmem:$0x10C80] =	vst v63  }
0x700: {  	s20 =	simm.s32 $0x5400;
	v6 =	vperm.xlane v6, v3  }
0x701: {  	[tilespmem:s20], [sflag:$0x1] =	stream.indirect_vreg.gather [hbm4b:s4+s3], $0x80, v7, vm0, $0xb8;
	[tilespmem:$0x10C80] =	vst v63  }
0x702: {  	s18 =	simm.s32 $0x5C00;
	v6 =	vadd.s32 v2, v6  }
0x703: {  	[tilespmem:s18], [sflag:$0x1] =	stream.indirect_vreg.gather [hbm4b:s5+s3], $0x80, v7, vm0, $0xb8;
	[tilespmem:$0x10C80] =	vst v63  }
0x704: {  	s21 =	simm.s32 $0x6400  }
0x705: {  	[tilespmem:s21], [sflag:$0x1] =	stream.indirect_vreg.gather [hbm4b:s6+s3], $0x80, v7, vm0, $0xb8;
	[tilespmem:$0x10C80] =	vst v63  }
0x706: {  	s29 =	simm.s32 $0x6C00  }
0x707: {  	[tilespmem:s29], [sflag:$0x1] =	stream.indirect_vreg.gather [hbm4b:s2+s3], $0x80, v6, vm0, $0xb8;
	[tilespmem:$0x10C80] =	vst v63  }
0x708: {  	s24 =	simm.s32 $0x7400  }
0x709: {  	[tilespmem:s24], [sflag:$0x1] =	stream.indirect_vreg.gather [hbm4b:s4+s3], $0x80, v6, vm0, $0xb8;
	[tilespmem:$0x10C80] =	vst v63  }
0x70a: {  	s24 =	simm.s32 $0x7C00  }
0x70b: {  	[tilespmem:s24], [sflag:$0x1] =	stream.indirect_vreg.gather [hbm4b:s5+s3], $0x80, v6, vm0, $0xb8;
	[tilespmem:$0x10C80] =	vst v63  }
0x70c: {  	s29 =	simm.s32 $0x8400  }
0x70d: {  	[tilespmem:s29], [sflag:$0x1] =	stream.indirect_vreg.gather [hbm4b:s6+s3], $0x80, v6, vm0, $0xb8;
	[tilespmem:$0x10C80] =	vst v63  }
0x70e: {  	v6 =	vld [tilespmem:$0x6E0];
	_ =	sdelay $0x3  }
0x70f: {  	v7 =	vld [tilespmem:$0x2E0]  }
0x710: {  	v62 =	vshll.u32 v6, $0x3  }
0x711: {  	v6 =	vand.u32 $0x7F, v6;
	v8 =	vand.u32 $0xFFFFFC00, v62  }
0x712: {  	v6 =	vor.u32 v6, v8  }
0x713: {  	v6 =	vadd.s32 v4, v6;
	_ =	sdelay $0x2  }
0x714: {  	v63 =	vld [tilespmem:$0x6F0]  }
0x715: {  	v7 =	vld.idx.msk [tilespmem:v7+s9+$0x0], $0xffff  }
0x716: {  	v6 =	vld.idx.msk [tilespmem:v6+s28+$0x0], $0xffff  }
0x717: {  	v12 =	vld [tilespmem:$0x10C00]  }
0x718: {  	v13 =	vld [tilespmem:$0x2F0]  }
0x719: {  	v14 =	vshll.u32 v63, $0x3  }
0x71a: {  	v11 =	vand.u32 $0xFFFFFC00, v14;
	v8 =	vand.u32 $0x7F, v63  }
0x71b: {  	v6 =	vsub.f32 v7, v6;
	v7 =	vor.u32 v8, v11  }
0x71c: {  	v7 =	vadd.s32 v5, v7  }
0x71d: {  	v6 =	vadd.f32 v6, v12;
	_ =	sdelay $0x1  }
0x71e: {  	[tilespmem:$0x10C00] =	vst v6  }
0x71f: {  	v15 =	vld.idx.msk [tilespmem:v13+s9+$0x0], $0xffff  }
0x720: {  	v7 =	vld.idx.msk [tilespmem:v7+s28+$0x0], $0xffff;
	_ =	sdelay $0x4  }
0x721: {  	v7 =	vsub.f32 v15, v7;
	_ =	sdelay $0x1  }
0x722: {  	v6 =	vadd.f32 v7, v6;
	_ =	sdelay $0x1  }
0x723: {  	s12 =	rddreg [dreg:$0x1d];
	[tilespmem:$0x10C00] =	vst v6  }
0x724: {  	[hbm4b:s12+s3] =	stream.linear.scatter [tilespmem:s28], [sflag:$0x2], $0x8000, $0x38;
	[tilespmem:$0x10C80] =	vst v63  }
0x725: {  	_ =	swait.ge [sflag:s26], $0x8000  }
0x726: {  	[sflag:s26] =	ssyncset.done $0x0  }
0x727: {  	[sflag:s26] =	ssyncadd.s32 $0xFFFF8000  }
0x728: {  	_ =	swait.ge [sflag:s19], $0x8000  }
0x729: {  	[sflag:s19] =	ssyncset.done $0x0  }
0x72a: {  	[sflag:s19] =	ssyncadd.s32 $0xFFFF8000  }
0x72b: {  	v6 =	vld [tilespmem:$0x320];
	_ =	sdelay $0x4  }
0x72c: {  	v7 =	vshll.u32 v6, $0x3  }
0x72d: {  	v6 =	vand.u32 $0x7, v6;
	v7 =	vand.u32 $0xFFFFFFC0, v7  }
0x72e: {  	v6 =	vor.u32 v6, v7  }
0x72f: {  	v7 =	vperm.xlane v6, v1;
	_ =	sdelay $0x1  }
0x730: {  	v7 =	vadd.s32 v2, v7;
	_ =	sdelay $0x4  }
0x731: {  	[tilespmem:s28], [sflag:$0x1] =	stream.indirect_vreg.gather [hbm4b:s2+s3], $0x80, v7, vm0, $0xb8;
	[tilespmem:$0x10C80] =	vst v63  }
0x732: {  	s14 =	simm.s32 $0x9400;
	v6 =	vperm.xlane v6, v3  }
0x733: {  	[tilespmem:s14], [sflag:$0x1] =	stream.indirect_vreg.gather [hbm4b:s4+s3], $0x80, v7, vm0, $0xb8;
	[tilespmem:$0x10C80] =	vst v63  }
0x734: {  	s15 =	simm.s32 $0x9C00;
	v6 =	vadd.s32 v2, v6  }
0x735: {  	[tilespmem:s15], [sflag:$0x1] =	stream.indirect_vreg.gather [hbm4b:s5+s3], $0x80, v7, vm0, $0xb8;
	[tilespmem:$0x10C80] =	vst v63  }
0x736: {  	s13 =	simm.s32 $0xA400  }
0x737: {  	[tilespmem:s13], [sflag:$0x1] =	stream.indirect_vreg.gather [hbm4b:s6+s3], $0x80, v7, vm0, $0xb8;
	[tilespmem:$0x10C80] =	vst v63  }
0x738: {  	s30 =	simm.s32 $0xAC00  }
0x739: {  	[tilespmem:s30], [sflag:$0x1] =	stream.indirect_vreg.gather [hbm4b:s2+s3], $0x80, v6, vm0, $0xb8;
	[tilespmem:$0x10C80] =	vst v63  }
0x73a: {  	s11 =	simm.s32 $0xB400  }
0x73b: {  	[tilespmem:s11], [sflag:$0x1] =	stream.indirect_vreg.gather [hbm4b:s4+s3], $0x80, v6, vm0, $0xb8;
	[tilespmem:$0x10C80] =	vst v63  }
0x73c: {  	s16 =	simm.s32 $0xBC00  }
0x73d: {  	[tilespmem:s16], [sflag:$0x1] =	stream.indirect_vreg.gather [hbm4b:s5+s3], $0x80, v6, vm0, $0xb8;
	[tilespmem:$0x10C80] =	vst v63  }
0x73e: {  	s7 =	simm.s32 $0xC400  }
0x73f: {  	[tilespmem:s7], [sflag:$0x1] =	stream.indirect_vreg.gather [hbm4b:s6+s3], $0x80, v6, vm0, $0xb8;
	[tilespmem:$0x10C80] =	vst v63  }
0x740: {  	v6 =	vld [tilespmem:$0x330];
	_ =	sdelay $0x4  }
0x741: {  	v7 =	vshll.u32 v6, $0x3  }
0x742: {  	v6 =	vand.u32 $0x7, v6;
	v7 =	vand.u32 $0xFFFFFFC0, v7  }
0x743: {  	v6 =	vor.u32 v6, v7  }
0x744: {  	v7 =	vperm.xlane v6, v1;
	_ =	sdelay $0x1  }
0x745: {  	v7 =	vadd.s32 v2, v7;
	_ =	sdelay $0x3  }
0x746: {  	s22 =	simm.s32 $0xCC00  }
0x747: {  	[tilespmem:s22], [sflag:$0x1] =	stream.indirect_vreg.gather [hbm4b:s2+s3], $0x80, v7, vm0, $0xb8;
	[tilespmem:$0x10C80] =	vst v63  }
0x748: {  	s20 =	simm.s32 $0xD400;
	v6 =	vperm.xlane v6, v3  }
0x749: {  	[tilespmem:s20], [sflag:$0x1] =	stream.indirect_vreg.gather [hbm4b:s4+s3], $0x80, v7, vm0, $0xb8;
	[tilespmem:$0x10C80] =	vst v63  }
0x74a: {  	s31 =	simm.s32 $0xDC00;
	v6 =	vadd.s32 v2, v6  }
0x74b: {  	[tilespmem:s31], [sflag:$0x1] =	stream.indirect_vreg.gather [hbm4b:s5+s3], $0x80, v7, vm0, $0xb8;
	[tilespmem:$0x10C80] =	vst v63  }
0x74c: {  	s23 =	simm.s32 $0xE400  }
0x74d: {  	[tilespmem:s23], [sflag:$0x1] =	stream.indirect_vreg.gather [hbm4b:s6+s3], $0x80, v7, vm0, $0xb8;
	[tilespmem:$0x10C80] =	vst v63  }
0x74e: {  	s17 =	simm.s32 $0xEC00  }
0x74f: {  	[tilespmem:s17], [sflag:$0x1] =	stream.indirect_vreg.gather [hbm4b:s2+s3], $0x80, v6, vm0, $0xb8;
	[tilespmem:$0x10C80] =	vst v63  }
0x750: {  	s0 =	simm.s32 $0xF400  }
0x751: {  	[tilespmem:s0], [sflag:$0x1] =	stream.indirect_vreg.gather [hbm4b:s4+s3], $0x80, v6, vm0, $0xb8;
	[tilespmem:$0x10C80] =	vst v63  }
0x752: {  	s1 =	simm.s32 $0xFC00  }
0x753: {  	[tilespmem:s1], [sflag:$0x1] =	stream.indirect_vreg.gather [hbm4b:s5+s3], $0x80, v6, vm0, $0xb8;
	[tilespmem:$0x10C80] =	vst v63  }
0x754: {  	s8 =	simm.s32 $0x10400  }
0x755: {  	[tilespmem:s8], [sflag:$0x1] =	stream.indirect_vreg.gather [hbm4b:s6+s3], $0x80, v6, vm0, $0xb8;
	[tilespmem:$0x10C80] =	vst v63  }
0x756: {  	v6 =	vld [tilespmem:$0x700];
	_ =	sdelay $0x3  }
0x757: {  	v7 =	vld [tilespmem:$0x300]  }
0x758: {  	v16 =	vshll.u32 v6, $0x3  }
0x759: {  	v6 =	vand.u32 $0x7F, v6;
	v8 =	vand.u32 $0xFFFFFC00, v16  }
0x75a: {  	v6 =	vor.u32 v6, v8  }
0x75b: {  	v6 =	vadd.s32 v4, v6;
	_ =	sdelay $0x2  }
0x75c: {  	v17 =	vld [tilespmem:$0x710]  }
0x75d: {  	v7 =	vld.idx.msk [tilespmem:v7+s9+$0x0], $0xffff  }
0x75e: {  	v6 =	vld.idx.msk [tilespmem:v6+s10+$0x0], $0xffff  }
0x75f: {  	v18 =	vld [tilespmem:$0x10C00]  }
0x760: {  	v19 =	vld [tilespmem:$0x310]  }
0x761: {  	v20 =	vshll.u32 v17, $0x3  }
0x762: {  	v11 =	vand.u32 $0xFFFFFC00, v20;
	v8 =	vand.u32 $0x7F, v17  }
0x763: {  	v6 =	vsub.f32 v7, v6;
	v7 =	vor.u32 v8, v11  }
0x764: {  	v7 =	vadd.s32 v5, v7  }
0x765: {  	v6 =	vadd.f32 v6, v18;
	_ =	sdelay $0x1  }
0x766: {  	[tilespmem:$0x10C00] =	vst v6  }
0x767: {  	v21 =	vld.idx.msk [tilespmem:v19+s9+$0x0], $0xffff  }
0x768: {  	v7 =	vld.idx.msk [tilespmem:v7+s10+$0x0], $0xffff;
	_ =	sdelay $0x4  }
0x769: {  	v7 =	vsub.f32 v21, v7;
	_ =	sdelay $0x1  }
0x76a: {  	v6 =	vadd.f32 v7, v6;
	_ =	sdelay $0x1  }
0x76b: {  	s30 =	rddreg [dreg:$0x1e];
	[tilespmem:$0x10C00] =	vst v6  }
0x76c: {  	[hbm4b:s30+s3] =	stream.linear.scatter [tilespmem:s10], [sflag:$0x2], $0x8000, $0x38;
	[tilespmem:$0x10C80] =	vst v63  }
0x76d: {  	_ =	swait.ge [sflag:s26], $0x8000  }
0x76e: {  	[sflag:s26] =	ssyncset.done $0x0  }
0x76f: {  	[sflag:s26] =	ssyncadd.s32 $0xFFFF8000  }
0x770: {  	_ =	swait.ge [sflag:s19], $0x8000  }
0x771: {  	[sflag:s19] =	ssyncset.done $0x0  }
0x772: {  	[sflag:s19] =	ssyncadd.s32 $0xFFFF8000  }
0x773: {  	v6 =	vld [tilespmem:$0x340];
	_ =	sdelay $0x4  }
0x774: {  	v7 =	vshll.u32 v6, $0x3  }
0x775: {  	v6 =	vand.u32 $0x7, v6;
	v7 =	vand.u32 $0xFFFFFFC0, v7  }
0x776: {  	v6 =	vor.u32 v6, v7  }
0x777: {  	v7 =	vperm.xlane v6, v1;
	_ =	sdelay $0x1  }
0x778: {  	v7 =	vadd.s32 v2, v7;
	_ =	sdelay $0x4  }
0x779: {  	[tilespmem:s10], [sflag:$0x1] =	stream.indirect_vreg.gather [hbm4b:s2+s3], $0x80, v7, vm0, $0xb8;
	[tilespmem:$0x10C80] =	vst v63  }
0x77a: {  	s31 =	simm.s32 $0x1400;
	v6 =	vperm.xlane v6, v3  }
0x77b: {  	[tilespmem:s31], [sflag:$0x1] =	stream.indirect_vreg.gather [hbm4b:s4+s3], $0x80, v7, vm0, $0xb8;
	[tilespmem:$0x10C80] =	vst v63  }
0x77c: {  	s30 =	simm.s32 $0x1C00;
	v6 =	vadd.s32 v2, v6  }
0x77d: {  	[tilespmem:s30], [sflag:$0x1] =	stream.indirect_vreg.gather [hbm4b:s5+s3], $0x80, v7, vm0, $0xb8;
	[tilespmem:$0x10C80] =	vst v63  }
0x77e: {  	s31 =	simm.s32 $0x2400  }
0x77f: {  	[tilespmem:s31], [sflag:$0x1] =	stream.indirect_vreg.gather [hbm4b:s6+s3], $0x80, v7, vm0, $0xb8;
	[tilespmem:$0x10C80] =	vst v63  }
0x780: {  	s30 =	simm.s32 $0x2C00  }
0x781: {  	[tilespmem:s30], [sflag:$0x1] =	stream.indirect_vreg.gather [hbm4b:s2+s3], $0x80, v6, vm0, $0xb8;
	[tilespmem:$0x10C80] =	vst v63  }
0x782: {  	s31 =	simm.s32 $0x3400  }
0x783: {  	[tilespmem:s31], [sflag:$0x1] =	stream.indirect_vreg.gather [hbm4b:s4+s3], $0x80, v6, vm0, $0xb8;
	[tilespmem:$0x10C80] =	vst v63  }
0x784: {  	s30 =	simm.s32 $0x3C00  }
0x785: {  	[tilespmem:s30], [sflag:$0x1] =	stream.indirect_vreg.gather [hbm4b:s5+s3], $0x80, v6, vm0, $0xb8;
	[tilespmem:$0x10C80] =	vst v63  }
0x786: {  	s31 =	simm.s32 $0x4400  }
0x787: {  	[tilespmem:s31], [sflag:$0x1] =	stream.indirect_vreg.gather [hbm4b:s6+s3], $0x80, v6, vm0, $0xb8;
	[tilespmem:$0x10C80] =	vst v63  }
0x788: {  	v6 =	vld [tilespmem:$0x350];
	_ =	sdelay $0x4  }
0x789: {  	v7 =	vshll.u32 v6, $0x3  }
0x78a: {  	v6 =	vand.u32 $0x7, v6;
	v7 =	vand.u32 $0xFFFFFFC0, v7  }
0x78b: {  	v6 =	vor.u32 v6, v7  }
0x78c: {  	v7 =	vperm.xlane v6, v1;
	_ =	sdelay $0x1  }
0x78d: {  	v7 =	vadd.s32 v2, v7;
	_ =	sdelay $0x3  }
0x78e: {  	s30 =	simm.s32 $0x4C00  }
0x78f: {  	[tilespmem:s30], [sflag:$0x1] =	stream.indirect_vreg.gather [hbm4b:s2+s3], $0x80, v7, vm0, $0xb8;
	[tilespmem:$0x10C80] =	vst v63  }
0x790: {  	s31 =	simm.s32 $0x5400;
	v6 =	vperm.xlane v6, v3  }
0x791: {  	[tilespmem:s31], [sflag:$0x1] =	stream.indirect_vreg.gather [hbm4b:s4+s3], $0x80, v7, vm0, $0xb8;
	[tilespmem:$0x10C80] =	vst v63  }
0x792: {  	s18 =	simm.s32 $0x5C00;
	v6 =	vadd.s32 v2, v6  }
0x793: {  	[tilespmem:s18], [sflag:$0x1] =	stream.indirect_vreg.gather [hbm4b:s5+s3], $0x80, v7, vm0, $0xb8;
	[tilespmem:$0x10C80] =	vst v63  }
0x794: {  	s21 =	simm.s32 $0x6400  }
0x795: {  	[tilespmem:s21], [sflag:$0x1] =	stream.indirect_vreg.gather [hbm4b:s6+s3], $0x80, v7, vm0, $0xb8;
	[tilespmem:$0x10C80] =	vst v63  }
0x796: {  	s25 =	simm.s32 $0x6C00  }
0x797: {  	[tilespmem:s25], [sflag:$0x1] =	stream.indirect_vreg.gather [hbm4b:s2+s3], $0x80, v6, vm0, $0xb8;
	[tilespmem:$0x10C80] =	vst v63  }
0x798: {  	s30 =	simm.s32 $0x7400  }
0x799: {  	[tilespmem:s30], [sflag:$0x1] =	stream.indirect_vreg.gather [hbm4b:s4+s3], $0x80, v6, vm0, $0xb8;
	[tilespmem:$0x10C80] =	vst v63  }
0x79a: {  	s31 =	simm.s32 $0x7C00  }
0x79b: {  	[tilespmem:s31], [sflag:$0x1] =	stream.indirect_vreg.gather [hbm4b:s5+s3], $0x80, v6, vm0, $0xb8;
	[tilespmem:$0x10C80] =	vst v63  }
0x79c: {  	s30 =	simm.s32 $0x8400  }
0x79d: {  	[tilespmem:s30], [sflag:$0x1] =	stream.indirect_vreg.gather [hbm4b:s6+s3], $0x80, v6, vm0, $0xb8;
	[tilespmem:$0x10C80] =	vst v63  }
0x79e: {  	v6 =	vld [tilespmem:$0x720];
	_ =	sdelay $0x3  }
0x79f: {  	v7 =	vld [tilespmem:$0x320]  }
0x7a0: {  	v22 =	vshll.u32 v6, $0x3  }
0x7a1: {  	v6 =	vand.u32 $0x7F, v6;
	v8 =	vand.u32 $0xFFFFFC00, v22  }
0x7a2: {  	v6 =	vor.u32 v6, v8  }
0x7a3: {  	v6 =	vadd.s32 v4, v6;
	_ =	sdelay $0x2  }
0x7a4: {  	v23 =	vld [tilespmem:$0x730]  }
0x7a5: {  	v7 =	vld.idx.msk [tilespmem:v7+s9+$0x0], $0xffff  }
0x7a6: {  	v6 =	vld.idx.msk [tilespmem:v6+s28+$0x0], $0xffff  }
0x7a7: {  	v24 =	vld [tilespmem:$0x10C00]  }
0x7a8: {  	v25 =	vld [tilespmem:$0x330]  }
0x7a9: {  	v26 =	vshll.u32 v23, $0x3  }
0x7aa: {  	v11 =	vand.u32 $0xFFFFFC00, v26;
	v8 =	vand.u32 $0x7F, v23  }
0x7ab: {  	v6 =	vsub.f32 v7, v6;
	v7 =	vor.u32 v8, v11  }
0x7ac: {  	v7 =	vadd.s32 v5, v7  }
0x7ad: {  	v6 =	vadd.f32 v6, v24;
	_ =	sdelay $0x1  }
0x7ae: {  	[tilespmem:$0x10C00] =	vst v6  }
0x7af: {  	v27 =	vld.idx.msk [tilespmem:v25+s9+$0x0], $0xffff  }
0x7b0: {  	v7 =	vld.idx.msk [tilespmem:v7+s28+$0x0], $0xffff;
	_ =	sdelay $0x4  }
0x7b1: {  	v7 =	vsub.f32 v27, v7;
	_ =	sdelay $0x1  }
0x7b2: {  	v6 =	vadd.f32 v7, v6;
	_ =	sdelay $0x1  }
0x7b3: {  	s31 =	rddreg [dreg:$0x1f];
	[tilespmem:$0x10C00] =	vst v6  }
0x7b4: {  	[hbm4b:s31+s3] =	stream.linear.scatter [tilespmem:s28], [sflag:$0x2], $0x8000, $0x38;
	[tilespmem:$0x10C80] =	vst v63  }
0x7b5: {  	_ =	swait.ge [sflag:s26], $0x8000  }
0x7b6: {  	[sflag:s26] =	ssyncset.done $0x0  }
0x7b7: {  	[sflag:s26] =	ssyncadd.s32 $0xFFFF8000  }
0x7b8: {  	_ =	swait.ge [sflag:s19], $0x8000  }
0x7b9: {  	[sflag:s19] =	ssyncset.done $0x0  }
0x7ba: {  	[sflag:s19] =	ssyncadd.s32 $0xFFFF8000  }
0x7bb: {  	v6 =	vld [tilespmem:$0x360];
	_ =	sdelay $0x4  }
0x7bc: {  	v7 =	vshll.u32 v6, $0x3  }
0x7bd: {  	v6 =	vand.u32 $0x7, v6;
	v7 =	vand.u32 $0xFFFFFFC0, v7  }
0x7be: {  	v6 =	vor.u32 v6, v7  }
0x7bf: {  	v7 =	vperm.xlane v6, v1;
	_ =	sdelay $0x1  }
0x7c0: {  	v7 =	vadd.s32 v2, v7;
	_ =	sdelay $0x4  }
0x7c1: {  	[tilespmem:s28], [sflag:$0x1] =	stream.indirect_vreg.gather [hbm4b:s2+s3], $0x80, v7, vm0, $0xb8;
	[tilespmem:$0x10C80] =	vst v63  }
0x7c2: {  	s12 =	simm.s32 $0x9400;
	v6 =	vperm.xlane v6, v3  }
0x7c3: {  	[tilespmem:s12], [sflag:$0x1] =	stream.indirect_vreg.gather [hbm4b:s4+s3], $0x80, v7, vm0, $0xb8;
	[tilespmem:$0x10C80] =	vst v63  }
0x7c4: {  	s15 =	simm.s32 $0x9C00;
	v6 =	vadd.s32 v2, v6  }
0x7c5: {  	[tilespmem:s15], [sflag:$0x1] =	stream.indirect_vreg.gather [hbm4b:s5+s3], $0x80, v7, vm0, $0xb8;
	[tilespmem:$0x10C80] =	vst v63  }
0x7c6: {  	s24 =	simm.s32 $0xA400  }
0x7c7: {  	[tilespmem:s24], [sflag:$0x1] =	stream.indirect_vreg.gather [hbm4b:s6+s3], $0x80, v7, vm0, $0xb8;
	[tilespmem:$0x10C80] =	vst v63  }
0x7c8: {  	s29 =	simm.s32 $0xAC00  }
0x7c9: {  	[tilespmem:s29], [sflag:$0x1] =	stream.indirect_vreg.gather [hbm4b:s2+s3], $0x80, v6, vm0, $0xb8;
	[tilespmem:$0x10C80] =	vst v63  }
0x7ca: {  	s14 =	simm.s32 $0xB400  }
0x7cb: {  	[tilespmem:s14], [sflag:$0x1] =	stream.indirect_vreg.gather [hbm4b:s4+s3], $0x80, v6, vm0, $0xb8;
	[tilespmem:$0x10C80] =	vst v63  }
0x7cc: {  	s13 =	simm.s32 $0xBC00  }
0x7cd: {  	[tilespmem:s13], [sflag:$0x1] =	stream.indirect_vreg.gather [hbm4b:s5+s3], $0x80, v6, vm0, $0xb8;
	[tilespmem:$0x10C80] =	vst v63  }
0x7ce: {  	s16 =	simm.s32 $0xC400  }
0x7cf: {  	[tilespmem:s16], [sflag:$0x1] =	stream.indirect_vreg.gather [hbm4b:s6+s3], $0x80, v6, vm0, $0xb8;
	[tilespmem:$0x10C80] =	vst v63  }
0x7d0: {  	v6 =	vld [tilespmem:$0x370];
	_ =	sdelay $0x4  }
0x7d1: {  	v7 =	vshll.u32 v6, $0x3  }
0x7d2: {  	v6 =	vand.u32 $0x7, v6;
	v7 =	vand.u32 $0xFFFFFFC0, v7  }
0x7d3: {  	v6 =	vor.u32 v6, v7  }
0x7d4: {  	v7 =	vperm.xlane v6, v1;
	_ =	sdelay $0x1  }
0x7d5: {  	v7 =	vadd.s32 v2, v7;
	_ =	sdelay $0x3  }
0x7d6: {  	s22 =	simm.s32 $0xCC00  }
0x7d7: {  	[tilespmem:s22], [sflag:$0x1] =	stream.indirect_vreg.gather [hbm4b:s2+s3], $0x80, v7, vm0, $0xb8;
	[tilespmem:$0x10C80] =	vst v63  }
0x7d8: {  	s11 =	simm.s32 $0xD400;
	v6 =	vperm.xlane v6, v3  }
0x7d9: {  	[tilespmem:s11], [sflag:$0x1] =	stream.indirect_vreg.gather [hbm4b:s4+s3], $0x80, v7, vm0, $0xb8;
	[tilespmem:$0x10C80] =	vst v63  }
0x7da: {  	s7 =	simm.s32 $0xDC00;
	v6 =	vadd.s32 v2, v6  }
0x7db: {  	[tilespmem:s7], [sflag:$0x1] =	stream.indirect_vreg.gather [hbm4b:s5+s3], $0x80, v7, vm0, $0xb8;
	[tilespmem:$0x10C80] =	vst v63  }
0x7dc: {  	s23 =	simm.s32 $0xE400  }
0x7dd: {  	[tilespmem:s23], [sflag:$0x1] =	stream.indirect_vreg.gather [hbm4b:s6+s3], $0x80, v7, vm0, $0xb8;
	[tilespmem:$0x10C80] =	vst v63  }
0x7de: {  	s17 =	simm.s32 $0xEC00  }
0x7df: {  	[tilespmem:s17], [sflag:$0x1] =	stream.indirect_vreg.gather [hbm4b:s2+s3], $0x80, v6, vm0, $0xb8;
	[tilespmem:$0x10C80] =	vst v63  }
0x7e0: {  	s0 =	simm.s32 $0xF400  }
0x7e1: {  	[tilespmem:s0], [sflag:$0x1] =	stream.indirect_vreg.gather [hbm4b:s4+s3], $0x80, v6, vm0, $0xb8;
	[tilespmem:$0x10C80] =	vst v63  }
0x7e2: {  	s1 =	simm.s32 $0xFC00  }
0x7e3: {  	[tilespmem:s1], [sflag:$0x1] =	stream.indirect_vreg.gather [hbm4b:s5+s3], $0x80, v6, vm0, $0xb8;
	[tilespmem:$0x10C80] =	vst v63  }
0x7e4: {  	s8 =	simm.s32 $0x10400  }
0x7e5: {  	[tilespmem:s8], [sflag:$0x1] =	stream.indirect_vreg.gather [hbm4b:s6+s3], $0x80, v6, vm0, $0xb8;
	[tilespmem:$0x10C80] =	vst v63  }
0x7e6: {  	v6 =	vld [tilespmem:$0x740];
	_ =	sdelay $0x3  }
0x7e7: {  	v7 =	vld [tilespmem:$0x340]  }
0x7e8: {  	v28 =	vshll.u32 v6, $0x3  }
0x7e9: {  	v6 =	vand.u32 $0x7F, v6;
	v8 =	vand.u32 $0xFFFFFC00, v28  }
0x7ea: {  	v6 =	vor.u32 v6, v8  }
0x7eb: {  	v6 =	vadd.s32 v4, v6;
	_ =	sdelay $0x2  }
0x7ec: {  	v29 =	vld [tilespmem:$0x750]  }
0x7ed: {  	v7 =	vld.idx.msk [tilespmem:v7+s9+$0x0], $0xffff  }
0x7ee: {  	v6 =	vld.idx.msk [tilespmem:v6+s10+$0x0], $0xffff  }
0x7ef: {  	v30 =	vld [tilespmem:$0x10C00]  }
0x7f0: {  	v31 =	vld [tilespmem:$0x350]  }
0x7f1: {  	v32 =	vshll.u32 v29, $0x3  }
0x7f2: {  	v11 =	vand.u32 $0xFFFFFC00, v32;
	v8 =	vand.u32 $0x7F, v29  }
0x7f3: {  	v6 =	vsub.f32 v7, v6;
	v7 =	vor.u32 v8, v11  }
0x7f4: {  	v7 =	vadd.s32 v5, v7  }
0x7f5: {  	v6 =	vadd.f32 v6, v30;
	_ =	sdelay $0x1  }
0x7f6: {  	[tilespmem:$0x10C00] =	vst v6  }
0x7f7: {  	v33 =	vld.idx.msk [tilespmem:v31+s9+$0x0], $0xffff  }
0x7f8: {  	v7 =	vld.idx.msk [tilespmem:v7+s10+$0x0], $0xffff;
	_ =	sdelay $0x4  }
0x7f9: {  	v7 =	vsub.f32 v33, v7;
	_ =	sdelay $0x1  }
0x7fa: {  	s16 =	sld [smem:$0x7F5];
	v6 =	vadd.f32 v7, v6;
	_ =	sdelay $0x1  }
0x7fb: {  	[tilespmem:$0x10C00] =	vst v6  }
0x7fc: {  	[hbm4b:s16+s3] =	stream.linear.scatter [tilespmem:s10], [sflag:$0x2], $0x8000, $0x38;
	[tilespmem:$0x10C80] =	vst v63  }
0x7fd: {  	_ =	swait.ge [sflag:s26], $0x8000  }
0x7fe: {  	[sflag:s26] =	ssyncset.done $0x0  }
0x7ff: {  	[sflag:s26] =	ssyncadd.s32 $0xFFFF8000  }
0x800: {  	_ =	swait.ge [sflag:s19], $0x8000  }
0x801: {  	[sflag:s19] =	ssyncset.done $0x0  }
0x802: {  	[sflag:s19] =	ssyncadd.s32 $0xFFFF8000  }
0x803: {  	v6 =	vld [tilespmem:$0x380];
	_ =	sdelay $0x4  }
0x804: {  	v7 =	vshll.u32 v6, $0x3  }
0x805: {  	v6 =	vand.u32 $0x7, v6;
	v7 =	vand.u32 $0xFFFFFFC0, v7  }
0x806: {  	v6 =	vor.u32 v6, v7  }
0x807: {  	v7 =	vperm.xlane v6, v1;
	_ =	sdelay $0x1  }
0x808: {  	v7 =	vadd.s32 v2, v7;
	_ =	sdelay $0x4  }
0x809: {  	[tilespmem:s10], [sflag:$0x1] =	stream.indirect_vreg.gather [hbm4b:s2+s3], $0x80, v7, vm0, $0xb8;
	[tilespmem:$0x10C80] =	vst v63  }
0x80a: {  	s17 =	simm.s32 $0x1400;
	v6 =	vperm.xlane v6, v3  }
0x80b: {  	[tilespmem:s17], [sflag:$0x1] =	stream.indirect_vreg.gather [hbm4b:s4+s3], $0x80, v7, vm0, $0xb8;
	[tilespmem:$0x10C80] =	vst v63  }
0x80c: {  	s20 =	simm.s32 $0x1C00;
	v6 =	vadd.s32 v2, v6  }
0x80d: {  	[tilespmem:s20], [sflag:$0x1] =	stream.indirect_vreg.gather [hbm4b:s5+s3], $0x80, v7, vm0, $0xb8;
	[tilespmem:$0x10C80] =	vst v63  }
0x80e: {  	s22 =	simm.s32 $0x2400  }
0x80f: {  	[tilespmem:s22], [sflag:$0x1] =	stream.indirect_vreg.gather [hbm4b:s6+s3], $0x80, v7, vm0, $0xb8;
	[tilespmem:$0x10C80] =	vst v63  }
0x810: {  	s16 =	simm.s32 $0x2C00  }
0x811: {  	[tilespmem:s16], [sflag:$0x1] =	stream.indirect_vreg.gather [hbm4b:s2+s3], $0x80, v6, vm0, $0xb8;
	[tilespmem:$0x10C80] =	vst v63  }
0x812: {  	s17 =	simm.s32 $0x3400  }
0x813: {  	[tilespmem:s17], [sflag:$0x1] =	stream.indirect_vreg.gather [hbm4b:s4+s3], $0x80, v6, vm0, $0xb8;
	[tilespmem:$0x10C80] =	vst v63  }
0x814: {  	s20 =	simm.s32 $0x3C00  }
0x815: {  	[tilespmem:s20], [sflag:$0x1] =	stream.indirect_vreg.gather [hbm4b:s5+s3], $0x80, v6, vm0, $0xb8;
	[tilespmem:$0x10C80] =	vst v63  }
0x816: {  	s22 =	simm.s32 $0x4400  }
0x817: {  	[tilespmem:s22], [sflag:$0x1] =	stream.indirect_vreg.gather [hbm4b:s6+s3], $0x80, v6, vm0, $0xb8;
	[tilespmem:$0x10C80] =	vst v63  }
0x818: {  	v6 =	vld [tilespmem:$0x390];
	_ =	sdelay $0x4  }
0x819: {  	v7 =	vshll.u32 v6, $0x3  }
0x81a: {  	v6 =	vand.u32 $0x7, v6;
	v7 =	vand.u32 $0xFFFFFFC0, v7  }
0x81b: {  	v6 =	vor.u32 v6, v7  }
0x81c: {  	v7 =	vperm.xlane v6, v1;
	_ =	sdelay $0x1  }
0x81d: {  	v7 =	vadd.s32 v2, v7;
	_ =	sdelay $0x3  }
0x81e: {  	s16 =	simm.s32 $0x4C00  }
0x81f: {  	[tilespmem:s16], [sflag:$0x1] =	stream.indirect_vreg.gather [hbm4b:s2+s3], $0x80, v7, vm0, $0xb8;
	[tilespmem:$0x10C80] =	vst v63  }
0x820: {  	s17 =	simm.s32 $0x5400;
	v6 =	vperm.xlane v6, v3  }
0x821: {  	[tilespmem:s17], [sflag:$0x1] =	stream.indirect_vreg.gather [hbm4b:s4+s3], $0x80, v7, vm0, $0xb8;
	[tilespmem:$0x10C80] =	vst v63  }
0x822: {  	s18 =	simm.s32 $0x5C00;
	v6 =	vadd.s32 v2, v6  }
0x823: {  	[tilespmem:s18], [sflag:$0x1] =	stream.indirect_vreg.gather [hbm4b:s5+s3], $0x80, v7, vm0, $0xb8;
	[tilespmem:$0x10C80] =	vst v63  }
0x824: {  	s21 =	simm.s32 $0x6400  }
0x825: {  	[tilespmem:s21], [sflag:$0x1] =	stream.indirect_vreg.gather [hbm4b:s6+s3], $0x80, v7, vm0, $0xb8;
	[tilespmem:$0x10C80] =	vst v63  }
0x826: {  	s25 =	simm.s32 $0x6C00  }
0x827: {  	[tilespmem:s25], [sflag:$0x1] =	stream.indirect_vreg.gather [hbm4b:s2+s3], $0x80, v6, vm0, $0xb8;
	[tilespmem:$0x10C80] =	vst v63  }
0x828: {  	s20 =	simm.s32 $0x7400  }
0x829: {  	[tilespmem:s20], [sflag:$0x1] =	stream.indirect_vreg.gather [hbm4b:s4+s3], $0x80, v6, vm0, $0xb8;
	[tilespmem:$0x10C80] =	vst v63  }
0x82a: {  	s21 =	simm.s32 $0x7C00  }
0x82b: {  	[tilespmem:s21], [sflag:$0x1] =	stream.indirect_vreg.gather [hbm4b:s5+s3], $0x80, v6, vm0, $0xb8;
	[tilespmem:$0x10C80] =	vst v63  }
0x82c: {  	s22 =	simm.s32 $0x8400  }
0x82d: {  	[tilespmem:s22], [sflag:$0x1] =	stream.indirect_vreg.gather [hbm4b:s6+s3], $0x80, v6, vm0, $0xb8;
	[tilespmem:$0x10C80] =	vst v63  }
0x82e: {  	v6 =	vld [tilespmem:$0x760];
	_ =	sdelay $0x3  }
0x82f: {  	v7 =	vld [tilespmem:$0x360]  }
0x830: {  	v34 =	vshll.u32 v6, $0x3  }
0x831: {  	v6 =	vand.u32 $0x7F, v6;
	v8 =	vand.u32 $0xFFFFFC00, v34  }
0x832: {  	v6 =	vor.u32 v6, v8  }
0x833: {  	v6 =	vadd.s32 v4, v6;
	_ =	sdelay $0x2  }
0x834: {  	v35 =	vld [tilespmem:$0x770]  }
0x835: {  	v7 =	vld.idx.msk [tilespmem:v7+s9+$0x0], $0xffff  }
0x836: {  	v6 =	vld.idx.msk [tilespmem:v6+s28+$0x0], $0xffff  }
0x837: {  	v36 =	vld [tilespmem:$0x10C00]  }
0x838: {  	v37 =	vld [tilespmem:$0x370]  }
0x839: {  	v38 =	vshll.u32 v35, $0x3  }
0x83a: {  	v11 =	vand.u32 $0xFFFFFC00, v38;
	v8 =	vand.u32 $0x7F, v35  }
0x83b: {  	v6 =	vsub.f32 v7, v6;
	v7 =	vor.u32 v8, v11  }
0x83c: {  	v7 =	vadd.s32 v5, v7  }
0x83d: {  	v6 =	vadd.f32 v6, v36;
	_ =	sdelay $0x1  }
0x83e: {  	[tilespmem:$0x10C00] =	vst v6  }
0x83f: {  	v39 =	vld.idx.msk [tilespmem:v37+s9+$0x0], $0xffff  }
0x840: {  	v7 =	vld.idx.msk [tilespmem:v7+s28+$0x0], $0xffff;
	_ =	sdelay $0x4  }
0x841: {  	v7 =	vsub.f32 v39, v7;
	_ =	sdelay $0x1  }
0x842: {  	s25 =	sld [smem:$0x7F6];
	v6 =	vadd.f32 v7, v6;
	_ =	sdelay $0x1  }
0x843: {  	[tilespmem:$0x10C00] =	vst v6  }
0x844: {  	[hbm4b:s25+s3] =	stream.linear.scatter [tilespmem:s28], [sflag:$0x2], $0x8000, $0x38;
	[tilespmem:$0x10C80] =	vst v63  }
0x845: {  	_ =	swait.ge [sflag:s26], $0x8000  }
0x846: {  	[sflag:s26] =	ssyncset.done $0x0  }
0x847: {  	[sflag:s26] =	ssyncadd.s32 $0xFFFF8000  }
0x848: {  	_ =	swait.ge [sflag:s19], $0x8000  }
0x849: {  	[sflag:s19] =	ssyncset.done $0x0  }
0x84a: {  	[sflag:s19] =	ssyncadd.s32 $0xFFFF8000  }
0x84b: {  	v6 =	vld [tilespmem:$0x3A0];
	_ =	sdelay $0x4  }
0x84c: {  	v7 =	vshll.u32 v6, $0x3  }
0x84d: {  	v6 =	vand.u32 $0x7, v6;
	v7 =	vand.u32 $0xFFFFFFC0, v7  }
0x84e: {  	v6 =	vor.u32 v6, v7  }
0x84f: {  	v7 =	vperm.xlane v6, v1;
	_ =	sdelay $0x1  }
0x850: {  	v7 =	vadd.s32 v2, v7;
	_ =	sdelay $0x4  }
0x851: {  	[tilespmem:s28], [sflag:$0x1] =	stream.indirect_vreg.gather [hbm4b:s2+s3], $0x80, v7, vm0, $0xb8;
	[tilespmem:$0x10C80] =	vst v63  }
0x852: {  	s12 =	simm.s32 $0x9400;
	v6 =	vperm.xlane v6, v3  }
0x853: {  	[tilespmem:s12], [sflag:$0x1] =	stream.indirect_vreg.gather [hbm4b:s4+s3], $0x80, v7, vm0, $0xb8;
	[tilespmem:$0x10C80] =	vst v63  }
0x854: {  	s30 =	simm.s32 $0x9C00;
	v6 =	vadd.s32 v2, v6  }
0x855: {  	[tilespmem:s30], [sflag:$0x1] =	stream.indirect_vreg.gather [hbm4b:s5+s3], $0x80, v7, vm0, $0xb8;
	[tilespmem:$0x10C80] =	vst v63  }
0x856: {  	s24 =	simm.s32 $0xA400  }
0x857: {  	[tilespmem:s24], [sflag:$0x1] =	stream.indirect_vreg.gather [hbm4b:s6+s3], $0x80, v7, vm0, $0xb8;
	[tilespmem:$0x10C80] =	vst v63  }
0x858: {  	s31 =	simm.s32 $0xAC00  }
0x859: {  	[tilespmem:s31], [sflag:$0x1] =	stream.indirect_vreg.gather [hbm4b:s2+s3], $0x80, v6, vm0, $0xb8;
	[tilespmem:$0x10C80] =	vst v63  }
0x85a: {  	s15 =	simm.s32 $0xB400  }
0x85b: {  	[tilespmem:s15], [sflag:$0x1] =	stream.indirect_vreg.gather [hbm4b:s4+s3], $0x80, v6, vm0, $0xb8;
	[tilespmem:$0x10C80] =	vst v63  }
0x85c: {  	s14 =	simm.s32 $0xBC00  }
0x85d: {  	[tilespmem:s14], [sflag:$0x1] =	stream.indirect_vreg.gather [hbm4b:s5+s3], $0x80, v6, vm0, $0xb8;
	[tilespmem:$0x10C80] =	vst v63  }
0x85e: {  	s29 =	simm.s32 $0xC400  }
0x85f: {  	[tilespmem:s29], [sflag:$0x1] =	stream.indirect_vreg.gather [hbm4b:s6+s3], $0x80, v6, vm0, $0xb8;
	[tilespmem:$0x10C80] =	vst v63  }
0x860: {  	v6 =	vld [tilespmem:$0x3B0];
	_ =	sdelay $0x4  }
0x861: {  	v7 =	vshll.u32 v6, $0x3  }
0x862: {  	v6 =	vand.u32 $0x7, v6;
	v7 =	vand.u32 $0xFFFFFFC0, v7  }
0x863: {  	v6 =	vor.u32 v6, v7  }
0x864: {  	v7 =	vperm.xlane v6, v1;
	_ =	sdelay $0x1  }
0x865: {  	v7 =	vadd.s32 v2, v7;
	_ =	sdelay $0x3  }
0x866: {  	s31 =	simm.s32 $0xCC00  }
0x867: {  	[tilespmem:s31], [sflag:$0x1] =	stream.indirect_vreg.gather [hbm4b:s2+s3], $0x80, v7, vm0, $0xb8;
	[tilespmem:$0x10C80] =	vst v63  }
0x868: {  	s13 =	simm.s32 $0xD400;
	v6 =	vperm.xlane v6, v3  }
0x869: {  	[tilespmem:s13], [sflag:$0x1] =	stream.indirect_vreg.gather [hbm4b:s4+s3], $0x80, v7, vm0, $0xb8;
	[tilespmem:$0x10C80] =	vst v63  }
0x86a: {  	s7 =	simm.s32 $0xDC00;
	v6 =	vadd.s32 v2, v6  }
0x86b: {  	[tilespmem:s7], [sflag:$0x1] =	stream.indirect_vreg.gather [hbm4b:s5+s3], $0x80, v7, vm0, $0xb8;
	[tilespmem:$0x10C80] =	vst v63  }
0x86c: {  	s20 =	simm.s32 $0xE400  }
0x86d: {  	[tilespmem:s20], [sflag:$0x1] =	stream.indirect_vreg.gather [hbm4b:s6+s3], $0x80, v7, vm0, $0xb8;
	[tilespmem:$0x10C80] =	vst v63  }
0x86e: {  	s31 =	simm.s32 $0xEC00  }
0x86f: {  	[tilespmem:s31], [sflag:$0x1] =	stream.indirect_vreg.gather [hbm4b:s2+s3], $0x80, v6, vm0, $0xb8;
	[tilespmem:$0x10C80] =	vst v63  }
0x870: {  	s0 =	simm.s32 $0xF400  }
0x871: {  	[tilespmem:s0], [sflag:$0x1] =	stream.indirect_vreg.gather [hbm4b:s4+s3], $0x80, v6, vm0, $0xb8;
	[tilespmem:$0x10C80] =	vst v63  }
0x872: {  	s1 =	simm.s32 $0xFC00  }
0x873: {  	[tilespmem:s1], [sflag:$0x1] =	stream.indirect_vreg.gather [hbm4b:s5+s3], $0x80, v6, vm0, $0xb8;
	[tilespmem:$0x10C80] =	vst v63  }
0x874: {  	s11 =	simm.s32 $0x10400  }
0x875: {  	[tilespmem:s11], [sflag:$0x1] =	stream.indirect_vreg.gather [hbm4b:s6+s3], $0x80, v6, vm0, $0xb8;
	[tilespmem:$0x10C80] =	vst v63  }
0x876: {  	v6 =	vld [tilespmem:$0x780];
	_ =	sdelay $0x3  }
0x877: {  	v7 =	vld [tilespmem:$0x380]  }
0x878: {  	v40 =	vshll.u32 v6, $0x3  }
0x879: {  	v6 =	vand.u32 $0x7F, v6;
	v8 =	vand.u32 $0xFFFFFC00, v40  }
0x87a: {  	v6 =	vor.u32 v6, v8  }
0x87b: {  	v6 =	vadd.s32 v4, v6;
	_ =	sdelay $0x2  }
0x87c: {  	v41 =	vld [tilespmem:$0x790]  }
0x87d: {  	v7 =	vld.idx.msk [tilespmem:v7+s9+$0x0], $0xffff  }
0x87e: {  	v6 =	vld.idx.msk [tilespmem:v6+s10+$0x0], $0xffff  }
0x87f: {  	v42 =	vld [tilespmem:$0x10C00]  }
0x880: {  	v43 =	vld [tilespmem:$0x390]  }
0x881: {  	v44 =	vshll.u32 v41, $0x3  }
0x882: {  	v11 =	vand.u32 $0xFFFFFC00, v44;
	v8 =	vand.u32 $0x7F, v41  }
0x883: {  	v6 =	vsub.f32 v7, v6;
	v7 =	vor.u32 v8, v11  }
0x884: {  	v7 =	vadd.s32 v5, v7  }
0x885: {  	v6 =	vadd.f32 v6, v42;
	_ =	sdelay $0x1  }
0x886: {  	[tilespmem:$0x10C00] =	vst v6  }
0x887: {  	v45 =	vld.idx.msk [tilespmem:v43+s9+$0x0], $0xffff  }
0x888: {  	v7 =	vld.idx.msk [tilespmem:v7+s10+$0x0], $0xffff;
	_ =	sdelay $0x4  }
0x889: {  	v7 =	vsub.f32 v45, v7;
	_ =	sdelay $0x1  }
0x88a: {  	s11 =	sld [smem:$0x7F7];
	v6 =	vadd.f32 v7, v6;
	_ =	sdelay $0x1  }
0x88b: {  	[tilespmem:$0x10C00] =	vst v6  }
0x88c: {  	[hbm4b:s11+s3] =	stream.linear.scatter [tilespmem:s10], [sflag:$0x2], $0x8000, $0x38;
	[tilespmem:$0x10C80] =	vst v63  }
0x88d: {  	_ =	swait.ge [sflag:s26], $0x8000  }
0x88e: {  	[sflag:s26] =	ssyncset.done $0x0  }
0x88f: {  	[sflag:s26] =	ssyncadd.s32 $0xFFFF8000  }
0x890: {  	_ =	swait.ge [sflag:s19], $0x8000  }
0x891: {  	[sflag:s19] =	ssyncset.done $0x0  }
0x892: {  	[sflag:s19] =	ssyncadd.s32 $0xFFFF8000  }
0x893: {  	v6 =	vld [tilespmem:$0x3C0];
	_ =	sdelay $0x4  }
0x894: {  	v7 =	vshll.u32 v6, $0x3  }
0x895: {  	v6 =	vand.u32 $0x7, v6;
	v7 =	vand.u32 $0xFFFFFFC0, v7  }
0x896: {  	v6 =	vor.u32 v6, v7  }
0x897: {  	v7 =	vperm.xlane v6, v1;
	_ =	sdelay $0x1  }
0x898: {  	v7 =	vadd.s32 v2, v7;
	_ =	sdelay $0x4  }
0x899: {  	[tilespmem:s10], [sflag:$0x1] =	stream.indirect_vreg.gather [hbm4b:s2+s3], $0x80, v7, vm0, $0xb8;
	[tilespmem:$0x10C80] =	vst v63  }
0x89a: {  	s20 =	simm.s32 $0x1400;
	v6 =	vperm.xlane v6, v3  }
0x89b: {  	[tilespmem:s20], [sflag:$0x1] =	stream.indirect_vreg.gather [hbm4b:s4+s3], $0x80, v7, vm0, $0xb8;
	[tilespmem:$0x10C80] =	vst v63  }
0x89c: {  	s23 =	simm.s32 $0x1C00;
	v6 =	vadd.s32 v2, v6  }
0x89d: {  	[tilespmem:s23], [sflag:$0x1] =	stream.indirect_vreg.gather [hbm4b:s5+s3], $0x80, v7, vm0, $0xb8;
	[tilespmem:$0x10C80] =	vst v63  }
0x89e: {  	s20 =	simm.s32 $0x2400  }
0x89f: {  	[tilespmem:s20], [sflag:$0x1] =	stream.indirect_vreg.gather [hbm4b:s6+s3], $0x80, v7, vm0, $0xb8;
	[tilespmem:$0x10C80] =	vst v63  }
0x8a0: {  	s23 =	simm.s32 $0x2C00  }
0x8a1: {  	[tilespmem:s23], [sflag:$0x1] =	stream.indirect_vreg.gather [hbm4b:s2+s3], $0x80, v6, vm0, $0xb8;
	[tilespmem:$0x10C80] =	vst v63  }
0x8a2: {  	s20 =	simm.s32 $0x3400  }
0x8a3: {  	[tilespmem:s20], [sflag:$0x1] =	stream.indirect_vreg.gather [hbm4b:s4+s3], $0x80, v6, vm0, $0xb8;
	[tilespmem:$0x10C80] =	vst v63  }
0x8a4: {  	s23 =	simm.s32 $0x3C00  }
0x8a5: {  	[tilespmem:s23], [sflag:$0x1] =	stream.indirect_vreg.gather [hbm4b:s5+s3], $0x80, v6, vm0, $0xb8;
	[tilespmem:$0x10C80] =	vst v63  }
0x8a6: {  	s20 =	simm.s32 $0x4400  }
0x8a7: {  	[tilespmem:s20], [sflag:$0x1] =	stream.indirect_vreg.gather [hbm4b:s6+s3], $0x80, v6, vm0, $0xb8;
	[tilespmem:$0x10C80] =	vst v63  }
0x8a8: {  	v6 =	vld [tilespmem:$0x3D0];
	_ =	sdelay $0x4  }
0x8a9: {  	v7 =	vshll.u32 v6, $0x3  }
0x8aa: {  	v6 =	vand.u32 $0x7, v6;
	v7 =	vand.u32 $0xFFFFFFC0, v7  }
0x8ab: {  	v6 =	vor.u32 v6, v7  }
0x8ac: {  	v7 =	vperm.xlane v6, v1;
	_ =	sdelay $0x1  }
0x8ad: {  	v7 =	vadd.s32 v2, v7;
	_ =	sdelay $0x3  }
0x8ae: {  	s23 =	simm.s32 $0x4C00  }
0x8af: {  	[tilespmem:s23], [sflag:$0x1] =	stream.indirect_vreg.gather [hbm4b:s2+s3], $0x80, v7, vm0, $0xb8;
	[tilespmem:$0x10C80] =	vst v63  }
0x8b0: {  	s20 =	simm.s32 $0x5400;
	v6 =	vperm.xlane v6, v3  }
0x8b1: {  	[tilespmem:s20], [sflag:$0x1] =	stream.indirect_vreg.gather [hbm4b:s4+s3], $0x80, v7, vm0, $0xb8;
	[tilespmem:$0x10C80] =	vst v63  }
0x8b2: {  	s8 =	simm.s32 $0x5C00;
	v6 =	vadd.s32 v2, v6  }
0x8b3: {  	[tilespmem:s8], [sflag:$0x1] =	stream.indirect_vreg.gather [hbm4b:s5+s3], $0x80, v7, vm0, $0xb8;
	[tilespmem:$0x10C80] =	vst v63  }
0x8b4: {  	s17 =	simm.s32 $0x6400  }
0x8b5: {  	[tilespmem:s17], [sflag:$0x1] =	stream.indirect_vreg.gather [hbm4b:s6+s3], $0x80, v7, vm0, $0xb8;
	[tilespmem:$0x10C80] =	vst v63  }
0x8b6: {  	s18 =	simm.s32 $0x6C00  }
0x8b7: {  	[tilespmem:s18], [sflag:$0x1] =	stream.indirect_vreg.gather [hbm4b:s2+s3], $0x80, v6, vm0, $0xb8;
	[tilespmem:$0x10C80] =	vst v63  }
0x8b8: {  	s23 =	simm.s32 $0x7400  }
0x8b9: {  	[tilespmem:s23], [sflag:$0x1] =	stream.indirect_vreg.gather [hbm4b:s4+s3], $0x80, v6, vm0, $0xb8;
	[tilespmem:$0x10C80] =	vst v63  }
0x8ba: {  	s11 =	simm.s32 $0x7C00  }
0x8bb: {  	[tilespmem:s11], [sflag:$0x1] =	stream.indirect_vreg.gather [hbm4b:s5+s3], $0x80, v6, vm0, $0xb8;
	[tilespmem:$0x10C80] =	vst v63  }
0x8bc: {  	s17 =	simm.s32 $0x8400  }
0x8bd: {  	[tilespmem:s17], [sflag:$0x1] =	stream.indirect_vreg.gather [hbm4b:s6+s3], $0x80, v6, vm0, $0xb8;
	[tilespmem:$0x10C80] =	vst v63  }
0x8be: {  	v6 =	vld [tilespmem:$0x7A0];
	_ =	sdelay $0x3  }
0x8bf: {  	v7 =	vld [tilespmem:$0x3A0]  }
0x8c0: {  	v46 =	vshll.u32 v6, $0x3  }
0x8c1: {  	v6 =	vand.u32 $0x7F, v6;
	v8 =	vand.u32 $0xFFFFFC00, v46  }
0x8c2: {  	v6 =	vor.u32 v6, v8  }
0x8c3: {  	v6 =	vadd.s32 v4, v6;
	_ =	sdelay $0x2  }
0x8c4: {  	v47 =	vld [tilespmem:$0x7B0]  }
0x8c5: {  	v7 =	vld.idx.msk [tilespmem:v7+s9+$0x0], $0xffff  }
0x8c6: {  	v6 =	vld.idx.msk [tilespmem:v6+s28+$0x0], $0xffff  }
0x8c7: {  	v48 =	vld [tilespmem:$0x10C00]  }
0x8c8: {  	v49 =	vld [tilespmem:$0x3B0]  }
0x8c9: {  	v50 =	vshll.u32 v47, $0x3  }
0x8ca: {  	v11 =	vand.u32 $0xFFFFFC00, v50;
	v8 =	vand.u32 $0x7F, v47  }
0x8cb: {  	v6 =	vsub.f32 v7, v6;
	v7 =	vor.u32 v8, v11  }
0x8cc: {  	v7 =	vadd.s32 v5, v7  }
0x8cd: {  	v6 =	vadd.f32 v6, v48;
	_ =	sdelay $0x1  }
0x8ce: {  	[tilespmem:$0x10C00] =	vst v6  }
0x8cf: {  	v51 =	vld.idx.msk [tilespmem:v49+s9+$0x0], $0xffff  }
0x8d0: {  	v7 =	vld.idx.msk [tilespmem:v7+s28+$0x0], $0xffff;
	_ =	sdelay $0x4  }
0x8d1: {  	v7 =	vsub.f32 v51, v7;
	_ =	sdelay $0x1  }
0x8d2: {  	s18 =	sld [smem:$0x7F8];
	v6 =	vadd.f32 v7, v6;
	_ =	sdelay $0x1  }
0x8d3: {  	[tilespmem:$0x10C00] =	vst v6  }
0x8d4: {  	[hbm4b:s18+s3] =	stream.linear.scatter [tilespmem:s28], [sflag:$0x2], $0x8000, $0x38;
	[tilespmem:$0x10C80] =	vst v63  }
0x8d5: {  	_ =	swait.ge [sflag:s26], $0x8000  }
0x8d6: {  	[sflag:s26] =	ssyncset.done $0x0  }
0x8d7: {  	[sflag:s26] =	ssyncadd.s32 $0xFFFF8000  }
0x8d8: {  	_ =	swait.ge [sflag:s19], $0x8000  }
0x8d9: {  	[sflag:s19] =	ssyncset.done $0x0  }
0x8da: {  	[sflag:s19] =	ssyncadd.s32 $0xFFFF8000  }
0x8db: {  	v6 =	vld [tilespmem:$0x3E0];
	_ =	sdelay $0x4  }
0x8dc: {  	v7 =	vshll.u32 v6, $0x3  }
0x8dd: {  	v6 =	vand.u32 $0x7, v6;
	v7 =	vand.u32 $0xFFFFFFC0, v7  }
0x8de: {  	v6 =	vor.u32 v6, v7  }
0x8df: {  	v7 =	vperm.xlane v6, v1;
	_ =	sdelay $0x1  }
0x8e0: {  	v7 =	vadd.s32 v2, v7;
	_ =	sdelay $0x4  }
0x8e1: {  	[tilespmem:s28], [sflag:$0x1] =	stream.indirect_vreg.gather [hbm4b:s2+s3], $0x80, v7, vm0, $0xb8;
	[tilespmem:$0x10C80] =	vst v63  }
0x8e2: {  	s21 =	simm.s32 $0x9400;
	v6 =	vperm.xlane v6, v3  }
0x8e3: {  	[tilespmem:s21], [sflag:$0x1] =	stream.indirect_vreg.gather [hbm4b:s4+s3], $0x80, v7, vm0, $0xb8;
	[tilespmem:$0x10C80] =	vst v63  }
0x8e4: {  	s16 =	simm.s32 $0x9C00;
	v6 =	vadd.s32 v2, v6  }
0x8e5: {  	[tilespmem:s16], [sflag:$0x1] =	stream.indirect_vreg.gather [hbm4b:s5+s3], $0x80, v7, vm0, $0xb8;
	[tilespmem:$0x10C80] =	vst v63  }
0x8e6: {  	s30 =	simm.s32 $0xA400  }
0x8e7: {  	[tilespmem:s30], [sflag:$0x1] =	stream.indirect_vreg.gather [hbm4b:s6+s3], $0x80, v7, vm0, $0xb8;
	[tilespmem:$0x10C80] =	vst v63  }
0x8e8: {  	s22 =	simm.s32 $0xAC00  }
0x8e9: {  	[tilespmem:s22], [sflag:$0x1] =	stream.indirect_vreg.gather [hbm4b:s2+s3], $0x80, v6, vm0, $0xb8;
	[tilespmem:$0x10C80] =	vst v63  }
0x8ea: {  	s15 =	simm.s32 $0xB400  }
0x8eb: {  	[tilespmem:s15], [sflag:$0x1] =	stream.indirect_vreg.gather [hbm4b:s4+s3], $0x80, v6, vm0, $0xb8;
	[tilespmem:$0x10C80] =	vst v63  }
0x8ec: {  	s14 =	simm.s32 $0xBC00  }
0x8ed: {  	[tilespmem:s14], [sflag:$0x1] =	stream.indirect_vreg.gather [hbm4b:s5+s3], $0x80, v6, vm0, $0xb8;
	[tilespmem:$0x10C80] =	vst v63  }
0x8ee: {  	s24 =	simm.s32 $0xC400  }
0x8ef: {  	[tilespmem:s24], [sflag:$0x1] =	stream.indirect_vreg.gather [hbm4b:s6+s3], $0x80, v6, vm0, $0xb8;
	[tilespmem:$0x10C80] =	vst v63  }
0x8f0: {  	v6 =	vld [tilespmem:$0x3F0];
	_ =	sdelay $0x4  }
0x8f1: {  	v7 =	vshll.u32 v6, $0x3  }
0x8f2: {  	v6 =	vand.u32 $0x7, v6;
	v7 =	vand.u32 $0xFFFFFFC0, v7  }
0x8f3: {  	v6 =	vor.u32 v6, v7  }
0x8f4: {  	v7 =	vperm.xlane v6, v1;
	_ =	sdelay $0x1  }
0x8f5: {  	v7 =	vadd.s32 v2, v7;
	_ =	sdelay $0x3  }
0x8f6: {  	s29 =	simm.s32 $0xCC00  }
0x8f7: {  	[tilespmem:s29], [sflag:$0x1] =	stream.indirect_vreg.gather [hbm4b:s2+s3], $0x80, v7, vm0, $0xb8;
	[tilespmem:$0x10C80] =	vst v63  }
0x8f8: {  	s25 =	simm.s32 $0xD400;
	v6 =	vperm.xlane v6, v3  }
0x8f9: {  	[tilespmem:s25], [sflag:$0x1] =	stream.indirect_vreg.gather [hbm4b:s4+s3], $0x80, v7, vm0, $0xb8;
	[tilespmem:$0x10C80] =	vst v63  }
0x8fa: {  	s12 =	simm.s32 $0xDC00;
	v6 =	vadd.s32 v2, v6  }
0x8fb: {  	[tilespmem:s12], [sflag:$0x1] =	stream.indirect_vreg.gather [hbm4b:s5+s3], $0x80, v7, vm0, $0xb8;
	[tilespmem:$0x10C80] =	vst v63  }
0x8fc: {  	s13 =	simm.s32 $0xE400  }
0x8fd: {  	[tilespmem:s13], [sflag:$0x1] =	stream.indirect_vreg.gather [hbm4b:s6+s3], $0x80, v7, vm0, $0xb8;
	[tilespmem:$0x10C80] =	vst v63  }
0x8fe: {  	s31 =	simm.s32 $0xEC00  }
0x8ff: {  	[tilespmem:s31], [sflag:$0x1] =	stream.indirect_vreg.gather [hbm4b:s2+s3], $0x80, v6, vm0, $0xb8;
	[tilespmem:$0x10C80] =	vst v63  }
0x900: {  	s7 =	simm.s32 $0xF400  }
0x901: {  	[tilespmem:s7], [sflag:$0x1] =	stream.indirect_vreg.gather [hbm4b:s4+s3], $0x80, v6, vm0, $0xb8;
	[tilespmem:$0x10C80] =	vst v63  }
0x902: {  	s0 =	simm.s32 $0xFC00  }
0x903: {  	[tilespmem:s0], [sflag:$0x1] =	stream.indirect_vreg.gather [hbm4b:s5+s3], $0x80, v6, vm0, $0xb8;
	[tilespmem:$0x10C80] =	vst v63  }
0x904: {  	s1 =	simm.s32 $0x10400  }
0x905: {  	[tilespmem:s1], [sflag:$0x1] =	stream.indirect_vreg.gather [hbm4b:s6+s3], $0x80, v6, vm0, $0xb8;
	[tilespmem:$0x10C80] =	vst v63  }
0x906: {  	v6 =	vld [tilespmem:$0x7C0];
	_ =	sdelay $0x3  }
0x907: {  	v7 =	vld [tilespmem:$0x3C0]  }
0x908: {  	v52 =	vshll.u32 v6, $0x3  }
0x909: {  	v6 =	vand.u32 $0x7F, v6;
	v8 =	vand.u32 $0xFFFFFC00, v52  }
0x90a: {  	v6 =	vor.u32 v6, v8  }
0x90b: {  	v6 =	vadd.s32 v4, v6;
	_ =	sdelay $0x2  }
0x90c: {  	v53 =	vld [tilespmem:$0x7D0]  }
0x90d: {  	v7 =	vld.idx.msk [tilespmem:v7+s9+$0x0], $0xffff  }
0x90e: {  	v6 =	vld.idx.msk [tilespmem:v6+s10+$0x0], $0xffff  }
0x90f: {  	v54 =	vld [tilespmem:$0x10C00]  }
0x910: {  	v55 =	vld [tilespmem:$0x3D0]  }
0x911: {  	v56 =	vshll.u32 v53, $0x3  }
0x912: {  	v11 =	vand.u32 $0xFFFFFC00, v56;
	v8 =	vand.u32 $0x7F, v53  }
0x913: {  	v6 =	vsub.f32 v7, v6;
	v7 =	vor.u32 v8, v11  }
0x914: {  	v7 =	vadd.s32 v5, v7  }
0x915: {  	v6 =	vadd.f32 v6, v54;
	_ =	sdelay $0x1  }
0x916: {  	[tilespmem:$0x10C00] =	vst v6  }
0x917: {  	v57 =	vld.idx.msk [tilespmem:v55+s9+$0x0], $0xffff  }
0x918: {  	v7 =	vld.idx.msk [tilespmem:v7+s10+$0x0], $0xffff;
	_ =	sdelay $0x4  }
0x919: {  	v7 =	vsub.f32 v57, v7;
	_ =	sdelay $0x1  }
0x91a: {  	s22 =	sld [smem:$0x7F9];
	v6 =	vadd.f32 v7, v6;
	_ =	sdelay $0x1  }
0x91b: {  	[tilespmem:$0x10C00] =	vst v6  }
0x91c: {  	[hbm4b:s22+s3] =	stream.linear.scatter [tilespmem:s10], [sflag:$0x2], $0x8000, $0x38;
	[tilespmem:$0x10C80] =	vst v63  }
0x91d: {  	_ =	swait.ge [sflag:s26], $0x8000  }
0x91e: {  	[sflag:s26] =	ssyncset.done $0x0  }
0x91f: {  	[sflag:s26] =	ssyncadd.s32 $0xFFFF8000  }
0x920: {  	v6 =	vld [tilespmem:$0x7E0];
	_ =	sdelay $0x3  }
0x921: {  	v7 =	vld [tilespmem:$0x3E0]  }
0x922: {  	v58 =	vshll.u32 v6, $0x3  }
0x923: {  	v6 =	vand.u32 $0x7F, v6;
	v8 =	vand.u32 $0xFFFFFC00, v58  }
0x924: {  	v6 =	vor.u32 v6, v8  }
0x925: {  	v6 =	vadd.s32 v4, v6;
	_ =	sdelay $0x2  }
0x926: {  	v59 =	vld [tilespmem:$0x7F0]  }
0x927: {  	v7 =	vld.idx.msk [tilespmem:v7+s9+$0x0], $0xffff  }
0x928: {  	v6 =	vld.idx.msk [tilespmem:v6+s28+$0x0], $0xffff  }
0x929: {  	v60 =	vld [tilespmem:$0x10C00]  }
0x92a: {  	v61 =	vld [tilespmem:$0x3F0]  }
0x92b: {  	v62 =	vshll.u32 v59, $0x3  }
0x92c: {  	v11 =	vand.u32 $0xFFFFFC00, v62;
	v8 =	vand.u32 $0x7F, v59  }
0x92d: {  	v6 =	vsub.f32 v7, v6;
	v7 =	vor.u32 v8, v11  }
0x92e: {  	v7 =	vadd.s32 v5, v7  }
0x92f: {  	v6 =	vadd.f32 v6, v60;
	_ =	sdelay $0x1  }
0x930: {  	[tilespmem:$0x10C00] =	vst v6  }
0x931: {  	v63 =	vld.idx.msk [tilespmem:v61+s9+$0x0], $0xffff  }
0x932: {  	v7 =	vld.idx.msk [tilespmem:v7+s28+$0x0], $0xffff;
	_ =	sdelay $0x4  }
0x933: {  	v7 =	vsub.f32 v63, v7;
	_ =	sdelay $0x1  }
0x934: {  	s23 =	sld [smem:$0x7FA];
	v6 =	vadd.f32 v7, v6;
	_ =	sdelay $0x1  }
0x935: {  	[tilespmem:$0x10C00] =	vst v6  }
0x936: {  	[hbm4b:s23+s3] =	stream.linear.scatter [tilespmem:s28], [sflag:$0x2], $0x8000, $0x38;
	[tilespmem:$0x10C80] =	vst v63  }
0x937: {  	_ =	swait.ge [sflag:s19], $0x8000  }
0x938: {  	[sflag:s19] =	ssyncset.done $0x0  }
0x939: {  	[sflag:s19] =	ssyncadd.s32 $0xFFFF8000  }
0x93a: {  	_ =	swait.ge [sflag:s19], $0x8000  }
0x93b: {  	s29 =	sld [smem:$0x7F4]  }
0x93c: {  	s24 =	sld [smem:$0x7FB]  }
0x93d: {  	s25 =	sld [smem:$0x7FD]  }
0x93e: {  	[sflag:s19] =	ssyncset.done $0x0;
	p0 =	sne.s32 s29, $0x1  }
.Ltmp0:
0x93f: {  	s30 =	simm.s32 $0x3;
	[sflag:s19] =	ssyncadd.s32 $0xFFFF8000;
	(pc) =	sbr.rel @p0 .LBB2_1-.Ltmp0, $4  }
0x940: {  	[hbm4b:s24+s3] =	stream.linear.scatter [tilespmem:s25], [sflag:$0x3], $0x10, $0x38;
	[tilespmem:$0x10C80] =	vst v63  }
0x941: {  	_ =	swait.ge [sflag:s30], $0x10  }
0x942: {  	s31 =	simm.s32 $0x3;
	[sflag:s30] =	ssyncset.done $0x0  }
0x943: {  	s20 =	sadd.s32 $0xFFFFFFFF, s29;
	[sflag:s31] =	ssyncadd.s32 $0xFFFFFFF0  }
0x944: {  	_ =	sfence.sel $0x180000  }
0x945: {  	[bflag:$0x0] =	sbarrier.arrive $0xFFFF  }
0x946: {  	_ =	strace $0x90000047  }
0x947: {  	s0 =	stileid.u32;
	[bflag:$0x2] =	sbarrier.arrive $0xFFFF  }
0x948: {  	p0 =	sne.s32 s0, $0x0;
	s0 =	rddreg [dreg:$0x2]  }
0x949: {  	s0 =	sadd.s32 @!p0 $0x100000, s0  }
0x94a: {  	[sflag:s0] =	ssyncadd.tile.s32 @!p0 $0x1;
	_ =	shalt  }
.Lfunc_end2:
_tile_overlayer_lowered:
.L_overlay_start_2:
0x94b: {  	(tag) =	ssettag $0x2  }
0x94c: {  	s0 =	rddreg [dreg:$0x0];
	s2 =	stileid.u32  }
0x94d: {  	s1 =	rddreg [dreg:$0x1];
	p0 =	sne.s32 s2, $0x0  }
0x94e: {  	s3 =	rddreg [dreg:$0x2];
	[bflag:$0x3] =	sbarrier.arrive $0xFFFF;
	s2 =	simm.s32 @!p0 $0x1C03  }
0x94f: {  	[timem:s3], [sflag:s2] =	dma.local @!p0 [hbm:s0], s1  }
0x950: {  	s0 =	simm.s32 @!p0 $0x3  }
0x951: {  	_ =	swait.ge @!p0 [sflag:s0], s1  }
0x952: {  	s1 =	ssub.s32 @!p0 $0x0, s1;
	[sflag:s0] =	ssyncset.done @!p0 $0x0  }
0x953: {  	[sflag:s0] =	ssyncadd.s32 @!p0 s1  }
0x954: {  	[bflag:$0x3] =	sbarrier.arrive $0xFFFF  }
0x955: {  	_ =	shalt  }

// kernel: sparse-core-data-format-call.cloned.1.call-start
scs
called_computation_lowered:
.L_overlay_start_0:
0x0: {  	s2 =	sld [smem:$0x3FD9]  }
0x1: {  	s3 =	sld [smem:$0x3FFE];
	_ =	sdelay $0x1  }
0x2: {  	s1 =	srdreg.scid  }
0x3: {  	s0 =	sand.u32 $0x1, s1  }
0x4: {  	s15 =	sshll.u32 s0, $0xA;
	s2 =	sadd.s32 s3, s2  }
0x5: {  	s2 =	sadd.s32 s2, s15  }
0x6: {  	[smem:$0x3FC5] =	sst s2  }
0x7: {  	_ = 	snop  }
0x8: {  	s2 =	sld [smem:$0x3FD0];
	_ =	sdelay $0x2  }
0x9: {  	s16 =	simm.s32 $0xA;
	s4 =	simm.s32 $0x10  }
0xa: {  	[smem:s4], [sflag:s16] =	dma.local [hbm:s2], $0x1  }
0xb: {  	_ =	swait.eq [sflag:s16], $0x1  }
0xc: {  	[sflag:s16] =	ssyncset.done $0x0  }
0xd: {  	[sflag:s16] =	ssyncadd.s32 $0xFFFFFFFF  }
0xe: {  	s17 =	sld [smem:$0x10];
	(tm) =	ssettm $0x1  }
0xf: {  	s18 =	sld [smem:$0x3FFB];
	_ =	sdelay $0x3  }
0x10: {  	_ =	strace s18  }
0x11: {  	s3 =	sld [smem:$0x3FFC];
	_ =	sdelay $0x3  }
0x12: {  	_ =	strace s3  }
0x13: {  	s3 =	sld [smem:$0x3FFD];
	_ =	sdelay $0x3  }
0x14: {  	_ =	strace s3  }
0x15: {  	_ =	strace $0x8FFFFFFF  }
0x16: {  	s19 =	sld [smem:$0x3FDB];
	_ =	sdelay $0x1  }
0x17: {  	s20 =	simm.s32 $_scs_section_size  }
0x18: {  	s5 =	simm.s32 $_size__tile_overlayer_lowered;
	s6 =	simm.s32 $_tile_overlayer_lowered  }
0x19: {  	s23 =	simm.s32 $0x1BFF;
	s22 =	sshll.u32 s6, $0x1;
	s3 =	sadd.s32 s20, s19  }
0x1a: {  	s7 =	simm.s32 $0x0;
	s21 =	sshll.u32 s5, $0x1;
	s5 =	sadd.s32 s22, s3  }
0x1b: {  	[timem:s7], [sflag:s23] =	dma.local [hbm:s5], s21  }
0x1c: {  	_ =	swait.ge [sflag:s23], s21  }
0x1d: {  	s4 =	ssub.s32 $0x0, s21;
	[sflag:s23] =	ssyncset.done $0x0  }
0x1e: {  	[sflag:s23] =	ssyncadd.s32 s4;
	_ =	sdelay $0x1  }
0x1f: {  	s24 =	simm.s32 $0x1B8B  }
0x20: {  	_ =	swait.ge [sflag:s24], $0x1  }
0x21: {  	[sflag:s24] =	ssyncset.done $0x0  }
0x22: {  	s26 =	simm.s32 $0x1B8E;
	s25 =	sld [smem:$0x3FFE];
	[sflag:s24] =	ssyncadd.s32 $0xFFFFFFFF  }
0x23: {  	s27 =	simm.s32 $execute0_lowered;
	[smem:$0x3FD2] =	sst s26  }
0x24: {  	s5 =	sshll.u32 s27, $0x1;
	_ =	strace $0x80000049;
	[dreg:$0x1] =	wrdreg $0xFFFFFFFF  }
0x25: {  	s28 =	simm.s32 $_size_execute0_lowered;
	s3 =	sadd.s32 s3, s5;
	[dreg:$0x0] =	wrdreg $0x0  }
0x26: {  	s5 =	sshll.u32 s28, $0x1;
	[dreg:$0x2] =	wrdreg s3  }
0x27: {  	[dreg:$0x3] =	wrdreg s5  }
0x28: {  	[dreg:$0x4] =	wrdreg $0xC0  }
0x29: {  	_ =	task [dreg:s7], $0x5FFFF  }
0x2a: {  	[dreg:$0x1] =	wrdreg $0xFFFFFFFF  }
0x2b: {  	[dreg:$0x0] =	wrdreg $0x60  }
0x2c: {  	[dreg:$0x2] =	wrdreg s25  }
0x2d: {  	[dreg:$0x3] =	wrdreg s17  }
0x2e: {  	[dreg:$0x4] =	wrdreg $0x9  }
0x2f: {  	_ =	task.clear_ibuf [dreg:s7], $0x5FFFF;
	_ =	strace $0x90000049  }
0x30: {  	s29 =	simm.s32 $0x9;
	_ =	strace $0x8000004B  }
0x31: {  	_ =	swait.ge [sflag:s29], $0x1  }
0x32: {  	[sflag:s29] =	ssyncadd.s32 $0xFFFFFFFF  }
0x33: {  	_ =	strace $0x9000004B  }
0x34: {  	_ =	sfence  }
0x35: {  	s30 =	sld [smem:$0x0];
	_ =	sdelay $0x2  }
0x36: {  	s31 =	sshll.u32 s1, $0xD;
	s1 =	sshrl.u32 s1, $0x2  }
0x37: {  	s3 =	sand.u32 $0x4000, s31;
	s1 =	sadd.s32 s1, s30  }
0x38: {  	s0 =	sor.u32 s3, s0;
	s1 =	sshll.u32 s1, $0x11  }
0x39: {  	s0 =	sor.u32 s1, s0  }
0x3a: {  	s0 =	sadd.s32 $0x8F2B, s0  }
0x3b: {  	[sflag:s0] =	ssyncadd.remote.s32 $0x1  }
0x3c: {  	_ =	sfence.sel $0xFFFF  }
0x3d: {  	[dreg:$0x0] =	wrdreg $0xFFFFFFFF;
	(pc) =	sbr.abs _section_cstart, $3  }
0x3e: {  	[dreg:$0x1] =	wrdreg $0xFFFFFFFF  }
0x3f: {  	_ =	task.clear_ibuf [dreg:s7], $0x2FFFF;
	_ =	strace $0x9FFFFFFF  }
0x40: {  	(tm) =	ssettm $0x7FFFFFFF  }
0x41: {  	_ =	shalt  }
tec
execute0_lowered:
.L_overlay_start_1:
0x0: {  	(tag) =	ssettag $0x1  }
0x1: {  	s3 =	rddreg [dreg:$0x0]  }
0x2: {  	s0 =	srdreg.scid;
	s1 =	rddreg [dreg:$0x1]  }
0x3: {  	s5 =	simm.s32 $0x1;
	s7 =	simm.s32 $0x2;
	s16 =	simm.s32 $0x0  }
0x4: {  	p0 =	por $0x0, $0x0;
	s8 =	simm.s32 $0x4000;
	s17 =	simm.s32 $0x0  }
0x5: {  	s18 =	simm.s32 $0x0;
	s9 =	simm.s32 $0x0;
	s0 =	sshll.u32 s0, $0x7  }
0x6: {  	s10 =	simm.s32 $0x0;
	s11 =	simm.s32 $0x0;
	s2 =	sand.u32 $0x80, s0  }
0x7: {  	s12 =	simm.s32 $0x0;
	s14 =	stileid.u32;
	s6 =	ssub.s32 $0x800, s2  }
.Ltmp0:
0x8: {  	s15 =	simm.s32 $0x0;
	s31 =	sshrl.u32 s6, $0x7;
	(pc) =	sbr.rel .LBB1_1-.Ltmp0, $4  }
0x9: {  	s4 =	sadd.s32 $0x3600, s3;
	s6 =	sshrl.u32 s6, $0x8;
	s3 =	sand.u32 $0x1, s31  }
0xa: {  	s0 =	rddreg [dreg:$0x2];
	_ =	strace $0x8000004A;
	s6 =	sadd.s32 s6, s3  }
0xb: {  	[sflag:s5] =	ssyncpa.u1 $0x0;
	s13 =	smov.u32 s2;
	s6 =	sshll.u32 s6, $0x3  }
0xc: {  	[sflag:s7] =	ssyncpa.u1 $0x0;
	s3 =	stileid.u32;
	s7 =	sor.u32 $0x1, s6  }
.LBB1_4:
0xd: {  	s23 =	sshra.s32 s23, $0x2;
	s30 =	sshll.u32 s9, $0xB  }
0xe: {  	p1 =	sgt.s32 s11, $0xF;
	s24 =	smov.u32 s11;
	s25 =	sshra.s32 s11, $0x1F  }
0xf: {  	s26 =	sshll.u32 s10, $0x3;
	s28 =	smov.u32 s10;
	s29 =	sshra.s32 s10, $0x1F  }
0x10: {  	s22 =	sadd.s32 s23, s22;
	s24 =	simm.s32 @!p1 $0xF;
	s25 =	sand.u32 s25, s11  }
0x11: {  	s23 =	sand.u32 $0xFFFFC000, s30;
	s27 =	sand.u32 $0xFFFFFC00, s26;
	p1 =	sgt.s32 s9, $0x368  }
0x12: {  	s31 =	sand.u32 s29, s10;
	s29 =	sshll.u32 s9, $0x7;
	s30 =	sshra.s32 s9, $0x1F  }
0x13: {  	[tilespmem:s21+$0x2040 ss:$0x81] =	vst.msk $0xffff, v4;
	s24 =	ssub.s32 s24, s25;
	s23 =	sadd.s32 s27, s23;
	s27 =	smov.u32 s9  }
0x14: {  	[tilespmem:s21+$0x2850 ss:$0x81] =	vst.msk $0xffff, v3;
	s29 =	sand.u32 $0x380, s29;
	s25 =	sadd.s32 $0xFFFFFFF1, s24;
	s27 =	simm.s32 @!p1 $0x368  }
0x15: {  	v5 =	vld [tilespmem:s20+$0xFFFFFFD0];
	[tilespmem:s21+$0x3060 ss:$0x81] =	vst.msk $0xffff, v2;
	p1 =	sgt.s32 s10, $0x780;
	s23 =	sshrl.u32 s23, $0xB;
	s24 =	ssub.s32 $0x10, s24  }
0x16: {  	v58 =	vld [tilespmem:s20+$0xFFFFFFE0];
	[tilespmem:s21+$0x0 ss:$0x81] =	vst.msk $0xffff, v1;
	s28 =	simm.s32 @!p1 $0x780;
	p1 =	sgt.s32 s25, $0x0;
	s21 =	smulhi.u32 $0x418938, s23  }
0x17: {  	v59 =	vld [tilespmem:s20+$0xFFFFFFF0];
	s25 =	ssub.s32 s28, s31;
	s28 =	sand.u32 s30, s9;
	s24 =	simm.s32 @p1 $0x0  }
0x18: {  	v60 =	vld [tilespmem:s20+$0x0];
	s27 =	ssub.s32 s27, s28;
	s31 =	sadd.s32 $0xFFFFF880, s25;
	s25 =	ssub.s32 $0x800, s25  }
0x19: {  	v61 =	vld [tilespmem:s20+$0x10];
	[tilespmem:s22+$0x3870 ss:$0x81] =	vst.msk $0xffff, v0;
	s21 =	smul.u32 $0x3E8, s21;
	s28 =	sand.u32 $0x7, s10;
	p1 =	sgt.s32 s31, $0x7F  }
0x1a: {  	v62 =	vld [tilespmem:s20+$0x20];
	[tilespmem:s22+$0x810 ss:$0x81] =	vst.msk $0xffff, v5;
	s30 =	sadd.s32 $0xFFFFFC98, s27;
	s31 =	sand.u32 $0x78, s10;
	s25 =	simm.s32 @p1 $0x0  }
0x1b: {  	v63 =	vld [tilespmem:s20+$0xFFFFFFC0];
	[tilespmem:s22+$0x1020 ss:$0x81] =	vst.msk $0xffff, v58;
	p1 =	sgt.s32 s30, $0x7F;
	s30 =	sand.u32 $0x400, s26;
	s24 =	smul.u32 s24, s25  }
0x1c: {  	[tilespmem:s22+$0x1830 ss:$0x81] =	vst.msk $0xffff, v59;
	s26 =	ssub.s32 $0x3E8, s27;
	s20 =	sor.u32 s31, s30;
	s31 =	smul.u32 $0x3E800, s11  }
0x1d: {  	[tilespmem:s22+$0x2040 ss:$0x81] =	vst.msk $0xffff, v60;
	s21 =	ssub.s32 s23, s21;
	s26 =	simm.s32 @p1 $0x0;
	s20 =	sor.u32 s29, s20  }
0x1e: {  	[tilespmem:s22+$0x2850 ss:$0x81] =	vst.msk $0xffff, v61;
	s26 =	smul.u32 s26, s24;
	s20 =	sshrl.u32 s20, $0x3;
	s27 =	sadd.s32 s1, s31  }
0x1f: {  	[tilespmem:s22+$0x3060 ss:$0x81] =	vst.msk $0xffff, v62;
	s21 =	sshll.u32 s21, $0x8;
	s29 =	sshll.u32 s28, $0x12;
	s20 =	sadd.s32 s20, s27  }
0x20: {  	[tilespmem:s22+$0x0 ss:$0x81] =	vst.msk $0xffff, v63;
	s31 =	sor.u32 $0x400, s29;
	s30 =	sand.u32 $0x3FFFFFFF, s26;
	s20 =	sadd.s32 s21, s20  }
0x21: {  	[hbm4b:s20+s31] =	stream.strided.scatter [tilespmem:s19], [sflag:$0x2], s30, s8, s31, $0x20;
	[tilespmem:$0x10100] =	vst v63  }
.LBB1_5:
0x22: {  	p1 =	slt.u32 s15, $0x2  }
0x23: {  	p2 =	sgt.s32 @!p1 s18, $0xF  }
0x24: {  	s19 =	smov.u32 s18;
	s20 =	sshra.s32 @!p1 s18, $0x1F;
	p2 =	por !p2, p1  }
0x25: {  	s18 =	sand.u32 @!p1 s20, s18;
	s19 =	simm.s32 @p2 $0xF  }
0x26: {  	p3 =	sgt.s32 @!p1 s17, $0x780;
	s18 =	ssub.s32 @!p1 s19, s18  }
0x27: {  	p3 =	por !p3, p1;
	s20 =	sshra.s32 @!p1 s17, $0x1F;
	s19 =	sadd.s32 @!p1 $0xFFFFFFF1, s18  }
0x28: {  	s18 =	ssub.s32 @!p1 $0x10, s18;
	p2 =	sgt.s32 @!p1 s19, $0x0;
	s19 =	smov.u32 s17  }
0x29: {  	s17 =	sand.u32 @!p1 s20, s17;
	s19 =	simm.s32 @p3 $0x780;
	p3 =	sgt.s32 @!p1 s16, $0x368  }
0x2a: {  	s20 =	smov.u32 s16;
	p2 =	por !p2, p1;
	p3 =	por !p3, p1  }
0x2b: {  	s17 =	ssub.s32 @!p1 s19, s17;
	s19 =	sshra.s32 @!p1 s16, $0x1F;
	s18 =	simm.s32 @!p2 $0x0  }
0x2c: {  	s20 =	simm.s32 @p3 $0x368;
	s16 =	sand.u32 @!p1 s19, s16;
	s19 =	sadd.s32 @!p1 $0xFFFFF880, s17  }
0x2d: {  	s17 =	ssub.s32 @!p1 $0x800, s17;
	s16 =	ssub.s32 @!p1 s20, s16;
	p2 =	sgt.s32 @!p1 s19, $0x7F  }
0x2e: {  	s20 =	smov.u32 s13;
	s19 =	sadd.s32 @!p1 $0xFFFFFC98, s16;
	p2 =	por !p2, p1  }
0x2f: {  	s16 =	ssub.s32 @!p1 $0x3E8, s16;
	p3 =	sgt.s32 @!p1 s19, $0x7F;
	s17 =	simm.s32 @!p2 $0x0  }
0x30: {  	s19 =	sadd.s32 $0x80, s12;
	p2 =	por !p3, p1;
	s17 =	smul.u32 @!p1 s18, s17  }
0x31: {  	s18 =	sadd.s32 $0x100, s13;
	s16 =	simm.s32 @!p2 $0x0;
	p2 =	sgt.s32 s19, $0x3E7  }
0x32: {  	s21 =	smov.u32 s14;
	s20 =	smov.u32 @p2 s18  }
0x33: {  	s16 =	smul.u32 @!p1 s16, s17;
	s17 =	sadd.s32 $0x10, s14;
	p3 =	sgt.s32 s20, $0x7FF  }
0x34: {  	p0 =	por !p0, !p0;
	s22 =	simm.s32 @!p1 $0x2;
	s21 =	smov.u32 @p3 s17  }
0x35: {  	s19 =	simm.s32 @p2 $0x0;
	s18 =	smov.u32 s11;
	p2 =	sgt.s32 s21, $0xF  }
0x36: {  	s11 =	smov.u32 s14;
	s21 =	smov.u32 @p2 s3;
	p2 =	sne.s32 s15, s7  }
.Ltmp1:
0x37: {  	s16 =	sand.u32 @!p1 $0x3FFFFFFF, s16;
	s20 =	smov.u32 @p3 s2;
	(pc) =	sbr.rel @!p2 .LBB1_6-.Ltmp1, $4  }
0x38: {  	s17 =	smov.u32 s10;
	s10 =	smov.u32 s13;
	_ =	swait.ge @!p1 [sflag:s22], s16  }
0x39: {  	s23 =	ssub.s32 @!p1 $0x0, s16;
	s16 =	smov.u32 s9;
	s9 =	smov.u32 s12  }
0x3a: {  	s12 =	smov.u32 s19;
	s13 =	smov.u32 s20;
	[sflag:s22] =	ssyncset.done @!p1 $0x0  }
0x3b: {  	s15 =	sadd.s32 $0x1, s15;
	[sflag:s22] =	ssyncadd.s32 @!p1 s23;
	s14 =	smov.u32 s21  }
.LBB1_1:
0x3c: {  	p1 =	sge.u32 s15, s6  }
0x3d: {  	s31 =	sadd.s32 $0xFFFFFFFF, s15;
	s19 =	sshll.u32 @!p1 s13, $0x7  }
0x3e: {  	s20 =	sxor.u32 @!p1 $0xFFFFFFFF, s15;
	s21 =	sand.u32 @!p1 $0x78, s12;
	s22 =	sand.u32 @!p1 $0x380, s19  }
0x3f: {  	s20 =	sshll.u32 @!p1 s20, $0xE;
	s21 =	sor.u32 @!p1 s21, s22;
	s22 =	sshll.u32 @!p1 s14, $0x12  }
0x40: {  	s19 =	sand.u32 @!p1 $0x3FC00, s19;
	s21 =	sshrl.u32 @!p1 s21, $0x3;
	s22 =	sadd.s32 @!p1 s4, s22  }
0x41: {  	s19 =	sadd.s32 @!p1 s12, s19;
	s21 =	sadd.s32 @!p1 s21, s22;
	s22 =	sand.u32 @!p1 $0x7, s12  }
0x42: {  	s20 =	sand.u32 @!p1 $0x4000, s20;
	s19 =	sand.u32 @!p1 $0x3FF80, s19;
	s22 =	sshll.u32 @!p1 s22, $0x12  }
0x43: {  	s19 =	sadd.s32 @!p1 s19, s21;
	s21 =	sor.u32 @!p1 $0x400, s22;
	s22 =	simm.s32 @!p1 $0x2000  }
0x44: {  	[tilespmem:s20], [sflag:$0x1] =	stream.strided.gather @!p1 [hbm4b:s19+s21], $0x4000, s22, s21, $0x38;
	[tilespmem:$0x10100] =	vst v63  }
0x45: {  	p1 =	sge.u32 s31, s6  }
.Ltmp2:
0x46: {  	_ = 	snop;
	(pc) =	sbr.rel @p1 .LBB1_5-.Ltmp2, $1  }
0x47: {  	_ =	sdelay $0x3  }
0x48: {  	s19 =	simm.s32 $0x1  }
0x49: {  	_ =	swait.ge [sflag:s5], $0x4000;
	s19 =	simm.s32 @!p0 $0x0  }
0x4a: {  	[sflag:s5] =	ssyncset.done $0x0;
	s20 =	sshll.u32 s19, $0xE  }
0x4b: {  	[sflag:s5] =	ssyncadd.s32 $0xFFFFC000;
	s20 =	sor.u32 $0x40, s20  }
0x4c: {  	s19 =	smul.u32 $0x10200, s19;
	v0 =	vld [tilespmem:s20+$0x30]  }
0x4d: {  	v1 =	vld [tilespmem:s20+$0xFFFFFFD0]  }
0x4e: {  	s19 =	sshrl.u32 s19, $0x2;
	v5 =	vld [tilespmem:s20+$0xFFFFFFE0]  }
0x4f: {  	v6 =	vld [tilespmem:s20+$0xFFFFFFF0];
	s22 =	sor.u32 $0x8000, s19  }
0x50: {  	s31 =	sand.u32 $0x1, s15;
	v4 =	vld [tilespmem:s20+$0x0];
	s21 =	sadd.s32 $0x0, s22  }
0x51: {  	v3 =	vld [tilespmem:s20+$0x10];
	s19 =	smul.u32 $0x10200, s31;
	[tilespmem:s21+$0x3870 ss:$0x81] =	vst.msk $0xffff, v0  }
0x52: {  	v2 =	vld [tilespmem:s20+$0x20];
	[tilespmem:s21+$0x810 ss:$0x81] =	vst.msk $0xffff, v1  }
0x53: {  	s19 =	sshrl.u32 s19, $0x2;
	v1 =	vld [tilespmem:s20+$0xFFFFFFC0];
	[tilespmem:s21+$0x1020 ss:$0x81] =	vst.msk $0xffff, v5;
	s20 =	sadd.s32 $0x80, s20  }
0x54: {  	s23 =	simm.s32 $0x4;
	s24 =	simm.s32 $0x8;
	s19 =	sor.u32 $0x8000, s19;
	[tilespmem:s21+$0x1830 ss:$0x81] =	vst.msk $0xffff, v6;
	v0 =	vld [tilespmem:s20+$0x30]  }
.LBB1_3:
0x55: {  	p1 =	sne.s32 s24, $0x1FC;
	v5 =	vld [tilespmem:s20+$0xFFFFFFD0];
	[tilespmem:s21+$0x2040 ss:$0x81] =	vst.msk $0xffff, v4  }
0x56: {  	v6 =	vld [tilespmem:s20+$0xFFFFFFE0];
	[tilespmem:s21+$0x2850 ss:$0x81] =	vst.msk $0xffff, v3  }
0x57: {  	s25 =	sshra.s32 s23, $0x2;
	s23 =	smov.u32 s24;
	v7 =	vld [tilespmem:s20+$0xFFFFFFF0];
	[tilespmem:s21+$0x3060 ss:$0x81] =	vst.msk $0xffff, v2  }
.Ltmp3:
0x58: {  	v4 =	vld [tilespmem:s20+$0x0];
	[tilespmem:s21+$0x0 ss:$0x81] =	vst.msk $0xffff, v1;
	s21 =	sadd.s32 s25, s22;
	(pc) =	sbr.rel @p1 .LBB1_3-.Ltmp3, $4  }
0x59: {  	v3 =	vld [tilespmem:s20+$0x10];
	[tilespmem:s21+$0x3870 ss:$0x81] =	vst.msk $0xffff, v0  }
0x5a: {  	[tilespmem:s21+$0x810 ss:$0x81] =	vst.msk $0xffff, v5;
	v2 =	vld [tilespmem:s20+$0x20]  }
0x5b: {  	v1 =	vld [tilespmem:s20+$0xFFFFFFC0];
	[tilespmem:s21+$0x1020 ss:$0x81] =	vst.msk $0xffff, v6;
	s20 =	sadd.s32 $0x80, s20  }
0x5c: {  	s24 =	sadd.s32 $0x4, s24;
	v0 =	vld [tilespmem:s20+$0x30];
	[tilespmem:s21+$0x1830 ss:$0x81] =	vst.msk $0xffff, v7  }
.Ltmp4:
0x5d: {  	_ = 	snop;
	(pc) =	sbr.rel .LBB1_4-.Ltmp4, $1  }
0x5e: {  	_ =	sdelay $0x3  }
.LBB1_6:
0x5f: {  	_ =	sfence.sel $0x180000  }
0x60: {  	s1 =	simm.s32 $0x1;
	[bflag:$0x0] =	sbarrier.arrive $0xFFFF  }
0x61: {  	s31 =	simm.s32 $0x2;
	[sflag:s1] =	ssyncpa.u1 $0x1  }
0x62: {  	[sflag:s31] =	ssyncpa.u1 $0x1  }
0x63: {  	p0 =	sne.s32 s3, $0x0;
	_ =	strace $0x9000004A  }
0x64: {  	s0 =	sadd.s32 @!p0 $0x100000, s0;
	[bflag:$0x2] =	sbarrier.arrive $0xFFFF  }
0x65: {  	[sflag:s0] =	ssyncadd.tile.s32 @!p0 $0x1;
	_ =	shalt  }
.Lfunc_end1:
_tile_overlayer_lowered:
.L_overlay_start_2:
0x66: {  	(tag) =	ssettag $0x2  }
0x67: {  	s0 =	rddreg [dreg:$0x0];
	s2 =	stileid.u32  }
0x68: {  	s1 =	rddreg [dreg:$0x1];
	p0 =	sne.s32 s2, $0x0  }
0x69: {  	s3 =	rddreg [dreg:$0x2];
	[bflag:$0x3] =	sbarrier.arrive $0xFFFF;
	s2 =	simm.s32 @!p0 $0x1C01  }
0x6a: {  	[timem:s3], [sflag:s2] =	dma.local @!p0 [hbm:s0], s1  }
0x6b: {  	s0 =	simm.s32 @!p0 $0x1  }
0x6c: {  	_ =	swait.ge @!p0 [sflag:s0], s1  }
0x6d: {  	s1 =	ssub.s32 @!p0 $0x0, s1;
	[sflag:s0] =	ssyncset.done @!p0 $0x0  }
0x6e: {  	[sflag:s0] =	ssyncadd.s32 @!p0 s1  }
0x6f: {  	[bflag:$0x3] =	sbarrier.arrive $0xFFFF  }
0x70: {  	_ =	shalt  }

</sc_bundles>
